<compile_context>
chip_gen: v7x
topology: tpu7x:2x2x1
jax: 0.10.2.dev20260603
libtpu: 0.0.44.dev20260713+nightly
codegen_flags: <defaults>
</compile_context>

<pallas_src>
import functools

import jax
import jax.numpy as jnp
from jax import lax
from jax.experimental import pallas as pl
from jax.experimental.pallas import tpu as pltpu
from jax.experimental.pallas import tpu_sc as plsc

N, D, H = 10000, 128, 64
HP = 128
E = 320000
CH = 64
TOTCH = 5120
EPAD = TOTCH * CH
KPT = TOTCH // 32
IDXBUF = 40
NBUF = 4
NPAD = 10240
ROWS_PER_TILE = NPAD // 16
BR = 2000



def _dotT(a, w):
    return lax.dot_general(a, w, (((1,), (1,)), ((), ())),
                           preferred_element_type=jnp.float32)


def _proj1_body(x_ref, wr_ref, wo_ref, b_ref, p_ref, r_ref):
    xb = x_ref[...]
    p_ref[...] = _dotT(xb, wr_ref[...])
    r_ref[...] = _dotT(xb, wo_ref[...]) + b_ref[...]


def _proj1(x, Wr, Wo, b):
    return pl.pallas_call(
        _proj1_body,
        grid=(N // BR,),
        in_specs=[
            pl.BlockSpec((BR, D), lambda i: (i, 0)),
            pl.BlockSpec((HP, D), lambda i: (0, 0)),
            pl.BlockSpec((HP, D), lambda i: (0, 0)),
            pl.BlockSpec((1, HP), lambda i: (0, 0)),
        ],
        out_specs=[
            pl.BlockSpec((BR, HP), lambda i: (i, 0)),
            pl.BlockSpec((BR, HP), lambda i: (i, 0)),
        ],
        out_shape=[
            jax.ShapeDtypeStruct((N, HP), jnp.float32),
            jax.ShapeDtypeStruct((N, HP), jnp.float32),
        ],
    )(x, Wr, Wo, b)


def _mid_body(ag_ref, r1_ref, wr_ref, wo_ref, b_ref, p2_ref, r2_ref):
    a = ag_ref[0] + ag_ref[1] + r1_ref[...]
    h = jnp.where(a > 0, a, jnp.exp(jnp.minimum(a, 0.0)) - 1.0)
    p2_ref[...] = _dotT(h, wr_ref[...])
    r2_ref[...] = _dotT(h, wo_ref[...]) + b_ref[...]


def _mid(ag, r1, Wr, Wo, b):
    return pl.pallas_call(
        _mid_body,
        grid=(N // BR,),
        in_specs=[
            pl.BlockSpec((2, BR, HP), lambda i: (0, i, 0)),
            pl.BlockSpec((BR, HP), lambda i: (i, 0)),
            pl.BlockSpec((HP, HP), lambda i: (0, 0)),
            pl.BlockSpec((HP, HP), lambda i: (0, 0)),
            pl.BlockSpec((1, HP), lambda i: (0, 0)),
        ],
        out_specs=[
            pl.BlockSpec((BR, HP), lambda i: (i, 0)),
            pl.BlockSpec((BR, HP), lambda i: (i, 0)),
        ],
        out_shape=[
            jax.ShapeDtypeStruct((N, HP), jnp.float32),
            jax.ShapeDtypeStruct((N, HP), jnp.float32),
        ],
    )(ag, r1, Wr, Wo, b)


def _head_body(ag_ref, r2_ref, w1_ref, b1_ref, w2_ref, b2_ref, o_ref):
    h2 = ag_ref[0] + ag_ref[1] + r2_ref[...]
    t = jnp.maximum(_dotT(h2, w1_ref[...]) + b1_ref[...], 0.0)
    o_ref[...] = jnp.sum(t * w2_ref[...], axis=1, keepdims=True) + b2_ref[0, 0]


def _head(ag, r2, fc1_Wp, fc1_b, fc2_W, fc2_b):
    return pl.pallas_call(
        _head_body,
        grid=(N // BR,),
        in_specs=[
            pl.BlockSpec((2, BR, HP), lambda i: (0, i, 0)),
            pl.BlockSpec((BR, HP), lambda i: (i, 0)),
            pl.BlockSpec((20, HP), lambda i: (0, 0)),
            pl.BlockSpec((1, 20), lambda i: (0, 0)),
            pl.BlockSpec((1, 20), lambda i: (0, 0)),
            pl.BlockSpec((1, 1), lambda i: (0, 0)),
        ],
        out_specs=pl.BlockSpec((BR, 1), lambda i: (i, 0)),
        out_shape=jax.ShapeDtypeStruct((N, 1), jnp.float32),
    )(ag, r2, fc1_Wp, fc1_b, fc2_W, fc2_b)



def _sc_segsum(src_p, dst_p, p, zrows):
    mesh = plsc.VectorSubcoreMesh(core_axis_name="c", subcore_axis_name="s")

    @functools.partial(
        pl.kernel,
        mesh=mesh,
        out_type=jax.ShapeDtypeStruct((2, NPAD, HP), jnp.float32),
        scratch_types=[
            pltpu.VMEM((IDXBUF, CH), jnp.int32),
            pltpu.VMEM((IDXBUF, CH), jnp.int32),
            pltpu.VMEM((CH, HP), jnp.float32),
            pltpu.VMEM((CH, HP), jnp.float32),
            pltpu.VMEM((CH, HP), jnp.float32),
            pltpu.VMEM((CH, HP), jnp.float32),
            pltpu.VMEM_SHARED((NPAD, HP), jnp.float32),
            pltpu.SemaphoreType.DMA,
            pltpu.SemaphoreType.DMA,
            pltpu.SemaphoreType.DMA,
            pltpu.SemaphoreType.DMA,
        ],
    )
    def k(src_hbm, dst_hbm, p_hbm, z_hbm, out_hbm,
          src_v, dst_v, rows_a, rows_b, rows_c, rows_d, aggr,
          sem_a, sem_b, sem_c, sem_d):
        c = lax.axis_index("c")
        s = lax.axis_index("s")

        pltpu.sync_copy(z_hbm, rows_a)

        def zbody(kk, carry):
            pltpu.sync_copy(rows_a, aggr.at[pl.ds(s * ROWS_PER_TILE + kk * CH, CH)])
            return carry
        lax.fori_loop(0, ROWS_PER_TILE // CH, zbody, 0)
        plsc.subcore_barrier()

        bufs = ((rows_a, sem_a), (rows_b, sem_b), (rows_c, sem_c),
                (rows_d, sem_d))

        def process(chunk_lo, nstages):
            for st in range(nstages):
                base = chunk_lo + st * IDXBUF
                pltpu.sync_copy(src_hbm.at[pl.ds(base, IDXBUF)], src_v)
                pltpu.sync_copy(dst_hbm.at[pl.ds(base, IDXBUF)], dst_v)
                for q, (rbuf, sem) in enumerate(bufs):
                    pltpu.async_copy(p_hbm.at[src_v.at[q]], rbuf, sem)

                def body(t, carry):
                    for q, (rbuf, sem) in enumerate(bufs):
                        j = NBUF * t + q
                        pltpu.make_async_copy(p_hbm.at[src_v.at[j]], rbuf, sem).wait()
                        pltpu.sync_copy(rbuf, aggr.at[dst_v.at[j]], add=True)

                        @pl.when(j + NBUF < IDXBUF)
                        def _():
                            pltpu.async_copy(p_hbm.at[src_v.at[j + NBUF]], rbuf, sem)
                    return carry
                lax.fori_loop(0, IDXBUF // NBUF, body, 0)

        wid = s * 2 + c
        process(wid * KPT, KPT // IDXBUF)
        plsc.subcore_barrier()

        def wb(kk, carry):
            base = s * ROWS_PER_TILE + kk * CH
            pltpu.sync_copy(aggr.at[pl.ds(base, CH)], rows_b)
            pltpu.sync_copy(rows_b, out_hbm.at[c, pl.ds(base, CH)])
            return carry
        lax.fori_loop(0, ROWS_PER_TILE // CH, wb, 0)

    return k(src_p, dst_p, p, zrows)



def _pad_rows(w, rows):
    return jnp.pad(w, ((0, rows - w.shape[0]), (0, 0)))


def kernel(x, edge_index, W_rel1, b_rel1, W_root1, W_rel2, b_rel2, W_root2,
           fc1_W, fc1_b, fc2_W, fc2_b):
    src = edge_index[0]
    dst = edge_index[1]
    pad = EPAD - E
    src_p = jnp.concatenate(
        [src, jnp.arange(pad, dtype=jnp.int32) % N]).reshape(TOTCH, CH)
    dst_p = jnp.concatenate(
        [dst, N + (jnp.arange(pad, dtype=jnp.int32) % (NPAD - N))]
    ).reshape(TOTCH, CH)
    zrows = jnp.zeros((CH, HP), jnp.float32)

    bp1 = jnp.pad(b_rel1, (0, HP - H)).reshape(1, HP)
    bp2 = jnp.pad(b_rel2, (0, HP - H)).reshape(1, HP)
    Wr1 = _pad_rows(W_rel1, HP)
    Wo1 = _pad_rows(W_root1, HP)
    Wr2 = jnp.pad(W_rel2, ((0, HP - H), (0, HP - H)))
    Wo2 = jnp.pad(W_root2, ((0, HP - H), (0, HP - H)))
    fc1_Wp = jnp.pad(fc1_W, ((0, 0), (0, HP - H)))

    p1, r1 = _proj1(x, Wr1, Wo1, bp1)
    ag1 = _sc_segsum(src_p, dst_p, p1, zrows)
    p2, r2 = _mid(ag1, r1, Wr2, Wo2, bp2)
    ag2 = _sc_segsum(src_p, dst_p, p2, zrows)
    return _head(ag2, r2, fc1_Wp, fc1_b.reshape(1, 20),
                 fc2_W, fc2_b.reshape(1, 1))

# --- scband reference (transcript-rebuilt; emitter-appended) ---
"""Pipeline reference for scband-gcn-75625784148347 (READ-ONLY COPY).

The authoritative reference and input builder live on the scoring server;
editing this copy changes nothing except your own understanding.
"""

import jax, jax.numpy as jnp
import numpy as np

N, D, H = 10000, 128, 64
E = 320000

def _uniform(key, shape, fan_in):
    s = 1.0 / np.sqrt(fan_in)
    return jax.random.uniform(key, shape, minval=-s, maxval=s, dtype=jnp.float32)

def setup_inputs(seed: int = 0):
    key = jax.random.key(seed)
    ks = jax.random.split(key, 14)
    x = jax.random.normal(ks[0], (N, D), dtype=jnp.float32)
    edge_index = jax.random.randint(ks[1], (2, E), 0, N, dtype=jnp.int32)
    return {
        'x': x,
        'edge_index': edge_index,
        'W_rel1': _uniform(ks[2], (H, D), D),
        'b_rel1': _uniform(ks[3], (H,), D),
        'W_root1': _uniform(ks[4], (H, D), D),
        'W_rel2': _uniform(ks[5], (H, H), H),
        'b_rel2': _uniform(ks[6], (H,), H),
        'W_root2': _uniform(ks[7], (H, H), H),
        'fc1_W': _uniform(ks[8], (20, H), H),
        'fc1_b': _uniform(ks[9], (20,), H),
        'fc2_W': _uniform(ks[10], (1, 20), 20),
        'fc2_b': _uniform(ks[11], (1,), 20),
    }

def reference(x, edge_index, W_rel1, b_rel1, W_root1, W_rel2, b_rel2, W_root2, fc1_W, fc1_b, fc2_W, fc2_b):
    src = edge_index[0]
    dst = edge_index[1]
    def graph_conv(h, W_rel, b_rel, W_root):
        # PyG GraphConv (aggr='add'): out = lin_rel(sum_{j in N(i)} h_j) + lin_root(h_i)
        msg = h[src]
        aggr = jax.ops.segment_sum(msg, dst, num_segments=h.shape[0])
        return aggr @ W_rel.T + b_rel + h @ W_root.T
    h = graph_conv(x, W_rel1, b_rel1, W_root1)
    h = jax.nn.elu(h)
    h = graph_conv(h, W_rel2, b_rel2, W_root2)
    h = jax.nn.relu(h @ fc1_W.T + fc1_b)
    out = h @ fc2_W.T + fc2_b
    return out

if __name__ == "__main__":
    import jax
    _d = setup_inputs()
    print(jax.jit(kernel)(*tuple(_d.values())))

</pallas_src>

<mosaic_0001>
#map = affine_map<(d0, d1) -> (0, 0)>
#map1 = affine_map<(d0, d1) -> (0, 0, 0)>
module attributes {stable_mosaic.version = 14 : i64} {
  func.func @k(%arg0: i32, %arg1: i32, %arg2: memref<5120x64xi32, #tpu.memory_space<hbm>>, %arg3: memref<5120x64xi32, #tpu.memory_space<hbm>>, %arg4: memref<10000x128xf32, #tpu.memory_space<hbm>>, %arg5: memref<64x128xf32, #tpu.memory_space<hbm>>, %arg6: memref<2x10240x128xf32, #tpu.memory_space<hbm>>, %arg7: memref<40x64xi32, #tpu.memory_space<vmem>>, %arg8: memref<40x64xi32, #tpu.memory_space<vmem>>, %arg9: memref<64x128xf32, #tpu.memory_space<vmem>>, %arg10: memref<64x128xf32, #tpu.memory_space<vmem>>, %arg11: memref<64x128xf32, #tpu.memory_space<vmem>>, %arg12: memref<64x128xf32, #tpu.memory_space<vmem>>, %arg13: memref<10240x128xf32, #tpu.memory_space<vmem_shared>>, %arg14: memref<!tpu.dma_semaphore, #tpu.memory_space<semaphore_mem>>, %arg15: memref<!tpu.dma_semaphore, #tpu.memory_space<semaphore_mem>>, %arg16: memref<!tpu.dma_semaphore, #tpu.memory_space<semaphore_mem>>, %arg17: memref<!tpu.dma_semaphore, #tpu.memory_space<semaphore_mem>>) attributes {dimension_semantics = [#tpu.dimension_semantics<core_parallel>, #tpu.dimension_semantics<subcore_parallel>], iteration_bounds = array<i64: 2, 16>, scalar_prefetch = 0 : i64, scratch_operands = 11 : i64, tpu.core_type = #tpu.core_type<sc_vector_subcore>, window_params = [{transform_indices = #map}, {transform_indices = #map}, {transform_indices = #map}, {transform_indices = #map}, {transform_indices = #map1}]} {
    "tpu.region"() ({
      %run_scoped3A = tpu.sem_alloc : memref<!tpu.dma_semaphore, #tpu.memory_space<semaphore_mem>>
      tpu.enqueue_dma source(%arg5 : memref<64x128xf32, #tpu.memory_space<hbm>>) target(%arg9 : memref<64x128xf32, #tpu.memory_space<vmem>>) target_semaphore(%run_scoped3A : memref<!tpu.dma_semaphore, #tpu.memory_space<semaphore_mem>>)
      tpu.wait_dma2 semaphore(%run_scoped3A : memref<!tpu.dma_semaphore, #tpu.memory_space<semaphore_mem>>) src(%arg5 : memref<64x128xf32, #tpu.memory_space<hbm>>) dst(%arg9 : memref<64x128xf32, #tpu.memory_space<vmem>>)
      tpu.yield
    }) : () -> ()
    %scan3A = arith.constant 0 : i32
    %scan3A_0 = arith.constant 0 : i32
    %scan3A_1 = arith.constant 10 : i32
    %scan3A_2 = arith.addi %scan3A_0, %scan3A_1 : i32
    %scan3A_3 = arith.constant 1 : i32
    scf.for %scan3A_158 = %scan3A_0 to %scan3A_2 step %scan3A_3  : i32 {
      %mul3A_159 = arith.constant 640 : i32
      %mul3A_160 = arith.muli %arg1, %mul3A_159 : i32
      %mul3A_161 = arith.constant 64 : i32
      %mul3A_162 = arith.muli %scan3A_158, %mul3A_161 : i32
      %add3A_163 = arith.addi %mul3A_160, %mul3A_162 : i32
      "tpu.region"() ({
        %run_scoped3A = tpu.sem_alloc : memref<!tpu.dma_semaphore, #tpu.memory_space<semaphore_mem>>
        %dma_start3A_164 = arith.constant 0 : i32
        %dma_start3A_165 = tpu.memref_slice %arg13[%add3A_163, %dma_start3A_164] : memref<10240x128xf32, #tpu.memory_space<vmem_shared>> -> memref<64x128xf32, #tpu.memory_space<vmem_shared>>
        %dma_start3A_166 = arith.constant 0 : i32
        %dma_start3A_167 = tpu.memref_slice %arg13[%add3A_163, %dma_start3A_166] : memref<10240x128xf32, #tpu.memory_space<vmem_shared>> -> memref<64x128xf32, #tpu.memory_space<vmem_shared>>
        tpu.enqueue_dma source(%arg9 : memref<64x128xf32, #tpu.memory_space<vmem>>) target(%dma_start3A_167 : memref<64x128xf32, #tpu.memory_space<vmem_shared>>) target_semaphore(%run_scoped3A : memref<!tpu.dma_semaphore, #tpu.memory_space<semaphore_mem>>)
        %dma_wait3A = arith.constant 0 : i32
        %dma_wait3A_168 = tpu.memref_slice %arg13[%add3A_163, %dma_wait3A] : memref<10240x128xf32, #tpu.memory_space<vmem_shared>> -> memref<64x128xf32, #tpu.memory_space<vmem_shared>>
        %dma_wait3A_169 = arith.constant 0 : i32
        %dma_wait3A_170 = tpu.memref_slice %arg13[%add3A_163, %dma_wait3A_169] : memref<10240x128xf32, #tpu.memory_space<vmem_shared>> -> memref<64x128xf32, #tpu.memory_space<vmem_shared>>
        tpu.wait_dma2 semaphore(%run_scoped3A : memref<!tpu.dma_semaphore, #tpu.memory_space<semaphore_mem>>) src(%arg9 : memref<64x128xf32, #tpu.memory_space<vmem>>) dst(%dma_wait3A_170 : memref<64x128xf32, #tpu.memory_space<vmem_shared>>)
        tpu.yield
      }) : () -> ()
    }
    %scan3A_4 = arith.constant 10 : i32
    %barrier3A = arith.constant 0 : index
    tpu.barrier barrier_id(%barrier3A)
    %mul3A = arith.constant 2 : i32
    %mul3A_5 = arith.muli %arg1, %mul3A : i32
    %add3A = arith.addi %mul3A_5, %arg0 : i32
    %mul3A_6 = arith.constant 160 : i32
    %mul3A_7 = arith.muli %add3A, %mul3A_6 : i32
    %add3A_8 = arith.constant 0 : i32
    %add3A_9 = arith.addi %mul3A_7, %add3A_8 : i32
    "tpu.region"() ({
      %run_scoped3A = tpu.sem_alloc : memref<!tpu.dma_semaphore, #tpu.memory_space<semaphore_mem>>
      %dma_start3A_158 = arith.constant 0 : i32
      %dma_start3A_159 = tpu.memref_slice %arg2[%add3A_9, %dma_start3A_158] : memref<5120x64xi32, #tpu.memory_space<hbm>> -> memref<40x64xi32, #tpu.memory_space<hbm>>
      %dma_start3A_160 = arith.constant 0 : i32
      %dma_start3A_161 = tpu.memref_slice %arg2[%add3A_9, %dma_start3A_160] : memref<5120x64xi32, #tpu.memory_space<hbm>> -> memref<40x64xi32, #tpu.memory_space<hbm>>
      tpu.enqueue_dma source(%dma_start3A_161 : memref<40x64xi32, #tpu.memory_space<hbm>>) target(%arg7 : memref<40x64xi32, #tpu.memory_space<vmem>>) target_semaphore(%run_scoped3A : memref<!tpu.dma_semaphore, #tpu.memory_space<semaphore_mem>>)
      %dma_wait3A = arith.constant 0 : i32
      %dma_wait3A_162 = tpu.memref_slice %arg2[%add3A_9, %dma_wait3A] : memref<5120x64xi32, #tpu.memory_space<hbm>> -> memref<40x64xi32, #tpu.memory_space<hbm>>
      %dma_wait3A_163 = arith.constant 0 : i32
      %dma_wait3A_164 = tpu.memref_slice %arg2[%add3A_9, %dma_wait3A_163] : memref<5120x64xi32, #tpu.memory_space<hbm>> -> memref<40x64xi32, #tpu.memory_space<hbm>>
      tpu.wait_dma2 semaphore(%run_scoped3A : memref<!tpu.dma_semaphore, #tpu.memory_space<semaphore_mem>>) src(%dma_wait3A_164 : memref<40x64xi32, #tpu.memory_space<hbm>>) dst(%arg7 : memref<40x64xi32, #tpu.memory_space<vmem>>)
      tpu.yield
    }) : () -> ()
    "tpu.region"() ({
      %run_scoped3A = tpu.sem_alloc : memref<!tpu.dma_semaphore, #tpu.memory_space<semaphore_mem>>
      %dma_start3A_158 = arith.constant 0 : i32
      %dma_start3A_159 = tpu.memref_slice %arg3[%add3A_9, %dma_start3A_158] : memref<5120x64xi32, #tpu.memory_space<hbm>> -> memref<40x64xi32, #tpu.memory_space<hbm>>
      %dma_start3A_160 = arith.constant 0 : i32
      %dma_start3A_161 = tpu.memref_slice %arg3[%add3A_9, %dma_start3A_160] : memref<5120x64xi32, #tpu.memory_space<hbm>> -> memref<40x64xi32, #tpu.memory_space<hbm>>
      tpu.enqueue_dma source(%dma_start3A_161 : memref<40x64xi32, #tpu.memory_space<hbm>>) target(%arg8 : memref<40x64xi32, #tpu.memory_space<vmem>>) target_semaphore(%run_scoped3A : memref<!tpu.dma_semaphore, #tpu.memory_space<semaphore_mem>>)
      %dma_wait3A = arith.constant 0 : i32
      %dma_wait3A_162 = tpu.memref_slice %arg3[%add3A_9, %dma_wait3A] : memref<5120x64xi32, #tpu.memory_space<hbm>> -> memref<40x64xi32, #tpu.memory_space<hbm>>
      %dma_wait3A_163 = arith.constant 0 : i32
      %dma_wait3A_164 = tpu.memref_slice %arg3[%add3A_9, %dma_wait3A_163] : memref<5120x64xi32, #tpu.memory_space<hbm>> -> memref<40x64xi32, #tpu.memory_space<hbm>>
      tpu.wait_dma2 semaphore(%run_scoped3A : memref<!tpu.dma_semaphore, #tpu.memory_space<semaphore_mem>>) src(%dma_wait3A_164 : memref<40x64xi32, #tpu.memory_space<hbm>>) dst(%arg8 : memref<40x64xi32, #tpu.memory_space<vmem>>)
      tpu.yield
    }) : () -> ()
    %dma_start3A = arith.constant 0 : i32
    %dma_start3A_10 = arith.constant 0 : i32
    %dma_start3A_11 = tpu.memref_slice %arg7[%dma_start3A, %dma_start3A_10] : memref<40x64xi32, #tpu.memory_space<vmem>> -> memref<1x64xi32, #tpu.memory_space<vmem>>
    %dma_start3A_12 = tpu.memref_squeeze %dma_start3A_11 : memref<1x64xi32, #tpu.memory_space<vmem>> -> memref<64xi32, #tpu.memory_space<vmem>>
    %dma_start3A_13 = arith.constant 0 : i32
    %dma_start3A_14 = arith.constant 0 : i32
    %dma_start3A_15 = tpu.memref_slice %arg4[%dma_start3A_13, %dma_start3A_14] : memref<10000x128xf32, #tpu.memory_space<hbm>> -> memref<10000x128xf32, #tpu.memory_space<hbm>>
    tpu.enqueue_indirect_dma source(%dma_start3A_15 : memref<10000x128xf32, #tpu.memory_space<hbm>>) target(%arg9 : memref<64x128xf32, #tpu.memory_space<vmem>>) offsets(%dma_start3A_12 : memref<64xi32, #tpu.memory_space<vmem>>) semaphore(%arg14 : memref<!tpu.dma_semaphore, #tpu.memory_space<semaphore_mem>>)
    %dma_start3A_16 = arith.constant 1 : i32
    %dma_start3A_17 = arith.constant 0 : i32
    %dma_start3A_18 = tpu.memref_slice %arg7[%dma_start3A_16, %dma_start3A_17] : memref<40x64xi32, #tpu.memory_space<vmem>> -> memref<1x64xi32, #tpu.memory_space<vmem>>
    %dma_start3A_19 = tpu.memref_squeeze %dma_start3A_18 : memref<1x64xi32, #tpu.memory_space<vmem>> -> memref<64xi32, #tpu.memory_space<vmem>>
    %dma_start3A_20 = arith.constant 0 : i32
    %dma_start3A_21 = arith.constant 0 : i32
    %dma_start3A_22 = tpu.memref_slice %arg4[%dma_start3A_20, %dma_start3A_21] : memref<10000x128xf32, #tpu.memory_space<hbm>> -> memref<10000x128xf32, #tpu.memory_space<hbm>>
    tpu.enqueue_indirect_dma source(%dma_start3A_22 : memref<10000x128xf32, #tpu.memory_space<hbm>>) target(%arg10 : memref<64x128xf32, #tpu.memory_space<vmem>>) offsets(%dma_start3A_19 : memref<64xi32, #tpu.memory_space<vmem>>) semaphore(%arg15 : memref<!tpu.dma_semaphore, #tpu.memory_space<semaphore_mem>>)
    %dma_start3A_23 = arith.constant 2 : i32
    %dma_start3A_24 = arith.constant 0 : i32
    %dma_start3A_25 = tpu.memref_slice %arg7[%dma_start3A_23, %dma_start3A_24] : memref<40x64xi32, #tpu.memory_space<vmem>> -> memref<1x64xi32, #tpu.memory_space<vmem>>
    %dma_start3A_26 = tpu.memref_squeeze %dma_start3A_25 : memref<1x64xi32, #tpu.memory_space<vmem>> -> memref<64xi32, #tpu.memory_space<vmem>>
    %dma_start3A_27 = arith.constant 0 : i32
    %dma_start3A_28 = arith.constant 0 : i32
    %dma_start3A_29 = tpu.memref_slice %arg4[%dma_start3A_27, %dma_start3A_28] : memref<10000x128xf32, #tpu.memory_space<hbm>> -> memref<10000x128xf32, #tpu.memory_space<hbm>>
    tpu.enqueue_indirect_dma source(%dma_start3A_29 : memref<10000x128xf32, #tpu.memory_space<hbm>>) target(%arg11 : memref<64x128xf32, #tpu.memory_space<vmem>>) offsets(%dma_start3A_26 : memref<64xi32, #tpu.memory_space<vmem>>) semaphore(%arg16 : memref<!tpu.dma_semaphore, #tpu.memory_space<semaphore_mem>>)
    %dma_start3A_30 = arith.constant 3 : i32
    %dma_start3A_31 = arith.constant 0 : i32
    %dma_start3A_32 = tpu.memref_slice %arg7[%dma_start3A_30, %dma_start3A_31] : memref<40x64xi32, #tpu.memory_space<vmem>> -> memref<1x64xi32, #tpu.memory_space<vmem>>
    %dma_start3A_33 = tpu.memref_squeeze %dma_start3A_32 : memref<1x64xi32, #tpu.memory_space<vmem>> -> memref<64xi32, #tpu.memory_space<vmem>>
    %dma_start3A_34 = arith.constant 0 : i32
    %dma_start3A_35 = arith.constant 0 : i32
    %dma_start3A_36 = tpu.memref_slice %arg4[%dma_start3A_34, %dma_start3A_35] : memref<10000x128xf32, #tpu.memory_space<hbm>> -> memref<10000x128xf32, #tpu.memory_space<hbm>>
    tpu.enqueue_indirect_dma source(%dma_start3A_36 : memref<10000x128xf32, #tpu.memory_space<hbm>>) target(%arg12 : memref<64x128xf32, #tpu.memory_space<vmem>>) offsets(%dma_start3A_33 : memref<64xi32, #tpu.memory_space<vmem>>) semaphore(%arg17 : memref<!tpu.dma_semaphore, #tpu.memory_space<semaphore_mem>>)
    %scan3A_37 = arith.constant 0 : i32
    %scan3A_38 = arith.constant 0 : i32
    %scan3A_39 = arith.constant 10 : i32
    %scan3A_40 = arith.addi %scan3A_38, %scan3A_39 : i32
    %scan3A_41 = arith.constant 1 : i32
    scf.for %scan3A_158 = %scan3A_38 to %scan3A_40 step %scan3A_41  : i32 {
      %mul3A_159 = arith.constant 4 : i32
      %mul3A_160 = arith.muli %mul3A_159, %scan3A_158 : i32
      %add3A_161 = arith.constant 0 : i32
      %add3A_162 = arith.addi %mul3A_160, %add3A_161 : i32
      %dma_wait3A = arith.constant 0 : i32
      %dma_wait3A_163 = tpu.memref_slice %arg7[%add3A_162, %dma_wait3A] : memref<40x64xi32, #tpu.memory_space<vmem>> -> memref<1x64xi32, #tpu.memory_space<vmem>>
      %dma_wait3A_164 = tpu.memref_squeeze %dma_wait3A_163 : memref<1x64xi32, #tpu.memory_space<vmem>> -> memref<64xi32, #tpu.memory_space<vmem>>
      %dma_wait3A_165 = arith.constant 0 : i32
      %dma_wait3A_166 = arith.constant 0 : i32
      %dma_wait3A_167 = tpu.memref_slice %arg4[%dma_wait3A_165, %dma_wait3A_166] : memref<10000x128xf32, #tpu.memory_space<hbm>> -> memref<10000x128xf32, #tpu.memory_space<hbm>>
      tpu.wait_indirect_dma semaphore(%arg14 : memref<!tpu.dma_semaphore, #tpu.memory_space<semaphore_mem>>) src(%dma_wait3A_167 : memref<10000x128xf32, #tpu.memory_space<hbm>>) dst(%arg9 : memref<64x128xf32, #tpu.memory_space<vmem>>)
      "tpu.region"() ({
        %run_scoped3A = tpu.sem_alloc : memref<!tpu.dma_semaphore, #tpu.memory_space<semaphore_mem>>
        %dma_start3A_223 = arith.constant 0 : i32
        %dma_start3A_224 = tpu.memref_slice %arg8[%add3A_162, %dma_start3A_223] : memref<40x64xi32, #tpu.memory_space<vmem>> -> memref<1x64xi32, #tpu.memory_space<vmem>>
        %dma_start3A_225 = tpu.memref_squeeze %dma_start3A_224 : memref<1x64xi32, #tpu.memory_space<vmem>> -> memref<64xi32, #tpu.memory_space<vmem>>
        %dma_start3A_226 = arith.constant 0 : i32
        %dma_start3A_227 = arith.constant 0 : i32
        %dma_start3A_228 = tpu.memref_slice %arg13[%dma_start3A_226, %dma_start3A_227] : memref<10240x128xf32, #tpu.memory_space<vmem_shared>> -> memref<10240x128xf32, #tpu.memory_space<vmem_shared>>
        tpu.enqueue_indirect_dma source(%arg9 : memref<64x128xf32, #tpu.memory_space<vmem>>) target(%dma_start3A_228 : memref<10240x128xf32, #tpu.memory_space<vmem_shared>>) offsets(%dma_start3A_225 : memref<64xi32, #tpu.memory_space<vmem>>) semaphore(%run_scoped3A : memref<!tpu.dma_semaphore, #tpu.memory_space<semaphore_mem>>) {add = true}
        %dma_wait3A_229 = arith.constant 0 : i32
        %dma_wait3A_230 = tpu.memref_slice %arg8[%add3A_162, %dma_wait3A_229] : memref<40x64xi32, #tpu.memory_space<vmem>> -> memref<1x64xi32, #tpu.memory_space<vmem>>
        %dma_wait3A_231 = tpu.memref_squeeze %dma_wait3A_230 : memref<1x64xi32, #tpu.memory_space<vmem>> -> memref<64xi32, #tpu.memory_space<vmem>>
        %dma_wait3A_232 = arith.constant 0 : i32
        %dma_wait3A_233 = arith.constant 0 : i32
        %dma_wait3A_234 = tpu.memref_slice %arg13[%dma_wait3A_232, %dma_wait3A_233] : memref<10240x128xf32, #tpu.memory_space<vmem_shared>> -> memref<10240x128xf32, #tpu.memory_space<vmem_shared>>
        tpu.wait_indirect_dma semaphore(%run_scoped3A : memref<!tpu.dma_semaphore, #tpu.memory_space<semaphore_mem>>) src(%arg9 : memref<64x128xf32, #tpu.memory_space<vmem>>) dst(%dma_wait3A_234 : memref<10240x128xf32, #tpu.memory_space<vmem_shared>>)
        tpu.yield
      }) : () -> ()
      %add3A_168 = arith.constant 4 : i32
      %add3A_169 = arith.addi %add3A_162, %add3A_168 : i32
      %lt3A = arith.constant 40 : i32
      %lt3A_170 = arith.cmpi slt, %add3A_169, %lt3A : i32
      %convert_element_type3A = arith.extui %lt3A_170 : i1 to i32
      %cond3A = arith.constant 0 : i32
      %cond3A_171 = arith.cmpi ne, %convert_element_type3A, %cond3A : i32
      scf.if %cond3A_171 {
        %add3A_223 = arith.constant 4 : i32
        %add3A_224 = arith.addi %add3A_162, %add3A_223 : i32
        %dma_start3A_225 = arith.constant 0 : i32
        %dma_start3A_226 = tpu.memref_slice %arg7[%add3A_224, %dma_start3A_225] : memref<40x64xi32, #tpu.memory_space<vmem>> -> memref<1x64xi32, #tpu.memory_space<vmem>>
        %dma_start3A_227 = tpu.memref_squeeze %dma_start3A_226 : memref<1x64xi32, #tpu.memory_space<vmem>> -> memref<64xi32, #tpu.memory_space<vmem>>
        %dma_start3A_228 = arith.constant 0 : i32
        %dma_start3A_229 = arith.constant 0 : i32
        %dma_start3A_230 = tpu.memref_slice %arg4[%dma_start3A_228, %dma_start3A_229] : memref<10000x128xf32, #tpu.memory_space<hbm>> -> memref<10000x128xf32, #tpu.memory_space<hbm>>
        tpu.enqueue_indirect_dma source(%dma_start3A_230 : memref<10000x128xf32, #tpu.memory_space<hbm>>) target(%arg9 : memref<64x128xf32, #tpu.memory_space<vmem>>) offsets(%dma_start3A_227 : memref<64xi32, #tpu.memory_space<vmem>>) semaphore(%arg14 : memref<!tpu.dma_semaphore, #tpu.memory_space<semaphore_mem>>)
      } else {
      }
      %mul3A_172 = arith.constant 4 : i32
      %mul3A_173 = arith.muli %mul3A_172, %scan3A_158 : i32
      %add3A_174 = arith.constant 1 : i32
      %add3A_175 = arith.addi %mul3A_173, %add3A_174 : i32
      %dma_wait3A_176 = arith.constant 0 : i32
      %dma_wait3A_177 = tpu.memref_slice %arg7[%add3A_175, %dma_wait3A_176] : memref<40x64xi32, #tpu.memory_space<vmem>> -> memref<1x64xi32, #tpu.memory_space<vmem>>
      %dma_wait3A_178 = tpu.memref_squeeze %dma_wait3A_177 : memref<1x64xi32, #tpu.memory_space<vmem>> -> memref<64xi32, #tpu.memory_space<vmem>>
      %dma_wait3A_179 = arith.constant 0 : i32
      %dma_wait3A_180 = arith.constant 0 : i32
      %dma_wait3A_181 = tpu.memref_slice %arg4[%dma_wait3A_179, %dma_wait3A_180] : memref<10000x128xf32, #tpu.memory_space<hbm>> -> memref<10000x128xf32, #tpu.memory_space<hbm>>
      tpu.wait_indirect_dma semaphore(%arg15 : memref<!tpu.dma_semaphore, #tpu.memory_space<semaphore_mem>>) src(%dma_wait3A_181 : memref<10000x128xf32, #tpu.memory_space<hbm>>) dst(%arg10 : memref<64x128xf32, #tpu.memory_space<vmem>>)
      "tpu.region"() ({
        %run_scoped3A = tpu.sem_alloc : memref<!tpu.dma_semaphore, #tpu.memory_space<semaphore_mem>>
        %dma_start3A_223 = arith.constant 0 : i32
        %dma_start3A_224 = tpu.memref_slice %arg8[%add3A_175, %dma_start3A_223] : memref<40x64xi32, #tpu.memory_space<vmem>> -> memref<1x64xi32, #tpu.memory_space<vmem>>
        %dma_start3A_225 = tpu.memref_squeeze %dma_start3A_224 : memref<1x64xi32, #tpu.memory_space<vmem>> -> memref<64xi32, #tpu.memory_space<vmem>>
        %dma_start3A_226 = arith.constant 0 : i32
        %dma_start3A_227 = arith.constant 0 : i32
        %dma_start3A_228 = tpu.memref_slice %arg13[%dma_start3A_226, %dma_start3A_227] : memref<10240x128xf32, #tpu.memory_space<vmem_shared>> -> memref<10240x128xf32, #tpu.memory_space<vmem_shared>>
        tpu.enqueue_indirect_dma source(%arg10 : memref<64x128xf32, #tpu.memory_space<vmem>>) target(%dma_start3A_228 : memref<10240x128xf32, #tpu.memory_space<vmem_shared>>) offsets(%dma_start3A_225 : memref<64xi32, #tpu.memory_space<vmem>>) semaphore(%run_scoped3A : memref<!tpu.dma_semaphore, #tpu.memory_space<semaphore_mem>>) {add = true}
        %dma_wait3A_229 = arith.constant 0 : i32
        %dma_wait3A_230 = tpu.memref_slice %arg8[%add3A_175, %dma_wait3A_229] : memref<40x64xi32, #tpu.memory_space<vmem>> -> memref<1x64xi32, #tpu.memory_space<vmem>>
        %dma_wait3A_231 = tpu.memref_squeeze %dma_wait3A_230 : memref<1x64xi32, #tpu.memory_space<vmem>> -> memref<64xi32, #tpu.memory_space<vmem>>
        %dma_wait3A_232 = arith.constant 0 : i32
        %dma_wait3A_233 = arith.constant 0 : i32
        %dma_wait3A_234 = tpu.memref_slice %arg13[%dma_wait3A_232, %dma_wait3A_233] : memref<10240x128xf32, #tpu.memory_space<vmem_shared>> -> memref<10240x128xf32, #tpu.memory_space<vmem_shared>>
        tpu.wait_indirect_dma semaphore(%run_scoped3A : memref<!tpu.dma_semaphore, #tpu.memory_space<semaphore_mem>>) src(%arg10 : memref<64x128xf32, #tpu.memory_space<vmem>>) dst(%dma_wait3A_234 : memref<10240x128xf32, #tpu.memory_space<vmem_shared>>)
        tpu.yield
      }) : () -> ()
      %add3A_182 = arith.constant 4 : i32
      %add3A_183 = arith.addi %add3A_175, %add3A_182 : i32
      %lt3A_184 = arith.constant 40 : i32
      %lt3A_185 = arith.cmpi slt, %add3A_183, %lt3A_184 : i32
      %convert_element_type3A_186 = arith.extui %lt3A_185 : i1 to i32
      %cond3A_187 = arith.constant 0 : i32
      %cond3A_188 = arith.cmpi ne, %convert_element_type3A_186, %cond3A_187 : i32
      scf.if %cond3A_188 {
        %add3A_223 = arith.constant 4 : i32
        %add3A_224 = arith.addi %add3A_175, %add3A_223 : i32
        %dma_start3A_225 = arith.constant 0 : i32
        %dma_start3A_226 = tpu.memref_slice %arg7[%add3A_224, %dma_start3A_225] : memref<40x64xi32, #tpu.memory_space<vmem>> -> memref<1x64xi32, #tpu.memory_space<vmem>>
        %dma_start3A_227 = tpu.memref_squeeze %dma_start3A_226 : memref<1x64xi32, #tpu.memory_space<vmem>> -> memref<64xi32, #tpu.memory_space<vmem>>
        %dma_start3A_228 = arith.constant 0 : i32
        %dma_start3A_229 = arith.constant 0 : i32
        %dma_start3A_230 = tpu.memref_slice %arg4[%dma_start3A_228, %dma_start3A_229] : memref<10000x128xf32, #tpu.memory_space<hbm>> -> memref<10000x128xf32, #tpu.memory_space<hbm>>
        tpu.enqueue_indirect_dma source(%dma_start3A_230 : memref<10000x128xf32, #tpu.memory_space<hbm>>) target(%arg10 : memref<64x128xf32, #tpu.memory_space<vmem>>) offsets(%dma_start3A_227 : memref<64xi32, #tpu.memory_space<vmem>>) semaphore(%arg15 : memref<!tpu.dma_semaphore, #tpu.memory_space<semaphore_mem>>)
      } else {
      }
      %mul3A_189 = arith.constant 4 : i32
      %mul3A_190 = arith.muli %mul3A_189, %scan3A_158 : i32
      %add3A_191 = arith.constant 2 : i32
      %add3A_192 = arith.addi %mul3A_190, %add3A_191 : i32
      %dma_wait3A_193 = arith.constant 0 : i32
      %dma_wait3A_194 = tpu.memref_slice %arg7[%add3A_192, %dma_wait3A_193] : memref<40x64xi32, #tpu.memory_space<vmem>> -> memref<1x64xi32, #tpu.memory_space<vmem>>
      %dma_wait3A_195 = tpu.memref_squeeze %dma_wait3A_194 : memref<1x64xi32, #tpu.memory_space<vmem>> -> memref<64xi32, #tpu.memory_space<vmem>>
      %dma_wait3A_196 = arith.constant 0 : i32
      %dma_wait3A_197 = arith.constant 0 : i32
      %dma_wait3A_198 = tpu.memref_slice %arg4[%dma_wait3A_196, %dma_wait3A_197] : memref<10000x128xf32, #tpu.memory_space<hbm>> -> memref<10000x128xf32, #tpu.memory_space<hbm>>
      tpu.wait_indirect_dma semaphore(%arg16 : memref<!tpu.dma_semaphore, #tpu.memory_space<semaphore_mem>>) src(%dma_wait3A_198 : memref<10000x128xf32, #tpu.memory_space<hbm>>) dst(%arg11 : memref<64x128xf32, #tpu.memory_space<vmem>>)
      "tpu.region"() ({
        %run_scoped3A = tpu.sem_alloc : memref<!tpu.dma_semaphore, #tpu.memory_space<semaphore_mem>>
        %dma_start3A_223 = arith.constant 0 : i32
        %dma_start3A_224 = tpu.memref_slice %arg8[%add3A_192, %dma_start3A_223] : memref<40x64xi32, #tpu.memory_space<vmem>> -> memref<1x64xi32, #tpu.memory_space<vmem>>
        %dma_start3A_225 = tpu.memref_squeeze %dma_start3A_224 : memref<1x64xi32, #tpu.memory_space<vmem>> -> memref<64xi32, #tpu.memory_space<vmem>>
        %dma_start3A_226 = arith.constant 0 : i32
        %dma_start3A_227 = arith.constant 0 : i32
        %dma_start3A_228 = tpu.memref_slice %arg13[%dma_start3A_226, %dma_start3A_227] : memref<10240x128xf32, #tpu.memory_space<vmem_shared>> -> memref<10240x128xf32, #tpu.memory_space<vmem_shared>>
        tpu.enqueue_indirect_dma source(%arg11 : memref<64x128xf32, #tpu.memory_space<vmem>>) target(%dma_start3A_228 : memref<10240x128xf32, #tpu.memory_space<vmem_shared>>) offsets(%dma_start3A_225 : memref<64xi32, #tpu.memory_space<vmem>>) semaphore(%run_scoped3A : memref<!tpu.dma_semaphore, #tpu.memory_space<semaphore_mem>>) {add = true}
        %dma_wait3A_229 = arith.constant 0 : i32
        %dma_wait3A_230 = tpu.memref_slice %arg8[%add3A_192, %dma_wait3A_229] : memref<40x64xi32, #tpu.memory_space<vmem>> -> memref<1x64xi32, #tpu.memory_space<vmem>>
        %dma_wait3A_231 = tpu.memref_squeeze %dma_wait3A_230 : memref<1x64xi32, #tpu.memory_space<vmem>> -> memref<64xi32, #tpu.memory_space<vmem>>
        %dma_wait3A_232 = arith.constant 0 : i32
        %dma_wait3A_233 = arith.constant 0 : i32
        %dma_wait3A_234 = tpu.memref_slice %arg13[%dma_wait3A_232, %dma_wait3A_233] : memref<10240x128xf32, #tpu.memory_space<vmem_shared>> -> memref<10240x128xf32, #tpu.memory_space<vmem_shared>>
        tpu.wait_indirect_dma semaphore(%run_scoped3A : memref<!tpu.dma_semaphore, #tpu.memory_space<semaphore_mem>>) src(%arg11 : memref<64x128xf32, #tpu.memory_space<vmem>>) dst(%dma_wait3A_234 : memref<10240x128xf32, #tpu.memory_space<vmem_shared>>)
        tpu.yield
      }) : () -> ()
      %add3A_199 = arith.constant 4 : i32
      %add3A_200 = arith.addi %add3A_192, %add3A_199 : i32
      %lt3A_201 = arith.constant 40 : i32
      %lt3A_202 = arith.cmpi slt, %add3A_200, %lt3A_201 : i32
      %convert_element_type3A_203 = arith.extui %lt3A_202 : i1 to i32
      %cond3A_204 = arith.constant 0 : i32
      %cond3A_205 = arith.cmpi ne, %convert_element_type3A_203, %cond3A_204 : i32
      scf.if %cond3A_205 {
        %add3A_223 = arith.constant 4 : i32
        %add3A_224 = arith.addi %add3A_192, %add3A_223 : i32
        %dma_start3A_225 = arith.constant 0 : i32
        %dma_start3A_226 = tpu.memref_slice %arg7[%add3A_224, %dma_start3A_225] : memref<40x64xi32, #tpu.memory_space<vmem>> -> memref<1x64xi32, #tpu.memory_space<vmem>>
        %dma_start3A_227 = tpu.memref_squeeze %dma_start3A_226 : memref<1x64xi32, #tpu.memory_space<vmem>> -> memref<64xi32, #tpu.memory_space<vmem>>
        %dma_start3A_228 = arith.constant 0 : i32
        %dma_start3A_229 = arith.constant 0 : i32
        %dma_start3A_230 = tpu.memref_slice %arg4[%dma_start3A_228, %dma_start3A_229] : memref<10000x128xf32, #tpu.memory_space<hbm>> -> memref<10000x128xf32, #tpu.memory_space<hbm>>
        tpu.enqueue_indirect_dma source(%dma_start3A_230 : memref<10000x128xf32, #tpu.memory_space<hbm>>) target(%arg11 : memref<64x128xf32, #tpu.memory_space<vmem>>) offsets(%dma_start3A_227 : memref<64xi32, #tpu.memory_space<vmem>>) semaphore(%arg16 : memref<!tpu.dma_semaphore, #tpu.memory_space<semaphore_mem>>)
      } else {
      }
      %mul3A_206 = arith.constant 4 : i32
      %mul3A_207 = arith.muli %mul3A_206, %scan3A_158 : i32
      %add3A_208 = arith.constant 3 : i32
      %add3A_209 = arith.addi %mul3A_207, %add3A_208 : i32
      %dma_wait3A_210 = arith.constant 0 : i32
      %dma_wait3A_211 = tpu.memref_slice %arg7[%add3A_209, %dma_wait3A_210] : memref<40x64xi32, #tpu.memory_space<vmem>> -> memref<1x64xi32, #tpu.memory_space<vmem>>
      %dma_wait3A_212 = tpu.memref_squeeze %dma_wait3A_211 : memref<1x64xi32, #tpu.memory_space<vmem>> -> memref<64xi32, #tpu.memory_space<vmem>>
      %dma_wait3A_213 = arith.constant 0 : i32
      %dma_wait3A_214 = arith.constant 0 : i32
      %dma_wait3A_215 = tpu.memref_slice %arg4[%dma_wait3A_213, %dma_wait3A_214] : memref<10000x128xf32, #tpu.memory_space<hbm>> -> memref<10000x128xf32, #tpu.memory_space<hbm>>
      tpu.wait_indirect_dma semaphore(%arg17 : memref<!tpu.dma_semaphore, #tpu.memory_space<semaphore_mem>>) src(%dma_wait3A_215 : memref<10000x128xf32, #tpu.memory_space<hbm>>) dst(%arg12 : memref<64x128xf32, #tpu.memory_space<vmem>>)
      "tpu.region"() ({
        %run_scoped3A = tpu.sem_alloc : memref<!tpu.dma_semaphore, #tpu.memory_space<semaphore_mem>>
        %dma_start3A_223 = arith.constant 0 : i32
        %dma_start3A_224 = tpu.memref_slice %arg8[%add3A_209, %dma_start3A_223] : memref<40x64xi32, #tpu.memory_space<vmem>> -> memref<1x64xi32, #tpu.memory_space<vmem>>
        %dma_start3A_225 = tpu.memref_squeeze %dma_start3A_224 : memref<1x64xi32, #tpu.memory_space<vmem>> -> memref<64xi32, #tpu.memory_space<vmem>>
        %dma_start3A_226 = arith.constant 0 : i32
        %dma_start3A_227 = arith.constant 0 : i32
        %dma_start3A_228 = tpu.memref_slice %arg13[%dma_start3A_226, %dma_start3A_227] : memref<10240x128xf32, #tpu.memory_space<vmem_shared>> -> memref<10240x128xf32, #tpu.memory_space<vmem_shared>>
        tpu.enqueue_indirect_dma source(%arg12 : memref<64x128xf32, #tpu.memory_space<vmem>>) target(%dma_start3A_228 : memref<10240x128xf32, #tpu.memory_space<vmem_shared>>) offsets(%dma_start3A_225 : memref<64xi32, #tpu.memory_space<vmem>>) semaphore(%run_scoped3A : memref<!tpu.dma_semaphore, #tpu.memory_space<semaphore_mem>>) {add = true}
        %dma_wait3A_229 = arith.constant 0 : i32
        %dma_wait3A_230 = tpu.memref_slice %arg8[%add3A_209, %dma_wait3A_229] : memref<40x64xi32, #tpu.memory_space<vmem>> -> memref<1x64xi32, #tpu.memory_space<vmem>>
        %dma_wait3A_231 = tpu.memref_squeeze %dma_wait3A_230 : memref<1x64xi32, #tpu.memory_space<vmem>> -> memref<64xi32, #tpu.memory_space<vmem>>
        %dma_wait3A_232 = arith.constant 0 : i32
        %dma_wait3A_233 = arith.constant 0 : i32
        %dma_wait3A_234 = tpu.memref_slice %arg13[%dma_wait3A_232, %dma_wait3A_233] : memref<10240x128xf32, #tpu.memory_space<vmem_shared>> -> memref<10240x128xf32, #tpu.memory_space<vmem_shared>>
        tpu.wait_indirect_dma semaphore(%run_scoped3A : memref<!tpu.dma_semaphore, #tpu.memory_space<semaphore_mem>>) src(%arg12 : memref<64x128xf32, #tpu.memory_space<vmem>>) dst(%dma_wait3A_234 : memref<10240x128xf32, #tpu.memory_space<vmem_shared>>)
        tpu.yield
      }) : () -> ()
      %add3A_216 = arith.constant 4 : i32
      %add3A_217 = arith.addi %add3A_209, %add3A_216 : i32
      %lt3A_218 = arith.constant 40 : i32
      %lt3A_219 = arith.cmpi slt, %add3A_217, %lt3A_218 : i32
      %convert_element_type3A_220 = arith.extui %lt3A_219 : i1 to i32
      %cond3A_221 = arith.constant 0 : i32
      %cond3A_222 = arith.cmpi ne, %convert_element_type3A_220, %cond3A_221 : i32
      scf.if %cond3A_222 {
        %add3A_223 = arith.constant 4 : i32
        %add3A_224 = arith.addi %add3A_209, %add3A_223 : i32
        %dma_start3A_225 = arith.constant 0 : i32
        %dma_start3A_226 = tpu.memref_slice %arg7[%add3A_224, %dma_start3A_225] : memref<40x64xi32, #tpu.memory_space<vmem>> -> memref<1x64xi32, #tpu.memory_space<vmem>>
        %dma_start3A_227 = tpu.memref_squeeze %dma_start3A_226 : memref<1x64xi32, #tpu.memory_space<vmem>> -> memref<64xi32, #tpu.memory_space<vmem>>
        %dma_start3A_228 = arith.constant 0 : i32
        %dma_start3A_229 = arith.constant 0 : i32
        %dma_start3A_230 = tpu.memref_slice %arg4[%dma_start3A_228, %dma_start3A_229] : memref<10000x128xf32, #tpu.memory_space<hbm>> -> memref<10000x128xf32, #tpu.memory_space<hbm>>
        tpu.enqueue_indirect_dma source(%dma_start3A_230 : memref<10000x128xf32, #tpu.memory_space<hbm>>) target(%arg12 : memref<64x128xf32, #tpu.memory_space<vmem>>) offsets(%dma_start3A_227 : memref<64xi32, #tpu.memory_space<vmem>>) semaphore(%arg17 : memref<!tpu.dma_semaphore, #tpu.memory_space<semaphore_mem>>)
      } else {
      }
    }
    %scan3A_42 = arith.constant 10 : i32
    %add3A_43 = arith.constant 40 : i32
    %add3A_44 = arith.addi %mul3A_7, %add3A_43 : i32
    "tpu.region"() ({
      %run_scoped3A = tpu.sem_alloc : memref<!tpu.dma_semaphore, #tpu.memory_space<semaphore_mem>>
      %dma_start3A_158 = arith.constant 0 : i32
      %dma_start3A_159 = tpu.memref_slice %arg2[%add3A_44, %dma_start3A_158] : memref<5120x64xi32, #tpu.memory_space<hbm>> -> memref<40x64xi32, #tpu.memory_space<hbm>>
      %dma_start3A_160 = arith.constant 0 : i32
      %dma_start3A_161 = tpu.memref_slice %arg2[%add3A_44, %dma_start3A_160] : memref<5120x64xi32, #tpu.memory_space<hbm>> -> memref<40x64xi32, #tpu.memory_space<hbm>>
      tpu.enqueue_dma source(%dma_start3A_161 : memref<40x64xi32, #tpu.memory_space<hbm>>) target(%arg7 : memref<40x64xi32, #tpu.memory_space<vmem>>) target_semaphore(%run_scoped3A : memref<!tpu.dma_semaphore, #tpu.memory_space<semaphore_mem>>)
      %dma_wait3A = arith.constant 0 : i32
      %dma_wait3A_162 = tpu.memref_slice %arg2[%add3A_44, %dma_wait3A] : memref<5120x64xi32, #tpu.memory_space<hbm>> -> memref<40x64xi32, #tpu.memory_space<hbm>>
      %dma_wait3A_163 = arith.constant 0 : i32
      %dma_wait3A_164 = tpu.memref_slice %arg2[%add3A_44, %dma_wait3A_163] : memref<5120x64xi32, #tpu.memory_space<hbm>> -> memref<40x64xi32, #tpu.memory_space<hbm>>
      tpu.wait_dma2 semaphore(%run_scoped3A : memref<!tpu.dma_semaphore, #tpu.memory_space<semaphore_mem>>) src(%dma_wait3A_164 : memref<40x64xi32, #tpu.memory_space<hbm>>) dst(%arg7 : memref<40x64xi32, #tpu.memory_space<vmem>>)
      tpu.yield
    }) : () -> ()
    "tpu.region"() ({
      %run_scoped3A = tpu.sem_alloc : memref<!tpu.dma_semaphore, #tpu.memory_space<semaphore_mem>>
      %dma_start3A_158 = arith.constant 0 : i32
      %dma_start3A_159 = tpu.memref_slice %arg3[%add3A_44, %dma_start3A_158] : memref<5120x64xi32, #tpu.memory_space<hbm>> -> memref<40x64xi32, #tpu.memory_space<hbm>>
      %dma_start3A_160 = arith.constant 0 : i32
      %dma_start3A_161 = tpu.memref_slice %arg3[%add3A_44, %dma_start3A_160] : memref<5120x64xi32, #tpu.memory_space<hbm>> -> memref<40x64xi32, #tpu.memory_space<hbm>>
      tpu.enqueue_dma source(%dma_start3A_161 : memref<40x64xi32, #tpu.memory_space<hbm>>) target(%arg8 : memref<40x64xi32, #tpu.memory_space<vmem>>) target_semaphore(%run_scoped3A : memref<!tpu.dma_semaphore, #tpu.memory_space<semaphore_mem>>)
      %dma_wait3A = arith.constant 0 : i32
      %dma_wait3A_162 = tpu.memref_slice %arg3[%add3A_44, %dma_wait3A] : memref<5120x64xi32, #tpu.memory_space<hbm>> -> memref<40x64xi32, #tpu.memory_space<hbm>>
      %dma_wait3A_163 = arith.constant 0 : i32
      %dma_wait3A_164 = tpu.memref_slice %arg3[%add3A_44, %dma_wait3A_163] : memref<5120x64xi32, #tpu.memory_space<hbm>> -> memref<40x64xi32, #tpu.memory_space<hbm>>
      tpu.wait_dma2 semaphore(%run_scoped3A : memref<!tpu.dma_semaphore, #tpu.memory_space<semaphore_mem>>) src(%dma_wait3A_164 : memref<40x64xi32, #tpu.memory_space<hbm>>) dst(%arg8 : memref<40x64xi32, #tpu.memory_space<vmem>>)
      tpu.yield
    }) : () -> ()
    %dma_start3A_45 = arith.constant 0 : i32
    %dma_start3A_46 = arith.constant 0 : i32
    %dma_start3A_47 = tpu.memref_slice %arg7[%dma_start3A_45, %dma_start3A_46] : memref<40x64xi32, #tpu.memory_space<vmem>> -> memref<1x64xi32, #tpu.memory_space<vmem>>
    %dma_start3A_48 = tpu.memref_squeeze %dma_start3A_47 : memref<1x64xi32, #tpu.memory_space<vmem>> -> memref<64xi32, #tpu.memory_space<vmem>>
    %dma_start3A_49 = arith.constant 0 : i32
    %dma_start3A_50 = arith.constant 0 : i32
    %dma_start3A_51 = tpu.memref_slice %arg4[%dma_start3A_49, %dma_start3A_50] : memref<10000x128xf32, #tpu.memory_space<hbm>> -> memref<10000x128xf32, #tpu.memory_space<hbm>>
    tpu.enqueue_indirect_dma source(%dma_start3A_51 : memref<10000x128xf32, #tpu.memory_space<hbm>>) target(%arg9 : memref<64x128xf32, #tpu.memory_space<vmem>>) offsets(%dma_start3A_48 : memref<64xi32, #tpu.memory_space<vmem>>) semaphore(%arg14 : memref<!tpu.dma_semaphore, #tpu.memory_space<semaphore_mem>>)
    %dma_start3A_52 = arith.constant 1 : i32
    %dma_start3A_53 = arith.constant 0 : i32
    %dma_start3A_54 = tpu.memref_slice %arg7[%dma_start3A_52, %dma_start3A_53] : memref<40x64xi32, #tpu.memory_space<vmem>> -> memref<1x64xi32, #tpu.memory_space<vmem>>
    %dma_start3A_55 = tpu.memref_squeeze %dma_start3A_54 : memref<1x64xi32, #tpu.memory_space<vmem>> -> memref<64xi32, #tpu.memory_space<vmem>>
    %dma_start3A_56 = arith.constant 0 : i32
    %dma_start3A_57 = arith.constant 0 : i32
    %dma_start3A_58 = tpu.memref_slice %arg4[%dma_start3A_56, %dma_start3A_57] : memref<10000x128xf32, #tpu.memory_space<hbm>> -> memref<10000x128xf32, #tpu.memory_space<hbm>>
    tpu.enqueue_indirect_dma source(%dma_start3A_58 : memref<10000x128xf32, #tpu.memory_space<hbm>>) target(%arg10 : memref<64x128xf32, #tpu.memory_space<vmem>>) offsets(%dma_start3A_55 : memref<64xi32, #tpu.memory_space<vmem>>) semaphore(%arg15 : memref<!tpu.dma_semaphore, #tpu.memory_space<semaphore_mem>>)
    %dma_start3A_59 = arith.constant 2 : i32
    %dma_start3A_60 = arith.constant 0 : i32
    %dma_start3A_61 = tpu.memref_slice %arg7[%dma_start3A_59, %dma_start3A_60] : memref<40x64xi32, #tpu.memory_space<vmem>> -> memref<1x64xi32, #tpu.memory_space<vmem>>
    %dma_start3A_62 = tpu.memref_squeeze %dma_start3A_61 : memref<1x64xi32, #tpu.memory_space<vmem>> -> memref<64xi32, #tpu.memory_space<vmem>>
    %dma_start3A_63 = arith.constant 0 : i32
    %dma_start3A_64 = arith.constant 0 : i32
    %dma_start3A_65 = tpu.memref_slice %arg4[%dma_start3A_63, %dma_start3A_64] : memref<10000x128xf32, #tpu.memory_space<hbm>> -> memref<10000x128xf32, #tpu.memory_space<hbm>>
    tpu.enqueue_indirect_dma source(%dma_start3A_65 : memref<10000x128xf32, #tpu.memory_space<hbm>>) target(%arg11 : memref<64x128xf32, #tpu.memory_space<vmem>>) offsets(%dma_start3A_62 : memref<64xi32, #tpu.memory_space<vmem>>) semaphore(%arg16 : memref<!tpu.dma_semaphore, #tpu.memory_space<semaphore_mem>>)
    %dma_start3A_66 = arith.constant 3 : i32
    %dma_start3A_67 = arith.constant 0 : i32
    %dma_start3A_68 = tpu.memref_slice %arg7[%dma_start3A_66, %dma_start3A_67] : memref<40x64xi32, #tpu.memory_space<vmem>> -> memref<1x64xi32, #tpu.memory_space<vmem>>
    %dma_start3A_69 = tpu.memref_squeeze %dma_start3A_68 : memref<1x64xi32, #tpu.memory_space<vmem>> -> memref<64xi32, #tpu.memory_space<vmem>>
    %dma_start3A_70 = arith.constant 0 : i32
    %dma_start3A_71 = arith.constant 0 : i32
    %dma_start3A_72 = tpu.memref_slice %arg4[%dma_start3A_70, %dma_start3A_71] : memref<10000x128xf32, #tpu.memory_space<hbm>> -> memref<10000x128xf32, #tpu.memory_space<hbm>>
    tpu.enqueue_indirect_dma source(%dma_start3A_72 : memref<10000x128xf32, #tpu.memory_space<hbm>>) target(%arg12 : memref<64x128xf32, #tpu.memory_space<vmem>>) offsets(%dma_start3A_69 : memref<64xi32, #tpu.memory_space<vmem>>) semaphore(%arg17 : memref<!tpu.dma_semaphore, #tpu.memory_space<semaphore_mem>>)
    %scan3A_73 = arith.constant 0 : i32
    %scan3A_74 = arith.constant 0 : i32
    %scan3A_75 = arith.constant 10 : i32
    %scan3A_76 = arith.addi %scan3A_74, %scan3A_75 : i32
    %scan3A_77 = arith.constant 1 : i32
    scf.for %scan3A_158 = %scan3A_74 to %scan3A_76 step %scan3A_77  : i32 {
      %mul3A_159 = arith.constant 4 : i32
      %mul3A_160 = arith.muli %mul3A_159, %scan3A_158 : i32
      %add3A_161 = arith.constant 0 : i32
      %add3A_162 = arith.addi %mul3A_160, %add3A_161 : i32
      %dma_wait3A = arith.constant 0 : i32
      %dma_wait3A_163 = tpu.memref_slice %arg7[%add3A_162, %dma_wait3A] : memref<40x64xi32, #tpu.memory_space<vmem>> -> memref<1x64xi32, #tpu.memory_space<vmem>>
      %dma_wait3A_164 = tpu.memref_squeeze %dma_wait3A_163 : memref<1x64xi32, #tpu.memory_space<vmem>> -> memref<64xi32, #tpu.memory_space<vmem>>
      %dma_wait3A_165 = arith.constant 0 : i32
      %dma_wait3A_166 = arith.constant 0 : i32
      %dma_wait3A_167 = tpu.memref_slice %arg4[%dma_wait3A_165, %dma_wait3A_166] : memref<10000x128xf32, #tpu.memory_space<hbm>> -> memref<10000x128xf32, #tpu.memory_space<hbm>>
      tpu.wait_indirect_dma semaphore(%arg14 : memref<!tpu.dma_semaphore, #tpu.memory_space<semaphore_mem>>) src(%dma_wait3A_167 : memref<10000x128xf32, #tpu.memory_space<hbm>>) dst(%arg9 : memref<64x128xf32, #tpu.memory_space<vmem>>)
      "tpu.region"() ({
        %run_scoped3A = tpu.sem_alloc : memref<!tpu.dma_semaphore, #tpu.memory_space<semaphore_mem>>
        %dma_start3A_223 = arith.constant 0 : i32
        %dma_start3A_224 = tpu.memref_slice %arg8[%add3A_162, %dma_start3A_223] : memref<40x64xi32, #tpu.memory_space<vmem>> -> memref<1x64xi32, #tpu.memory_space<vmem>>
        %dma_start3A_225 = tpu.memref_squeeze %dma_start3A_224 : memref<1x64xi32, #tpu.memory_space<vmem>> -> memref<64xi32, #tpu.memory_space<vmem>>
        %dma_start3A_226 = arith.constant 0 : i32
        %dma_start3A_227 = arith.constant 0 : i32
        %dma_start3A_228 = tpu.memref_slice %arg13[%dma_start3A_226, %dma_start3A_227] : memref<10240x128xf32, #tpu.memory_space<vmem_shared>> -> memref<10240x128xf32, #tpu.memory_space<vmem_shared>>
        tpu.enqueue_indirect_dma source(%arg9 : memref<64x128xf32, #tpu.memory_space<vmem>>) target(%dma_start3A_228 : memref<10240x128xf32, #tpu.memory_space<vmem_shared>>) offsets(%dma_start3A_225 : memref<64xi32, #tpu.memory_space<vmem>>) semaphore(%run_scoped3A : memref<!tpu.dma_semaphore, #tpu.memory_space<semaphore_mem>>) {add = true}
        %dma_wait3A_229 = arith.constant 0 : i32
        %dma_wait3A_230 = tpu.memref_slice %arg8[%add3A_162, %dma_wait3A_229] : memref<40x64xi32, #tpu.memory_space<vmem>> -> memref<1x64xi32, #tpu.memory_space<vmem>>
        %dma_wait3A_231 = tpu.memref_squeeze %dma_wait3A_230 : memref<1x64xi32, #tpu.memory_space<vmem>> -> memref<64xi32, #tpu.memory_space<vmem>>
        %dma_wait3A_232 = arith.constant 0 : i32
        %dma_wait3A_233 = arith.constant 0 : i32
        %dma_wait3A_234 = tpu.memref_slice %arg13[%dma_wait3A_232, %dma_wait3A_233] : memref<10240x128xf32, #tpu.memory_space<vmem_shared>> -> memref<10240x128xf32, #tpu.memory_space<vmem_shared>>
        tpu.wait_indirect_dma semaphore(%run_scoped3A : memref<!tpu.dma_semaphore, #tpu.memory_space<semaphore_mem>>) src(%arg9 : memref<64x128xf32, #tpu.memory_space<vmem>>) dst(%dma_wait3A_234 : memref<10240x128xf32, #tpu.memory_space<vmem_shared>>)
        tpu.yield
      }) : () -> ()
      %add3A_168 = arith.constant 4 : i32
      %add3A_169 = arith.addi %add3A_162, %add3A_168 : i32
      %lt3A = arith.constant 40 : i32
      %lt3A_170 = arith.cmpi slt, %add3A_169, %lt3A : i32
      %convert_element_type3A = arith.extui %lt3A_170 : i1 to i32
      %cond3A = arith.constant 0 : i32
      %cond3A_171 = arith.cmpi ne, %convert_element_type3A, %cond3A : i32
      scf.if %cond3A_171 {
        %add3A_223 = arith.constant 4 : i32
        %add3A_224 = arith.addi %add3A_162, %add3A_223 : i32
        %dma_start3A_225 = arith.constant 0 : i32
        %dma_start3A_226 = tpu.memref_slice %arg7[%add3A_224, %dma_start3A_225] : memref<40x64xi32, #tpu.memory_space<vmem>> -> memref<1x64xi32, #tpu.memory_space<vmem>>
        %dma_start3A_227 = tpu.memref_squeeze %dma_start3A_226 : memref<1x64xi32, #tpu.memory_space<vmem>> -> memref<64xi32, #tpu.memory_space<vmem>>
        %dma_start3A_228 = arith.constant 0 : i32
        %dma_start3A_229 = arith.constant 0 : i32
        %dma_start3A_230 = tpu.memref_slice %arg4[%dma_start3A_228, %dma_start3A_229] : memref<10000x128xf32, #tpu.memory_space<hbm>> -> memref<10000x128xf32, #tpu.memory_space<hbm>>
        tpu.enqueue_indirect_dma source(%dma_start3A_230 : memref<10000x128xf32, #tpu.memory_space<hbm>>) target(%arg9 : memref<64x128xf32, #tpu.memory_space<vmem>>) offsets(%dma_start3A_227 : memref<64xi32, #tpu.memory_space<vmem>>) semaphore(%arg14 : memref<!tpu.dma_semaphore, #tpu.memory_space<semaphore_mem>>)
      } else {
      }
      %mul3A_172 = arith.constant 4 : i32
      %mul3A_173 = arith.muli %mul3A_172, %scan3A_158 : i32
      %add3A_174 = arith.constant 1 : i32
      %add3A_175 = arith.addi %mul3A_173, %add3A_174 : i32
      %dma_wait3A_176 = arith.constant 0 : i32
      %dma_wait3A_177 = tpu.memref_slice %arg7[%add3A_175, %dma_wait3A_176] : memref<40x64xi32, #tpu.memory_space<vmem>> -> memref<1x64xi32, #tpu.memory_space<vmem>>
      %dma_wait3A_178 = tpu.memref_squeeze %dma_wait3A_177 : memref<1x64xi32, #tpu.memory_space<vmem>> -> memref<64xi32, #tpu.memory_space<vmem>>
      %dma_wait3A_179 = arith.constant 0 : i32
      %dma_wait3A_180 = arith.constant 0 : i32
      %dma_wait3A_181 = tpu.memref_slice %arg4[%dma_wait3A_179, %dma_wait3A_180] : memref<10000x128xf32, #tpu.memory_space<hbm>> -> memref<10000x128xf32, #tpu.memory_space<hbm>>
      tpu.wait_indirect_dma semaphore(%arg15 : memref<!tpu.dma_semaphore, #tpu.memory_space<semaphore_mem>>) src(%dma_wait3A_181 : memref<10000x128xf32, #tpu.memory_space<hbm>>) dst(%arg10 : memref<64x128xf32, #tpu.memory_space<vmem>>)
      "tpu.region"() ({
        %run_scoped3A = tpu.sem_alloc : memref<!tpu.dma_semaphore, #tpu.memory_space<semaphore_mem>>
        %dma_start3A_223 = arith.constant 0 : i32
        %dma_start3A_224 = tpu.memref_slice %arg8[%add3A_175, %dma_start3A_223] : memref<40x64xi32, #tpu.memory_space<vmem>> -> memref<1x64xi32, #tpu.memory_space<vmem>>
        %dma_start3A_225 = tpu.memref_squeeze %dma_start3A_224 : memref<1x64xi32, #tpu.memory_space<vmem>> -> memref<64xi32, #tpu.memory_space<vmem>>
        %dma_start3A_226 = arith.constant 0 : i32
        %dma_start3A_227 = arith.constant 0 : i32
        %dma_start3A_228 = tpu.memref_slice %arg13[%dma_start3A_226, %dma_start3A_227] : memref<10240x128xf32, #tpu.memory_space<vmem_shared>> -> memref<10240x128xf32, #tpu.memory_space<vmem_shared>>
        tpu.enqueue_indirect_dma source(%arg10 : memref<64x128xf32, #tpu.memory_space<vmem>>) target(%dma_start3A_228 : memref<10240x128xf32, #tpu.memory_space<vmem_shared>>) offsets(%dma_start3A_225 : memref<64xi32, #tpu.memory_space<vmem>>) semaphore(%run_scoped3A : memref<!tpu.dma_semaphore, #tpu.memory_space<semaphore_mem>>) {add = true}
        %dma_wait3A_229 = arith.constant 0 : i32
        %dma_wait3A_230 = tpu.memref_slice %arg8[%add3A_175, %dma_wait3A_229] : memref<40x64xi32, #tpu.memory_space<vmem>> -> memref<1x64xi32, #tpu.memory_space<vmem>>
        %dma_wait3A_231 = tpu.memref_squeeze %dma_wait3A_230 : memref<1x64xi32, #tpu.memory_space<vmem>> -> memref<64xi32, #tpu.memory_space<vmem>>
        %dma_wait3A_232 = arith.constant 0 : i32
        %dma_wait3A_233 = arith.constant 0 : i32
        %dma_wait3A_234 = tpu.memref_slice %arg13[%dma_wait3A_232, %dma_wait3A_233] : memref<10240x128xf32, #tpu.memory_space<vmem_shared>> -> memref<10240x128xf32, #tpu.memory_space<vmem_shared>>
        tpu.wait_indirect_dma semaphore(%run_scoped3A : memref<!tpu.dma_semaphore, #tpu.memory_space<semaphore_mem>>) src(%arg10 : memref<64x128xf32, #tpu.memory_space<vmem>>) dst(%dma_wait3A_234 : memref<10240x128xf32, #tpu.memory_space<vmem_shared>>)
        tpu.yield
      }) : () -> ()
      %add3A_182 = arith.constant 4 : i32
      %add3A_183 = arith.addi %add3A_175, %add3A_182 : i32
      %lt3A_184 = arith.constant 40 : i32
      %lt3A_185 = arith.cmpi slt, %add3A_183, %lt3A_184 : i32
      %convert_element_type3A_186 = arith.extui %lt3A_185 : i1 to i32
      %cond3A_187 = arith.constant 0 : i32
      %cond3A_188 = arith.cmpi ne, %convert_element_type3A_186, %cond3A_187 : i32
      scf.if %cond3A_188 {
        %add3A_223 = arith.constant 4 : i32
        %add3A_224 = arith.addi %add3A_175, %add3A_223 : i32
        %dma_start3A_225 = arith.constant 0 : i32
        %dma_start3A_226 = tpu.memref_slice %arg7[%add3A_224, %dma_start3A_225] : memref<40x64xi32, #tpu.memory_space<vmem>> -> memref<1x64xi32, #tpu.memory_space<vmem>>
        %dma_start3A_227 = tpu.memref_squeeze %dma_start3A_226 : memref<1x64xi32, #tpu.memory_space<vmem>> -> memref<64xi32, #tpu.memory_space<vmem>>
        %dma_start3A_228 = arith.constant 0 : i32
        %dma_start3A_229 = arith.constant 0 : i32
        %dma_start3A_230 = tpu.memref_slice %arg4[%dma_start3A_228, %dma_start3A_229] : memref<10000x128xf32, #tpu.memory_space<hbm>> -> memref<10000x128xf32, #tpu.memory_space<hbm>>
        tpu.enqueue_indirect_dma source(%dma_start3A_230 : memref<10000x128xf32, #tpu.memory_space<hbm>>) target(%arg10 : memref<64x128xf32, #tpu.memory_space<vmem>>) offsets(%dma_start3A_227 : memref<64xi32, #tpu.memory_space<vmem>>) semaphore(%arg15 : memref<!tpu.dma_semaphore, #tpu.memory_space<semaphore_mem>>)
      } else {
      }
      %mul3A_189 = arith.constant 4 : i32
      %mul3A_190 = arith.muli %mul3A_189, %scan3A_158 : i32
      %add3A_191 = arith.constant 2 : i32
      %add3A_192 = arith.addi %mul3A_190, %add3A_191 : i32
      %dma_wait3A_193 = arith.constant 0 : i32
      %dma_wait3A_194 = tpu.memref_slice %arg7[%add3A_192, %dma_wait3A_193] : memref<40x64xi32, #tpu.memory_space<vmem>> -> memref<1x64xi32, #tpu.memory_space<vmem>>
      %dma_wait3A_195 = tpu.memref_squeeze %dma_wait3A_194 : memref<1x64xi32, #tpu.memory_space<vmem>> -> memref<64xi32, #tpu.memory_space<vmem>>
      %dma_wait3A_196 = arith.constant 0 : i32
      %dma_wait3A_197 = arith.constant 0 : i32
      %dma_wait3A_198 = tpu.memref_slice %arg4[%dma_wait3A_196, %dma_wait3A_197] : memref<10000x128xf32, #tpu.memory_space<hbm>> -> memref<10000x128xf32, #tpu.memory_space<hbm>>
      tpu.wait_indirect_dma semaphore(%arg16 : memref<!tpu.dma_semaphore, #tpu.memory_space<semaphore_mem>>) src(%dma_wait3A_198 : memref<10000x128xf32, #tpu.memory_space<hbm>>) dst(%arg11 : memref<64x128xf32, #tpu.memory_space<vmem>>)
      "tpu.region"() ({
        %run_scoped3A = tpu.sem_alloc : memref<!tpu.dma_semaphore, #tpu.memory_space<semaphore_mem>>
        %dma_start3A_223 = arith.constant 0 : i32
        %dma_start3A_224 = tpu.memref_slice %arg8[%add3A_192, %dma_start3A_223] : memref<40x64xi32, #tpu.memory_space<vmem>> -> memref<1x64xi32, #tpu.memory_space<vmem>>
        %dma_start3A_225 = tpu.memref_squeeze %dma_start3A_224 : memref<1x64xi32, #tpu.memory_space<vmem>> -> memref<64xi32, #tpu.memory_space<vmem>>
        %dma_start3A_226 = arith.constant 0 : i32
        %dma_start3A_227 = arith.constant 0 : i32
        %dma_start3A_228 = tpu.memref_slice %arg13[%dma_start3A_226, %dma_start3A_227] : memref<10240x128xf32, #tpu.memory_space<vmem_shared>> -> memref<10240x128xf32, #tpu.memory_space<vmem_shared>>
        tpu.enqueue_indirect_dma source(%arg11 : memref<64x128xf32, #tpu.memory_space<vmem>>) target(%dma_start3A_228 : memref<10240x128xf32, #tpu.memory_space<vmem_shared>>) offsets(%dma_start3A_225 : memref<64xi32, #tpu.memory_space<vmem>>) semaphore(%run_scoped3A : memref<!tpu.dma_semaphore, #tpu.memory_space<semaphore_mem>>) {add = true}
        %dma_wait3A_229 = arith.constant 0 : i32
        %dma_wait3A_230 = tpu.memref_slice %arg8[%add3A_192, %dma_wait3A_229] : memref<40x64xi32, #tpu.memory_space<vmem>> -> memref<1x64xi32, #tpu.memory_space<vmem>>
        %dma_wait3A_231 = tpu.memref_squeeze %dma_wait3A_230 : memref<1x64xi32, #tpu.memory_space<vmem>> -> memref<64xi32, #tpu.memory_space<vmem>>
        %dma_wait3A_232 = arith.constant 0 : i32
        %dma_wait3A_233 = arith.constant 0 : i32
        %dma_wait3A_234 = tpu.memref_slice %arg13[%dma_wait3A_232, %dma_wait3A_233] : memref<10240x128xf32, #tpu.memory_space<vmem_shared>> -> memref<10240x128xf32, #tpu.memory_space<vmem_shared>>
        tpu.wait_indirect_dma semaphore(%run_scoped3A : memref<!tpu.dma_semaphore, #tpu.memory_space<semaphore_mem>>) src(%arg11 : memref<64x128xf32, #tpu.memory_space<vmem>>) dst(%dma_wait3A_234 : memref<10240x128xf32, #tpu.memory_space<vmem_shared>>)
        tpu.yield
      }) : () -> ()
      %add3A_199 = arith.constant 4 : i32
      %add3A_200 = arith.addi %add3A_192, %add3A_199 : i32
      %lt3A_201 = arith.constant 40 : i32
      %lt3A_202 = arith.cmpi slt, %add3A_200, %lt3A_201 : i32
      %convert_element_type3A_203 = arith.extui %lt3A_202 : i1 to i32
      %cond3A_204 = arith.constant 0 : i32
      %cond3A_205 = arith.cmpi ne, %convert_element_type3A_203, %cond3A_204 : i32
      scf.if %cond3A_205 {
        %add3A_223 = arith.constant 4 : i32
        %add3A_224 = arith.addi %add3A_192, %add3A_223 : i32
        %dma_start3A_225 = arith.constant 0 : i32
        %dma_start3A_226 = tpu.memref_slice %arg7[%add3A_224, %dma_start3A_225] : memref<40x64xi32, #tpu.memory_space<vmem>> -> memref<1x64xi32, #tpu.memory_space<vmem>>
        %dma_start3A_227 = tpu.memref_squeeze %dma_start3A_226 : memref<1x64xi32, #tpu.memory_space<vmem>> -> memref<64xi32, #tpu.memory_space<vmem>>
        %dma_start3A_228 = arith.constant 0 : i32
        %dma_start3A_229 = arith.constant 0 : i32
        %dma_start3A_230 = tpu.memref_slice %arg4[%dma_start3A_228, %dma_start3A_229] : memref<10000x128xf32, #tpu.memory_space<hbm>> -> memref<10000x128xf32, #tpu.memory_space<hbm>>
        tpu.enqueue_indirect_dma source(%dma_start3A_230 : memref<10000x128xf32, #tpu.memory_space<hbm>>) target(%arg11 : memref<64x128xf32, #tpu.memory_space<vmem>>) offsets(%dma_start3A_227 : memref<64xi32, #tpu.memory_space<vmem>>) semaphore(%arg16 : memref<!tpu.dma_semaphore, #tpu.memory_space<semaphore_mem>>)
      } else {
      }
      %mul3A_206 = arith.constant 4 : i32
      %mul3A_207 = arith.muli %mul3A_206, %scan3A_158 : i32
      %add3A_208 = arith.constant 3 : i32
      %add3A_209 = arith.addi %mul3A_207, %add3A_208 : i32
      %dma_wait3A_210 = arith.constant 0 : i32
      %dma_wait3A_211 = tpu.memref_slice %arg7[%add3A_209, %dma_wait3A_210] : memref<40x64xi32, #tpu.memory_space<vmem>> -> memref<1x64xi32, #tpu.memory_space<vmem>>
      %dma_wait3A_212 = tpu.memref_squeeze %dma_wait3A_211 : memref<1x64xi32, #tpu.memory_space<vmem>> -> memref<64xi32, #tpu.memory_space<vmem>>
      %dma_wait3A_213 = arith.constant 0 : i32
      %dma_wait3A_214 = arith.constant 0 : i32
      %dma_wait3A_215 = tpu.memref_slice %arg4[%dma_wait3A_213, %dma_wait3A_214] : memref<10000x128xf32, #tpu.memory_space<hbm>> -> memref<10000x128xf32, #tpu.memory_space<hbm>>
      tpu.wait_indirect_dma semaphore(%arg17 : memref<!tpu.dma_semaphore, #tpu.memory_space<semaphore_mem>>) src(%dma_wait3A_215 : memref<10000x128xf32, #tpu.memory_space<hbm>>) dst(%arg12 : memref<64x128xf32, #tpu.memory_space<vmem>>)
      "tpu.region"() ({
        %run_scoped3A = tpu.sem_alloc : memref<!tpu.dma_semaphore, #tpu.memory_space<semaphore_mem>>
        %dma_start3A_223 = arith.constant 0 : i32
        %dma_start3A_224 = tpu.memref_slice %arg8[%add3A_209, %dma_start3A_223] : memref<40x64xi32, #tpu.memory_space<vmem>> -> memref<1x64xi32, #tpu.memory_space<vmem>>
        %dma_start3A_225 = tpu.memref_squeeze %dma_start3A_224 : memref<1x64xi32, #tpu.memory_space<vmem>> -> memref<64xi32, #tpu.memory_space<vmem>>
        %dma_start3A_226 = arith.constant 0 : i32
        %dma_start3A_227 = arith.constant 0 : i32
        %dma_start3A_228 = tpu.memref_slice %arg13[%dma_start3A_226, %dma_start3A_227] : memref<10240x128xf32, #tpu.memory_space<vmem_shared>> -> memref<10240x128xf32, #tpu.memory_space<vmem_shared>>
        tpu.enqueue_indirect_dma source(%arg12 : memref<64x128xf32, #tpu.memory_space<vmem>>) target(%dma_start3A_228 : memref<10240x128xf32, #tpu.memory_space<vmem_shared>>) offsets(%dma_start3A_225 : memref<64xi32, #tpu.memory_space<vmem>>) semaphore(%run_scoped3A : memref<!tpu.dma_semaphore, #tpu.memory_space<semaphore_mem>>) {add = true}
        %dma_wait3A_229 = arith.constant 0 : i32
        %dma_wait3A_230 = tpu.memref_slice %arg8[%add3A_209, %dma_wait3A_229] : memref<40x64xi32, #tpu.memory_space<vmem>> -> memref<1x64xi32, #tpu.memory_space<vmem>>
        %dma_wait3A_231 = tpu.memref_squeeze %dma_wait3A_230 : memref<1x64xi32, #tpu.memory_space<vmem>> -> memref<64xi32, #tpu.memory_space<vmem>>
        %dma_wait3A_232 = arith.constant 0 : i32
        %dma_wait3A_233 = arith.constant 0 : i32
        %dma_wait3A_234 = tpu.memref_slice %arg13[%dma_wait3A_232, %dma_wait3A_233] : memref<10240x128xf32, #tpu.memory_space<vmem_shared>> -> memref<10240x128xf32, #tpu.memory_space<vmem_shared>>
        tpu.wait_indirect_dma semaphore(%run_scoped3A : memref<!tpu.dma_semaphore, #tpu.memory_space<semaphore_mem>>) src(%arg12 : memref<64x128xf32, #tpu.memory_space<vmem>>) dst(%dma_wait3A_234 : memref<10240x128xf32, #tpu.memory_space<vmem_shared>>)
        tpu.yield
      }) : () -> ()
      %add3A_216 = arith.constant 4 : i32
      %add3A_217 = arith.addi %add3A_209, %add3A_216 : i32
      %lt3A_218 = arith.constant 40 : i32
      %lt3A_219 = arith.cmpi slt, %add3A_217, %lt3A_218 : i32
      %convert_element_type3A_220 = arith.extui %lt3A_219 : i1 to i32
      %cond3A_221 = arith.constant 0 : i32
      %cond3A_222 = arith.cmpi ne, %convert_element_type3A_220, %cond3A_221 : i32
      scf.if %cond3A_222 {
        %add3A_223 = arith.constant 4 : i32
        %add3A_224 = arith.addi %add3A_209, %add3A_223 : i32
        %dma_start3A_225 = arith.constant 0 : i32
        %dma_start3A_226 = tpu.memref_slice %arg7[%add3A_224, %dma_start3A_225] : memref<40x64xi32, #tpu.memory_space<vmem>> -> memref<1x64xi32, #tpu.memory_space<vmem>>
        %dma_start3A_227 = tpu.memref_squeeze %dma_start3A_226 : memref<1x64xi32, #tpu.memory_space<vmem>> -> memref<64xi32, #tpu.memory_space<vmem>>
        %dma_start3A_228 = arith.constant 0 : i32
        %dma_start3A_229 = arith.constant 0 : i32
        %dma_start3A_230 = tpu.memref_slice %arg4[%dma_start3A_228, %dma_start3A_229] : memref<10000x128xf32, #tpu.memory_space<hbm>> -> memref<10000x128xf32, #tpu.memory_space<hbm>>
        tpu.enqueue_indirect_dma source(%dma_start3A_230 : memref<10000x128xf32, #tpu.memory_space<hbm>>) target(%arg12 : memref<64x128xf32, #tpu.memory_space<vmem>>) offsets(%dma_start3A_227 : memref<64xi32, #tpu.memory_space<vmem>>) semaphore(%arg17 : memref<!tpu.dma_semaphore, #tpu.memory_space<semaphore_mem>>)
      } else {
      }
    }
    %scan3A_78 = arith.constant 10 : i32
    %add3A_79 = arith.constant 80 : i32
    %add3A_80 = arith.addi %mul3A_7, %add3A_79 : i32
    "tpu.region"() ({
      %run_scoped3A = tpu.sem_alloc : memref<!tpu.dma_semaphore, #tpu.memory_space<semaphore_mem>>
      %dma_start3A_158 = arith.constant 0 : i32
      %dma_start3A_159 = tpu.memref_slice %arg2[%add3A_80, %dma_start3A_158] : memref<5120x64xi32, #tpu.memory_space<hbm>> -> memref<40x64xi32, #tpu.memory_space<hbm>>
      %dma_start3A_160 = arith.constant 0 : i32
      %dma_start3A_161 = tpu.memref_slice %arg2[%add3A_80, %dma_start3A_160] : memref<5120x64xi32, #tpu.memory_space<hbm>> -> memref<40x64xi32, #tpu.memory_space<hbm>>
      tpu.enqueue_dma source(%dma_start3A_161 : memref<40x64xi32, #tpu.memory_space<hbm>>) target(%arg7 : memref<40x64xi32, #tpu.memory_space<vmem>>) target_semaphore(%run_scoped3A : memref<!tpu.dma_semaphore, #tpu.memory_space<semaphore_mem>>)
      %dma_wait3A = arith.constant 0 : i32
      %dma_wait3A_162 = tpu.memref_slice %arg2[%add3A_80, %dma_wait3A] : memref<5120x64xi32, #tpu.memory_space<hbm>> -> memref<40x64xi32, #tpu.memory_space<hbm>>
      %dma_wait3A_163 = arith.constant 0 : i32
      %dma_wait3A_164 = tpu.memref_slice %arg2[%add3A_80, %dma_wait3A_163] : memref<5120x64xi32, #tpu.memory_space<hbm>> -> memref<40x64xi32, #tpu.memory_space<hbm>>
      tpu.wait_dma2 semaphore(%run_scoped3A : memref<!tpu.dma_semaphore, #tpu.memory_space<semaphore_mem>>) src(%dma_wait3A_164 : memref<40x64xi32, #tpu.memory_space<hbm>>) dst(%arg7 : memref<40x64xi32, #tpu.memory_space<vmem>>)
      tpu.yield
    }) : () -> ()
    "tpu.region"() ({
      %run_scoped3A = tpu.sem_alloc : memref<!tpu.dma_semaphore, #tpu.memory_space<semaphore_mem>>
      %dma_start3A_158 = arith.constant 0 : i32
      %dma_start3A_159 = tpu.memref_slice %arg3[%add3A_80, %dma_start3A_158] : memref<5120x64xi32, #tpu.memory_space<hbm>> -> memref<40x64xi32, #tpu.memory_space<hbm>>
      %dma_start3A_160 = arith.constant 0 : i32
      %dma_start3A_161 = tpu.memref_slice %arg3[%add3A_80, %dma_start3A_160] : memref<5120x64xi32, #tpu.memory_space<hbm>> -> memref<40x64xi32, #tpu.memory_space<hbm>>
      tpu.enqueue_dma source(%dma_start3A_161 : memref<40x64xi32, #tpu.memory_space<hbm>>) target(%arg8 : memref<40x64xi32, #tpu.memory_space<vmem>>) target_semaphore(%run_scoped3A : memref<!tpu.dma_semaphore, #tpu.memory_space<semaphore_mem>>)
      %dma_wait3A = arith.constant 0 : i32
      %dma_wait3A_162 = tpu.memref_slice %arg3[%add3A_80, %dma_wait3A] : memref<5120x64xi32, #tpu.memory_space<hbm>> -> memref<40x64xi32, #tpu.memory_space<hbm>>
      %dma_wait3A_163 = arith.constant 0 : i32
      %dma_wait3A_164 = tpu.memref_slice %arg3[%add3A_80, %dma_wait3A_163] : memref<5120x64xi32, #tpu.memory_space<hbm>> -> memref<40x64xi32, #tpu.memory_space<hbm>>
      tpu.wait_dma2 semaphore(%run_scoped3A : memref<!tpu.dma_semaphore, #tpu.memory_space<semaphore_mem>>) src(%dma_wait3A_164 : memref<40x64xi32, #tpu.memory_space<hbm>>) dst(%arg8 : memref<40x64xi32, #tpu.memory_space<vmem>>)
      tpu.yield
    }) : () -> ()
    %dma_start3A_81 = arith.constant 0 : i32
    %dma_start3A_82 = arith.constant 0 : i32
    %dma_start3A_83 = tpu.memref_slice %arg7[%dma_start3A_81, %dma_start3A_82] : memref<40x64xi32, #tpu.memory_space<vmem>> -> memref<1x64xi32, #tpu.memory_space<vmem>>
    %dma_start3A_84 = tpu.memref_squeeze %dma_start3A_83 : memref<1x64xi32, #tpu.memory_space<vmem>> -> memref<64xi32, #tpu.memory_space<vmem>>
    %dma_start3A_85 = arith.constant 0 : i32
    %dma_start3A_86 = arith.constant 0 : i32
    %dma_start3A_87 = tpu.memref_slice %arg4[%dma_start3A_85, %dma_start3A_86] : memref<10000x128xf32, #tpu.memory_space<hbm>> -> memref<10000x128xf32, #tpu.memory_space<hbm>>
    tpu.enqueue_indirect_dma source(%dma_start3A_87 : memref<10000x128xf32, #tpu.memory_space<hbm>>) target(%arg9 : memref<64x128xf32, #tpu.memory_space<vmem>>) offsets(%dma_start3A_84 : memref<64xi32, #tpu.memory_space<vmem>>) semaphore(%arg14 : memref<!tpu.dma_semaphore, #tpu.memory_space<semaphore_mem>>)
    %dma_start3A_88 = arith.constant 1 : i32
    %dma_start3A_89 = arith.constant 0 : i32
    %dma_start3A_90 = tpu.memref_slice %arg7[%dma_start3A_88, %dma_start3A_89] : memref<40x64xi32, #tpu.memory_space<vmem>> -> memref<1x64xi32, #tpu.memory_space<vmem>>
    %dma_start3A_91 = tpu.memref_squeeze %dma_start3A_90 : memref<1x64xi32, #tpu.memory_space<vmem>> -> memref<64xi32, #tpu.memory_space<vmem>>
    %dma_start3A_92 = arith.constant 0 : i32
    %dma_start3A_93 = arith.constant 0 : i32
    %dma_start3A_94 = tpu.memref_slice %arg4[%dma_start3A_92, %dma_start3A_93] : memref<10000x128xf32, #tpu.memory_space<hbm>> -> memref<10000x128xf32, #tpu.memory_space<hbm>>
    tpu.enqueue_indirect_dma source(%dma_start3A_94 : memref<10000x128xf32, #tpu.memory_space<hbm>>) target(%arg10 : memref<64x128xf32, #tpu.memory_space<vmem>>) offsets(%dma_start3A_91 : memref<64xi32, #tpu.memory_space<vmem>>) semaphore(%arg15 : memref<!tpu.dma_semaphore, #tpu.memory_space<semaphore_mem>>)
    %dma_start3A_95 = arith.constant 2 : i32
    %dma_start3A_96 = arith.constant 0 : i32
    %dma_start3A_97 = tpu.memref_slice %arg7[%dma_start3A_95, %dma_start3A_96] : memref<40x64xi32, #tpu.memory_space<vmem>> -> memref<1x64xi32, #tpu.memory_space<vmem>>
    %dma_start3A_98 = tpu.memref_squeeze %dma_start3A_97 : memref<1x64xi32, #tpu.memory_space<vmem>> -> memref<64xi32, #tpu.memory_space<vmem>>
    %dma_start3A_99 = arith.constant 0 : i32
    %dma_start3A_100 = arith.constant 0 : i32
    %dma_start3A_101 = tpu.memref_slice %arg4[%dma_start3A_99, %dma_start3A_100] : memref<10000x128xf32, #tpu.memory_space<hbm>> -> memref<10000x128xf32, #tpu.memory_space<hbm>>
    tpu.enqueue_indirect_dma source(%dma_start3A_101 : memref<10000x128xf32, #tpu.memory_space<hbm>>) target(%arg11 : memref<64x128xf32, #tpu.memory_space<vmem>>) offsets(%dma_start3A_98 : memref<64xi32, #tpu.memory_space<vmem>>) semaphore(%arg16 : memref<!tpu.dma_semaphore, #tpu.memory_space<semaphore_mem>>)
    %dma_start3A_102 = arith.constant 3 : i32
    %dma_start3A_103 = arith.constant 0 : i32
    %dma_start3A_104 = tpu.memref_slice %arg7[%dma_start3A_102, %dma_start3A_103] : memref<40x64xi32, #tpu.memory_space<vmem>> -> memref<1x64xi32, #tpu.memory_space<vmem>>
    %dma_start3A_105 = tpu.memref_squeeze %dma_start3A_104 : memref<1x64xi32, #tpu.memory_space<vmem>> -> memref<64xi32, #tpu.memory_space<vmem>>
    %dma_start3A_106 = arith.constant 0 : i32
    %dma_start3A_107 = arith.constant 0 : i32
    %dma_start3A_108 = tpu.memref_slice %arg4[%dma_start3A_106, %dma_start3A_107] : memref<10000x128xf32, #tpu.memory_space<hbm>> -> memref<10000x128xf32, #tpu.memory_space<hbm>>
    tpu.enqueue_indirect_dma source(%dma_start3A_108 : memref<10000x128xf32, #tpu.memory_space<hbm>>) target(%arg12 : memref<64x128xf32, #tpu.memory_space<vmem>>) offsets(%dma_start3A_105 : memref<64xi32, #tpu.memory_space<vmem>>) semaphore(%arg17 : memref<!tpu.dma_semaphore, #tpu.memory_space<semaphore_mem>>)
    %scan3A_109 = arith.constant 0 : i32
    %scan3A_110 = arith.constant 0 : i32
    %scan3A_111 = arith.constant 10 : i32
    %scan3A_112 = arith.addi %scan3A_110, %scan3A_111 : i32
    %scan3A_113 = arith.constant 1 : i32
    scf.for %scan3A_158 = %scan3A_110 to %scan3A_112 step %scan3A_113  : i32 {
      %mul3A_159 = arith.constant 4 : i32
      %mul3A_160 = arith.muli %mul3A_159, %scan3A_158 : i32
      %add3A_161 = arith.constant 0 : i32
      %add3A_162 = arith.addi %mul3A_160, %add3A_161 : i32
      %dma_wait3A = arith.constant 0 : i32
      %dma_wait3A_163 = tpu.memref_slice %arg7[%add3A_162, %dma_wait3A] : memref<40x64xi32, #tpu.memory_space<vmem>> -> memref<1x64xi32, #tpu.memory_space<vmem>>
      %dma_wait3A_164 = tpu.memref_squeeze %dma_wait3A_163 : memref<1x64xi32, #tpu.memory_space<vmem>> -> memref<64xi32, #tpu.memory_space<vmem>>
      %dma_wait3A_165 = arith.constant 0 : i32
      %dma_wait3A_166 = arith.constant 0 : i32
      %dma_wait3A_167 = tpu.memref_slice %arg4[%dma_wait3A_165, %dma_wait3A_166] : memref<10000x128xf32, #tpu.memory_space<hbm>> -> memref<10000x128xf32, #tpu.memory_space<hbm>>
      tpu.wait_indirect_dma semaphore(%arg14 : memref<!tpu.dma_semaphore, #tpu.memory_space<semaphore_mem>>) src(%dma_wait3A_167 : memref<10000x128xf32, #tpu.memory_space<hbm>>) dst(%arg9 : memref<64x128xf32, #tpu.memory_space<vmem>>)
      "tpu.region"() ({
        %run_scoped3A = tpu.sem_alloc : memref<!tpu.dma_semaphore, #tpu.memory_space<semaphore_mem>>
        %dma_start3A_223 = arith.constant 0 : i32
        %dma_start3A_224 = tpu.memref_slice %arg8[%add3A_162, %dma_start3A_223] : memref<40x64xi32, #tpu.memory_space<vmem>> -> memref<1x64xi32, #tpu.memory_space<vmem>>
        %dma_start3A_225 = tpu.memref_squeeze %dma_start3A_224 : memref<1x64xi32, #tpu.memory_space<vmem>> -> memref<64xi32, #tpu.memory_space<vmem>>
        %dma_start3A_226 = arith.constant 0 : i32
        %dma_start3A_227 = arith.constant 0 : i32
        %dma_start3A_228 = tpu.memref_slice %arg13[%dma_start3A_226, %dma_start3A_227] : memref<10240x128xf32, #tpu.memory_space<vmem_shared>> -> memref<10240x128xf32, #tpu.memory_space<vmem_shared>>
        tpu.enqueue_indirect_dma source(%arg9 : memref<64x128xf32, #tpu.memory_space<vmem>>) target(%dma_start3A_228 : memref<10240x128xf32, #tpu.memory_space<vmem_shared>>) offsets(%dma_start3A_225 : memref<64xi32, #tpu.memory_space<vmem>>) semaphore(%run_scoped3A : memref<!tpu.dma_semaphore, #tpu.memory_space<semaphore_mem>>) {add = true}
        %dma_wait3A_229 = arith.constant 0 : i32
        %dma_wait3A_230 = tpu.memref_slice %arg8[%add3A_162, %dma_wait3A_229] : memref<40x64xi32, #tpu.memory_space<vmem>> -> memref<1x64xi32, #tpu.memory_space<vmem>>
        %dma_wait3A_231 = tpu.memref_squeeze %dma_wait3A_230 : memref<1x64xi32, #tpu.memory_space<vmem>> -> memref<64xi32, #tpu.memory_space<vmem>>
        %dma_wait3A_232 = arith.constant 0 : i32
        %dma_wait3A_233 = arith.constant 0 : i32
        %dma_wait3A_234 = tpu.memref_slice %arg13[%dma_wait3A_232, %dma_wait3A_233] : memref<10240x128xf32, #tpu.memory_space<vmem_shared>> -> memref<10240x128xf32, #tpu.memory_space<vmem_shared>>
        tpu.wait_indirect_dma semaphore(%run_scoped3A : memref<!tpu.dma_semaphore, #tpu.memory_space<semaphore_mem>>) src(%arg9 : memref<64x128xf32, #tpu.memory_space<vmem>>) dst(%dma_wait3A_234 : memref<10240x128xf32, #tpu.memory_space<vmem_shared>>)
        tpu.yield
      }) : () -> ()
      %add3A_168 = arith.constant 4 : i32
      %add3A_169 = arith.addi %add3A_162, %add3A_168 : i32
      %lt3A = arith.constant 40 : i32
      %lt3A_170 = arith.cmpi slt, %add3A_169, %lt3A : i32
      %convert_element_type3A = arith.extui %lt3A_170 : i1 to i32
      %cond3A = arith.constant 0 : i32
      %cond3A_171 = arith.cmpi ne, %convert_element_type3A, %cond3A : i32
      scf.if %cond3A_171 {
        %add3A_223 = arith.constant 4 : i32
        %add3A_224 = arith.addi %add3A_162, %add3A_223 : i32
        %dma_start3A_225 = arith.constant 0 : i32
        %dma_start3A_226 = tpu.memref_slice %arg7[%add3A_224, %dma_start3A_225] : memref<40x64xi32, #tpu.memory_space<vmem>> -> memref<1x64xi32, #tpu.memory_space<vmem>>
        %dma_start3A_227 = tpu.memref_squeeze %dma_start3A_226 : memref<1x64xi32, #tpu.memory_space<vmem>> -> memref<64xi32, #tpu.memory_space<vmem>>
        %dma_start3A_228 = arith.constant 0 : i32
        %dma_start3A_229 = arith.constant 0 : i32
        %dma_start3A_230 = tpu.memref_slice %arg4[%dma_start3A_228, %dma_start3A_229] : memref<10000x128xf32, #tpu.memory_space<hbm>> -> memref<10000x128xf32, #tpu.memory_space<hbm>>
        tpu.enqueue_indirect_dma source(%dma_start3A_230 : memref<10000x128xf32, #tpu.memory_space<hbm>>) target(%arg9 : memref<64x128xf32, #tpu.memory_space<vmem>>) offsets(%dma_start3A_227 : memref<64xi32, #tpu.memory_space<vmem>>) semaphore(%arg14 : memref<!tpu.dma_semaphore, #tpu.memory_space<semaphore_mem>>)
      } else {
      }
      %mul3A_172 = arith.constant 4 : i32
      %mul3A_173 = arith.muli %mul3A_172, %scan3A_158 : i32
      %add3A_174 = arith.constant 1 : i32
      %add3A_175 = arith.addi %mul3A_173, %add3A_174 : i32
      %dma_wait3A_176 = arith.constant 0 : i32
      %dma_wait3A_177 = tpu.memref_slice %arg7[%add3A_175, %dma_wait3A_176] : memref<40x64xi32, #tpu.memory_space<vmem>> -> memref<1x64xi32, #tpu.memory_space<vmem>>
      %dma_wait3A_178 = tpu.memref_squeeze %dma_wait3A_177 : memref<1x64xi32, #tpu.memory_space<vmem>> -> memref<64xi32, #tpu.memory_space<vmem>>
      %dma_wait3A_179 = arith.constant 0 : i32
      %dma_wait3A_180 = arith.constant 0 : i32
      %dma_wait3A_181 = tpu.memref_slice %arg4[%dma_wait3A_179, %dma_wait3A_180] : memref<10000x128xf32, #tpu.memory_space<hbm>> -> memref<10000x128xf32, #tpu.memory_space<hbm>>
      tpu.wait_indirect_dma semaphore(%arg15 : memref<!tpu.dma_semaphore, #tpu.memory_space<semaphore_mem>>) src(%dma_wait3A_181 : memref<10000x128xf32, #tpu.memory_space<hbm>>) dst(%arg10 : memref<64x128xf32, #tpu.memory_space<vmem>>)
      "tpu.region"() ({
        %run_scoped3A = tpu.sem_alloc : memref<!tpu.dma_semaphore, #tpu.memory_space<semaphore_mem>>
        %dma_start3A_223 = arith.constant 0 : i32
        %dma_start3A_224 = tpu.memref_slice %arg8[%add3A_175, %dma_start3A_223] : memref<40x64xi32, #tpu.memory_space<vmem>> -> memref<1x64xi32, #tpu.memory_space<vmem>>
        %dma_start3A_225 = tpu.memref_squeeze %dma_start3A_224 : memref<1x64xi32, #tpu.memory_space<vmem>> -> memref<64xi32, #tpu.memory_space<vmem>>
        %dma_start3A_226 = arith.constant 0 : i32
        %dma_start3A_227 = arith.constant 0 : i32
        %dma_start3A_228 = tpu.memref_slice %arg13[%dma_start3A_226, %dma_start3A_227] : memref<10240x128xf32, #tpu.memory_space<vmem_shared>> -> memref<10240x128xf32, #tpu.memory_space<vmem_shared>>
        tpu.enqueue_indirect_dma source(%arg10 : memref<64x128xf32, #tpu.memory_space<vmem>>) target(%dma_start3A_228 : memref<10240x128xf32, #tpu.memory_space<vmem_shared>>) offsets(%dma_start3A_225 : memref<64xi32, #tpu.memory_space<vmem>>) semaphore(%run_scoped3A : memref<!tpu.dma_semaphore, #tpu.memory_space<semaphore_mem>>) {add = true}
        %dma_wait3A_229 = arith.constant 0 : i32
        %dma_wait3A_230 = tpu.memref_slice %arg8[%add3A_175, %dma_wait3A_229] : memref<40x64xi32, #tpu.memory_space<vmem>> -> memref<1x64xi32, #tpu.memory_space<vmem>>
        %dma_wait3A_231 = tpu.memref_squeeze %dma_wait3A_230 : memref<1x64xi32, #tpu.memory_space<vmem>> -> memref<64xi32, #tpu.memory_space<vmem>>
        %dma_wait3A_232 = arith.constant 0 : i32
        %dma_wait3A_233 = arith.constant 0 : i32
        %dma_wait3A_234 = tpu.memref_slice %arg13[%dma_wait3A_232, %dma_wait3A_233] : memref<10240x128xf32, #tpu.memory_space<vmem_shared>> -> memref<10240x128xf32, #tpu.memory_space<vmem_shared>>
        tpu.wait_indirect_dma semaphore(%run_scoped3A : memref<!tpu.dma_semaphore, #tpu.memory_space<semaphore_mem>>) src(%arg10 : memref<64x128xf32, #tpu.memory_space<vmem>>) dst(%dma_wait3A_234 : memref<10240x128xf32, #tpu.memory_space<vmem_shared>>)
        tpu.yield
      }) : () -> ()
      %add3A_182 = arith.constant 4 : i32
      %add3A_183 = arith.addi %add3A_175, %add3A_182 : i32
      %lt3A_184 = arith.constant 40 : i32
      %lt3A_185 = arith.cmpi slt, %add3A_183, %lt3A_184 : i32
      %convert_element_type3A_186 = arith.extui %lt3A_185 : i1 to i32
      %cond3A_187 = arith.constant 0 : i32
      %cond3A_188 = arith.cmpi ne, %convert_element_type3A_186, %cond3A_187 : i32
      scf.if %cond3A_188 {
        %add3A_223 = arith.constant 4 : i32
        %add3A_224 = arith.addi %add3A_175, %add3A_223 : i32
        %dma_start3A_225 = arith.constant 0 : i32
        %dma_start3A_226 = tpu.memref_slice %arg7[%add3A_224, %dma_start3A_225] : memref<40x64xi32, #tpu.memory_space<vmem>> -> memref<1x64xi32, #tpu.memory_space<vmem>>
        %dma_start3A_227 = tpu.memref_squeeze %dma_start3A_226 : memref<1x64xi32, #tpu.memory_space<vmem>> -> memref<64xi32, #tpu.memory_space<vmem>>
        %dma_start3A_228 = arith.constant 0 : i32
        %dma_start3A_229 = arith.constant 0 : i32
        %dma_start3A_230 = tpu.memref_slice %arg4[%dma_start3A_228, %dma_start3A_229] : memref<10000x128xf32, #tpu.memory_space<hbm>> -> memref<10000x128xf32, #tpu.memory_space<hbm>>
        tpu.enqueue_indirect_dma source(%dma_start3A_230 : memref<10000x128xf32, #tpu.memory_space<hbm>>) target(%arg10 : memref<64x128xf32, #tpu.memory_space<vmem>>) offsets(%dma_start3A_227 : memref<64xi32, #tpu.memory_space<vmem>>) semaphore(%arg15 : memref<!tpu.dma_semaphore, #tpu.memory_space<semaphore_mem>>)
      } else {
      }
      %mul3A_189 = arith.constant 4 : i32
      %mul3A_190 = arith.muli %mul3A_189, %scan3A_158 : i32
      %add3A_191 = arith.constant 2 : i32
      %add3A_192 = arith.addi %mul3A_190, %add3A_191 : i32
      %dma_wait3A_193 = arith.constant 0 : i32
      %dma_wait3A_194 = tpu.memref_slice %arg7[%add3A_192, %dma_wait3A_193] : memref<40x64xi32, #tpu.memory_space<vmem>> -> memref<1x64xi32, #tpu.memory_space<vmem>>
      %dma_wait3A_195 = tpu.memref_squeeze %dma_wait3A_194 : memref<1x64xi32, #tpu.memory_space<vmem>> -> memref<64xi32, #tpu.memory_space<vmem>>
      %dma_wait3A_196 = arith.constant 0 : i32
      %dma_wait3A_197 = arith.constant 0 : i32
      %dma_wait3A_198 = tpu.memref_slice %arg4[%dma_wait3A_196, %dma_wait3A_197] : memref<10000x128xf32, #tpu.memory_space<hbm>> -> memref<10000x128xf32, #tpu.memory_space<hbm>>
      tpu.wait_indirect_dma semaphore(%arg16 : memref<!tpu.dma_semaphore, #tpu.memory_space<semaphore_mem>>) src(%dma_wait3A_198 : memref<10000x128xf32, #tpu.memory_space<hbm>>) dst(%arg11 : memref<64x128xf32, #tpu.memory_space<vmem>>)
      "tpu.region"() ({
        %run_scoped3A = tpu.sem_alloc : memref<!tpu.dma_semaphore, #tpu.memory_space<semaphore_mem>>
        %dma_start3A_223 = arith.constant 0 : i32
        %dma_start3A_224 = tpu.memref_slice %arg8[%add3A_192, %dma_start3A_223] : memref<40x64xi32, #tpu.memory_space<vmem>> -> memref<1x64xi32, #tpu.memory_space<vmem>>
        %dma_start3A_225 = tpu.memref_squeeze %dma_start3A_224 : memref<1x64xi32, #tpu.memory_space<vmem>> -> memref<64xi32, #tpu.memory_space<vmem>>
        %dma_start3A_226 = arith.constant 0 : i32
        %dma_start3A_227 = arith.constant 0 : i32
        %dma_start3A_228 = tpu.memref_slice %arg13[%dma_start3A_226, %dma_start3A_227] : memref<10240x128xf32, #tpu.memory_space<vmem_shared>> -> memref<10240x128xf32, #tpu.memory_space<vmem_shared>>
        tpu.enqueue_indirect_dma source(%arg11 : memref<64x128xf32, #tpu.memory_space<vmem>>) target(%dma_start3A_228 : memref<10240x128xf32, #tpu.memory_space<vmem_shared>>) offsets(%dma_start3A_225 : memref<64xi32, #tpu.memory_space<vmem>>) semaphore(%run_scoped3A : memref<!tpu.dma_semaphore, #tpu.memory_space<semaphore_mem>>) {add = true}
        %dma_wait3A_229 = arith.constant 0 : i32
        %dma_wait3A_230 = tpu.memref_slice %arg8[%add3A_192, %dma_wait3A_229] : memref<40x64xi32, #tpu.memory_space<vmem>> -> memref<1x64xi32, #tpu.memory_space<vmem>>
        %dma_wait3A_231 = tpu.memref_squeeze %dma_wait3A_230 : memref<1x64xi32, #tpu.memory_space<vmem>> -> memref<64xi32, #tpu.memory_space<vmem>>
        %dma_wait3A_232 = arith.constant 0 : i32
        %dma_wait3A_233 = arith.constant 0 : i32
        %dma_wait3A_234 = tpu.memref_slice %arg13[%dma_wait3A_232, %dma_wait3A_233] : memref<10240x128xf32, #tpu.memory_space<vmem_shared>> -> memref<10240x128xf32, #tpu.memory_space<vmem_shared>>
        tpu.wait_indirect_dma semaphore(%run_scoped3A : memref<!tpu.dma_semaphore, #tpu.memory_space<semaphore_mem>>) src(%arg11 : memref<64x128xf32, #tpu.memory_space<vmem>>) dst(%dma_wait3A_234 : memref<10240x128xf32, #tpu.memory_space<vmem_shared>>)
        tpu.yield
      }) : () -> ()
      %add3A_199 = arith.constant 4 : i32
      %add3A_200 = arith.addi %add3A_192, %add3A_199 : i32
      %lt3A_201 = arith.constant 40 : i32
      %lt3A_202 = arith.cmpi slt, %add3A_200, %lt3A_201 : i32
      %convert_element_type3A_203 = arith.extui %lt3A_202 : i1 to i32
      %cond3A_204 = arith.constant 0 : i32
      %cond3A_205 = arith.cmpi ne, %convert_element_type3A_203, %cond3A_204 : i32
      scf.if %cond3A_205 {
        %add3A_223 = arith.constant 4 : i32
        %add3A_224 = arith.addi %add3A_192, %add3A_223 : i32
        %dma_start3A_225 = arith.constant 0 : i32
        %dma_start3A_226 = tpu.memref_slice %arg7[%add3A_224, %dma_start3A_225] : memref<40x64xi32, #tpu.memory_space<vmem>> -> memref<1x64xi32, #tpu.memory_space<vmem>>
        %dma_start3A_227 = tpu.memref_squeeze %dma_start3A_226 : memref<1x64xi32, #tpu.memory_space<vmem>> -> memref<64xi32, #tpu.memory_space<vmem>>
        %dma_start3A_228 = arith.constant 0 : i32
        %dma_start3A_229 = arith.constant 0 : i32
        %dma_start3A_230 = tpu.memref_slice %arg4[%dma_start3A_228, %dma_start3A_229] : memref<10000x128xf32, #tpu.memory_space<hbm>> -> memref<10000x128xf32, #tpu.memory_space<hbm>>
        tpu.enqueue_indirect_dma source(%dma_start3A_230 : memref<10000x128xf32, #tpu.memory_space<hbm>>) target(%arg11 : memref<64x128xf32, #tpu.memory_space<vmem>>) offsets(%dma_start3A_227 : memref<64xi32, #tpu.memory_space<vmem>>) semaphore(%arg16 : memref<!tpu.dma_semaphore, #tpu.memory_space<semaphore_mem>>)
      } else {
      }
      %mul3A_206 = arith.constant 4 : i32
      %mul3A_207 = arith.muli %mul3A_206, %scan3A_158 : i32
      %add3A_208 = arith.constant 3 : i32
      %add3A_209 = arith.addi %mul3A_207, %add3A_208 : i32
      %dma_wait3A_210 = arith.constant 0 : i32
      %dma_wait3A_211 = tpu.memref_slice %arg7[%add3A_209, %dma_wait3A_210] : memref<40x64xi32, #tpu.memory_space<vmem>> -> memref<1x64xi32, #tpu.memory_space<vmem>>
      %dma_wait3A_212 = tpu.memref_squeeze %dma_wait3A_211 : memref<1x64xi32, #tpu.memory_space<vmem>> -> memref<64xi32, #tpu.memory_space<vmem>>
      %dma_wait3A_213 = arith.constant 0 : i32
      %dma_wait3A_214 = arith.constant 0 : i32
      %dma_wait3A_215 = tpu.memref_slice %arg4[%dma_wait3A_213, %dma_wait3A_214] : memref<10000x128xf32, #tpu.memory_space<hbm>> -> memref<10000x128xf32, #tpu.memory_space<hbm>>
      tpu.wait_indirect_dma semaphore(%arg17 : memref<!tpu.dma_semaphore, #tpu.memory_space<semaphore_mem>>) src(%dma_wait3A_215 : memref<10000x128xf32, #tpu.memory_space<hbm>>) dst(%arg12 : memref<64x128xf32, #tpu.memory_space<vmem>>)
      "tpu.region"() ({
        %run_scoped3A = tpu.sem_alloc : memref<!tpu.dma_semaphore, #tpu.memory_space<semaphore_mem>>
        %dma_start3A_223 = arith.constant 0 : i32
        %dma_start3A_224 = tpu.memref_slice %arg8[%add3A_209, %dma_start3A_223] : memref<40x64xi32, #tpu.memory_space<vmem>> -> memref<1x64xi32, #tpu.memory_space<vmem>>
        %dma_start3A_225 = tpu.memref_squeeze %dma_start3A_224 : memref<1x64xi32, #tpu.memory_space<vmem>> -> memref<64xi32, #tpu.memory_space<vmem>>
        %dma_start3A_226 = arith.constant 0 : i32
        %dma_start3A_227 = arith.constant 0 : i32
        %dma_start3A_228 = tpu.memref_slice %arg13[%dma_start3A_226, %dma_start3A_227] : memref<10240x128xf32, #tpu.memory_space<vmem_shared>> -> memref<10240x128xf32, #tpu.memory_space<vmem_shared>>
        tpu.enqueue_indirect_dma source(%arg12 : memref<64x128xf32, #tpu.memory_space<vmem>>) target(%dma_start3A_228 : memref<10240x128xf32, #tpu.memory_space<vmem_shared>>) offsets(%dma_start3A_225 : memref<64xi32, #tpu.memory_space<vmem>>) semaphore(%run_scoped3A : memref<!tpu.dma_semaphore, #tpu.memory_space<semaphore_mem>>) {add = true}
        %dma_wait3A_229 = arith.constant 0 : i32
        %dma_wait3A_230 = tpu.memref_slice %arg8[%add3A_209, %dma_wait3A_229] : memref<40x64xi32, #tpu.memory_space<vmem>> -> memref<1x64xi32, #tpu.memory_space<vmem>>
        %dma_wait3A_231 = tpu.memref_squeeze %dma_wait3A_230 : memref<1x64xi32, #tpu.memory_space<vmem>> -> memref<64xi32, #tpu.memory_space<vmem>>
        %dma_wait3A_232 = arith.constant 0 : i32
        %dma_wait3A_233 = arith.constant 0 : i32
        %dma_wait3A_234 = tpu.memref_slice %arg13[%dma_wait3A_232, %dma_wait3A_233] : memref<10240x128xf32, #tpu.memory_space<vmem_shared>> -> memref<10240x128xf32, #tpu.memory_space<vmem_shared>>
        tpu.wait_indirect_dma semaphore(%run_scoped3A : memref<!tpu.dma_semaphore, #tpu.memory_space<semaphore_mem>>) src(%arg12 : memref<64x128xf32, #tpu.memory_space<vmem>>) dst(%dma_wait3A_234 : memref<10240x128xf32, #tpu.memory_space<vmem_shared>>)
        tpu.yield
      }) : () -> ()
      %add3A_216 = arith.constant 4 : i32
      %add3A_217 = arith.addi %add3A_209, %add3A_216 : i32
      %lt3A_218 = arith.constant 40 : i32
      %lt3A_219 = arith.cmpi slt, %add3A_217, %lt3A_218 : i32
      %convert_element_type3A_220 = arith.extui %lt3A_219 : i1 to i32
      %cond3A_221 = arith.constant 0 : i32
      %cond3A_222 = arith.cmpi ne, %convert_element_type3A_220, %cond3A_221 : i32
      scf.if %cond3A_222 {
        %add3A_223 = arith.constant 4 : i32
        %add3A_224 = arith.addi %add3A_209, %add3A_223 : i32
        %dma_start3A_225 = arith.constant 0 : i32
        %dma_start3A_226 = tpu.memref_slice %arg7[%add3A_224, %dma_start3A_225] : memref<40x64xi32, #tpu.memory_space<vmem>> -> memref<1x64xi32, #tpu.memory_space<vmem>>
        %dma_start3A_227 = tpu.memref_squeeze %dma_start3A_226 : memref<1x64xi32, #tpu.memory_space<vmem>> -> memref<64xi32, #tpu.memory_space<vmem>>
        %dma_start3A_228 = arith.constant 0 : i32
        %dma_start3A_229 = arith.constant 0 : i32
        %dma_start3A_230 = tpu.memref_slice %arg4[%dma_start3A_228, %dma_start3A_229] : memref<10000x128xf32, #tpu.memory_space<hbm>> -> memref<10000x128xf32, #tpu.memory_space<hbm>>
        tpu.enqueue_indirect_dma source(%dma_start3A_230 : memref<10000x128xf32, #tpu.memory_space<hbm>>) target(%arg12 : memref<64x128xf32, #tpu.memory_space<vmem>>) offsets(%dma_start3A_227 : memref<64xi32, #tpu.memory_space<vmem>>) semaphore(%arg17 : memref<!tpu.dma_semaphore, #tpu.memory_space<semaphore_mem>>)
      } else {
      }
    }
    %scan3A_114 = arith.constant 10 : i32
    %add3A_115 = arith.constant 120 : i32
    %add3A_116 = arith.addi %mul3A_7, %add3A_115 : i32
    "tpu.region"() ({
      %run_scoped3A = tpu.sem_alloc : memref<!tpu.dma_semaphore, #tpu.memory_space<semaphore_mem>>
      %dma_start3A_158 = arith.constant 0 : i32
      %dma_start3A_159 = tpu.memref_slice %arg2[%add3A_116, %dma_start3A_158] : memref<5120x64xi32, #tpu.memory_space<hbm>> -> memref<40x64xi32, #tpu.memory_space<hbm>>
      %dma_start3A_160 = arith.constant 0 : i32
      %dma_start3A_161 = tpu.memref_slice %arg2[%add3A_116, %dma_start3A_160] : memref<5120x64xi32, #tpu.memory_space<hbm>> -> memref<40x64xi32, #tpu.memory_space<hbm>>
      tpu.enqueue_dma source(%dma_start3A_161 : memref<40x64xi32, #tpu.memory_space<hbm>>) target(%arg7 : memref<40x64xi32, #tpu.memory_space<vmem>>) target_semaphore(%run_scoped3A : memref<!tpu.dma_semaphore, #tpu.memory_space<semaphore_mem>>)
      %dma_wait3A = arith.constant 0 : i32
      %dma_wait3A_162 = tpu.memref_slice %arg2[%add3A_116, %dma_wait3A] : memref<5120x64xi32, #tpu.memory_space<hbm>> -> memref<40x64xi32, #tpu.memory_space<hbm>>
      %dma_wait3A_163 = arith.constant 0 : i32
      %dma_wait3A_164 = tpu.memref_slice %arg2[%add3A_116, %dma_wait3A_163] : memref<5120x64xi32, #tpu.memory_space<hbm>> -> memref<40x64xi32, #tpu.memory_space<hbm>>
      tpu.wait_dma2 semaphore(%run_scoped3A : memref<!tpu.dma_semaphore, #tpu.memory_space<semaphore_mem>>) src(%dma_wait3A_164 : memref<40x64xi32, #tpu.memory_space<hbm>>) dst(%arg7 : memref<40x64xi32, #tpu.memory_space<vmem>>)
      tpu.yield
    }) : () -> ()
    "tpu.region"() ({
      %run_scoped3A = tpu.sem_alloc : memref<!tpu.dma_semaphore, #tpu.memory_space<semaphore_mem>>
      %dma_start3A_158 = arith.constant 0 : i32
      %dma_start3A_159 = tpu.memref_slice %arg3[%add3A_116, %dma_start3A_158] : memref<5120x64xi32, #tpu.memory_space<hbm>> -> memref<40x64xi32, #tpu.memory_space<hbm>>
      %dma_start3A_160 = arith.constant 0 : i32
      %dma_start3A_161 = tpu.memref_slice %arg3[%add3A_116, %dma_start3A_160] : memref<5120x64xi32, #tpu.memory_space<hbm>> -> memref<40x64xi32, #tpu.memory_space<hbm>>
      tpu.enqueue_dma source(%dma_start3A_161 : memref<40x64xi32, #tpu.memory_space<hbm>>) target(%arg8 : memref<40x64xi32, #tpu.memory_space<vmem>>) target_semaphore(%run_scoped3A : memref<!tpu.dma_semaphore, #tpu.memory_space<semaphore_mem>>)
      %dma_wait3A = arith.constant 0 : i32
      %dma_wait3A_162 = tpu.memref_slice %arg3[%add3A_116, %dma_wait3A] : memref<5120x64xi32, #tpu.memory_space<hbm>> -> memref<40x64xi32, #tpu.memory_space<hbm>>
      %dma_wait3A_163 = arith.constant 0 : i32
      %dma_wait3A_164 = tpu.memref_slice %arg3[%add3A_116, %dma_wait3A_163] : memref<5120x64xi32, #tpu.memory_space<hbm>> -> memref<40x64xi32, #tpu.memory_space<hbm>>
      tpu.wait_dma2 semaphore(%run_scoped3A : memref<!tpu.dma_semaphore, #tpu.memory_space<semaphore_mem>>) src(%dma_wait3A_164 : memref<40x64xi32, #tpu.memory_space<hbm>>) dst(%arg8 : memref<40x64xi32, #tpu.memory_space<vmem>>)
      tpu.yield
    }) : () -> ()
    %dma_start3A_117 = arith.constant 0 : i32
    %dma_start3A_118 = arith.constant 0 : i32
    %dma_start3A_119 = tpu.memref_slice %arg7[%dma_start3A_117, %dma_start3A_118] : memref<40x64xi32, #tpu.memory_space<vmem>> -> memref<1x64xi32, #tpu.memory_space<vmem>>
    %dma_start3A_120 = tpu.memref_squeeze %dma_start3A_119 : memref<1x64xi32, #tpu.memory_space<vmem>> -> memref<64xi32, #tpu.memory_space<vmem>>
    %dma_start3A_121 = arith.constant 0 : i32
    %dma_start3A_122 = arith.constant 0 : i32
    %dma_start3A_123 = tpu.memref_slice %arg4[%dma_start3A_121, %dma_start3A_122] : memref<10000x128xf32, #tpu.memory_space<hbm>> -> memref<10000x128xf32, #tpu.memory_space<hbm>>
    tpu.enqueue_indirect_dma source(%dma_start3A_123 : memref<10000x128xf32, #tpu.memory_space<hbm>>) target(%arg9 : memref<64x128xf32, #tpu.memory_space<vmem>>) offsets(%dma_start3A_120 : memref<64xi32, #tpu.memory_space<vmem>>) semaphore(%arg14 : memref<!tpu.dma_semaphore, #tpu.memory_space<semaphore_mem>>)
    %dma_start3A_124 = arith.constant 1 : i32
    %dma_start3A_125 = arith.constant 0 : i32
    %dma_start3A_126 = tpu.memref_slice %arg7[%dma_start3A_124, %dma_start3A_125] : memref<40x64xi32, #tpu.memory_space<vmem>> -> memref<1x64xi32, #tpu.memory_space<vmem>>
    %dma_start3A_127 = tpu.memref_squeeze %dma_start3A_126 : memref<1x64xi32, #tpu.memory_space<vmem>> -> memref<64xi32, #tpu.memory_space<vmem>>
    %dma_start3A_128 = arith.constant 0 : i32
    %dma_start3A_129 = arith.constant 0 : i32
    %dma_start3A_130 = tpu.memref_slice %arg4[%dma_start3A_128, %dma_start3A_129] : memref<10000x128xf32, #tpu.memory_space<hbm>> -> memref<10000x128xf32, #tpu.memory_space<hbm>>
    tpu.enqueue_indirect_dma source(%dma_start3A_130 : memref<10000x128xf32, #tpu.memory_space<hbm>>) target(%arg10 : memref<64x128xf32, #tpu.memory_space<vmem>>) offsets(%dma_start3A_127 : memref<64xi32, #tpu.memory_space<vmem>>) semaphore(%arg15 : memref<!tpu.dma_semaphore, #tpu.memory_space<semaphore_mem>>)
    %dma_start3A_131 = arith.constant 2 : i32
    %dma_start3A_132 = arith.constant 0 : i32
    %dma_start3A_133 = tpu.memref_slice %arg7[%dma_start3A_131, %dma_start3A_132] : memref<40x64xi32, #tpu.memory_space<vmem>> -> memref<1x64xi32, #tpu.memory_space<vmem>>
    %dma_start3A_134 = tpu.memref_squeeze %dma_start3A_133 : memref<1x64xi32, #tpu.memory_space<vmem>> -> memref<64xi32, #tpu.memory_space<vmem>>
    %dma_start3A_135 = arith.constant 0 : i32
    %dma_start3A_136 = arith.constant 0 : i32
    %dma_start3A_137 = tpu.memref_slice %arg4[%dma_start3A_135, %dma_start3A_136] : memref<10000x128xf32, #tpu.memory_space<hbm>> -> memref<10000x128xf32, #tpu.memory_space<hbm>>
    tpu.enqueue_indirect_dma source(%dma_start3A_137 : memref<10000x128xf32, #tpu.memory_space<hbm>>) target(%arg11 : memref<64x128xf32, #tpu.memory_space<vmem>>) offsets(%dma_start3A_134 : memref<64xi32, #tpu.memory_space<vmem>>) semaphore(%arg16 : memref<!tpu.dma_semaphore, #tpu.memory_space<semaphore_mem>>)
    %dma_start3A_138 = arith.constant 3 : i32
    %dma_start3A_139 = arith.constant 0 : i32
    %dma_start3A_140 = tpu.memref_slice %arg7[%dma_start3A_138, %dma_start3A_139] : memref<40x64xi32, #tpu.memory_space<vmem>> -> memref<1x64xi32, #tpu.memory_space<vmem>>
    %dma_start3A_141 = tpu.memref_squeeze %dma_start3A_140 : memref<1x64xi32, #tpu.memory_space<vmem>> -> memref<64xi32, #tpu.memory_space<vmem>>
    %dma_start3A_142 = arith.constant 0 : i32
    %dma_start3A_143 = arith.constant 0 : i32
    %dma_start3A_144 = tpu.memref_slice %arg4[%dma_start3A_142, %dma_start3A_143] : memref<10000x128xf32, #tpu.memory_space<hbm>> -> memref<10000x128xf32, #tpu.memory_space<hbm>>
    tpu.enqueue_indirect_dma source(%dma_start3A_144 : memref<10000x128xf32, #tpu.memory_space<hbm>>) target(%arg12 : memref<64x128xf32, #tpu.memory_space<vmem>>) offsets(%dma_start3A_141 : memref<64xi32, #tpu.memory_space<vmem>>) semaphore(%arg17 : memref<!tpu.dma_semaphore, #tpu.memory_space<semaphore_mem>>)
    %scan3A_145 = arith.constant 0 : i32
    %scan3A_146 = arith.constant 0 : i32
    %scan3A_147 = arith.constant 10 : i32
    %scan3A_148 = arith.addi %scan3A_146, %scan3A_147 : i32
    %scan3A_149 = arith.constant 1 : i32
    scf.for %scan3A_158 = %scan3A_146 to %scan3A_148 step %scan3A_149  : i32 {
      %mul3A_159 = arith.constant 4 : i32
      %mul3A_160 = arith.muli %mul3A_159, %scan3A_158 : i32
      %add3A_161 = arith.constant 0 : i32
      %add3A_162 = arith.addi %mul3A_160, %add3A_161 : i32
      %dma_wait3A = arith.constant 0 : i32
      %dma_wait3A_163 = tpu.memref_slice %arg7[%add3A_162, %dma_wait3A] : memref<40x64xi32, #tpu.memory_space<vmem>> -> memref<1x64xi32, #tpu.memory_space<vmem>>
      %dma_wait3A_164 = tpu.memref_squeeze %dma_wait3A_163 : memref<1x64xi32, #tpu.memory_space<vmem>> -> memref<64xi32, #tpu.memory_space<vmem>>
      %dma_wait3A_165 = arith.constant 0 : i32
      %dma_wait3A_166 = arith.constant 0 : i32
      %dma_wait3A_167 = tpu.memref_slice %arg4[%dma_wait3A_165, %dma_wait3A_166] : memref<10000x128xf32, #tpu.memory_space<hbm>> -> memref<10000x128xf32, #tpu.memory_space<hbm>>
      tpu.wait_indirect_dma semaphore(%arg14 : memref<!tpu.dma_semaphore, #tpu.memory_space<semaphore_mem>>) src(%dma_wait3A_167 : memref<10000x128xf32, #tpu.memory_space<hbm>>) dst(%arg9 : memref<64x128xf32, #tpu.memory_space<vmem>>)
      "tpu.region"() ({
        %run_scoped3A = tpu.sem_alloc : memref<!tpu.dma_semaphore, #tpu.memory_space<semaphore_mem>>
        %dma_start3A_223 = arith.constant 0 : i32
        %dma_start3A_224 = tpu.memref_slice %arg8[%add3A_162, %dma_start3A_223] : memref<40x64xi32, #tpu.memory_space<vmem>> -> memref<1x64xi32, #tpu.memory_space<vmem>>
        %dma_start3A_225 = tpu.memref_squeeze %dma_start3A_224 : memref<1x64xi32, #tpu.memory_space<vmem>> -> memref<64xi32, #tpu.memory_space<vmem>>
        %dma_start3A_226 = arith.constant 0 : i32
        %dma_start3A_227 = arith.constant 0 : i32
        %dma_start3A_228 = tpu.memref_slice %arg13[%dma_start3A_226, %dma_start3A_227] : memref<10240x128xf32, #tpu.memory_space<vmem_shared>> -> memref<10240x128xf32, #tpu.memory_space<vmem_shared>>
        tpu.enqueue_indirect_dma source(%arg9 : memref<64x128xf32, #tpu.memory_space<vmem>>) target(%dma_start3A_228 : memref<10240x128xf32, #tpu.memory_space<vmem_shared>>) offsets(%dma_start3A_225 : memref<64xi32, #tpu.memory_space<vmem>>) semaphore(%run_scoped3A : memref<!tpu.dma_semaphore, #tpu.memory_space<semaphore_mem>>) {add = true}
        %dma_wait3A_229 = arith.constant 0 : i32
        %dma_wait3A_230 = tpu.memref_slice %arg8[%add3A_162, %dma_wait3A_229] : memref<40x64xi32, #tpu.memory_space<vmem>> -> memref<1x64xi32, #tpu.memory_space<vmem>>
        %dma_wait3A_231 = tpu.memref_squeeze %dma_wait3A_230 : memref<1x64xi32, #tpu.memory_space<vmem>> -> memref<64xi32, #tpu.memory_space<vmem>>
        %dma_wait3A_232 = arith.constant 0 : i32
        %dma_wait3A_233 = arith.constant 0 : i32
        %dma_wait3A_234 = tpu.memref_slice %arg13[%dma_wait3A_232, %dma_wait3A_233] : memref<10240x128xf32, #tpu.memory_space<vmem_shared>> -> memref<10240x128xf32, #tpu.memory_space<vmem_shared>>
        tpu.wait_indirect_dma semaphore(%run_scoped3A : memref<!tpu.dma_semaphore, #tpu.memory_space<semaphore_mem>>) src(%arg9 : memref<64x128xf32, #tpu.memory_space<vmem>>) dst(%dma_wait3A_234 : memref<10240x128xf32, #tpu.memory_space<vmem_shared>>)
        tpu.yield
      }) : () -> ()
      %add3A_168 = arith.constant 4 : i32
      %add3A_169 = arith.addi %add3A_162, %add3A_168 : i32
      %lt3A = arith.constant 40 : i32
      %lt3A_170 = arith.cmpi slt, %add3A_169, %lt3A : i32
      %convert_element_type3A = arith.extui %lt3A_170 : i1 to i32
      %cond3A = arith.constant 0 : i32
      %cond3A_171 = arith.cmpi ne, %convert_element_type3A, %cond3A : i32
      scf.if %cond3A_171 {
        %add3A_223 = arith.constant 4 : i32
        %add3A_224 = arith.addi %add3A_162, %add3A_223 : i32
        %dma_start3A_225 = arith.constant 0 : i32
        %dma_start3A_226 = tpu.memref_slice %arg7[%add3A_224, %dma_start3A_225] : memref<40x64xi32, #tpu.memory_space<vmem>> -> memref<1x64xi32, #tpu.memory_space<vmem>>
        %dma_start3A_227 = tpu.memref_squeeze %dma_start3A_226 : memref<1x64xi32, #tpu.memory_space<vmem>> -> memref<64xi32, #tpu.memory_space<vmem>>
        %dma_start3A_228 = arith.constant 0 : i32
        %dma_start3A_229 = arith.constant 0 : i32
        %dma_start3A_230 = tpu.memref_slice %arg4[%dma_start3A_228, %dma_start3A_229] : memref<10000x128xf32, #tpu.memory_space<hbm>> -> memref<10000x128xf32, #tpu.memory_space<hbm>>
        tpu.enqueue_indirect_dma source(%dma_start3A_230 : memref<10000x128xf32, #tpu.memory_space<hbm>>) target(%arg9 : memref<64x128xf32, #tpu.memory_space<vmem>>) offsets(%dma_start3A_227 : memref<64xi32, #tpu.memory_space<vmem>>) semaphore(%arg14 : memref<!tpu.dma_semaphore, #tpu.memory_space<semaphore_mem>>)
      } else {
      }
      %mul3A_172 = arith.constant 4 : i32
      %mul3A_173 = arith.muli %mul3A_172, %scan3A_158 : i32
      %add3A_174 = arith.constant 1 : i32
      %add3A_175 = arith.addi %mul3A_173, %add3A_174 : i32
      %dma_wait3A_176 = arith.constant 0 : i32
      %dma_wait3A_177 = tpu.memref_slice %arg7[%add3A_175, %dma_wait3A_176] : memref<40x64xi32, #tpu.memory_space<vmem>> -> memref<1x64xi32, #tpu.memory_space<vmem>>
      %dma_wait3A_178 = tpu.memref_squeeze %dma_wait3A_177 : memref<1x64xi32, #tpu.memory_space<vmem>> -> memref<64xi32, #tpu.memory_space<vmem>>
      %dma_wait3A_179 = arith.constant 0 : i32
      %dma_wait3A_180 = arith.constant 0 : i32
      %dma_wait3A_181 = tpu.memref_slice %arg4[%dma_wait3A_179, %dma_wait3A_180] : memref<10000x128xf32, #tpu.memory_space<hbm>> -> memref<10000x128xf32, #tpu.memory_space<hbm>>
      tpu.wait_indirect_dma semaphore(%arg15 : memref<!tpu.dma_semaphore, #tpu.memory_space<semaphore_mem>>) src(%dma_wait3A_181 : memref<10000x128xf32, #tpu.memory_space<hbm>>) dst(%arg10 : memref<64x128xf32, #tpu.memory_space<vmem>>)
      "tpu.region"() ({
        %run_scoped3A = tpu.sem_alloc : memref<!tpu.dma_semaphore, #tpu.memory_space<semaphore_mem>>
        %dma_start3A_223 = arith.constant 0 : i32
        %dma_start3A_224 = tpu.memref_slice %arg8[%add3A_175, %dma_start3A_223] : memref<40x64xi32, #tpu.memory_space<vmem>> -> memref<1x64xi32, #tpu.memory_space<vmem>>
        %dma_start3A_225 = tpu.memref_squeeze %dma_start3A_224 : memref<1x64xi32, #tpu.memory_space<vmem>> -> memref<64xi32, #tpu.memory_space<vmem>>
        %dma_start3A_226 = arith.constant 0 : i32
        %dma_start3A_227 = arith.constant 0 : i32
        %dma_start3A_228 = tpu.memref_slice %arg13[%dma_start3A_226, %dma_start3A_227] : memref<10240x128xf32, #tpu.memory_space<vmem_shared>> -> memref<10240x128xf32, #tpu.memory_space<vmem_shared>>
        tpu.enqueue_indirect_dma source(%arg10 : memref<64x128xf32, #tpu.memory_space<vmem>>) target(%dma_start3A_228 : memref<10240x128xf32, #tpu.memory_space<vmem_shared>>) offsets(%dma_start3A_225 : memref<64xi32, #tpu.memory_space<vmem>>) semaphore(%run_scoped3A : memref<!tpu.dma_semaphore, #tpu.memory_space<semaphore_mem>>) {add = true}
        %dma_wait3A_229 = arith.constant 0 : i32
        %dma_wait3A_230 = tpu.memref_slice %arg8[%add3A_175, %dma_wait3A_229] : memref<40x64xi32, #tpu.memory_space<vmem>> -> memref<1x64xi32, #tpu.memory_space<vmem>>
        %dma_wait3A_231 = tpu.memref_squeeze %dma_wait3A_230 : memref<1x64xi32, #tpu.memory_space<vmem>> -> memref<64xi32, #tpu.memory_space<vmem>>
        %dma_wait3A_232 = arith.constant 0 : i32
        %dma_wait3A_233 = arith.constant 0 : i32
        %dma_wait3A_234 = tpu.memref_slice %arg13[%dma_wait3A_232, %dma_wait3A_233] : memref<10240x128xf32, #tpu.memory_space<vmem_shared>> -> memref<10240x128xf32, #tpu.memory_space<vmem_shared>>
        tpu.wait_indirect_dma semaphore(%run_scoped3A : memref<!tpu.dma_semaphore, #tpu.memory_space<semaphore_mem>>) src(%arg10 : memref<64x128xf32, #tpu.memory_space<vmem>>) dst(%dma_wait3A_234 : memref<10240x128xf32, #tpu.memory_space<vmem_shared>>)
        tpu.yield
      }) : () -> ()
      %add3A_182 = arith.constant 4 : i32
      %add3A_183 = arith.addi %add3A_175, %add3A_182 : i32
      %lt3A_184 = arith.constant 40 : i32
      %lt3A_185 = arith.cmpi slt, %add3A_183, %lt3A_184 : i32
      %convert_element_type3A_186 = arith.extui %lt3A_185 : i1 to i32
      %cond3A_187 = arith.constant 0 : i32
      %cond3A_188 = arith.cmpi ne, %convert_element_type3A_186, %cond3A_187 : i32
      scf.if %cond3A_188 {
        %add3A_223 = arith.constant 4 : i32
        %add3A_224 = arith.addi %add3A_175, %add3A_223 : i32
        %dma_start3A_225 = arith.constant 0 : i32
        %dma_start3A_226 = tpu.memref_slice %arg7[%add3A_224, %dma_start3A_225] : memref<40x64xi32, #tpu.memory_space<vmem>> -> memref<1x64xi32, #tpu.memory_space<vmem>>
        %dma_start3A_227 = tpu.memref_squeeze %dma_start3A_226 : memref<1x64xi32, #tpu.memory_space<vmem>> -> memref<64xi32, #tpu.memory_space<vmem>>
        %dma_start3A_228 = arith.constant 0 : i32
        %dma_start3A_229 = arith.constant 0 : i32
        %dma_start3A_230 = tpu.memref_slice %arg4[%dma_start3A_228, %dma_start3A_229] : memref<10000x128xf32, #tpu.memory_space<hbm>> -> memref<10000x128xf32, #tpu.memory_space<hbm>>
        tpu.enqueue_indirect_dma source(%dma_start3A_230 : memref<10000x128xf32, #tpu.memory_space<hbm>>) target(%arg10 : memref<64x128xf32, #tpu.memory_space<vmem>>) offsets(%dma_start3A_227 : memref<64xi32, #tpu.memory_space<vmem>>) semaphore(%arg15 : memref<!tpu.dma_semaphore, #tpu.memory_space<semaphore_mem>>)
      } else {
      }
      %mul3A_189 = arith.constant 4 : i32
      %mul3A_190 = arith.muli %mul3A_189, %scan3A_158 : i32
      %add3A_191 = arith.constant 2 : i32
      %add3A_192 = arith.addi %mul3A_190, %add3A_191 : i32
      %dma_wait3A_193 = arith.constant 0 : i32
      %dma_wait3A_194 = tpu.memref_slice %arg7[%add3A_192, %dma_wait3A_193] : memref<40x64xi32, #tpu.memory_space<vmem>> -> memref<1x64xi32, #tpu.memory_space<vmem>>
      %dma_wait3A_195 = tpu.memref_squeeze %dma_wait3A_194 : memref<1x64xi32, #tpu.memory_space<vmem>> -> memref<64xi32, #tpu.memory_space<vmem>>
      %dma_wait3A_196 = arith.constant 0 : i32
      %dma_wait3A_197 = arith.constant 0 : i32
      %dma_wait3A_198 = tpu.memref_slice %arg4[%dma_wait3A_196, %dma_wait3A_197] : memref<10000x128xf32, #tpu.memory_space<hbm>> -> memref<10000x128xf32, #tpu.memory_space<hbm>>
      tpu.wait_indirect_dma semaphore(%arg16 : memref<!tpu.dma_semaphore, #tpu.memory_space<semaphore_mem>>) src(%dma_wait3A_198 : memref<10000x128xf32, #tpu.memory_space<hbm>>) dst(%arg11 : memref<64x128xf32, #tpu.memory_space<vmem>>)
      "tpu.region"() ({
        %run_scoped3A = tpu.sem_alloc : memref<!tpu.dma_semaphore, #tpu.memory_space<semaphore_mem>>
        %dma_start3A_223 = arith.constant 0 : i32
        %dma_start3A_224 = tpu.memref_slice %arg8[%add3A_192, %dma_start3A_223] : memref<40x64xi32, #tpu.memory_space<vmem>> -> memref<1x64xi32, #tpu.memory_space<vmem>>
        %dma_start3A_225 = tpu.memref_squeeze %dma_start3A_224 : memref<1x64xi32, #tpu.memory_space<vmem>> -> memref<64xi32, #tpu.memory_space<vmem>>
        %dma_start3A_226 = arith.constant 0 : i32
        %dma_start3A_227 = arith.constant 0 : i32
        %dma_start3A_228 = tpu.memref_slice %arg13[%dma_start3A_226, %dma_start3A_227] : memref<10240x128xf32, #tpu.memory_space<vmem_shared>> -> memref<10240x128xf32, #tpu.memory_space<vmem_shared>>
        tpu.enqueue_indirect_dma source(%arg11 : memref<64x128xf32, #tpu.memory_space<vmem>>) target(%dma_start3A_228 : memref<10240x128xf32, #tpu.memory_space<vmem_shared>>) offsets(%dma_start3A_225 : memref<64xi32, #tpu.memory_space<vmem>>) semaphore(%run_scoped3A : memref<!tpu.dma_semaphore, #tpu.memory_space<semaphore_mem>>) {add = true}
        %dma_wait3A_229 = arith.constant 0 : i32
        %dma_wait3A_230 = tpu.memref_slice %arg8[%add3A_192, %dma_wait3A_229] : memref<40x64xi32, #tpu.memory_space<vmem>> -> memref<1x64xi32, #tpu.memory_space<vmem>>
        %dma_wait3A_231 = tpu.memref_squeeze %dma_wait3A_230 : memref<1x64xi32, #tpu.memory_space<vmem>> -> memref<64xi32, #tpu.memory_space<vmem>>
        %dma_wait3A_232 = arith.constant 0 : i32
        %dma_wait3A_233 = arith.constant 0 : i32
        %dma_wait3A_234 = tpu.memref_slice %arg13[%dma_wait3A_232, %dma_wait3A_233] : memref<10240x128xf32, #tpu.memory_space<vmem_shared>> -> memref<10240x128xf32, #tpu.memory_space<vmem_shared>>
        tpu.wait_indirect_dma semaphore(%run_scoped3A : memref<!tpu.dma_semaphore, #tpu.memory_space<semaphore_mem>>) src(%arg11 : memref<64x128xf32, #tpu.memory_space<vmem>>) dst(%dma_wait3A_234 : memref<10240x128xf32, #tpu.memory_space<vmem_shared>>)
        tpu.yield
      }) : () -> ()
      %add3A_199 = arith.constant 4 : i32
      %add3A_200 = arith.addi %add3A_192, %add3A_199 : i32
      %lt3A_201 = arith.constant 40 : i32
      %lt3A_202 = arith.cmpi slt, %add3A_200, %lt3A_201 : i32
      %convert_element_type3A_203 = arith.extui %lt3A_202 : i1 to i32
      %cond3A_204 = arith.constant 0 : i32
      %cond3A_205 = arith.cmpi ne, %convert_element_type3A_203, %cond3A_204 : i32
      scf.if %cond3A_205 {
        %add3A_223 = arith.constant 4 : i32
        %add3A_224 = arith.addi %add3A_192, %add3A_223 : i32
        %dma_start3A_225 = arith.constant 0 : i32
        %dma_start3A_226 = tpu.memref_slice %arg7[%add3A_224, %dma_start3A_225] : memref<40x64xi32, #tpu.memory_space<vmem>> -> memref<1x64xi32, #tpu.memory_space<vmem>>
        %dma_start3A_227 = tpu.memref_squeeze %dma_start3A_226 : memref<1x64xi32, #tpu.memory_space<vmem>> -> memref<64xi32, #tpu.memory_space<vmem>>
        %dma_start3A_228 = arith.constant 0 : i32
        %dma_start3A_229 = arith.constant 0 : i32
        %dma_start3A_230 = tpu.memref_slice %arg4[%dma_start3A_228, %dma_start3A_229] : memref<10000x128xf32, #tpu.memory_space<hbm>> -> memref<10000x128xf32, #tpu.memory_space<hbm>>
        tpu.enqueue_indirect_dma source(%dma_start3A_230 : memref<10000x128xf32, #tpu.memory_space<hbm>>) target(%arg11 : memref<64x128xf32, #tpu.memory_space<vmem>>) offsets(%dma_start3A_227 : memref<64xi32, #tpu.memory_space<vmem>>) semaphore(%arg16 : memref<!tpu.dma_semaphore, #tpu.memory_space<semaphore_mem>>)
      } else {
      }
      %mul3A_206 = arith.constant 4 : i32
      %mul3A_207 = arith.muli %mul3A_206, %scan3A_158 : i32
      %add3A_208 = arith.constant 3 : i32
      %add3A_209 = arith.addi %mul3A_207, %add3A_208 : i32
      %dma_wait3A_210 = arith.constant 0 : i32
      %dma_wait3A_211 = tpu.memref_slice %arg7[%add3A_209, %dma_wait3A_210] : memref<40x64xi32, #tpu.memory_space<vmem>> -> memref<1x64xi32, #tpu.memory_space<vmem>>
      %dma_wait3A_212 = tpu.memref_squeeze %dma_wait3A_211 : memref<1x64xi32, #tpu.memory_space<vmem>> -> memref<64xi32, #tpu.memory_space<vmem>>
      %dma_wait3A_213 = arith.constant 0 : i32
      %dma_wait3A_214 = arith.constant 0 : i32
      %dma_wait3A_215 = tpu.memref_slice %arg4[%dma_wait3A_213, %dma_wait3A_214] : memref<10000x128xf32, #tpu.memory_space<hbm>> -> memref<10000x128xf32, #tpu.memory_space<hbm>>
      tpu.wait_indirect_dma semaphore(%arg17 : memref<!tpu.dma_semaphore, #tpu.memory_space<semaphore_mem>>) src(%dma_wait3A_215 : memref<10000x128xf32, #tpu.memory_space<hbm>>) dst(%arg12 : memref<64x128xf32, #tpu.memory_space<vmem>>)
      "tpu.region"() ({
        %run_scoped3A = tpu.sem_alloc : memref<!tpu.dma_semaphore, #tpu.memory_space<semaphore_mem>>
        %dma_start3A_223 = arith.constant 0 : i32
        %dma_start3A_224 = tpu.memref_slice %arg8[%add3A_209, %dma_start3A_223] : memref<40x64xi32, #tpu.memory_space<vmem>> -> memref<1x64xi32, #tpu.memory_space<vmem>>
        %dma_start3A_225 = tpu.memref_squeeze %dma_start3A_224 : memref<1x64xi32, #tpu.memory_space<vmem>> -> memref<64xi32, #tpu.memory_space<vmem>>
        %dma_start3A_226 = arith.constant 0 : i32
        %dma_start3A_227 = arith.constant 0 : i32
        %dma_start3A_228 = tpu.memref_slice %arg13[%dma_start3A_226, %dma_start3A_227] : memref<10240x128xf32, #tpu.memory_space<vmem_shared>> -> memref<10240x128xf32, #tpu.memory_space<vmem_shared>>
        tpu.enqueue_indirect_dma source(%arg12 : memref<64x128xf32, #tpu.memory_space<vmem>>) target(%dma_start3A_228 : memref<10240x128xf32, #tpu.memory_space<vmem_shared>>) offsets(%dma_start3A_225 : memref<64xi32, #tpu.memory_space<vmem>>) semaphore(%run_scoped3A : memref<!tpu.dma_semaphore, #tpu.memory_space<semaphore_mem>>) {add = true}
        %dma_wait3A_229 = arith.constant 0 : i32
        %dma_wait3A_230 = tpu.memref_slice %arg8[%add3A_209, %dma_wait3A_229] : memref<40x64xi32, #tpu.memory_space<vmem>> -> memref<1x64xi32, #tpu.memory_space<vmem>>
        %dma_wait3A_231 = tpu.memref_squeeze %dma_wait3A_230 : memref<1x64xi32, #tpu.memory_space<vmem>> -> memref<64xi32, #tpu.memory_space<vmem>>
        %dma_wait3A_232 = arith.constant 0 : i32
        %dma_wait3A_233 = arith.constant 0 : i32
        %dma_wait3A_234 = tpu.memref_slice %arg13[%dma_wait3A_232, %dma_wait3A_233] : memref<10240x128xf32, #tpu.memory_space<vmem_shared>> -> memref<10240x128xf32, #tpu.memory_space<vmem_shared>>
        tpu.wait_indirect_dma semaphore(%run_scoped3A : memref<!tpu.dma_semaphore, #tpu.memory_space<semaphore_mem>>) src(%arg12 : memref<64x128xf32, #tpu.memory_space<vmem>>) dst(%dma_wait3A_234 : memref<10240x128xf32, #tpu.memory_space<vmem_shared>>)
        tpu.yield
      }) : () -> ()
      %add3A_216 = arith.constant 4 : i32
      %add3A_217 = arith.addi %add3A_209, %add3A_216 : i32
      %lt3A_218 = arith.constant 40 : i32
      %lt3A_219 = arith.cmpi slt, %add3A_217, %lt3A_218 : i32
      %convert_element_type3A_220 = arith.extui %lt3A_219 : i1 to i32
      %cond3A_221 = arith.constant 0 : i32
      %cond3A_222 = arith.cmpi ne, %convert_element_type3A_220, %cond3A_221 : i32
      scf.if %cond3A_222 {
        %add3A_223 = arith.constant 4 : i32
        %add3A_224 = arith.addi %add3A_209, %add3A_223 : i32
        %dma_start3A_225 = arith.constant 0 : i32
        %dma_start3A_226 = tpu.memref_slice %arg7[%add3A_224, %dma_start3A_225] : memref<40x64xi32, #tpu.memory_space<vmem>> -> memref<1x64xi32, #tpu.memory_space<vmem>>
        %dma_start3A_227 = tpu.memref_squeeze %dma_start3A_226 : memref<1x64xi32, #tpu.memory_space<vmem>> -> memref<64xi32, #tpu.memory_space<vmem>>
        %dma_start3A_228 = arith.constant 0 : i32
        %dma_start3A_229 = arith.constant 0 : i32
        %dma_start3A_230 = tpu.memref_slice %arg4[%dma_start3A_228, %dma_start3A_229] : memref<10000x128xf32, #tpu.memory_space<hbm>> -> memref<10000x128xf32, #tpu.memory_space<hbm>>
        tpu.enqueue_indirect_dma source(%dma_start3A_230 : memref<10000x128xf32, #tpu.memory_space<hbm>>) target(%arg12 : memref<64x128xf32, #tpu.memory_space<vmem>>) offsets(%dma_start3A_227 : memref<64xi32, #tpu.memory_space<vmem>>) semaphore(%arg17 : memref<!tpu.dma_semaphore, #tpu.memory_space<semaphore_mem>>)
      } else {
      }
    }
    %scan3A_150 = arith.constant 10 : i32
    %barrier3A_151 = arith.constant 0 : index
    tpu.barrier barrier_id(%barrier3A_151)
    %scan3A_152 = arith.constant 0 : i32
    %scan3A_153 = arith.constant 0 : i32
    %scan3A_154 = arith.constant 10 : i32
    %scan3A_155 = arith.addi %scan3A_153, %scan3A_154 : i32
    %scan3A_156 = arith.constant 1 : i32
    scf.for %scan3A_158 = %scan3A_153 to %scan3A_155 step %scan3A_156  : i32 {
      %mul3A_159 = arith.constant 640 : i32
      %mul3A_160 = arith.muli %arg1, %mul3A_159 : i32
      %mul3A_161 = arith.constant 64 : i32
      %mul3A_162 = arith.muli %scan3A_158, %mul3A_161 : i32
      %add3A_163 = arith.addi %mul3A_160, %mul3A_162 : i32
      "tpu.region"() ({
        %run_scoped3A = tpu.sem_alloc : memref<!tpu.dma_semaphore, #tpu.memory_space<semaphore_mem>>
        %dma_start3A_164 = arith.constant 0 : i32
        %dma_start3A_165 = tpu.memref_slice %arg13[%add3A_163, %dma_start3A_164] : memref<10240x128xf32, #tpu.memory_space<vmem_shared>> -> memref<64x128xf32, #tpu.memory_space<vmem_shared>>
        %dma_start3A_166 = arith.constant 0 : i32
        %dma_start3A_167 = tpu.memref_slice %arg13[%add3A_163, %dma_start3A_166] : memref<10240x128xf32, #tpu.memory_space<vmem_shared>> -> memref<64x128xf32, #tpu.memory_space<vmem_shared>>
        tpu.enqueue_dma source(%dma_start3A_167 : memref<64x128xf32, #tpu.memory_space<vmem_shared>>) target(%arg10 : memref<64x128xf32, #tpu.memory_space<vmem>>) target_semaphore(%run_scoped3A : memref<!tpu.dma_semaphore, #tpu.memory_space<semaphore_mem>>)
        %dma_wait3A = arith.constant 0 : i32
        %dma_wait3A_168 = tpu.memref_slice %arg13[%add3A_163, %dma_wait3A] : memref<10240x128xf32, #tpu.memory_space<vmem_shared>> -> memref<64x128xf32, #tpu.memory_space<vmem_shared>>
        %dma_wait3A_169 = arith.constant 0 : i32
        %dma_wait3A_170 = tpu.memref_slice %arg13[%add3A_163, %dma_wait3A_169] : memref<10240x128xf32, #tpu.memory_space<vmem_shared>> -> memref<64x128xf32, #tpu.memory_space<vmem_shared>>
        tpu.wait_dma2 semaphore(%run_scoped3A : memref<!tpu.dma_semaphore, #tpu.memory_space<semaphore_mem>>) src(%dma_wait3A_170 : memref<64x128xf32, #tpu.memory_space<vmem_shared>>) dst(%arg10 : memref<64x128xf32, #tpu.memory_space<vmem>>)
        tpu.yield
      }) : () -> ()
      "tpu.region"() ({
        %run_scoped3A = tpu.sem_alloc : memref<!tpu.dma_semaphore, #tpu.memory_space<semaphore_mem>>
        %dma_start3A_164 = arith.constant 0 : i32
        %dma_start3A_165 = tpu.memref_slice %arg6[%arg0, %add3A_163, %dma_start3A_164] : memref<2x10240x128xf32, #tpu.memory_space<hbm>> -> memref<1x64x128xf32, #tpu.memory_space<hbm>>
        %dma_start3A_166 = tpu.memref_squeeze %dma_start3A_165 : memref<1x64x128xf32, #tpu.memory_space<hbm>> -> memref<64x128xf32, #tpu.memory_space<hbm>>
        %dma_start3A_167 = arith.constant 0 : i32
        %dma_start3A_168 = tpu.memref_slice %arg6[%arg0, %add3A_163, %dma_start3A_167] : memref<2x10240x128xf32, #tpu.memory_space<hbm>> -> memref<1x64x128xf32, #tpu.memory_space<hbm>>
        %dma_start3A_169 = tpu.memref_squeeze %dma_start3A_168 : memref<1x64x128xf32, #tpu.memory_space<hbm>> -> memref<64x128xf32, #tpu.memory_space<hbm>>
        tpu.enqueue_dma source(%arg10 : memref<64x128xf32, #tpu.memory_space<vmem>>) target(%dma_start3A_169 : memref<64x128xf32, #tpu.memory_space<hbm>>) target_semaphore(%run_scoped3A : memref<!tpu.dma_semaphore, #tpu.memory_space<semaphore_mem>>)
        %dma_wait3A = arith.constant 0 : i32
        %dma_wait3A_170 = tpu.memref_slice %arg6[%arg0, %add3A_163, %dma_wait3A] : memref<2x10240x128xf32, #tpu.memory_space<hbm>> -> memref<1x64x128xf32, #tpu.memory_space<hbm>>
        %dma_wait3A_171 = tpu.memref_squeeze %dma_wait3A_170 : memref<1x64x128xf32, #tpu.memory_space<hbm>> -> memref<64x128xf32, #tpu.memory_space<hbm>>
        %dma_wait3A_172 = arith.constant 0 : i32
        %dma_wait3A_173 = tpu.memref_slice %arg6[%arg0, %add3A_163, %dma_wait3A_172] : memref<2x10240x128xf32, #tpu.memory_space<hbm>> -> memref<1x64x128xf32, #tpu.memory_space<hbm>>
        %dma_wait3A_174 = tpu.memref_squeeze %dma_wait3A_173 : memref<1x64x128xf32, #tpu.memory_space<hbm>> -> memref<64x128xf32, #tpu.memory_space<hbm>>
        tpu.wait_dma2 semaphore(%run_scoped3A : memref<!tpu.dma_semaphore, #tpu.memory_space<semaphore_mem>>) src(%arg10 : memref<64x128xf32, #tpu.memory_space<vmem>>) dst(%dma_wait3A_174 : memref<64x128xf32, #tpu.memory_space<hbm>>)
        tpu.yield
      }) : () -> ()
    }
    %scan3A_157 = arith.constant 10 : i32
    return
  }
}

#map = affine_map<(d0, d1) -> (0, 0)>
#map1 = affine_map<(d0, d1) -> (0, 0, 0)>
module attributes {stable_mosaic.version = 14 : i64} {
  func.func @k(%arg0: i32, %arg1: i32, %arg2: memref<5120x64xi32, #tpu.memory_space<hbm>>, %arg3: memref<5120x64xi32, #tpu.memory_space<hbm>>, %arg4: memref<10000x128xf32, #tpu.memory_space<hbm>>, %arg5: memref<64x128xf32, #tpu.memory_space<hbm>>, %arg6: memref<2x10240x128xf32, #tpu.memory_space<hbm>>, %arg7: memref<40x64xi32, #tpu.memory_space<vmem>>, %arg8: memref<40x64xi32, #tpu.memory_space<vmem>>, %arg9: memref<64x128xf32, #tpu.memory_space<vmem>>, %arg10: memref<64x128xf32, #tpu.memory_space<vmem>>, %arg11: memref<64x128xf32, #tpu.memory_space<vmem>>, %arg12: memref<64x128xf32, #tpu.memory_space<vmem>>, %arg13: memref<10240x128xf32, #tpu.memory_space<vmem_shared>>, %arg14: memref<!tpu.dma_semaphore, #tpu.memory_space<semaphore_mem>>, %arg15: memref<!tpu.dma_semaphore, #tpu.memory_space<semaphore_mem>>, %arg16: memref<!tpu.dma_semaphore, #tpu.memory_space<semaphore_mem>>, %arg17: memref<!tpu.dma_semaphore, #tpu.memory_space<semaphore_mem>>) attributes {dimension_semantics = [#tpu.dimension_semantics<core_parallel>, #tpu.dimension_semantics<subcore_parallel>], iteration_bounds = array<i64: 2, 16>, scalar_prefetch = 0 : i64, scratch_operands = 11 : i64, tpu.core_type = #tpu.core_type<sc_vector_subcore>, window_params = [{transform_indices = #map}, {transform_indices = #map}, {transform_indices = #map}, {transform_indices = #map}, {transform_indices = #map1}]} {
    "tpu.region"() ({
      %run_scoped3A = tpu.sem_alloc : memref<!tpu.dma_semaphore, #tpu.memory_space<semaphore_mem>>
      tpu.enqueue_dma source(%arg5 : memref<64x128xf32, #tpu.memory_space<hbm>>) target(%arg9 : memref<64x128xf32, #tpu.memory_space<vmem>>) target_semaphore(%run_scoped3A : memref<!tpu.dma_semaphore, #tpu.memory_space<semaphore_mem>>)
      tpu.wait_dma2 semaphore(%run_scoped3A : memref<!tpu.dma_semaphore, #tpu.memory_space<semaphore_mem>>) src(%arg5 : memref<64x128xf32, #tpu.memory_space<hbm>>) dst(%arg9 : memref<64x128xf32, #tpu.memory_space<vmem>>)
      tpu.yield
    }) : () -> ()
    %scan3A = arith.constant 0 : i32
    %scan3A_0 = arith.constant 0 : i32
    %scan3A_1 = arith.constant 10 : i32
    %scan3A_2 = arith.addi %scan3A_0, %scan3A_1 : i32
    %scan3A_3 = arith.constant 1 : i32
    scf.for %scan3A_158 = %scan3A_0 to %scan3A_2 step %scan3A_3  : i32 {
      %mul3A_159 = arith.constant 640 : i32
      %mul3A_160 = arith.muli %arg1, %mul3A_159 : i32
      %mul3A_161 = arith.constant 64 : i32
      %mul3A_162 = arith.muli %scan3A_158, %mul3A_161 : i32
      %add3A_163 = arith.addi %mul3A_160, %mul3A_162 : i32
      "tpu.region"() ({
        %run_scoped3A = tpu.sem_alloc : memref<!tpu.dma_semaphore, #tpu.memory_space<semaphore_mem>>
        %dma_start3A_164 = arith.constant 0 : i32
        %dma_start3A_165 = tpu.memref_slice %arg13[%add3A_163, %dma_start3A_164] : memref<10240x128xf32, #tpu.memory_space<vmem_shared>> -> memref<64x128xf32, #tpu.memory_space<vmem_shared>>
        %dma_start3A_166 = arith.constant 0 : i32
        %dma_start3A_167 = tpu.memref_slice %arg13[%add3A_163, %dma_start3A_166] : memref<10240x128xf32, #tpu.memory_space<vmem_shared>> -> memref<64x128xf32, #tpu.memory_space<vmem_shared>>
        tpu.enqueue_dma source(%arg9 : memref<64x128xf32, #tpu.memory_space<vmem>>) target(%dma_start3A_167 : memref<64x128xf32, #tpu.memory_space<vmem_shared>>) target_semaphore(%run_scoped3A : memref<!tpu.dma_semaphore, #tpu.memory_space<semaphore_mem>>)
        %dma_wait3A = arith.constant 0 : i32
        %dma_wait3A_168 = tpu.memref_slice %arg13[%add3A_163, %dma_wait3A] : memref<10240x128xf32, #tpu.memory_space<vmem_shared>> -> memref<64x128xf32, #tpu.memory_space<vmem_shared>>
        %dma_wait3A_169 = arith.constant 0 : i32
        %dma_wait3A_170 = tpu.memref_slice %arg13[%add3A_163, %dma_wait3A_169] : memref<10240x128xf32, #tpu.memory_space<vmem_shared>> -> memref<64x128xf32, #tpu.memory_space<vmem_shared>>
        tpu.wait_dma2 semaphore(%run_scoped3A : memref<!tpu.dma_semaphore, #tpu.memory_space<semaphore_mem>>) src(%arg9 : memref<64x128xf32, #tpu.memory_space<vmem>>) dst(%dma_wait3A_170 : memref<64x128xf32, #tpu.memory_space<vmem_shared>>)
        tpu.yield
      }) : () -> ()
    }
    %scan3A_4 = arith.constant 10 : i32
    %barrier3A = arith.constant 0 : index
    tpu.barrier barrier_id(%barrier3A)
    %mul3A = arith.constant 2 : i32
    %mul3A_5 = arith.muli %arg1, %mul3A : i32
    %add3A = arith.addi %mul3A_5, %arg0 : i32
    %mul3A_6 = arith.constant 160 : i32
    %mul3A_7 = arith.muli %add3A, %mul3A_6 : i32
    %add3A_8 = arith.constant 0 : i32
    %add3A_9 = arith.addi %mul3A_7, %add3A_8 : i32
    "tpu.region"() ({
      %run_scoped3A = tpu.sem_alloc : memref<!tpu.dma_semaphore, #tpu.memory_space<semaphore_mem>>
      %dma_start3A_158 = arith.constant 0 : i32
      %dma_start3A_159 = tpu.memref_slice %arg2[%add3A_9, %dma_start3A_158] : memref<5120x64xi32, #tpu.memory_space<hbm>> -> memref<40x64xi32, #tpu.memory_space<hbm>>
      %dma_start3A_160 = arith.constant 0 : i32
      %dma_start3A_161 = tpu.memref_slice %arg2[%add3A_9, %dma_start3A_160] : memref<5120x64xi32, #tpu.memory_space<hbm>> -> memref<40x64xi32, #tpu.memory_space<hbm>>
      tpu.enqueue_dma source(%dma_start3A_161 : memref<40x64xi32, #tpu.memory_space<hbm>>) target(%arg7 : memref<40x64xi32, #tpu.memory_space<vmem>>) target_semaphore(%run_scoped3A : memref<!tpu.dma_semaphore, #tpu.memory_space<semaphore_mem>>)
      %dma_wait3A = arith.constant 0 : i32
      %dma_wait3A_162 = tpu.memref_slice %arg2[%add3A_9, %dma_wait3A] : memref<5120x64xi32, #tpu.memory_space<hbm>> -> memref<40x64xi32, #tpu.memory_space<hbm>>
      %dma_wait3A_163 = arith.constant 0 : i32
      %dma_wait3A_164 = tpu.memref_slice %arg2[%add3A_9, %dma_wait3A_163] : memref<5120x64xi32, #tpu.memory_space<hbm>> -> memref<40x64xi32, #tpu.memory_space<hbm>>
      tpu.wait_dma2 semaphore(%run_scoped3A : memref<!tpu.dma_semaphore, #tpu.memory_space<semaphore_mem>>) src(%dma_wait3A_164 : memref<40x64xi32, #tpu.memory_space<hbm>>) dst(%arg7 : memref<40x64xi32, #tpu.memory_space<vmem>>)
      tpu.yield
    }) : () -> ()
    "tpu.region"() ({
      %run_scoped3A = tpu.sem_alloc : memref<!tpu.dma_semaphore, #tpu.memory_space<semaphore_mem>>
      %dma_start3A_158 = arith.constant 0 : i32
      %dma_start3A_159 = tpu.memref_slice %arg3[%add3A_9, %dma_start3A_158] : memref<5120x64xi32, #tpu.memory_space<hbm>> -> memref<40x64xi32, #tpu.memory_space<hbm>>
      %dma_start3A_160 = arith.constant 0 : i32
      %dma_start3A_161 = tpu.memref_slice %arg3[%add3A_9, %dma_start3A_160] : memref<5120x64xi32, #tpu.memory_space<hbm>> -> memref<40x64xi32, #tpu.memory_space<hbm>>
      tpu.enqueue_dma source(%dma_start3A_161 : memref<40x64xi32, #tpu.memory_space<hbm>>) target(%arg8 : memref<40x64xi32, #tpu.memory_space<vmem>>) target_semaphore(%run_scoped3A : memref<!tpu.dma_semaphore, #tpu.memory_space<semaphore_mem>>)
      %dma_wait3A = arith.constant 0 : i32
      %dma_wait3A_162 = tpu.memref_slice %arg3[%add3A_9, %dma_wait3A] : memref<5120x64xi32, #tpu.memory_space<hbm>> -> memref<40x64xi32, #tpu.memory_space<hbm>>
      %dma_wait3A_163 = arith.constant 0 : i32
      %dma_wait3A_164 = tpu.memref_slice %arg3[%add3A_9, %dma_wait3A_163] : memref<5120x64xi32, #tpu.memory_space<hbm>> -> memref<40x64xi32, #tpu.memory_space<hbm>>
      tpu.wait_dma2 semaphore(%run_scoped3A : memref<!tpu.dma_semaphore, #tpu.memory_space<semaphore_mem>>) src(%dma_wait3A_164 : memref<40x64xi32, #tpu.memory_space<hbm>>) dst(%arg8 : memref<40x64xi32, #tpu.memory_space<vmem>>)
      tpu.yield
    }) : () -> ()
    %dma_start3A = arith.constant 0 : i32
    %dma_start3A_10 = arith.constant 0 : i32
    %dma_start3A_11 = tpu.memref_slice %arg7[%dma_start3A, %dma_start3A_10] : memref<40x64xi32, #tpu.memory_space<vmem>> -> memref<1x64xi32, #tpu.memory_space<vmem>>
    %dma_start3A_12 = tpu.memref_squeeze %dma_start3A_11 : memref<1x64xi32, #tpu.memory_space<vmem>> -> memref<64xi32, #tpu.memory_space<vmem>>
    %dma_start3A_13 = arith.constant 0 : i32
    %dma_start3A_14 = arith.constant 0 : i32
    %dma_start3A_15 = tpu.memref_slice %arg4[%dma_start3A_13, %dma_start3A_14] : memref<10000x128xf32, #tpu.memory_space<hbm>> -> memref<10000x128xf32, #tpu.memory_space<hbm>>
    tpu.enqueue_indirect_dma source(%dma_start3A_15 : memref<10000x128xf32, #tpu.memory_space<hbm>>) target(%arg9 : memref<64x128xf32, #tpu.memory_space<vmem>>) offsets(%dma_start3A_12 : memref<64xi32, #tpu.memory_space<vmem>>) semaphore(%arg14 : memref<!tpu.dma_semaphore, #tpu.memory_space<semaphore_mem>>)
    %dma_start3A_16 = arith.constant 1 : i32
    %dma_start3A_17 = arith.constant 0 : i32
    %dma_start3A_18 = tpu.memref_slice %arg7[%dma_start3A_16, %dma_start3A_17] : memref<40x64xi32, #tpu.memory_space<vmem>> -> memref<1x64xi32, #tpu.memory_space<vmem>>
    %dma_start3A_19 = tpu.memref_squeeze %dma_start3A_18 : memref<1x64xi32, #tpu.memory_space<vmem>> -> memref<64xi32, #tpu.memory_space<vmem>>
    %dma_start3A_20 = arith.constant 0 : i32
    %dma_start3A_21 = arith.constant 0 : i32
    %dma_start3A_22 = tpu.memref_slice %arg4[%dma_start3A_20, %dma_start3A_21] : memref<10000x128xf32, #tpu.memory_space<hbm>> -> memref<10000x128xf32, #tpu.memory_space<hbm>>
    tpu.enqueue_indirect_dma source(%dma_start3A_22 : memref<10000x128xf32, #tpu.memory_space<hbm>>) target(%arg10 : memref<64x128xf32, #tpu.memory_space<vmem>>) offsets(%dma_start3A_19 : memref<64xi32, #tpu.memory_space<vmem>>) semaphore(%arg15 : memref<!tpu.dma_semaphore, #tpu.memory_space<semaphore_mem>>)
    %dma_start3A_23 = arith.constant 2 : i32
    %dma_start3A_24 = arith.constant 0 : i32
    %dma_start3A_25 = tpu.memref_slice %arg7[%dma_start3A_23, %dma_start3A_24] : memref<40x64xi32, #tpu.memory_space<vmem>> -> memref<1x64xi32, #tpu.memory_space<vmem>>
    %dma_start3A_26 = tpu.memref_squeeze %dma_start3A_25 : memref<1x64xi32, #tpu.memory_space<vmem>> -> memref<64xi32, #tpu.memory_space<vmem>>
    %dma_start3A_27 = arith.constant 0 : i32
    %dma_start3A_28 = arith.constant 0 : i32
    %dma_start3A_29 = tpu.memref_slice %arg4[%dma_start3A_27, %dma_start3A_28] : memref<10000x128xf32, #tpu.memory_space<hbm>> -> memref<10000x128xf32, #tpu.memory_space<hbm>>
    tpu.enqueue_indirect_dma source(%dma_start3A_29 : memref<10000x128xf32, #tpu.memory_space<hbm>>) target(%arg11 : memref<64x128xf32, #tpu.memory_space<vmem>>) offsets(%dma_start3A_26 : memref<64xi32, #tpu.memory_space<vmem>>) semaphore(%arg16 : memref<!tpu.dma_semaphore, #tpu.memory_space<semaphore_mem>>)
    %dma_start3A_30 = arith.constant 3 : i32
    %dma_start3A_31 = arith.constant 0 : i32
    %dma_start3A_32 = tpu.memref_slice %arg7[%dma_start3A_30, %dma_start3A_31] : memref<40x64xi32, #tpu.memory_space<vmem>> -> memref<1x64xi32, #tpu.memory_space<vmem>>
    %dma_start3A_33 = tpu.memref_squeeze %dma_start3A_32 : memref<1x64xi32, #tpu.memory_space<vmem>> -> memref<64xi32, #tpu.memory_space<vmem>>
    %dma_start3A_34 = arith.constant 0 : i32
    %dma_start3A_35 = arith.constant 0 : i32
    %dma_start3A_36 = tpu.memref_slice %arg4[%dma_start3A_34, %dma_start3A_35] : memref<10000x128xf32, #tpu.memory_space<hbm>> -> memref<10000x128xf32, #tpu.memory_space<hbm>>
    tpu.enqueue_indirect_dma source(%dma_start3A_36 : memref<10000x128xf32, #tpu.memory_space<hbm>>) target(%arg12 : memref<64x128xf32, #tpu.memory_space<vmem>>) offsets(%dma_start3A_33 : memref<64xi32, #tpu.memory_space<vmem>>) semaphore(%arg17 : memref<!tpu.dma_semaphore, #tpu.memory_space<semaphore_mem>>)
    %scan3A_37 = arith.constant 0 : i32
    %scan3A_38 = arith.constant 0 : i32
    %scan3A_39 = arith.constant 10 : i32
    %scan3A_40 = arith.addi %scan3A_38, %scan3A_39 : i32
    %scan3A_41 = arith.constant 1 : i32
    scf.for %scan3A_158 = %scan3A_38 to %scan3A_40 step %scan3A_41  : i32 {
      %mul3A_159 = arith.constant 4 : i32
      %mul3A_160 = arith.muli %mul3A_159, %scan3A_158 : i32
      %add3A_161 = arith.constant 0 : i32
      %add3A_162 = arith.addi %mul3A_160, %add3A_161 : i32
      %dma_wait3A = arith.constant 0 : i32
      %dma_wait3A_163 = tpu.memref_slice %arg7[%add3A_162, %dma_wait3A] : memref<40x64xi32, #tpu.memory_space<vmem>> -> memref<1x64xi32, #tpu.memory_space<vmem>>
      %dma_wait3A_164 = tpu.memref_squeeze %dma_wait3A_163 : memref<1x64xi32, #tpu.memory_space<vmem>> -> memref<64xi32, #tpu.memory_space<vmem>>
      %dma_wait3A_165 = arith.constant 0 : i32
      %dma_wait3A_166 = arith.constant 0 : i32
      %dma_wait3A_167 = tpu.memref_slice %arg4[%dma_wait3A_165, %dma_wait3A_166] : memref<10000x128xf32, #tpu.memory_space<hbm>> -> memref<10000x128xf32, #tpu.memory_space<hbm>>
      tpu.wait_indirect_dma semaphore(%arg14 : memref<!tpu.dma_semaphore, #tpu.memory_space<semaphore_mem>>) src(%dma_wait3A_167 : memref<10000x128xf32, #tpu.memory_space<hbm>>) dst(%arg9 : memref<64x128xf32, #tpu.memory_space<vmem>>)
      "tpu.region"() ({
        %run_scoped3A = tpu.sem_alloc : memref<!tpu.dma_semaphore, #tpu.memory_space<semaphore_mem>>
        %dma_start3A_223 = arith.constant 0 : i32
        %dma_start3A_224 = tpu.memref_slice %arg8[%add3A_162, %dma_start3A_223] : memref<40x64xi32, #tpu.memory_space<vmem>> -> memref<1x64xi32, #tpu.memory_space<vmem>>
        %dma_start3A_225 = tpu.memref_squeeze %dma_start3A_224 : memref<1x64xi32, #tpu.memory_space<vmem>> -> memref<64xi32, #tpu.memory_space<vmem>>
        %dma_start3A_226 = arith.constant 0 : i32
        %dma_start3A_227 = arith.constant 0 : i32
        %dma_start3A_228 = tpu.memref_slice %arg13[%dma_start3A_226, %dma_start3A_227] : memref<10240x128xf32, #tpu.memory_space<vmem_shared>> -> memref<10240x128xf32, #tpu.memory_space<vmem_shared>>
        tpu.enqueue_indirect_dma source(%arg9 : memref<64x128xf32, #tpu.memory_space<vmem>>) target(%dma_start3A_228 : memref<10240x128xf32, #tpu.memory_space<vmem_shared>>) offsets(%dma_start3A_225 : memref<64xi32, #tpu.memory_space<vmem>>) semaphore(%run_scoped3A : memref<!tpu.dma_semaphore, #tpu.memory_space<semaphore_mem>>) {add = true}
        %dma_wait3A_229 = arith.constant 0 : i32
        %dma_wait3A_230 = tpu.memref_slice %arg8[%add3A_162, %dma_wait3A_229] : memref<40x64xi32, #tpu.memory_space<vmem>> -> memref<1x64xi32, #tpu.memory_space<vmem>>
        %dma_wait3A_231 = tpu.memref_squeeze %dma_wait3A_230 : memref<1x64xi32, #tpu.memory_space<vmem>> -> memref<64xi32, #tpu.memory_space<vmem>>
        %dma_wait3A_232 = arith.constant 0 : i32
        %dma_wait3A_233 = arith.constant 0 : i32
        %dma_wait3A_234 = tpu.memref_slice %arg13[%dma_wait3A_232, %dma_wait3A_233] : memref<10240x128xf32, #tpu.memory_space<vmem_shared>> -> memref<10240x128xf32, #tpu.memory_space<vmem_shared>>
        tpu.wait_indirect_dma semaphore(%run_scoped3A : memref<!tpu.dma_semaphore, #tpu.memory_space<semaphore_mem>>) src(%arg9 : memref<64x128xf32, #tpu.memory_space<vmem>>) dst(%dma_wait3A_234 : memref<10240x128xf32, #tpu.memory_space<vmem_shared>>)
        tpu.yield
      }) : () -> ()
      %add3A_168 = arith.constant 4 : i32
      %add3A_169 = arith.addi %add3A_162, %add3A_168 : i32
      %lt3A = arith.constant 40 : i32
      %lt3A_170 = arith.cmpi slt, %add3A_169, %lt3A : i32
      %convert_element_type3A = arith.extui %lt3A_170 : i1 to i32
      %cond3A = arith.constant 0 : i32
      %cond3A_171 = arith.cmpi ne, %convert_element_type3A, %cond3A : i32
      scf.if %cond3A_171 {
        %add3A_223 = arith.constant 4 : i32
        %add3A_224 = arith.addi %add3A_162, %add3A_223 : i32
        %dma_start3A_225 = arith.constant 0 : i32
        %dma_start3A_226 = tpu.memref_slice %arg7[%add3A_224, %dma_start3A_225] : memref<40x64xi32, #tpu.memory_space<vmem>> -> memref<1x64xi32, #tpu.memory_space<vmem>>
        %dma_start3A_227 = tpu.memref_squeeze %dma_start3A_226 : memref<1x64xi32, #tpu.memory_space<vmem>> -> memref<64xi32, #tpu.memory_space<vmem>>
        %dma_start3A_228 = arith.constant 0 : i32
        %dma_start3A_229 = arith.constant 0 : i32
        %dma_start3A_230 = tpu.memref_slice %arg4[%dma_start3A_228, %dma_start3A_229] : memref<10000x128xf32, #tpu.memory_space<hbm>> -> memref<10000x128xf32, #tpu.memory_space<hbm>>
        tpu.enqueue_indirect_dma source(%dma_start3A_230 : memref<10000x128xf32, #tpu.memory_space<hbm>>) target(%arg9 : memref<64x128xf32, #tpu.memory_space<vmem>>) offsets(%dma_start3A_227 : memref<64xi32, #tpu.memory_space<vmem>>) semaphore(%arg14 : memref<!tpu.dma_semaphore, #tpu.memory_space<semaphore_mem>>)
      } else {
      }
      %mul3A_172 = arith.constant 4 : i32
      %mul3A_173 = arith.muli %mul3A_172, %scan3A_158 : i32
      %add3A_174 = arith.constant 1 : i32
      %add3A_175 = arith.addi %mul3A_173, %add3A_174 : i32
      %dma_wait3A_176 = arith.constant 0 : i32
      %dma_wait3A_177 = tpu.memref_slice %arg7[%add3A_175, %dma_wait3A_176] : memref<40x64xi32, #tpu.memory_space<vmem>> -> memref<1x64xi32, #tpu.memory_space<vmem>>
      %dma_wait3A_178 = tpu.memref_squeeze %dma_wait3A_177 : memref<1x64xi32, #tpu.memory_space<vmem>> -> memref<64xi32, #tpu.memory_space<vmem>>
      %dma_wait3A_179 = arith.constant 0 : i32
      %dma_wait3A_180 = arith.constant 0 : i32
      %dma_wait3A_181 = tpu.memref_slice %arg4[%dma_wait3A_179, %dma_wait3A_180] : memref<10000x128xf32, #tpu.memory_space<hbm>> -> memref<10000x128xf32, #tpu.memory_space<hbm>>
      tpu.wait_indirect_dma semaphore(%arg15 : memref<!tpu.dma_semaphore, #tpu.memory_space<semaphore_mem>>) src(%dma_wait3A_181 : memref<10000x128xf32, #tpu.memory_space<hbm>>) dst(%arg10 : memref<64x128xf32, #tpu.memory_space<vmem>>)
      "tpu.region"() ({
        %run_scoped3A = tpu.sem_alloc : memref<!tpu.dma_semaphore, #tpu.memory_space<semaphore_mem>>
        %dma_start3A_223 = arith.constant 0 : i32
        %dma_start3A_224 = tpu.memref_slice %arg8[%add3A_175, %dma_start3A_223] : memref<40x64xi32, #tpu.memory_space<vmem>> -> memref<1x64xi32, #tpu.memory_space<vmem>>
        %dma_start3A_225 = tpu.memref_squeeze %dma_start3A_224 : memref<1x64xi32, #tpu.memory_space<vmem>> -> memref<64xi32, #tpu.memory_space<vmem>>
        %dma_start3A_226 = arith.constant 0 : i32
        %dma_start3A_227 = arith.constant 0 : i32
        %dma_start3A_228 = tpu.memref_slice %arg13[%dma_start3A_226, %dma_start3A_227] : memref<10240x128xf32, #tpu.memory_space<vmem_shared>> -> memref<10240x128xf32, #tpu.memory_space<vmem_shared>>
        tpu.enqueue_indirect_dma source(%arg10 : memref<64x128xf32, #tpu.memory_space<vmem>>) target(%dma_start3A_228 : memref<10240x128xf32, #tpu.memory_space<vmem_shared>>) offsets(%dma_start3A_225 : memref<64xi32, #tpu.memory_space<vmem>>) semaphore(%run_scoped3A : memref<!tpu.dma_semaphore, #tpu.memory_space<semaphore_mem>>) {add = true}
        %dma_wait3A_229 = arith.constant 0 : i32
        %dma_wait3A_230 = tpu.memref_slice %arg8[%add3A_175, %dma_wait3A_229] : memref<40x64xi32, #tpu.memory_space<vmem>> -> memref<1x64xi32, #tpu.memory_space<vmem>>
        %dma_wait3A_231 = tpu.memref_squeeze %dma_wait3A_230 : memref<1x64xi32, #tpu.memory_space<vmem>> -> memref<64xi32, #tpu.memory_space<vmem>>
        %dma_wait3A_232 = arith.constant 0 : i32
        %dma_wait3A_233 = arith.constant 0 : i32
        %dma_wait3A_234 = tpu.memref_slice %arg13[%dma_wait3A_232, %dma_wait3A_233] : memref<10240x128xf32, #tpu.memory_space<vmem_shared>> -> memref<10240x128xf32, #tpu.memory_space<vmem_shared>>
        tpu.wait_indirect_dma semaphore(%run_scoped3A : memref<!tpu.dma_semaphore, #tpu.memory_space<semaphore_mem>>) src(%arg10 : memref<64x128xf32, #tpu.memory_space<vmem>>) dst(%dma_wait3A_234 : memref<10240x128xf32, #tpu.memory_space<vmem_shared>>)
        tpu.yield
      }) : () -> ()
      %add3A_182 = arith.constant 4 : i32
      %add3A_183 = arith.addi %add3A_175, %add3A_182 : i32
      %lt3A_184 = arith.constant 40 : i32
      %lt3A_185 = arith.cmpi slt, %add3A_183, %lt3A_184 : i32
      %convert_element_type3A_186 = arith.extui %lt3A_185 : i1 to i32
      %cond3A_187 = arith.constant 0 : i32
      %cond3A_188 = arith.cmpi ne, %convert_element_type3A_186, %cond3A_187 : i32
      scf.if %cond3A_188 {
        %add3A_223 = arith.constant 4 : i32
        %add3A_224 = arith.addi %add3A_175, %add3A_223 : i32
        %dma_start3A_225 = arith.constant 0 : i32
        %dma_start3A_226 = tpu.memref_slice %arg7[%add3A_224, %dma_start3A_225] : memref<40x64xi32, #tpu.memory_space<vmem>> -> memref<1x64xi32, #tpu.memory_space<vmem>>
        %dma_start3A_227 = tpu.memref_squeeze %dma_start3A_226 : memref<1x64xi32, #tpu.memory_space<vmem>> -> memref<64xi32, #tpu.memory_space<vmem>>
        %dma_start3A_228 = arith.constant 0 : i32
        %dma_start3A_229 = arith.constant 0 : i32
        %dma_start3A_230 = tpu.memref_slice %arg4[%dma_start3A_228, %dma_start3A_229] : memref<10000x128xf32, #tpu.memory_space<hbm>> -> memref<10000x128xf32, #tpu.memory_space<hbm>>
        tpu.enqueue_indirect_dma source(%dma_start3A_230 : memref<10000x128xf32, #tpu.memory_space<hbm>>) target(%arg10 : memref<64x128xf32, #tpu.memory_space<vmem>>) offsets(%dma_start3A_227 : memref<64xi32, #tpu.memory_space<vmem>>) semaphore(%arg15 : memref<!tpu.dma_semaphore, #tpu.memory_space<semaphore_mem>>)
      } else {
      }
      %mul3A_189 = arith.constant 4 : i32
      %mul3A_190 = arith.muli %mul3A_189, %scan3A_158 : i32
      %add3A_191 = arith.constant 2 : i32
      %add3A_192 = arith.addi %mul3A_190, %add3A_191 : i32
      %dma_wait3A_193 = arith.constant 0 : i32
      %dma_wait3A_194 = tpu.memref_slice %arg7[%add3A_192, %dma_wait3A_193] : memref<40x64xi32, #tpu.memory_space<vmem>> -> memref<1x64xi32, #tpu.memory_space<vmem>>
      %dma_wait3A_195 = tpu.memref_squeeze %dma_wait3A_194 : memref<1x64xi32, #tpu.memory_space<vmem>> -> memref<64xi32, #tpu.memory_space<vmem>>
      %dma_wait3A_196 = arith.constant 0 : i32
      %dma_wait3A_197 = arith.constant 0 : i32
      %dma_wait3A_198 = tpu.memref_slice %arg4[%dma_wait3A_196, %dma_wait3A_197] : memref<10000x128xf32, #tpu.memory_space<hbm>> -> memref<10000x128xf32, #tpu.memory_space<hbm>>
      tpu.wait_indirect_dma semaphore(%arg16 : memref<!tpu.dma_semaphore, #tpu.memory_space<semaphore_mem>>) src(%dma_wait3A_198 : memref<10000x128xf32, #tpu.memory_space<hbm>>) dst(%arg11 : memref<64x128xf32, #tpu.memory_space<vmem>>)
      "tpu.region"() ({
        %run_scoped3A = tpu.sem_alloc : memref<!tpu.dma_semaphore, #tpu.memory_space<semaphore_mem>>
        %dma_start3A_223 = arith.constant 0 : i32
        %dma_start3A_224 = tpu.memref_slice %arg8[%add3A_192, %dma_start3A_223] : memref<40x64xi32, #tpu.memory_space<vmem>> -> memref<1x64xi32, #tpu.memory_space<vmem>>
        %dma_start3A_225 = tpu.memref_squeeze %dma_start3A_224 : memref<1x64xi32, #tpu.memory_space<vmem>> -> memref<64xi32, #tpu.memory_space<vmem>>
        %dma_start3A_226 = arith.constant 0 : i32
        %dma_start3A_227 = arith.constant 0 : i32
        %dma_start3A_228 = tpu.memref_slice %arg13[%dma_start3A_226, %dma_start3A_227] : memref<10240x128xf32, #tpu.memory_space<vmem_shared>> -> memref<10240x128xf32, #tpu.memory_space<vmem_shared>>
        tpu.enqueue_indirect_dma source(%arg11 : memref<64x128xf32, #tpu.memory_space<vmem>>) target(%dma_start3A_228 : memref<10240x128xf32, #tpu.memory_space<vmem_shared>>) offsets(%dma_start3A_225 : memref<64xi32, #tpu.memory_space<vmem>>) semaphore(%run_scoped3A : memref<!tpu.dma_semaphore, #tpu.memory_space<semaphore_mem>>) {add = true}
        %dma_wait3A_229 = arith.constant 0 : i32
        %dma_wait3A_230 = tpu.memref_slice %arg8[%add3A_192, %dma_wait3A_229] : memref<40x64xi32, #tpu.memory_space<vmem>> -> memref<1x64xi32, #tpu.memory_space<vmem>>
        %dma_wait3A_231 = tpu.memref_squeeze %dma_wait3A_230 : memref<1x64xi32, #tpu.memory_space<vmem>> -> memref<64xi32, #tpu.memory_space<vmem>>
        %dma_wait3A_232 = arith.constant 0 : i32
        %dma_wait3A_233 = arith.constant 0 : i32
        %dma_wait3A_234 = tpu.memref_slice %arg13[%dma_wait3A_232, %dma_wait3A_233] : memref<10240x128xf32, #tpu.memory_space<vmem_shared>> -> memref<10240x128xf32, #tpu.memory_space<vmem_shared>>
        tpu.wait_indirect_dma semaphore(%run_scoped3A : memref<!tpu.dma_semaphore, #tpu.memory_space<semaphore_mem>>) src(%arg11 : memref<64x128xf32, #tpu.memory_space<vmem>>) dst(%dma_wait3A_234 : memref<10240x128xf32, #tpu.memory_space<vmem_shared>>)
        tpu.yield
      }) : () -> ()
      %add3A_199 = arith.constant 4 : i32
      %add3A_200 = arith.addi %add3A_192, %add3A_199 : i32
      %lt3A_201 = arith.constant 40 : i32
      %lt3A_202 = arith.cmpi slt, %add3A_200, %lt3A_201 : i32
      %convert_element_type3A_203 = arith.extui %lt3A_202 : i1 to i32
      %cond3A_204 = arith.constant 0 : i32
      %cond3A_205 = arith.cmpi ne, %convert_element_type3A_203, %cond3A_204 : i32
      scf.if %cond3A_205 {
        %add3A_223 = arith.constant 4 : i32
        %add3A_224 = arith.addi %add3A_192, %add3A_223 : i32
        %dma_start3A_225 = arith.constant 0 : i32
        %dma_start3A_226 = tpu.memref_slice %arg7[%add3A_224, %dma_start3A_225] : memref<40x64xi32, #tpu.memory_space<vmem>> -> memref<1x64xi32, #tpu.memory_space<vmem>>
        %dma_start3A_227 = tpu.memref_squeeze %dma_start3A_226 : memref<1x64xi32, #tpu.memory_space<vmem>> -> memref<64xi32, #tpu.memory_space<vmem>>
        %dma_start3A_228 = arith.constant 0 : i32
        %dma_start3A_229 = arith.constant 0 : i32
        %dma_start3A_230 = tpu.memref_slice %arg4[%dma_start3A_228, %dma_start3A_229] : memref<10000x128xf32, #tpu.memory_space<hbm>> -> memref<10000x128xf32, #tpu.memory_space<hbm>>
        tpu.enqueue_indirect_dma source(%dma_start3A_230 : memref<10000x128xf32, #tpu.memory_space<hbm>>) target(%arg11 : memref<64x128xf32, #tpu.memory_space<vmem>>) offsets(%dma_start3A_227 : memref<64xi32, #tpu.memory_space<vmem>>) semaphore(%arg16 : memref<!tpu.dma_semaphore, #tpu.memory_space<semaphore_mem>>)
      } else {
      }
      %mul3A_206 = arith.constant 4 : i32
      %mul3A_207 = arith.muli %mul3A_206, %scan3A_158 : i32
      %add3A_208 = arith.constant 3 : i32
      %add3A_209 = arith.addi %mul3A_207, %add3A_208 : i32
      %dma_wait3A_210 = arith.constant 0 : i32
      %dma_wait3A_211 = tpu.memref_slice %arg7[%add3A_209, %dma_wait3A_210] : memref<40x64xi32, #tpu.memory_space<vmem>> -> memref<1x64xi32, #tpu.memory_space<vmem>>
      %dma_wait3A_212 = tpu.memref_squeeze %dma_wait3A_211 : memref<1x64xi32, #tpu.memory_space<vmem>> -> memref<64xi32, #tpu.memory_space<vmem>>
      %dma_wait3A_213 = arith.constant 0 : i32
      %dma_wait3A_214 = arith.constant 0 : i32
      %dma_wait3A_215 = tpu.memref_slice %arg4[%dma_wait3A_213, %dma_wait3A_214] : memref<10000x128xf32, #tpu.memory_space<hbm>> -> memref<10000x128xf32, #tpu.memory_space<hbm>>
      tpu.wait_indirect_dma semaphore(%arg17 : memref<!tpu.dma_semaphore, #tpu.memory_space<semaphore_mem>>) src(%dma_wait3A_215 : memref<10000x128xf32, #tpu.memory_space<hbm>>) dst(%arg12 : memref<64x128xf32, #tpu.memory_space<vmem>>)
      "tpu.region"() ({
        %run_scoped3A = tpu.sem_alloc : memref<!tpu.dma_semaphore, #tpu.memory_space<semaphore_mem>>
        %dma_start3A_223 = arith.constant 0 : i32
        %dma_start3A_224 = tpu.memref_slice %arg8[%add3A_209, %dma_start3A_223] : memref<40x64xi32, #tpu.memory_space<vmem>> -> memref<1x64xi32, #tpu.memory_space<vmem>>
        %dma_start3A_225 = tpu.memref_squeeze %dma_start3A_224 : memref<1x64xi32, #tpu.memory_space<vmem>> -> memref<64xi32, #tpu.memory_space<vmem>>
        %dma_start3A_226 = arith.constant 0 : i32
        %dma_start3A_227 = arith.constant 0 : i32
        %dma_start3A_228 = tpu.memref_slice %arg13[%dma_start3A_226, %dma_start3A_227] : memref<10240x128xf32, #tpu.memory_space<vmem_shared>> -> memref<10240x128xf32, #tpu.memory_space<vmem_shared>>
        tpu.enqueue_indirect_dma source(%arg12 : memref<64x128xf32, #tpu.memory_space<vmem>>) target(%dma_start3A_228 : memref<10240x128xf32, #tpu.memory_space<vmem_shared>>) offsets(%dma_start3A_225 : memref<64xi32, #tpu.memory_space<vmem>>) semaphore(%run_scoped3A : memref<!tpu.dma_semaphore, #tpu.memory_space<semaphore_mem>>) {add = true}
        %dma_wait3A_229 = arith.constant 0 : i32
        %dma_wait3A_230 = tpu.memref_slice %arg8[%add3A_209, %dma_wait3A_229] : memref<40x64xi32, #tpu.memory_space<vmem>> -> memref<1x64xi32, #tpu.memory_space<vmem>>
        %dma_wait3A_231 = tpu.memref_squeeze %dma_wait3A_230 : memref<1x64xi32, #tpu.memory_space<vmem>> -> memref<64xi32, #tpu.memory_space<vmem>>
        %dma_wait3A_232 = arith.constant 0 : i32
        %dma_wait3A_233 = arith.constant 0 : i32
        %dma_wait3A_234 = tpu.memref_slice %arg13[%dma_wait3A_232, %dma_wait3A_233] : memref<10240x128xf32, #tpu.memory_space<vmem_shared>> -> memref<10240x128xf32, #tpu.memory_space<vmem_shared>>
        tpu.wait_indirect_dma semaphore(%run_scoped3A : memref<!tpu.dma_semaphore, #tpu.memory_space<semaphore_mem>>) src(%arg12 : memref<64x128xf32, #tpu.memory_space<vmem>>) dst(%dma_wait3A_234 : memref<10240x128xf32, #tpu.memory_space<vmem_shared>>)
        tpu.yield
      }) : () -> ()
      %add3A_216 = arith.constant 4 : i32
      %add3A_217 = arith.addi %add3A_209, %add3A_216 : i32
      %lt3A_218 = arith.constant 40 : i32
      %lt3A_219 = arith.cmpi slt, %add3A_217, %lt3A_218 : i32
      %convert_element_type3A_220 = arith.extui %lt3A_219 : i1 to i32
      %cond3A_221 = arith.constant 0 : i32
      %cond3A_222 = arith.cmpi ne, %convert_element_type3A_220, %cond3A_221 : i32
      scf.if %cond3A_222 {
        %add3A_223 = arith.constant 4 : i32
        %add3A_224 = arith.addi %add3A_209, %add3A_223 : i32
        %dma_start3A_225 = arith.constant 0 : i32
        %dma_start3A_226 = tpu.memref_slice %arg7[%add3A_224, %dma_start3A_225] : memref<40x64xi32, #tpu.memory_space<vmem>> -> memref<1x64xi32, #tpu.memory_space<vmem>>
        %dma_start3A_227 = tpu.memref_squeeze %dma_start3A_226 : memref<1x64xi32, #tpu.memory_space<vmem>> -> memref<64xi32, #tpu.memory_space<vmem>>
        %dma_start3A_228 = arith.constant 0 : i32
        %dma_start3A_229 = arith.constant 0 : i32
        %dma_start3A_230 = tpu.memref_slice %arg4[%dma_start3A_228, %dma_start3A_229] : memref<10000x128xf32, #tpu.memory_space<hbm>> -> memref<10000x128xf32, #tpu.memory_space<hbm>>
        tpu.enqueue_indirect_dma source(%dma_start3A_230 : memref<10000x128xf32, #tpu.memory_space<hbm>>) target(%arg12 : memref<64x128xf32, #tpu.memory_space<vmem>>) offsets(%dma_start3A_227 : memref<64xi32, #tpu.memory_space<vmem>>) semaphore(%arg17 : memref<!tpu.dma_semaphore, #tpu.memory_space<semaphore_mem>>)
      } else {
      }
    }
    %scan3A_42 = arith.constant 10 : i32
    %add3A_43 = arith.constant 40 : i32
    %add3A_44 = arith.addi %mul3A_7, %add3A_43 : i32
    "tpu.region"() ({
      %run_scoped3A = tpu.sem_alloc : memref<!tpu.dma_semaphore, #tpu.memory_space<semaphore_mem>>
      %dma_start3A_158 = arith.constant 0 : i32
      %dma_start3A_159 = tpu.memref_slice %arg2[%add3A_44, %dma_start3A_158] : memref<5120x64xi32, #tpu.memory_space<hbm>> -> memref<40x64xi32, #tpu.memory_space<hbm>>
      %dma_start3A_160 = arith.constant 0 : i32
      %dma_start3A_161 = tpu.memref_slice %arg2[%add3A_44, %dma_start3A_160] : memref<5120x64xi32, #tpu.memory_space<hbm>> -> memref<40x64xi32, #tpu.memory_space<hbm>>
      tpu.enqueue_dma source(%dma_start3A_161 : memref<40x64xi32, #tpu.memory_space<hbm>>) target(%arg7 : memref<40x64xi32, #tpu.memory_space<vmem>>) target_semaphore(%run_scoped3A : memref<!tpu.dma_semaphore, #tpu.memory_space<semaphore_mem>>)
      %dma_wait3A = arith.constant 0 : i32
      %dma_wait3A_162 = tpu.memref_slice %arg2[%add3A_44, %dma_wait3A] : memref<5120x64xi32, #tpu.memory_space<hbm>> -> memref<40x64xi32, #tpu.memory_space<hbm>>
      %dma_wait3A_163 = arith.constant 0 : i32
      %dma_wait3A_164 = tpu.memref_slice %arg2[%add3A_44, %dma_wait3A_163] : memref<5120x64xi32, #tpu.memory_space<hbm>> -> memref<40x64xi32, #tpu.memory_space<hbm>>
      tpu.wait_dma2 semaphore(%run_scoped3A : memref<!tpu.dma_semaphore, #tpu.memory_space<semaphore_mem>>) src(%dma_wait3A_164 : memref<40x64xi32, #tpu.memory_space<hbm>>) dst(%arg7 : memref<40x64xi32, #tpu.memory_space<vmem>>)
      tpu.yield
    }) : () -> ()
    "tpu.region"() ({
      %run_scoped3A = tpu.sem_alloc : memref<!tpu.dma_semaphore, #tpu.memory_space<semaphore_mem>>
      %dma_start3A_158 = arith.constant 0 : i32
      %dma_start3A_159 = tpu.memref_slice %arg3[%add3A_44, %dma_start3A_158] : memref<5120x64xi32, #tpu.memory_space<hbm>> -> memref<40x64xi32, #tpu.memory_space<hbm>>
      %dma_start3A_160 = arith.constant 0 : i32
      %dma_start3A_161 = tpu.memref_slice %arg3[%add3A_44, %dma_start3A_160] : memref<5120x64xi32, #tpu.memory_space<hbm>> -> memref<40x64xi32, #tpu.memory_space<hbm>>
      tpu.enqueue_dma source(%dma_start3A_161 : memref<40x64xi32, #tpu.memory_space<hbm>>) target(%arg8 : memref<40x64xi32, #tpu.memory_space<vmem>>) target_semaphore(%run_scoped3A : memref<!tpu.dma_semaphore, #tpu.memory_space<semaphore_mem>>)
      %dma_wait3A = arith.constant 0 : i32
      %dma_wait3A_162 = tpu.memref_slice %arg3[%add3A_44, %dma_wait3A] : memref<5120x64xi32, #tpu.memory_space<hbm>> -> memref<40x64xi32, #tpu.memory_space<hbm>>
      %dma_wait3A_163 = arith.constant 0 : i32
      %dma_wait3A_164 = tpu.memref_slice %arg3[%add3A_44, %dma_wait3A_163] : memref<5120x64xi32, #tpu.memory_space<hbm>> -> memref<40x64xi32, #tpu.memory_space<hbm>>
      tpu.wait_dma2 semaphore(%run_scoped3A : memref<!tpu.dma_semaphore, #tpu.memory_space<semaphore_mem>>) src(%dma_wait3A_164 : memref<40x64xi32, #tpu.memory_space<hbm>>) dst(%arg8 : memref<40x64xi32, #tpu.memory_space<vmem>>)
      tpu.yield
    }) : () -> ()
    %dma_start3A_45 = arith.constant 0 : i32
    %dma_start3A_46 = arith.constant 0 : i32
    %dma_start3A_47 = tpu.memref_slice %arg7[%dma_start3A_45, %dma_start3A_46] : memref<40x64xi32, #tpu.memory_space<vmem>> -> memref<1x64xi32, #tpu.memory_space<vmem>>
    %dma_start3A_48 = tpu.memref_squeeze %dma_start3A_47 : memref<1x64xi32, #tpu.memory_space<vmem>> -> memref<64xi32, #tpu.memory_space<vmem>>
    %dma_start3A_49 = arith.constant 0 : i32
    %dma_start3A_50 = arith.constant 0 : i32
    %dma_start3A_51 = tpu.memref_slice %arg4[%dma_start3A_49, %dma_start3A_50] : memref<10000x128xf32, #tpu.memory_space<hbm>> -> memref<10000x128xf32, #tpu.memory_space<hbm>>
    tpu.enqueue_indirect_dma source(%dma_start3A_51 : memref<10000x128xf32, #tpu.memory_space<hbm>>) target(%arg9 : memref<64x128xf32, #tpu.memory_space<vmem>>) offsets(%dma_start3A_48 : memref<64xi32, #tpu.memory_space<vmem>>) semaphore(%arg14 : memref<!tpu.dma_semaphore, #tpu.memory_space<semaphore_mem>>)
    %dma_start3A_52 = arith.constant 1 : i32
    %dma_start3A_53 = arith.constant 0 : i32
    %dma_start3A_54 = tpu.memref_slice %arg7[%dma_start3A_52, %dma_start3A_53] : memref<40x64xi32, #tpu.memory_space<vmem>> -> memref<1x64xi32, #tpu.memory_space<vmem>>
    %dma_start3A_55 = tpu.memref_squeeze %dma_start3A_54 : memref<1x64xi32, #tpu.memory_space<vmem>> -> memref<64xi32, #tpu.memory_space<vmem>>
    %dma_start3A_56 = arith.constant 0 : i32
    %dma_start3A_57 = arith.constant 0 : i32
    %dma_start3A_58 = tpu.memref_slice %arg4[%dma_start3A_56, %dma_start3A_57] : memref<10000x128xf32, #tpu.memory_space<hbm>> -> memref<10000x128xf32, #tpu.memory_space<hbm>>
    tpu.enqueue_indirect_dma source(%dma_start3A_58 : memref<10000x128xf32, #tpu.memory_space<hbm>>) target(%arg10 : memref<64x128xf32, #tpu.memory_space<vmem>>) offsets(%dma_start3A_55 : memref<64xi32, #tpu.memory_space<vmem>>) semaphore(%arg15 : memref<!tpu.dma_semaphore, #tpu.memory_space<semaphore_mem>>)
    %dma_start3A_59 = arith.constant 2 : i32
    %dma_start3A_60 = arith.constant 0 : i32
    %dma_start3A_61 = tpu.memref_slice %arg7[%dma_start3A_59, %dma_start3A_60] : memref<40x64xi32, #tpu.memory_space<vmem>> -> memref<1x64xi32, #tpu.memory_space<vmem>>
    %dma_start3A_62 = tpu.memref_squeeze %dma_start3A_61 : memref<1x64xi32, #tpu.memory_space<vmem>> -> memref<64xi32, #tpu.memory_space<vmem>>
    %dma_start3A_63 = arith.constant 0 : i32
    %dma_start3A_64 = arith.constant 0 : i32
    %dma_start3A_65 = tpu.memref_slice %arg4[%dma_start3A_63, %dma_start3A_64] : memref<10000x128xf32, #tpu.memory_space<hbm>> -> memref<10000x128xf32, #tpu.memory_space<hbm>>
    tpu.enqueue_indirect_dma source(%dma_start3A_65 : memref<10000x128xf32, #tpu.memory_space<hbm>>) target(%arg11 : memref<64x128xf32, #tpu.memory_space<vmem>>) offsets(%dma_start3A_62 : memref<64xi32, #tpu.memory_space<vmem>>) semaphore(%arg16 : memref<!tpu.dma_semaphore, #tpu.memory_space<semaphore_mem>>)
    %dma_start3A_66 = arith.constant 3 : i32
    %dma_start3A_67 = arith.constant 0 : i32
    %dma_start3A_68 = tpu.memref_slice %arg7[%dma_start3A_66, %dma_start3A_67] : memref<40x64xi32, #tpu.memory_space<vmem>> -> memref<1x64xi32, #tpu.memory_space<vmem>>
    %dma_start3A_69 = tpu.memref_squeeze %dma_start3A_68 : memref<1x64xi32, #tpu.memory_space<vmem>> -> memref<64xi32, #tpu.memory_space<vmem>>
    %dma_start3A_70 = arith.constant 0 : i32
    %dma_start3A_71 = arith.constant 0 : i32
    %dma_start3A_72 = tpu.memref_slice %arg4[%dma_start3A_70, %dma_start3A_71] : memref<10000x128xf32, #tpu.memory_space<hbm>> -> memref<10000x128xf32, #tpu.memory_space<hbm>>
    tpu.enqueue_indirect_dma source(%dma_start3A_72 : memref<10000x128xf32, #tpu.memory_space<hbm>>) target(%arg12 : memref<64x128xf32, #tpu.memory_space<vmem>>) offsets(%dma_start3A_69 : memref<64xi32, #tpu.memory_space<vmem>>) semaphore(%arg17 : memref<!tpu.dma_semaphore, #tpu.memory_space<semaphore_mem>>)
    %scan3A_73 = arith.constant 0 : i32
    %scan3A_74 = arith.constant 0 : i32
    %scan3A_75 = arith.constant 10 : i32
    %scan3A_76 = arith.addi %scan3A_74, %scan3A_75 : i32
    %scan3A_77 = arith.constant 1 : i32
    scf.for %scan3A_158 = %scan3A_74 to %scan3A_76 step %scan3A_77  : i32 {
      %mul3A_159 = arith.constant 4 : i32
      %mul3A_160 = arith.muli %mul3A_159, %scan3A_158 : i32
      %add3A_161 = arith.constant 0 : i32
      %add3A_162 = arith.addi %mul3A_160, %add3A_161 : i32
      %dma_wait3A = arith.constant 0 : i32
      %dma_wait3A_163 = tpu.memref_slice %arg7[%add3A_162, %dma_wait3A] : memref<40x64xi32, #tpu.memory_space<vmem>> -> memref<1x64xi32, #tpu.memory_space<vmem>>
      %dma_wait3A_164 = tpu.memref_squeeze %dma_wait3A_163 : memref<1x64xi32, #tpu.memory_space<vmem>> -> memref<64xi32, #tpu.memory_space<vmem>>
      %dma_wait3A_165 = arith.constant 0 : i32
      %dma_wait3A_166 = arith.constant 0 : i32
      %dma_wait3A_167 = tpu.memref_slice %arg4[%dma_wait3A_165, %dma_wait3A_166] : memref<10000x128xf32, #tpu.memory_space<hbm>> -> memref<10000x128xf32, #tpu.memory_space<hbm>>
      tpu.wait_indirect_dma semaphore(%arg14 : memref<!tpu.dma_semaphore, #tpu.memory_space<semaphore_mem>>) src(%dma_wait3A_167 : memref<10000x128xf32, #tpu.memory_space<hbm>>) dst(%arg9 : memref<64x128xf32, #tpu.memory_space<vmem>>)
      "tpu.region"() ({
        %run_scoped3A = tpu.sem_alloc : memref<!tpu.dma_semaphore, #tpu.memory_space<semaphore_mem>>
        %dma_start3A_223 = arith.constant 0 : i32
        %dma_start3A_224 = tpu.memref_slice %arg8[%add3A_162, %dma_start3A_223] : memref<40x64xi32, #tpu.memory_space<vmem>> -> memref<1x64xi32, #tpu.memory_space<vmem>>
        %dma_start3A_225 = tpu.memref_squeeze %dma_start3A_224 : memref<1x64xi32, #tpu.memory_space<vmem>> -> memref<64xi32, #tpu.memory_space<vmem>>
        %dma_start3A_226 = arith.constant 0 : i32
        %dma_start3A_227 = arith.constant 0 : i32
        %dma_start3A_228 = tpu.memref_slice %arg13[%dma_start3A_226, %dma_start3A_227] : memref<10240x128xf32, #tpu.memory_space<vmem_shared>> -> memref<10240x128xf32, #tpu.memory_space<vmem_shared>>
        tpu.enqueue_indirect_dma source(%arg9 : memref<64x128xf32, #tpu.memory_space<vmem>>) target(%dma_start3A_228 : memref<10240x128xf32, #tpu.memory_space<vmem_shared>>) offsets(%dma_start3A_225 : memref<64xi32, #tpu.memory_space<vmem>>) semaphore(%run_scoped3A : memref<!tpu.dma_semaphore, #tpu.memory_space<semaphore_mem>>) {add = true}
        %dma_wait3A_229 = arith.constant 0 : i32
        %dma_wait3A_230 = tpu.memref_slice %arg8[%add3A_162, %dma_wait3A_229] : memref<40x64xi32, #tpu.memory_space<vmem>> -> memref<1x64xi32, #tpu.memory_space<vmem>>
        %dma_wait3A_231 = tpu.memref_squeeze %dma_wait3A_230 : memref<1x64xi32, #tpu.memory_space<vmem>> -> memref<64xi32, #tpu.memory_space<vmem>>
        %dma_wait3A_232 = arith.constant 0 : i32
        %dma_wait3A_233 = arith.constant 0 : i32
        %dma_wait3A_234 = tpu.memref_slice %arg13[%dma_wait3A_232, %dma_wait3A_233] : memref<10240x128xf32, #tpu.memory_space<vmem_shared>> -> memref<10240x128xf32, #tpu.memory_space<vmem_shared>>
        tpu.wait_indirect_dma semaphore(%run_scoped3A : memref<!tpu.dma_semaphore, #tpu.memory_space<semaphore_mem>>) src(%arg9 : memref<64x128xf32, #tpu.memory_space<vmem>>) dst(%dma_wait3A_234 : memref<10240x128xf32, #tpu.memory_space<vmem_shared>>)
        tpu.yield
      }) : () -> ()
      %add3A_168 = arith.constant 4 : i32
      %add3A_169 = arith.addi %add3A_162, %add3A_168 : i32
      %lt3A = arith.constant 40 : i32
      %lt3A_170 = arith.cmpi slt, %add3A_169, %lt3A : i32
      %convert_element_type3A = arith.extui %lt3A_170 : i1 to i32
      %cond3A = arith.constant 0 : i32
      %cond3A_171 = arith.cmpi ne, %convert_element_type3A, %cond3A : i32
      scf.if %cond3A_171 {
        %add3A_223 = arith.constant 4 : i32
        %add3A_224 = arith.addi %add3A_162, %add3A_223 : i32
        %dma_start3A_225 = arith.constant 0 : i32
        %dma_start3A_226 = tpu.memref_slice %arg7[%add3A_224, %dma_start3A_225] : memref<40x64xi32, #tpu.memory_space<vmem>> -> memref<1x64xi32, #tpu.memory_space<vmem>>
        %dma_start3A_227 = tpu.memref_squeeze %dma_start3A_226 : memref<1x64xi32, #tpu.memory_space<vmem>> -> memref<64xi32, #tpu.memory_space<vmem>>
        %dma_start3A_228 = arith.constant 0 : i32
        %dma_start3A_229 = arith.constant 0 : i32
        %dma_start3A_230 = tpu.memref_slice %arg4[%dma_start3A_228, %dma_start3A_229] : memref<10000x128xf32, #tpu.memory_space<hbm>> -> memref<10000x128xf32, #tpu.memory_space<hbm>>
        tpu.enqueue_indirect_dma source(%dma_start3A_230 : memref<10000x128xf32, #tpu.memory_space<hbm>>) target(%arg9 : memref<64x128xf32, #tpu.memory_space<vmem>>) offsets(%dma_start3A_227 : memref<64xi32, #tpu.memory_space<vmem>>) semaphore(%arg14 : memref<!tpu.dma_semaphore, #tpu.memory_space<semaphore_mem>>)
      } else {
      }
      %mul3A_172 = arith.constant 4 : i32
      %mul3A_173 = arith.muli %mul3A_172, %scan3A_158 : i32
      %add3A_174 = arith.constant 1 : i32
      %add3A_175 = arith.addi %mul3A_173, %add3A_174 : i32
      %dma_wait3A_176 = arith.constant 0 : i32
      %dma_wait3A_177 = tpu.memref_slice %arg7[%add3A_175, %dma_wait3A_176] : memref<40x64xi32, #tpu.memory_space<vmem>> -> memref<1x64xi32, #tpu.memory_space<vmem>>
      %dma_wait3A_178 = tpu.memref_squeeze %dma_wait3A_177 : memref<1x64xi32, #tpu.memory_space<vmem>> -> memref<64xi32, #tpu.memory_space<vmem>>
      %dma_wait3A_179 = arith.constant 0 : i32
      %dma_wait3A_180 = arith.constant 0 : i32
      %dma_wait3A_181 = tpu.memref_slice %arg4[%dma_wait3A_179, %dma_wait3A_180] : memref<10000x128xf32, #tpu.memory_space<hbm>> -> memref<10000x128xf32, #tpu.memory_space<hbm>>
      tpu.wait_indirect_dma semaphore(%arg15 : memref<!tpu.dma_semaphore, #tpu.memory_space<semaphore_mem>>) src(%dma_wait3A_181 : memref<10000x128xf32, #tpu.memory_space<hbm>>) dst(%arg10 : memref<64x128xf32, #tpu.memory_space<vmem>>)
      "tpu.region"() ({
        %run_scoped3A = tpu.sem_alloc : memref<!tpu.dma_semaphore, #tpu.memory_space<semaphore_mem>>
        %dma_start3A_223 = arith.constant 0 : i32
        %dma_start3A_224 = tpu.memref_slice %arg8[%add3A_175, %dma_start3A_223] : memref<40x64xi32, #tpu.memory_space<vmem>> -> memref<1x64xi32, #tpu.memory_space<vmem>>
        %dma_start3A_225 = tpu.memref_squeeze %dma_start3A_224 : memref<1x64xi32, #tpu.memory_space<vmem>> -> memref<64xi32, #tpu.memory_space<vmem>>
        %dma_start3A_226 = arith.constant 0 : i32
        %dma_start3A_227 = arith.constant 0 : i32
        %dma_start3A_228 = tpu.memref_slice %arg13[%dma_start3A_226, %dma_start3A_227] : memref<10240x128xf32, #tpu.memory_space<vmem_shared>> -> memref<10240x128xf32, #tpu.memory_space<vmem_shared>>
        tpu.enqueue_indirect_dma source(%arg10 : memref<64x128xf32, #tpu.memory_space<vmem>>) target(%dma_start3A_228 : memref<10240x128xf32, #tpu.memory_space<vmem_shared>>) offsets(%dma_start3A_225 : memref<64xi32, #tpu.memory_space<vmem>>) semaphore(%run_scoped3A : memref<!tpu.dma_semaphore, #tpu.memory_space<semaphore_mem>>) {add = true}
        %dma_wait3A_229 = arith.constant 0 : i32
        %dma_wait3A_230 = tpu.memref_slice %arg8[%add3A_175, %dma_wait3A_229] : memref<40x64xi32, #tpu.memory_space<vmem>> -> memref<1x64xi32, #tpu.memory_space<vmem>>
        %dma_wait3A_231 = tpu.memref_squeeze %dma_wait3A_230 : memref<1x64xi32, #tpu.memory_space<vmem>> -> memref<64xi32, #tpu.memory_space<vmem>>
        %dma_wait3A_232 = arith.constant 0 : i32
        %dma_wait3A_233 = arith.constant 0 : i32
        %dma_wait3A_234 = tpu.memref_slice %arg13[%dma_wait3A_232, %dma_wait3A_233] : memref<10240x128xf32, #tpu.memory_space<vmem_shared>> -> memref<10240x128xf32, #tpu.memory_space<vmem_shared>>
        tpu.wait_indirect_dma semaphore(%run_scoped3A : memref<!tpu.dma_semaphore, #tpu.memory_space<semaphore_mem>>) src(%arg10 : memref<64x128xf32, #tpu.memory_space<vmem>>) dst(%dma_wait3A_234 : memref<10240x128xf32, #tpu.memory_space<vmem_shared>>)
        tpu.yield
      }) : () -> ()
      %add3A_182 = arith.constant 4 : i32
      %add3A_183 = arith.addi %add3A_175, %add3A_182 : i32
      %lt3A_184 = arith.constant 40 : i32
      %lt3A_185 = arith.cmpi slt, %add3A_183, %lt3A_184 : i32
      %convert_element_type3A_186 = arith.extui %lt3A_185 : i1 to i32
      %cond3A_187 = arith.constant 0 : i32
      %cond3A_188 = arith.cmpi ne, %convert_element_type3A_186, %cond3A_187 : i32
      scf.if %cond3A_188 {
        %add3A_223 = arith.constant 4 : i32
        %add3A_224 = arith.addi %add3A_175, %add3A_223 : i32
        %dma_start3A_225 = arith.constant 0 : i32
        %dma_start3A_226 = tpu.memref_slice %arg7[%add3A_224, %dma_start3A_225] : memref<40x64xi32, #tpu.memory_space<vmem>> -> memref<1x64xi32, #tpu.memory_space<vmem>>
        %dma_start3A_227 = tpu.memref_squeeze %dma_start3A_226 : memref<1x64xi32, #tpu.memory_space<vmem>> -> memref<64xi32, #tpu.memory_space<vmem>>
        %dma_start3A_228 = arith.constant 0 : i32
        %dma_start3A_229 = arith.constant 0 : i32
        %dma_start3A_230 = tpu.memref_slice %arg4[%dma_start3A_228, %dma_start3A_229] : memref<10000x128xf32, #tpu.memory_space<hbm>> -> memref<10000x128xf32, #tpu.memory_space<hbm>>
        tpu.enqueue_indirect_dma source(%dma_start3A_230 : memref<10000x128xf32, #tpu.memory_space<hbm>>) target(%arg10 : memref<64x128xf32, #tpu.memory_space<vmem>>) offsets(%dma_start3A_227 : memref<64xi32, #tpu.memory_space<vmem>>) semaphore(%arg15 : memref<!tpu.dma_semaphore, #tpu.memory_space<semaphore_mem>>)
      } else {
      }
      %mul3A_189 = arith.constant 4 : i32
      %mul3A_190 = arith.muli %mul3A_189, %scan3A_158 : i32
      %add3A_191 = arith.constant 2 : i32
      %add3A_192 = arith.addi %mul3A_190, %add3A_191 : i32
      %dma_wait3A_193 = arith.constant 0 : i32
      %dma_wait3A_194 = tpu.memref_slice %arg7[%add3A_192, %dma_wait3A_193] : memref<40x64xi32, #tpu.memory_space<vmem>> -> memref<1x64xi32, #tpu.memory_space<vmem>>
      %dma_wait3A_195 = tpu.memref_squeeze %dma_wait3A_194 : memref<1x64xi32, #tpu.memory_space<vmem>> -> memref<64xi32, #tpu.memory_space<vmem>>
      %dma_wait3A_196 = arith.constant 0 : i32
      %dma_wait3A_197 = arith.constant 0 : i32
      %dma_wait3A_198 = tpu.memref_slice %arg4[%dma_wait3A_196, %dma_wait3A_197] : memref<10000x128xf32, #tpu.memory_space<hbm>> -> memref<10000x128xf32, #tpu.memory_space<hbm>>
      tpu.wait_indirect_dma semaphore(%arg16 : memref<!tpu.dma_semaphore, #tpu.memory_space<semaphore_mem>>) src(%dma_wait3A_198 : memref<10000x128xf32, #tpu.memory_space<hbm>>) dst(%arg11 : memref<64x128xf32, #tpu.memory_space<vmem>>)
      "tpu.region"() ({
        %run_scoped3A = tpu.sem_alloc : memref<!tpu.dma_semaphore, #tpu.memory_space<semaphore_mem>>
        %dma_start3A_223 = arith.constant 0 : i32
        %dma_start3A_224 = tpu.memref_slice %arg8[%add3A_192, %dma_start3A_223] : memref<40x64xi32, #tpu.memory_space<vmem>> -> memref<1x64xi32, #tpu.memory_space<vmem>>
        %dma_start3A_225 = tpu.memref_squeeze %dma_start3A_224 : memref<1x64xi32, #tpu.memory_space<vmem>> -> memref<64xi32, #tpu.memory_space<vmem>>
        %dma_start3A_226 = arith.constant 0 : i32
        %dma_start3A_227 = arith.constant 0 : i32
        %dma_start3A_228 = tpu.memref_slice %arg13[%dma_start3A_226, %dma_start3A_227] : memref<10240x128xf32, #tpu.memory_space<vmem_shared>> -> memref<10240x128xf32, #tpu.memory_space<vmem_shared>>
        tpu.enqueue_indirect_dma source(%arg11 : memref<64x128xf32, #tpu.memory_space<vmem>>) target(%dma_start3A_228 : memref<10240x128xf32, #tpu.memory_space<vmem_shared>>) offsets(%dma_start3A_225 : memref<64xi32, #tpu.memory_space<vmem>>) semaphore(%run_scoped3A : memref<!tpu.dma_semaphore, #tpu.memory_space<semaphore_mem>>) {add = true}
        %dma_wait3A_229 = arith.constant 0 : i32
        %dma_wait3A_230 = tpu.memref_slice %arg8[%add3A_192, %dma_wait3A_229] : memref<40x64xi32, #tpu.memory_space<vmem>> -> memref<1x64xi32, #tpu.memory_space<vmem>>
        %dma_wait3A_231 = tpu.memref_squeeze %dma_wait3A_230 : memref<1x64xi32, #tpu.memory_space<vmem>> -> memref<64xi32, #tpu.memory_space<vmem>>
        %dma_wait3A_232 = arith.constant 0 : i32
        %dma_wait3A_233 = arith.constant 0 : i32
        %dma_wait3A_234 = tpu.memref_slice %arg13[%dma_wait3A_232, %dma_wait3A_233] : memref<10240x128xf32, #tpu.memory_space<vmem_shared>> -> memref<10240x128xf32, #tpu.memory_space<vmem_shared>>
        tpu.wait_indirect_dma semaphore(%run_scoped3A : memref<!tpu.dma_semaphore, #tpu.memory_space<semaphore_mem>>) src(%arg11 : memref<64x128xf32, #tpu.memory_space<vmem>>) dst(%dma_wait3A_234 : memref<10240x128xf32, #tpu.memory_space<vmem_shared>>)
        tpu.yield
      }) : () -> ()
      %add3A_199 = arith.constant 4 : i32
      %add3A_200 = arith.addi %add3A_192, %add3A_199 : i32
      %lt3A_201 = arith.constant 40 : i32
      %lt3A_202 = arith.cmpi slt, %add3A_200, %lt3A_201 : i32
      %convert_element_type3A_203 = arith.extui %lt3A_202 : i1 to i32
      %cond3A_204 = arith.constant 0 : i32
      %cond3A_205 = arith.cmpi ne, %convert_element_type3A_203, %cond3A_204 : i32
      scf.if %cond3A_205 {
        %add3A_223 = arith.constant 4 : i32
        %add3A_224 = arith.addi %add3A_192, %add3A_223 : i32
        %dma_start3A_225 = arith.constant 0 : i32
        %dma_start3A_226 = tpu.memref_slice %arg7[%add3A_224, %dma_start3A_225] : memref<40x64xi32, #tpu.memory_space<vmem>> -> memref<1x64xi32, #tpu.memory_space<vmem>>
        %dma_start3A_227 = tpu.memref_squeeze %dma_start3A_226 : memref<1x64xi32, #tpu.memory_space<vmem>> -> memref<64xi32, #tpu.memory_space<vmem>>
        %dma_start3A_228 = arith.constant 0 : i32
        %dma_start3A_229 = arith.constant 0 : i32
        %dma_start3A_230 = tpu.memref_slice %arg4[%dma_start3A_228, %dma_start3A_229] : memref<10000x128xf32, #tpu.memory_space<hbm>> -> memref<10000x128xf32, #tpu.memory_space<hbm>>
        tpu.enqueue_indirect_dma source(%dma_start3A_230 : memref<10000x128xf32, #tpu.memory_space<hbm>>) target(%arg11 : memref<64x128xf32, #tpu.memory_space<vmem>>) offsets(%dma_start3A_227 : memref<64xi32, #tpu.memory_space<vmem>>) semaphore(%arg16 : memref<!tpu.dma_semaphore, #tpu.memory_space<semaphore_mem>>)
      } else {
      }
      %mul3A_206 = arith.constant 4 : i32
      %mul3A_207 = arith.muli %mul3A_206, %scan3A_158 : i32
      %add3A_208 = arith.constant 3 : i32
      %add3A_209 = arith.addi %mul3A_207, %add3A_208 : i32
      %dma_wait3A_210 = arith.constant 0 : i32
      %dma_wait3A_211 = tpu.memref_slice %arg7[%add3A_209, %dma_wait3A_210] : memref<40x64xi32, #tpu.memory_space<vmem>> -> memref<1x64xi32, #tpu.memory_space<vmem>>
      %dma_wait3A_212 = tpu.memref_squeeze %dma_wait3A_211 : memref<1x64xi32, #tpu.memory_space<vmem>> -> memref<64xi32, #tpu.memory_space<vmem>>
      %dma_wait3A_213 = arith.constant 0 : i32
      %dma_wait3A_214 = arith.constant 0 : i32
      %dma_wait3A_215 = tpu.memref_slice %arg4[%dma_wait3A_213, %dma_wait3A_214] : memref<10000x128xf32, #tpu.memory_space<hbm>> -> memref<10000x128xf32, #tpu.memory_space<hbm>>
      tpu.wait_indirect_dma semaphore(%arg17 : memref<!tpu.dma_semaphore, #tpu.memory_space<semaphore_mem>>) src(%dma_wait3A_215 : memref<10000x128xf32, #tpu.memory_space<hbm>>) dst(%arg12 : memref<64x128xf32, #tpu.memory_space<vmem>>)
      "tpu.region"() ({
        %run_scoped3A = tpu.sem_alloc : memref<!tpu.dma_semaphore, #tpu.memory_space<semaphore_mem>>
        %dma_start3A_223 = arith.constant 0 : i32
        %dma_start3A_224 = tpu.memref_slice %arg8[%add3A_209, %dma_start3A_223] : memref<40x64xi32, #tpu.memory_space<vmem>> -> memref<1x64xi32, #tpu.memory_space<vmem>>
        %dma_start3A_225 = tpu.memref_squeeze %dma_start3A_224 : memref<1x64xi32, #tpu.memory_space<vmem>> -> memref<64xi32, #tpu.memory_space<vmem>>
        %dma_start3A_226 = arith.constant 0 : i32
        %dma_start3A_227 = arith.constant 0 : i32
        %dma_start3A_228 = tpu.memref_slice %arg13[%dma_start3A_226, %dma_start3A_227] : memref<10240x128xf32, #tpu.memory_space<vmem_shared>> -> memref<10240x128xf32, #tpu.memory_space<vmem_shared>>
        tpu.enqueue_indirect_dma source(%arg12 : memref<64x128xf32, #tpu.memory_space<vmem>>) target(%dma_start3A_228 : memref<10240x128xf32, #tpu.memory_space<vmem_shared>>) offsets(%dma_start3A_225 : memref<64xi32, #tpu.memory_space<vmem>>) semaphore(%run_scoped3A : memref<!tpu.dma_semaphore, #tpu.memory_space<semaphore_mem>>) {add = true}
        %dma_wait3A_229 = arith.constant 0 : i32
        %dma_wait3A_230 = tpu.memref_slice %arg8[%add3A_209, %dma_wait3A_229] : memref<40x64xi32, #tpu.memory_space<vmem>> -> memref<1x64xi32, #tpu.memory_space<vmem>>
        %dma_wait3A_231 = tpu.memref_squeeze %dma_wait3A_230 : memref<1x64xi32, #tpu.memory_space<vmem>> -> memref<64xi32, #tpu.memory_space<vmem>>
        %dma_wait3A_232 = arith.constant 0 : i32
        %dma_wait3A_233 = arith.constant 0 : i32
        %dma_wait3A_234 = tpu.memref_slice %arg13[%dma_wait3A_232, %dma_wait3A_233] : memref<10240x128xf32, #tpu.memory_space<vmem_shared>> -> memref<10240x128xf32, #tpu.memory_space<vmem_shared>>
        tpu.wait_indirect_dma semaphore(%run_scoped3A : memref<!tpu.dma_semaphore, #tpu.memory_space<semaphore_mem>>) src(%arg12 : memref<64x128xf32, #tpu.memory_space<vmem>>) dst(%dma_wait3A_234 : memref<10240x128xf32, #tpu.memory_space<vmem_shared>>)
        tpu.yield
      }) : () -> ()
      %add3A_216 = arith.constant 4 : i32
      %add3A_217 = arith.addi %add3A_209, %add3A_216 : i32
      %lt3A_218 = arith.constant 40 : i32
      %lt3A_219 = arith.cmpi slt, %add3A_217, %lt3A_218 : i32
      %convert_element_type3A_220 = arith.extui %lt3A_219 : i1 to i32
      %cond3A_221 = arith.constant 0 : i32
      %cond3A_222 = arith.cmpi ne, %convert_element_type3A_220, %cond3A_221 : i32
      scf.if %cond3A_222 {
        %add3A_223 = arith.constant 4 : i32
        %add3A_224 = arith.addi %add3A_209, %add3A_223 : i32
        %dma_start3A_225 = arith.constant 0 : i32
        %dma_start3A_226 = tpu.memref_slice %arg7[%add3A_224, %dma_start3A_225] : memref<40x64xi32, #tpu.memory_space<vmem>> -> memref<1x64xi32, #tpu.memory_space<vmem>>
        %dma_start3A_227 = tpu.memref_squeeze %dma_start3A_226 : memref<1x64xi32, #tpu.memory_space<vmem>> -> memref<64xi32, #tpu.memory_space<vmem>>
        %dma_start3A_228 = arith.constant 0 : i32
        %dma_start3A_229 = arith.constant 0 : i32
        %dma_start3A_230 = tpu.memref_slice %arg4[%dma_start3A_228, %dma_start3A_229] : memref<10000x128xf32, #tpu.memory_space<hbm>> -> memref<10000x128xf32, #tpu.memory_space<hbm>>
        tpu.enqueue_indirect_dma source(%dma_start3A_230 : memref<10000x128xf32, #tpu.memory_space<hbm>>) target(%arg12 : memref<64x128xf32, #tpu.memory_space<vmem>>) offsets(%dma_start3A_227 : memref<64xi32, #tpu.memory_space<vmem>>) semaphore(%arg17 : memref<!tpu.dma_semaphore, #tpu.memory_space<semaphore_mem>>)
      } else {
      }
    }
    %scan3A_78 = arith.constant 10 : i32
    %add3A_79 = arith.constant 80 : i32
    %add3A_80 = arith.addi %mul3A_7, %add3A_79 : i32
    "tpu.region"() ({
      %run_scoped3A = tpu.sem_alloc : memref<!tpu.dma_semaphore, #tpu.memory_space<semaphore_mem>>
      %dma_start3A_158 = arith.constant 0 : i32
      %dma_start3A_159 = tpu.memref_slice %arg2[%add3A_80, %dma_start3A_158] : memref<5120x64xi32, #tpu.memory_space<hbm>> -> memref<40x64xi32, #tpu.memory_space<hbm>>
      %dma_start3A_160 = arith.constant 0 : i32
      %dma_start3A_161 = tpu.memref_slice %arg2[%add3A_80, %dma_start3A_160] : memref<5120x64xi32, #tpu.memory_space<hbm>> -> memref<40x64xi32, #tpu.memory_space<hbm>>
      tpu.enqueue_dma source(%dma_start3A_161 : memref<40x64xi32, #tpu.memory_space<hbm>>) target(%arg7 : memref<40x64xi32, #tpu.memory_space<vmem>>) target_semaphore(%run_scoped3A : memref<!tpu.dma_semaphore, #tpu.memory_space<semaphore_mem>>)
      %dma_wait3A = arith.constant 0 : i32
      %dma_wait3A_162 = tpu.memref_slice %arg2[%add3A_80, %dma_wait3A] : memref<5120x64xi32, #tpu.memory_space<hbm>> -> memref<40x64xi32, #tpu.memory_space<hbm>>
      %dma_wait3A_163 = arith.constant 0 : i32
      %dma_wait3A_164 = tpu.memref_slice %arg2[%add3A_80, %dma_wait3A_163] : memref<5120x64xi32, #tpu.memory_space<hbm>> -> memref<40x64xi32, #tpu.memory_space<hbm>>
      tpu.wait_dma2 semaphore(%run_scoped3A : memref<!tpu.dma_semaphore, #tpu.memory_space<semaphore_mem>>) src(%dma_wait3A_164 : memref<40x64xi32, #tpu.memory_space<hbm>>) dst(%arg7 : memref<40x64xi32, #tpu.memory_space<vmem>>)
      tpu.yield
    }) : () -> ()
    "tpu.region"() ({
      %run_scoped3A = tpu.sem_alloc : memref<!tpu.dma_semaphore, #tpu.memory_space<semaphore_mem>>
      %dma_start3A_158 = arith.constant 0 : i32
      %dma_start3A_159 = tpu.memref_slice %arg3[%add3A_80, %dma_start3A_158] : memref<5120x64xi32, #tpu.memory_space<hbm>> -> memref<40x64xi32, #tpu.memory_space<hbm>>
      %dma_start3A_160 = arith.constant 0 : i32
      %dma_start3A_161 = tpu.memref_slice %arg3[%add3A_80, %dma_start3A_160] : memref<5120x64xi32, #tpu.memory_space<hbm>> -> memref<40x64xi32, #tpu.memory_space<hbm>>
      tpu.enqueue_dma source(%dma_start3A_161 : memref<40x64xi32, #tpu.memory_space<hbm>>) target(%arg8 : memref<40x64xi32, #tpu.memory_space<vmem>>) target_semaphore(%run_scoped3A : memref<!tpu.dma_semaphore, #tpu.memory_space<semaphore_mem>>)
      %dma_wait3A = arith.constant 0 : i32
      %dma_wait3A_162 = tpu.memref_slice %arg3[%add3A_80, %dma_wait3A] : memref<5120x64xi32, #tpu.memory_space<hbm>> -> memref<40x64xi32, #tpu.memory_space<hbm>>
      %dma_wait3A_163 = arith.constant 0 : i32
      %dma_wait3A_164 = tpu.memref_slice %arg3[%add3A_80, %dma_wait3A_163] : memref<5120x64xi32, #tpu.memory_space<hbm>> -> memref<40x64xi32, #tpu.memory_space<hbm>>
      tpu.wait_dma2 semaphore(%run_scoped3A : memref<!tpu.dma_semaphore, #tpu.memory_space<semaphore_mem>>) src(%dma_wait3A_164 : memref<40x64xi32, #tpu.memory_space<hbm>>) dst(%arg8 : memref<40x64xi32, #tpu.memory_space<vmem>>)
      tpu.yield
    }) : () -> ()
    %dma_start3A_81 = arith.constant 0 : i32
    %dma_start3A_82 = arith.constant 0 : i32
    %dma_start3A_83 = tpu.memref_slice %arg7[%dma_start3A_81, %dma_start3A_82] : memref<40x64xi32, #tpu.memory_space<vmem>> -> memref<1x64xi32, #tpu.memory_space<vmem>>
    %dma_start3A_84 = tpu.memref_squeeze %dma_start3A_83 : memref<1x64xi32, #tpu.memory_space<vmem>> -> memref<64xi32, #tpu.memory_space<vmem>>
    %dma_start3A_85 = arith.constant 0 : i32
    %dma_start3A_86 = arith.constant 0 : i32
    %dma_start3A_87 = tpu.memref_slice %arg4[%dma_start3A_85, %dma_start3A_86] : memref<10000x128xf32, #tpu.memory_space<hbm>> -> memref<10000x128xf32, #tpu.memory_space<hbm>>
    tpu.enqueue_indirect_dma source(%dma_start3A_87 : memref<10000x128xf32, #tpu.memory_space<hbm>>) target(%arg9 : memref<64x128xf32, #tpu.memory_space<vmem>>) offsets(%dma_start3A_84 : memref<64xi32, #tpu.memory_space<vmem>>) semaphore(%arg14 : memref<!tpu.dma_semaphore, #tpu.memory_space<semaphore_mem>>)
    %dma_start3A_88 = arith.constant 1 : i32
    %dma_start3A_89 = arith.constant 0 : i32
    %dma_start3A_90 = tpu.memref_slice %arg7[%dma_start3A_88, %dma_start3A_89] : memref<40x64xi32, #tpu.memory_space<vmem>> -> memref<1x64xi32, #tpu.memory_space<vmem>>
    %dma_start3A_91 = tpu.memref_squeeze %dma_start3A_90 : memref<1x64xi32, #tpu.memory_space<vmem>> -> memref<64xi32, #tpu.memory_space<vmem>>
    %dma_start3A_92 = arith.constant 0 : i32
    %dma_start3A_93 = arith.constant 0 : i32
    %dma_start3A_94 = tpu.memref_slice %arg4[%dma_start3A_92, %dma_start3A_93] : memref<10000x128xf32, #tpu.memory_space<hbm>> -> memref<10000x128xf32, #tpu.memory_space<hbm>>
    tpu.enqueue_indirect_dma source(%dma_start3A_94 : memref<10000x128xf32, #tpu.memory_space<hbm>>) target(%arg10 : memref<64x128xf32, #tpu.memory_space<vmem>>) offsets(%dma_start3A_91 : memref<64xi32, #tpu.memory_space<vmem>>) semaphore(%arg15 : memref<!tpu.dma_semaphore, #tpu.memory_space<semaphore_mem>>)
    %dma_start3A_95 = arith.constant 2 : i32
    %dma_start3A_96 = arith.constant 0 : i32
    %dma_start3A_97 = tpu.memref_slice %arg7[%dma_start3A_95, %dma_start3A_96] : memref<40x64xi32, #tpu.memory_space<vmem>> -> memref<1x64xi32, #tpu.memory_space<vmem>>
    %dma_start3A_98 = tpu.memref_squeeze %dma_start3A_97 : memref<1x64xi32, #tpu.memory_space<vmem>> -> memref<64xi32, #tpu.memory_space<vmem>>
    %dma_start3A_99 = arith.constant 0 : i32
    %dma_start3A_100 = arith.constant 0 : i32
    %dma_start3A_101 = tpu.memref_slice %arg4[%dma_start3A_99, %dma_start3A_100] : memref<10000x128xf32, #tpu.memory_space<hbm>> -> memref<10000x128xf32, #tpu.memory_space<hbm>>
    tpu.enqueue_indirect_dma source(%dma_start3A_101 : memref<10000x128xf32, #tpu.memory_space<hbm>>) target(%arg11 : memref<64x128xf32, #tpu.memory_space<vmem>>) offsets(%dma_start3A_98 : memref<64xi32, #tpu.memory_space<vmem>>) semaphore(%arg16 : memref<!tpu.dma_semaphore, #tpu.memory_space<semaphore_mem>>)
    %dma_start3A_102 = arith.constant 3 : i32
    %dma_start3A_103 = arith.constant 0 : i32
    %dma_start3A_104 = tpu.memref_slice %arg7[%dma_start3A_102, %dma_start3A_103] : memref<40x64xi32, #tpu.memory_space<vmem>> -> memref<1x64xi32, #tpu.memory_space<vmem>>
    %dma_start3A_105 = tpu.memref_squeeze %dma_start3A_104 : memref<1x64xi32, #tpu.memory_space<vmem>> -> memref<64xi32, #tpu.memory_space<vmem>>
    %dma_start3A_106 = arith.constant 0 : i32
    %dma_start3A_107 = arith.constant 0 : i32
    %dma_start3A_108 = tpu.memref_slice %arg4[%dma_start3A_106, %dma_start3A_107] : memref<10000x128xf32, #tpu.memory_space<hbm>> -> memref<10000x128xf32, #tpu.memory_space<hbm>>
    tpu.enqueue_indirect_dma source(%dma_start3A_108 : memref<10000x128xf32, #tpu.memory_space<hbm>>) target(%arg12 : memref<64x128xf32, #tpu.memory_space<vmem>>) offsets(%dma_start3A_105 : memref<64xi32, #tpu.memory_space<vmem>>) semaphore(%arg17 : memref<!tpu.dma_semaphore, #tpu.memory_space<semaphore_mem>>)
    %scan3A_109 = arith.constant 0 : i32
    %scan3A_110 = arith.constant 0 : i32
    %scan3A_111 = arith.constant 10 : i32
    %scan3A_112 = arith.addi %scan3A_110, %scan3A_111 : i32
    %scan3A_113 = arith.constant 1 : i32
    scf.for %scan3A_158 = %scan3A_110 to %scan3A_112 step %scan3A_113  : i32 {
      %mul3A_159 = arith.constant 4 : i32
      %mul3A_160 = arith.muli %mul3A_159, %scan3A_158 : i32
      %add3A_161 = arith.constant 0 : i32
      %add3A_162 = arith.addi %mul3A_160, %add3A_161 : i32
      %dma_wait3A = arith.constant 0 : i32
      %dma_wait3A_163 = tpu.memref_slice %arg7[%add3A_162, %dma_wait3A] : memref<40x64xi32, #tpu.memory_space<vmem>> -> memref<1x64xi32, #tpu.memory_space<vmem>>
      %dma_wait3A_164 = tpu.memref_squeeze %dma_wait3A_163 : memref<1x64xi32, #tpu.memory_space<vmem>> -> memref<64xi32, #tpu.memory_space<vmem>>
      %dma_wait3A_165 = arith.constant 0 : i32
      %dma_wait3A_166 = arith.constant 0 : i32
      %dma_wait3A_167 = tpu.memref_slice %arg4[%dma_wait3A_165, %dma_wait3A_166] : memref<10000x128xf32, #tpu.memory_space<hbm>> -> memref<10000x128xf32, #tpu.memory_space<hbm>>
      tpu.wait_indirect_dma semaphore(%arg14 : memref<!tpu.dma_semaphore, #tpu.memory_space<semaphore_mem>>) src(%dma_wait3A_167 : memref<10000x128xf32, #tpu.memory_space<hbm>>) dst(%arg9 : memref<64x128xf32, #tpu.memory_space<vmem>>)
      "tpu.region"() ({
        %run_scoped3A = tpu.sem_alloc : memref<!tpu.dma_semaphore, #tpu.memory_space<semaphore_mem>>
        %dma_start3A_223 = arith.constant 0 : i32
        %dma_start3A_224 = tpu.memref_slice %arg8[%add3A_162, %dma_start3A_223] : memref<40x64xi32, #tpu.memory_space<vmem>> -> memref<1x64xi32, #tpu.memory_space<vmem>>
        %dma_start3A_225 = tpu.memref_squeeze %dma_start3A_224 : memref<1x64xi32, #tpu.memory_space<vmem>> -> memref<64xi32, #tpu.memory_space<vmem>>
        %dma_start3A_226 = arith.constant 0 : i32
        %dma_start3A_227 = arith.constant 0 : i32
        %dma_start3A_228 = tpu.memref_slice %arg13[%dma_start3A_226, %dma_start3A_227] : memref<10240x128xf32, #tpu.memory_space<vmem_shared>> -> memref<10240x128xf32, #tpu.memory_space<vmem_shared>>
        tpu.enqueue_indirect_dma source(%arg9 : memref<64x128xf32, #tpu.memory_space<vmem>>) target(%dma_start3A_228 : memref<10240x128xf32, #tpu.memory_space<vmem_shared>>) offsets(%dma_start3A_225 : memref<64xi32, #tpu.memory_space<vmem>>) semaphore(%run_scoped3A : memref<!tpu.dma_semaphore, #tpu.memory_space<semaphore_mem>>) {add = true}
        %dma_wait3A_229 = arith.constant 0 : i32
        %dma_wait3A_230 = tpu.memref_slice %arg8[%add3A_162, %dma_wait3A_229] : memref<40x64xi32, #tpu.memory_space<vmem>> -> memref<1x64xi32, #tpu.memory_space<vmem>>
        %dma_wait3A_231 = tpu.memref_squeeze %dma_wait3A_230 : memref<1x64xi32, #tpu.memory_space<vmem>> -> memref<64xi32, #tpu.memory_space<vmem>>
        %dma_wait3A_232 = arith.constant 0 : i32
        %dma_wait3A_233 = arith.constant 0 : i32
        %dma_wait3A_234 = tpu.memref_slice %arg13[%dma_wait3A_232, %dma_wait3A_233] : memref<10240x128xf32, #tpu.memory_space<vmem_shared>> -> memref<10240x128xf32, #tpu.memory_space<vmem_shared>>
        tpu.wait_indirect_dma semaphore(%run_scoped3A : memref<!tpu.dma_semaphore, #tpu.memory_space<semaphore_mem>>) src(%arg9 : memref<64x128xf32, #tpu.memory_space<vmem>>) dst(%dma_wait3A_234 : memref<10240x128xf32, #tpu.memory_space<vmem_shared>>)
        tpu.yield
      }) : () -> ()
      %add3A_168 = arith.constant 4 : i32
      %add3A_169 = arith.addi %add3A_162, %add3A_168 : i32
      %lt3A = arith.constant 40 : i32
      %lt3A_170 = arith.cmpi slt, %add3A_169, %lt3A : i32
      %convert_element_type3A = arith.extui %lt3A_170 : i1 to i32
      %cond3A = arith.constant 0 : i32
      %cond3A_171 = arith.cmpi ne, %convert_element_type3A, %cond3A : i32
      scf.if %cond3A_171 {
        %add3A_223 = arith.constant 4 : i32
        %add3A_224 = arith.addi %add3A_162, %add3A_223 : i32
        %dma_start3A_225 = arith.constant 0 : i32
        %dma_start3A_226 = tpu.memref_slice %arg7[%add3A_224, %dma_start3A_225] : memref<40x64xi32, #tpu.memory_space<vmem>> -> memref<1x64xi32, #tpu.memory_space<vmem>>
        %dma_start3A_227 = tpu.memref_squeeze %dma_start3A_226 : memref<1x64xi32, #tpu.memory_space<vmem>> -> memref<64xi32, #tpu.memory_space<vmem>>
        %dma_start3A_228 = arith.constant 0 : i32
        %dma_start3A_229 = arith.constant 0 : i32
        %dma_start3A_230 = tpu.memref_slice %arg4[%dma_start3A_228, %dma_start3A_229] : memref<10000x128xf32, #tpu.memory_space<hbm>> -> memref<10000x128xf32, #tpu.memory_space<hbm>>
        tpu.enqueue_indirect_dma source(%dma_start3A_230 : memref<10000x128xf32, #tpu.memory_space<hbm>>) target(%arg9 : memref<64x128xf32, #tpu.memory_space<vmem>>) offsets(%dma_start3A_227 : memref<64xi32, #tpu.memory_space<vmem>>) semaphore(%arg14 : memref<!tpu.dma_semaphore, #tpu.memory_space<semaphore_mem>>)
      } else {
      }
      %mul3A_172 = arith.constant 4 : i32
      %mul3A_173 = arith.muli %mul3A_172, %scan3A_158 : i32
      %add3A_174 = arith.constant 1 : i32
      %add3A_175 = arith.addi %mul3A_173, %add3A_174 : i32
      %dma_wait3A_176 = arith.constant 0 : i32
      %dma_wait3A_177 = tpu.memref_slice %arg7[%add3A_175, %dma_wait3A_176] : memref<40x64xi32, #tpu.memory_space<vmem>> -> memref<1x64xi32, #tpu.memory_space<vmem>>
      %dma_wait3A_178 = tpu.memref_squeeze %dma_wait3A_177 : memref<1x64xi32, #tpu.memory_space<vmem>> -> memref<64xi32, #tpu.memory_space<vmem>>
      %dma_wait3A_179 = arith.constant 0 : i32
      %dma_wait3A_180 = arith.constant 0 : i32
      %dma_wait3A_181 = tpu.memref_slice %arg4[%dma_wait3A_179, %dma_wait3A_180] : memref<10000x128xf32, #tpu.memory_space<hbm>> -> memref<10000x128xf32, #tpu.memory_space<hbm>>
      tpu.wait_indirect_dma semaphore(%arg15 : memref<!tpu.dma_semaphore, #tpu.memory_space<semaphore_mem>>) src(%dma_wait3A_181 : memref<10000x128xf32, #tpu.memory_space<hbm>>) dst(%arg10 : memref<64x128xf32, #tpu.memory_space<vmem>>)
      "tpu.region"() ({
        %run_scoped3A = tpu.sem_alloc : memref<!tpu.dma_semaphore, #tpu.memory_space<semaphore_mem>>
        %dma_start3A_223 = arith.constant 0 : i32
        %dma_start3A_224 = tpu.memref_slice %arg8[%add3A_175, %dma_start3A_223] : memref<40x64xi32, #tpu.memory_space<vmem>> -> memref<1x64xi32, #tpu.memory_space<vmem>>
        %dma_start3A_225 = tpu.memref_squeeze %dma_start3A_224 : memref<1x64xi32, #tpu.memory_space<vmem>> -> memref<64xi32, #tpu.memory_space<vmem>>
        %dma_start3A_226 = arith.constant 0 : i32
        %dma_start3A_227 = arith.constant 0 : i32
        %dma_start3A_228 = tpu.memref_slice %arg13[%dma_start3A_226, %dma_start3A_227] : memref<10240x128xf32, #tpu.memory_space<vmem_shared>> -> memref<10240x128xf32, #tpu.memory_space<vmem_shared>>
        tpu.enqueue_indirect_dma source(%arg10 : memref<64x128xf32, #tpu.memory_space<vmem>>) target(%dma_start3A_228 : memref<10240x128xf32, #tpu.memory_space<vmem_shared>>) offsets(%dma_start3A_225 : memref<64xi32, #tpu.memory_space<vmem>>) semaphore(%run_scoped3A : memref<!tpu.dma_semaphore, #tpu.memory_space<semaphore_mem>>) {add = true}
        %dma_wait3A_229 = arith.constant 0 : i32
        %dma_wait3A_230 = tpu.memref_slice %arg8[%add3A_175, %dma_wait3A_229] : memref<40x64xi32, #tpu.memory_space<vmem>> -> memref<1x64xi32, #tpu.memory_space<vmem>>
        %dma_wait3A_231 = tpu.memref_squeeze %dma_wait3A_230 : memref<1x64xi32, #tpu.memory_space<vmem>> -> memref<64xi32, #tpu.memory_space<vmem>>
        %dma_wait3A_232 = arith.constant 0 : i32
        %dma_wait3A_233 = arith.constant 0 : i32
        %dma_wait3A_234 = tpu.memref_slice %arg13[%dma_wait3A_232, %dma_wait3A_233] : memref<10240x128xf32, #tpu.memory_space<vmem_shared>> -> memref<10240x128xf32, #tpu.memory_space<vmem_shared>>
        tpu.wait_indirect_dma semaphore(%run_scoped3A : memref<!tpu.dma_semaphore, #tpu.memory_space<semaphore_mem>>) src(%arg10 : memref<64x128xf32, #tpu.memory_space<vmem>>) dst(%dma_wait3A_234 : memref<10240x128xf32, #tpu.memory_space<vmem_shared>>)
        tpu.yield
      }) : () -> ()
      %add3A_182 = arith.constant 4 : i32
      %add3A_183 = arith.addi %add3A_175, %add3A_182 : i32
      %lt3A_184 = arith.constant 40 : i32
      %lt3A_185 = arith.cmpi slt, %add3A_183, %lt3A_184 : i32
      %convert_element_type3A_186 = arith.extui %lt3A_185 : i1 to i32
      %cond3A_187 = arith.constant 0 : i32
      %cond3A_188 = arith.cmpi ne, %convert_element_type3A_186, %cond3A_187 : i32
      scf.if %cond3A_188 {
        %add3A_223 = arith.constant 4 : i32
        %add3A_224 = arith.addi %add3A_175, %add3A_223 : i32
        %dma_start3A_225 = arith.constant 0 : i32
        %dma_start3A_226 = tpu.memref_slice %arg7[%add3A_224, %dma_start3A_225] : memref<40x64xi32, #tpu.memory_space<vmem>> -> memref<1x64xi32, #tpu.memory_space<vmem>>
        %dma_start3A_227 = tpu.memref_squeeze %dma_start3A_226 : memref<1x64xi32, #tpu.memory_space<vmem>> -> memref<64xi32, #tpu.memory_space<vmem>>
        %dma_start3A_228 = arith.constant 0 : i32
        %dma_start3A_229 = arith.constant 0 : i32
        %dma_start3A_230 = tpu.memref_slice %arg4[%dma_start3A_228, %dma_start3A_229] : memref<10000x128xf32, #tpu.memory_space<hbm>> -> memref<10000x128xf32, #tpu.memory_space<hbm>>
        tpu.enqueue_indirect_dma source(%dma_start3A_230 : memref<10000x128xf32, #tpu.memory_space<hbm>>) target(%arg10 : memref<64x128xf32, #tpu.memory_space<vmem>>) offsets(%dma_start3A_227 : memref<64xi32, #tpu.memory_space<vmem>>) semaphore(%arg15 : memref<!tpu.dma_semaphore, #tpu.memory_space<semaphore_mem>>)
      } else {
      }
      %mul3A_189 = arith.constant 4 : i32
      %mul3A_190 = arith.muli %mul3A_189, %scan3A_158 : i32
      %add3A_191 = arith.constant 2 : i32
      %add3A_192 = arith.addi %mul3A_190, %add3A_191 : i32
      %dma_wait3A_193 = arith.constant 0 : i32
      %dma_wait3A_194 = tpu.memref_slice %arg7[%add3A_192, %dma_wait3A_193] : memref<40x64xi32, #tpu.memory_space<vmem>> -> memref<1x64xi32, #tpu.memory_space<vmem>>
      %dma_wait3A_195 = tpu.memref_squeeze %dma_wait3A_194 : memref<1x64xi32, #tpu.memory_space<vmem>> -> memref<64xi32, #tpu.memory_space<vmem>>
      %dma_wait3A_196 = arith.constant 0 : i32
      %dma_wait3A_197 = arith.constant 0 : i32
      %dma_wait3A_198 = tpu.memref_slice %arg4[%dma_wait3A_196, %dma_wait3A_197] : memref<10000x128xf32, #tpu.memory_space<hbm>> -> memref<10000x128xf32, #tpu.memory_space<hbm>>
      tpu.wait_indirect_dma semaphore(%arg16 : memref<!tpu.dma_semaphore, #tpu.memory_space<semaphore_mem>>) src(%dma_wait3A_198 : memref<10000x128xf32, #tpu.memory_space<hbm>>) dst(%arg11 : memref<64x128xf32, #tpu.memory_space<vmem>>)
      "tpu.region"() ({
        %run_scoped3A = tpu.sem_alloc : memref<!tpu.dma_semaphore, #tpu.memory_space<semaphore_mem>>
        %dma_start3A_223 = arith.constant 0 : i32
        %dma_start3A_224 = tpu.memref_slice %arg8[%add3A_192, %dma_start3A_223] : memref<40x64xi32, #tpu.memory_space<vmem>> -> memref<1x64xi32, #tpu.memory_space<vmem>>
        %dma_start3A_225 = tpu.memref_squeeze %dma_start3A_224 : memref<1x64xi32, #tpu.memory_space<vmem>> -> memref<64xi32, #tpu.memory_space<vmem>>
        %dma_start3A_226 = arith.constant 0 : i32
        %dma_start3A_227 = arith.constant 0 : i32
        %dma_start3A_228 = tpu.memref_slice %arg13[%dma_start3A_226, %dma_start3A_227] : memref<10240x128xf32, #tpu.memory_space<vmem_shared>> -> memref<10240x128xf32, #tpu.memory_space<vmem_shared>>
        tpu.enqueue_indirect_dma source(%arg11 : memref<64x128xf32, #tpu.memory_space<vmem>>) target(%dma_start3A_228 : memref<10240x128xf32, #tpu.memory_space<vmem_shared>>) offsets(%dma_start3A_225 : memref<64xi32, #tpu.memory_space<vmem>>) semaphore(%run_scoped3A : memref<!tpu.dma_semaphore, #tpu.memory_space<semaphore_mem>>) {add = true}
        %dma_wait3A_229 = arith.constant 0 : i32
        %dma_wait3A_230 = tpu.memref_slice %arg8[%add3A_192, %dma_wait3A_229] : memref<40x64xi32, #tpu.memory_space<vmem>> -> memref<1x64xi32, #tpu.memory_space<vmem>>
        %dma_wait3A_231 = tpu.memref_squeeze %dma_wait3A_230 : memref<1x64xi32, #tpu.memory_space<vmem>> -> memref<64xi32, #tpu.memory_space<vmem>>
        %dma_wait3A_232 = arith.constant 0 : i32
        %dma_wait3A_233 = arith.constant 0 : i32
        %dma_wait3A_234 = tpu.memref_slice %arg13[%dma_wait3A_232, %dma_wait3A_233] : memref<10240x128xf32, #tpu.memory_space<vmem_shared>> -> memref<10240x128xf32, #tpu.memory_space<vmem_shared>>
        tpu.wait_indirect_dma semaphore(%run_scoped3A : memref<!tpu.dma_semaphore, #tpu.memory_space<semaphore_mem>>) src(%arg11 : memref<64x128xf32, #tpu.memory_space<vmem>>) dst(%dma_wait3A_234 : memref<10240x128xf32, #tpu.memory_space<vmem_shared>>)
        tpu.yield
      }) : () -> ()
      %add3A_199 = arith.constant 4 : i32
      %add3A_200 = arith.addi %add3A_192, %add3A_199 : i32
      %lt3A_201 = arith.constant 40 : i32
      %lt3A_202 = arith.cmpi slt, %add3A_200, %lt3A_201 : i32
      %convert_element_type3A_203 = arith.extui %lt3A_202 : i1 to i32
      %cond3A_204 = arith.constant 0 : i32
      %cond3A_205 = arith.cmpi ne, %convert_element_type3A_203, %cond3A_204 : i32
      scf.if %cond3A_205 {
        %add3A_223 = arith.constant 4 : i32
        %add3A_224 = arith.addi %add3A_192, %add3A_223 : i32
        %dma_start3A_225 = arith.constant 0 : i32
        %dma_start3A_226 = tpu.memref_slice %arg7[%add3A_224, %dma_start3A_225] : memref<40x64xi32, #tpu.memory_space<vmem>> -> memref<1x64xi32, #tpu.memory_space<vmem>>
        %dma_start3A_227 = tpu.memref_squeeze %dma_start3A_226 : memref<1x64xi32, #tpu.memory_space<vmem>> -> memref<64xi32, #tpu.memory_space<vmem>>
        %dma_start3A_228 = arith.constant 0 : i32
        %dma_start3A_229 = arith.constant 0 : i32
        %dma_start3A_230 = tpu.memref_slice %arg4[%dma_start3A_228, %dma_start3A_229] : memref<10000x128xf32, #tpu.memory_space<hbm>> -> memref<10000x128xf32, #tpu.memory_space<hbm>>
        tpu.enqueue_indirect_dma source(%dma_start3A_230 : memref<10000x128xf32, #tpu.memory_space<hbm>>) target(%arg11 : memref<64x128xf32, #tpu.memory_space<vmem>>) offsets(%dma_start3A_227 : memref<64xi32, #tpu.memory_space<vmem>>) semaphore(%arg16 : memref<!tpu.dma_semaphore, #tpu.memory_space<semaphore_mem>>)
      } else {
      }
      %mul3A_206 = arith.constant 4 : i32
      %mul3A_207 = arith.muli %mul3A_206, %scan3A_158 : i32
      %add3A_208 = arith.constant 3 : i32
      %add3A_209 = arith.addi %mul3A_207, %add3A_208 : i32
      %dma_wait3A_210 = arith.constant 0 : i32
      %dma_wait3A_211 = tpu.memref_slice %arg7[%add3A_209, %dma_wait3A_210] : memref<40x64xi32, #tpu.memory_space<vmem>> -> memref<1x64xi32, #tpu.memory_space<vmem>>
      %dma_wait3A_212 = tpu.memref_squeeze %dma_wait3A_211 : memref<1x64xi32, #tpu.memory_space<vmem>> -> memref<64xi32, #tpu.memory_space<vmem>>
      %dma_wait3A_213 = arith.constant 0 : i32
      %dma_wait3A_214 = arith.constant 0 : i32
      %dma_wait3A_215 = tpu.memref_slice %arg4[%dma_wait3A_213, %dma_wait3A_214] : memref<10000x128xf32, #tpu.memory_space<hbm>> -> memref<10000x128xf32, #tpu.memory_space<hbm>>
      tpu.wait_indirect_dma semaphore(%arg17 : memref<!tpu.dma_semaphore, #tpu.memory_space<semaphore_mem>>) src(%dma_wait3A_215 : memref<10000x128xf32, #tpu.memory_space<hbm>>) dst(%arg12 : memref<64x128xf32, #tpu.memory_space<vmem>>)
      "tpu.region"() ({
        %run_scoped3A = tpu.sem_alloc : memref<!tpu.dma_semaphore, #tpu.memory_space<semaphore_mem>>
        %dma_start3A_223 = arith.constant 0 : i32
        %dma_start3A_224 = tpu.memref_slice %arg8[%add3A_209, %dma_start3A_223] : memref<40x64xi32, #tpu.memory_space<vmem>> -> memref<1x64xi32, #tpu.memory_space<vmem>>
        %dma_start3A_225 = tpu.memref_squeeze %dma_start3A_224 : memref<1x64xi32, #tpu.memory_space<vmem>> -> memref<64xi32, #tpu.memory_space<vmem>>
        %dma_start3A_226 = arith.constant 0 : i32
        %dma_start3A_227 = arith.constant 0 : i32
        %dma_start3A_228 = tpu.memref_slice %arg13[%dma_start3A_226, %dma_start3A_227] : memref<10240x128xf32, #tpu.memory_space<vmem_shared>> -> memref<10240x128xf32, #tpu.memory_space<vmem_shared>>
        tpu.enqueue_indirect_dma source(%arg12 : memref<64x128xf32, #tpu.memory_space<vmem>>) target(%dma_start3A_228 : memref<10240x128xf32, #tpu.memory_space<vmem_shared>>) offsets(%dma_start3A_225 : memref<64xi32, #tpu.memory_space<vmem>>) semaphore(%run_scoped3A : memref<!tpu.dma_semaphore, #tpu.memory_space<semaphore_mem>>) {add = true}
        %dma_wait3A_229 = arith.constant 0 : i32
        %dma_wait3A_230 = tpu.memref_slice %arg8[%add3A_209, %dma_wait3A_229] : memref<40x64xi32, #tpu.memory_space<vmem>> -> memref<1x64xi32, #tpu.memory_space<vmem>>
        %dma_wait3A_231 = tpu.memref_squeeze %dma_wait3A_230 : memref<1x64xi32, #tpu.memory_space<vmem>> -> memref<64xi32, #tpu.memory_space<vmem>>
        %dma_wait3A_232 = arith.constant 0 : i32
        %dma_wait3A_233 = arith.constant 0 : i32
        %dma_wait3A_234 = tpu.memref_slice %arg13[%dma_wait3A_232, %dma_wait3A_233] : memref<10240x128xf32, #tpu.memory_space<vmem_shared>> -> memref<10240x128xf32, #tpu.memory_space<vmem_shared>>
        tpu.wait_indirect_dma semaphore(%run_scoped3A : memref<!tpu.dma_semaphore, #tpu.memory_space<semaphore_mem>>) src(%arg12 : memref<64x128xf32, #tpu.memory_space<vmem>>) dst(%dma_wait3A_234 : memref<10240x128xf32, #tpu.memory_space<vmem_shared>>)
        tpu.yield
      }) : () -> ()
      %add3A_216 = arith.constant 4 : i32
      %add3A_217 = arith.addi %add3A_209, %add3A_216 : i32
      %lt3A_218 = arith.constant 40 : i32
      %lt3A_219 = arith.cmpi slt, %add3A_217, %lt3A_218 : i32
      %convert_element_type3A_220 = arith.extui %lt3A_219 : i1 to i32
      %cond3A_221 = arith.constant 0 : i32
      %cond3A_222 = arith.cmpi ne, %convert_element_type3A_220, %cond3A_221 : i32
      scf.if %cond3A_222 {
        %add3A_223 = arith.constant 4 : i32
        %add3A_224 = arith.addi %add3A_209, %add3A_223 : i32
        %dma_start3A_225 = arith.constant 0 : i32
        %dma_start3A_226 = tpu.memref_slice %arg7[%add3A_224, %dma_start3A_225] : memref<40x64xi32, #tpu.memory_space<vmem>> -> memref<1x64xi32, #tpu.memory_space<vmem>>
        %dma_start3A_227 = tpu.memref_squeeze %dma_start3A_226 : memref<1x64xi32, #tpu.memory_space<vmem>> -> memref<64xi32, #tpu.memory_space<vmem>>
        %dma_start3A_228 = arith.constant 0 : i32
        %dma_start3A_229 = arith.constant 0 : i32
        %dma_start3A_230 = tpu.memref_slice %arg4[%dma_start3A_228, %dma_start3A_229] : memref<10000x128xf32, #tpu.memory_space<hbm>> -> memref<10000x128xf32, #tpu.memory_space<hbm>>
        tpu.enqueue_indirect_dma source(%dma_start3A_230 : memref<10000x128xf32, #tpu.memory_space<hbm>>) target(%arg12 : memref<64x128xf32, #tpu.memory_space<vmem>>) offsets(%dma_start3A_227 : memref<64xi32, #tpu.memory_space<vmem>>) semaphore(%arg17 : memref<!tpu.dma_semaphore, #tpu.memory_space<semaphore_mem>>)
      } else {
      }
    }
    %scan3A_114 = arith.constant 10 : i32
    %add3A_115 = arith.constant 120 : i32
    %add3A_116 = arith.addi %mul3A_7, %add3A_115 : i32
    "tpu.region"() ({
      %run_scoped3A = tpu.sem_alloc : memref<!tpu.dma_semaphore, #tpu.memory_space<semaphore_mem>>
      %dma_start3A_158 = arith.constant 0 : i32
      %dma_start3A_159 = tpu.memref_slice %arg2[%add3A_116, %dma_start3A_158] : memref<5120x64xi32, #tpu.memory_space<hbm>> -> memref<40x64xi32, #tpu.memory_space<hbm>>
      %dma_start3A_160 = arith.constant 0 : i32
      %dma_start3A_161 = tpu.memref_slice %arg2[%add3A_116, %dma_start3A_160] : memref<5120x64xi32, #tpu.memory_space<hbm>> -> memref<40x64xi32, #tpu.memory_space<hbm>>
      tpu.enqueue_dma source(%dma_start3A_161 : memref<40x64xi32, #tpu.memory_space<hbm>>) target(%arg7 : memref<40x64xi32, #tpu.memory_space<vmem>>) target_semaphore(%run_scoped3A : memref<!tpu.dma_semaphore, #tpu.memory_space<semaphore_mem>>)
      %dma_wait3A = arith.constant 0 : i32
      %dma_wait3A_162 = tpu.memref_slice %arg2[%add3A_116, %dma_wait3A] : memref<5120x64xi32, #tpu.memory_space<hbm>> -> memref<40x64xi32, #tpu.memory_space<hbm>>
      %dma_wait3A_163 = arith.constant 0 : i32
      %dma_wait3A_164 = tpu.memref_slice %arg2[%add3A_116, %dma_wait3A_163] : memref<5120x64xi32, #tpu.memory_space<hbm>> -> memref<40x64xi32, #tpu.memory_space<hbm>>
      tpu.wait_dma2 semaphore(%run_scoped3A : memref<!tpu.dma_semaphore, #tpu.memory_space<semaphore_mem>>) src(%dma_wait3A_164 : memref<40x64xi32, #tpu.memory_space<hbm>>) dst(%arg7 : memref<40x64xi32, #tpu.memory_space<vmem>>)
      tpu.yield
    }) : () -> ()
    "tpu.region"() ({
      %run_scoped3A = tpu.sem_alloc : memref<!tpu.dma_semaphore, #tpu.memory_space<semaphore_mem>>
      %dma_start3A_158 = arith.constant 0 : i32
      %dma_start3A_159 = tpu.memref_slice %arg3[%add3A_116, %dma_start3A_158] : memref<5120x64xi32, #tpu.memory_space<hbm>> -> memref<40x64xi32, #tpu.memory_space<hbm>>
      %dma_start3A_160 = arith.constant 0 : i32
      %dma_start3A_161 = tpu.memref_slice %arg3[%add3A_116, %dma_start3A_160] : memref<5120x64xi32, #tpu.memory_space<hbm>> -> memref<40x64xi32, #tpu.memory_space<hbm>>
      tpu.enqueue_dma source(%dma_start3A_161 : memref<40x64xi32, #tpu.memory_space<hbm>>) target(%arg8 : memref<40x64xi32, #tpu.memory_space<vmem>>) target_semaphore(%run_scoped3A : memref<!tpu.dma_semaphore, #tpu.memory_space<semaphore_mem>>)
      %dma_wait3A = arith.constant 0 : i32
      %dma_wait3A_162 = tpu.memref_slice %arg3[%add3A_116, %dma_wait3A] : memref<5120x64xi32, #tpu.memory_space<hbm>> -> memref<40x64xi32, #tpu.memory_space<hbm>>
      %dma_wait3A_163 = arith.constant 0 : i32
      %dma_wait3A_164 = tpu.memref_slice %arg3[%add3A_116, %dma_wait3A_163] : memref<5120x64xi32, #tpu.memory_space<hbm>> -> memref<40x64xi32, #tpu.memory_space<hbm>>
      tpu.wait_dma2 semaphore(%run_scoped3A : memref<!tpu.dma_semaphore, #tpu.memory_space<semaphore_mem>>) src(%dma_wait3A_164 : memref<40x64xi32, #tpu.memory_space<hbm>>) dst(%arg8 : memref<40x64xi32, #tpu.memory_space<vmem>>)
      tpu.yield
    }) : () -> ()
    %dma_start3A_117 = arith.constant 0 : i32
    %dma_start3A_118 = arith.constant 0 : i32
    %dma_start3A_119 = tpu.memref_slice %arg7[%dma_start3A_117, %dma_start3A_118] : memref<40x64xi32, #tpu.memory_space<vmem>> -> memref<1x64xi32, #tpu.memory_space<vmem>>
    %dma_start3A_120 = tpu.memref_squeeze %dma_start3A_119 : memref<1x64xi32, #tpu.memory_space<vmem>> -> memref<64xi32, #tpu.memory_space<vmem>>
    %dma_start3A_121 = arith.constant 0 : i32
    %dma_start3A_122 = arith.constant 0 : i32
    %dma_start3A_123 = tpu.memref_slice %arg4[%dma_start3A_121, %dma_start3A_122] : memref<10000x128xf32, #tpu.memory_space<hbm>> -> memref<10000x128xf32, #tpu.memory_space<hbm>>
    tpu.enqueue_indirect_dma source(%dma_start3A_123 : memref<10000x128xf32, #tpu.memory_space<hbm>>) target(%arg9 : memref<64x128xf32, #tpu.memory_space<vmem>>) offsets(%dma_start3A_120 : memref<64xi32, #tpu.memory_space<vmem>>) semaphore(%arg14 : memref<!tpu.dma_semaphore, #tpu.memory_space<semaphore_mem>>)
    %dma_start3A_124 = arith.constant 1 : i32
    %dma_start3A_125 = arith.constant 0 : i32
    %dma_start3A_126 = tpu.memref_slice %arg7[%dma_start3A_124, %dma_start3A_125] : memref<40x64xi32, #tpu.memory_space<vmem>> -> memref<1x64xi32, #tpu.memory_space<vmem>>
    %dma_start3A_127 = tpu.memref_squeeze %dma_start3A_126 : memref<1x64xi32, #tpu.memory_space<vmem>> -> memref<64xi32, #tpu.memory_space<vmem>>
    %dma_start3A_128 = arith.constant 0 : i32
    %dma_start3A_129 = arith.constant 0 : i32
    %dma_start3A_130 = tpu.memref_slice %arg4[%dma_start3A_128, %dma_start3A_129] : memref<10000x128xf32, #tpu.memory_space<hbm>> -> memref<10000x128xf32, #tpu.memory_space<hbm>>
    tpu.enqueue_indirect_dma source(%dma_start3A_130 : memref<10000x128xf32, #tpu.memory_space<hbm>>) target(%arg10 : memref<64x128xf32, #tpu.memory_space<vmem>>) offsets(%dma_start3A_127 : memref<64xi32, #tpu.memory_space<vmem>>) semaphore(%arg15 : memref<!tpu.dma_semaphore, #tpu.memory_space<semaphore_mem>>)
    %dma_start3A_131 = arith.constant 2 : i32
    %dma_start3A_132 = arith.constant 0 : i32
    %dma_start3A_133 = tpu.memref_slice %arg7[%dma_start3A_131, %dma_start3A_132] : memref<40x64xi32, #tpu.memory_space<vmem>> -> memref<1x64xi32, #tpu.memory_space<vmem>>
    %dma_start3A_134 = tpu.memref_squeeze %dma_start3A_133 : memref<1x64xi32, #tpu.memory_space<vmem>> -> memref<64xi32, #tpu.memory_space<vmem>>
    %dma_start3A_135 = arith.constant 0 : i32
    %dma_start3A_136 = arith.constant 0 : i32
    %dma_start3A_137 = tpu.memref_slice %arg4[%dma_start3A_135, %dma_start3A_136] : memref<10000x128xf32, #tpu.memory_space<hbm>> -> memref<10000x128xf32, #tpu.memory_space<hbm>>
    tpu.enqueue_indirect_dma source(%dma_start3A_137 : memref<10000x128xf32, #tpu.memory_space<hbm>>) target(%arg11 : memref<64x128xf32, #tpu.memory_space<vmem>>) offsets(%dma_start3A_134 : memref<64xi32, #tpu.memory_space<vmem>>) semaphore(%arg16 : memref<!tpu.dma_semaphore, #tpu.memory_space<semaphore_mem>>)
    %dma_start3A_138 = arith.constant 3 : i32
    %dma_start3A_139 = arith.constant 0 : i32
    %dma_start3A_140 = tpu.memref_slice %arg7[%dma_start3A_138, %dma_start3A_139] : memref<40x64xi32, #tpu.memory_space<vmem>> -> memref<1x64xi32, #tpu.memory_space<vmem>>
    %dma_start3A_141 = tpu.memref_squeeze %dma_start3A_140 : memref<1x64xi32, #tpu.memory_space<vmem>> -> memref<64xi32, #tpu.memory_space<vmem>>
    %dma_start3A_142 = arith.constant 0 : i32
    %dma_start3A_143 = arith.constant 0 : i32
    %dma_start3A_144 = tpu.memref_slice %arg4[%dma_start3A_142, %dma_start3A_143] : memref<10000x128xf32, #tpu.memory_space<hbm>> -> memref<10000x128xf32, #tpu.memory_space<hbm>>
    tpu.enqueue_indirect_dma source(%dma_start3A_144 : memref<10000x128xf32, #tpu.memory_space<hbm>>) target(%arg12 : memref<64x128xf32, #tpu.memory_space<vmem>>) offsets(%dma_start3A_141 : memref<64xi32, #tpu.memory_space<vmem>>) semaphore(%arg17 : memref<!tpu.dma_semaphore, #tpu.memory_space<semaphore_mem>>)
    %scan3A_145 = arith.constant 0 : i32
    %scan3A_146 = arith.constant 0 : i32
    %scan3A_147 = arith.constant 10 : i32
    %scan3A_148 = arith.addi %scan3A_146, %scan3A_147 : i32
    %scan3A_149 = arith.constant 1 : i32
    scf.for %scan3A_158 = %scan3A_146 to %scan3A_148 step %scan3A_149  : i32 {
      %mul3A_159 = arith.constant 4 : i32
      %mul3A_160 = arith.muli %mul3A_159, %scan3A_158 : i32
      %add3A_161 = arith.constant 0 : i32
      %add3A_162 = arith.addi %mul3A_160, %add3A_161 : i32
      %dma_wait3A = arith.constant 0 : i32
      %dma_wait3A_163 = tpu.memref_slice %arg7[%add3A_162, %dma_wait3A] : memref<40x64xi32, #tpu.memory_space<vmem>> -> memref<1x64xi32, #tpu.memory_space<vmem>>
      %dma_wait3A_164 = tpu.memref_squeeze %dma_wait3A_163 : memref<1x64xi32, #tpu.memory_space<vmem>> -> memref<64xi32, #tpu.memory_space<vmem>>
      %dma_wait3A_165 = arith.constant 0 : i32
      %dma_wait3A_166 = arith.constant 0 : i32
      %dma_wait3A_167 = tpu.memref_slice %arg4[%dma_wait3A_165, %dma_wait3A_166] : memref<10000x128xf32, #tpu.memory_space<hbm>> -> memref<10000x128xf32, #tpu.memory_space<hbm>>
      tpu.wait_indirect_dma semaphore(%arg14 : memref<!tpu.dma_semaphore, #tpu.memory_space<semaphore_mem>>) src(%dma_wait3A_167 : memref<10000x128xf32, #tpu.memory_space<hbm>>) dst(%arg9 : memref<64x128xf32, #tpu.memory_space<vmem>>)
      "tpu.region"() ({
        %run_scoped3A = tpu.sem_alloc : memref<!tpu.dma_semaphore, #tpu.memory_space<semaphore_mem>>
        %dma_start3A_223 = arith.constant 0 : i32
        %dma_start3A_224 = tpu.memref_slice %arg8[%add3A_162, %dma_start3A_223] : memref<40x64xi32, #tpu.memory_space<vmem>> -> memref<1x64xi32, #tpu.memory_space<vmem>>
        %dma_start3A_225 = tpu.memref_squeeze %dma_start3A_224 : memref<1x64xi32, #tpu.memory_space<vmem>> -> memref<64xi32, #tpu.memory_space<vmem>>
        %dma_start3A_226 = arith.constant 0 : i32
        %dma_start3A_227 = arith.constant 0 : i32
        %dma_start3A_228 = tpu.memref_slice %arg13[%dma_start3A_226, %dma_start3A_227] : memref<10240x128xf32, #tpu.memory_space<vmem_shared>> -> memref<10240x128xf32, #tpu.memory_space<vmem_shared>>
        tpu.enqueue_indirect_dma source(%arg9 : memref<64x128xf32, #tpu.memory_space<vmem>>) target(%dma_start3A_228 : memref<10240x128xf32, #tpu.memory_space<vmem_shared>>) offsets(%dma_start3A_225 : memref<64xi32, #tpu.memory_space<vmem>>) semaphore(%run_scoped3A : memref<!tpu.dma_semaphore, #tpu.memory_space<semaphore_mem>>) {add = true}
        %dma_wait3A_229 = arith.constant 0 : i32
        %dma_wait3A_230 = tpu.memref_slice %arg8[%add3A_162, %dma_wait3A_229] : memref<40x64xi32, #tpu.memory_space<vmem>> -> memref<1x64xi32, #tpu.memory_space<vmem>>
        %dma_wait3A_231 = tpu.memref_squeeze %dma_wait3A_230 : memref<1x64xi32, #tpu.memory_space<vmem>> -> memref<64xi32, #tpu.memory_space<vmem>>
        %dma_wait3A_232 = arith.constant 0 : i32
        %dma_wait3A_233 = arith.constant 0 : i32
        %dma_wait3A_234 = tpu.memref_slice %arg13[%dma_wait3A_232, %dma_wait3A_233] : memref<10240x128xf32, #tpu.memory_space<vmem_shared>> -> memref<10240x128xf32, #tpu.memory_space<vmem_shared>>
        tpu.wait_indirect_dma semaphore(%run_scoped3A : memref<!tpu.dma_semaphore, #tpu.memory_space<semaphore_mem>>) src(%arg9 : memref<64x128xf32, #tpu.memory_space<vmem>>) dst(%dma_wait3A_234 : memref<10240x128xf32, #tpu.memory_space<vmem_shared>>)
        tpu.yield
      }) : () -> ()
      %add3A_168 = arith.constant 4 : i32
      %add3A_169 = arith.addi %add3A_162, %add3A_168 : i32
      %lt3A = arith.constant 40 : i32
      %lt3A_170 = arith.cmpi slt, %add3A_169, %lt3A : i32
      %convert_element_type3A = arith.extui %lt3A_170 : i1 to i32
      %cond3A = arith.constant 0 : i32
      %cond3A_171 = arith.cmpi ne, %convert_element_type3A, %cond3A : i32
      scf.if %cond3A_171 {
        %add3A_223 = arith.constant 4 : i32
        %add3A_224 = arith.addi %add3A_162, %add3A_223 : i32
        %dma_start3A_225 = arith.constant 0 : i32
        %dma_start3A_226 = tpu.memref_slice %arg7[%add3A_224, %dma_start3A_225] : memref<40x64xi32, #tpu.memory_space<vmem>> -> memref<1x64xi32, #tpu.memory_space<vmem>>
        %dma_start3A_227 = tpu.memref_squeeze %dma_start3A_226 : memref<1x64xi32, #tpu.memory_space<vmem>> -> memref<64xi32, #tpu.memory_space<vmem>>
        %dma_start3A_228 = arith.constant 0 : i32
        %dma_start3A_229 = arith.constant 0 : i32
        %dma_start3A_230 = tpu.memref_slice %arg4[%dma_start3A_228, %dma_start3A_229] : memref<10000x128xf32, #tpu.memory_space<hbm>> -> memref<10000x128xf32, #tpu.memory_space<hbm>>
        tpu.enqueue_indirect_dma source(%dma_start3A_230 : memref<10000x128xf32, #tpu.memory_space<hbm>>) target(%arg9 : memref<64x128xf32, #tpu.memory_space<vmem>>) offsets(%dma_start3A_227 : memref<64xi32, #tpu.memory_space<vmem>>) semaphore(%arg14 : memref<!tpu.dma_semaphore, #tpu.memory_space<semaphore_mem>>)
      } else {
      }
      %mul3A_172 = arith.constant 4 : i32
      %mul3A_173 = arith.muli %mul3A_172, %scan3A_158 : i32
      %add3A_174 = arith.constant 1 : i32
      %add3A_175 = arith.addi %mul3A_173, %add3A_174 : i32
      %dma_wait3A_176 = arith.constant 0 : i32
      %dma_wait3A_177 = tpu.memref_slice %arg7[%add3A_175, %dma_wait3A_176] : memref<40x64xi32, #tpu.memory_space<vmem>> -> memref<1x64xi32, #tpu.memory_space<vmem>>
      %dma_wait3A_178 = tpu.memref_squeeze %dma_wait3A_177 : memref<1x64xi32, #tpu.memory_space<vmem>> -> memref<64xi32, #tpu.memory_space<vmem>>
      %dma_wait3A_179 = arith.constant 0 : i32
      %dma_wait3A_180 = arith.constant 0 : i32
      %dma_wait3A_181 = tpu.memref_slice %arg4[%dma_wait3A_179, %dma_wait3A_180] : memref<10000x128xf32, #tpu.memory_space<hbm>> -> memref<10000x128xf32, #tpu.memory_space<hbm>>
      tpu.wait_indirect_dma semaphore(%arg15 : memref<!tpu.dma_semaphore, #tpu.memory_space<semaphore_mem>>) src(%dma_wait3A_181 : memref<10000x128xf32, #tpu.memory_space<hbm>>) dst(%arg10 : memref<64x128xf32, #tpu.memory_space<vmem>>)
      "tpu.region"() ({
        %run_scoped3A = tpu.sem_alloc : memref<!tpu.dma_semaphore, #tpu.memory_space<semaphore_mem>>
        %dma_start3A_223 = arith.constant 0 : i32
        %dma_start3A_224 = tpu.memref_slice %arg8[%add3A_175, %dma_start3A_223] : memref<40x64xi32, #tpu.memory_space<vmem>> -> memref<1x64xi32, #tpu.memory_space<vmem>>
        %dma_start3A_225 = tpu.memref_squeeze %dma_start3A_224 : memref<1x64xi32, #tpu.memory_space<vmem>> -> memref<64xi32, #tpu.memory_space<vmem>>
        %dma_start3A_226 = arith.constant 0 : i32
        %dma_start3A_227 = arith.constant 0 : i32
        %dma_start3A_228 = tpu.memref_slice %arg13[%dma_start3A_226, %dma_start3A_227] : memref<10240x128xf32, #tpu.memory_space<vmem_shared>> -> memref<10240x128xf32, #tpu.memory_space<vmem_shared>>
        tpu.enqueue_indirect_dma source(%arg10 : memref<64x128xf32, #tpu.memory_space<vmem>>) target(%dma_start3A_228 : memref<10240x128xf32, #tpu.memory_space<vmem_shared>>) offsets(%dma_start3A_225 : memref<64xi32, #tpu.memory_space<vmem>>) semaphore(%run_scoped3A : memref<!tpu.dma_semaphore, #tpu.memory_space<semaphore_mem>>) {add = true}
        %dma_wait3A_229 = arith.constant 0 : i32
        %dma_wait3A_230 = tpu.memref_slice %arg8[%add3A_175, %dma_wait3A_229] : memref<40x64xi32, #tpu.memory_space<vmem>> -> memref<1x64xi32, #tpu.memory_space<vmem>>
        %dma_wait3A_231 = tpu.memref_squeeze %dma_wait3A_230 : memref<1x64xi32, #tpu.memory_space<vmem>> -> memref<64xi32, #tpu.memory_space<vmem>>
        %dma_wait3A_232 = arith.constant 0 : i32
        %dma_wait3A_233 = arith.constant 0 : i32
        %dma_wait3A_234 = tpu.memref_slice %arg13[%dma_wait3A_232, %dma_wait3A_233] : memref<10240x128xf32, #tpu.memory_space<vmem_shared>> -> memref<10240x128xf32, #tpu.memory_space<vmem_shared>>
        tpu.wait_indirect_dma semaphore(%run_scoped3A : memref<!tpu.dma_semaphore, #tpu.memory_space<semaphore_mem>>) src(%arg10 : memref<64x128xf32, #tpu.memory_space<vmem>>) dst(%dma_wait3A_234 : memref<10240x128xf32, #tpu.memory_space<vmem_shared>>)
        tpu.yield
      }) : () -> ()
      %add3A_182 = arith.constant 4 : i32
      %add3A_183 = arith.addi %add3A_175, %add3A_182 : i32
      %lt3A_184 = arith.constant 40 : i32
      %lt3A_185 = arith.cmpi slt, %add3A_183, %lt3A_184 : i32
      %convert_element_type3A_186 = arith.extui %lt3A_185 : i1 to i32
      %cond3A_187 = arith.constant 0 : i32
      %cond3A_188 = arith.cmpi ne, %convert_element_type3A_186, %cond3A_187 : i32
      scf.if %cond3A_188 {
        %add3A_223 = arith.constant 4 : i32
        %add3A_224 = arith.addi %add3A_175, %add3A_223 : i32
        %dma_start3A_225 = arith.constant 0 : i32
        %dma_start3A_226 = tpu.memref_slice %arg7[%add3A_224, %dma_start3A_225] : memref<40x64xi32, #tpu.memory_space<vmem>> -> memref<1x64xi32, #tpu.memory_space<vmem>>
        %dma_start3A_227 = tpu.memref_squeeze %dma_start3A_226 : memref<1x64xi32, #tpu.memory_space<vmem>> -> memref<64xi32, #tpu.memory_space<vmem>>
        %dma_start3A_228 = arith.constant 0 : i32
        %dma_start3A_229 = arith.constant 0 : i32
        %dma_start3A_230 = tpu.memref_slice %arg4[%dma_start3A_228, %dma_start3A_229] : memref<10000x128xf32, #tpu.memory_space<hbm>> -> memref<10000x128xf32, #tpu.memory_space<hbm>>
        tpu.enqueue_indirect_dma source(%dma_start3A_230 : memref<10000x128xf32, #tpu.memory_space<hbm>>) target(%arg10 : memref<64x128xf32, #tpu.memory_space<vmem>>) offsets(%dma_start3A_227 : memref<64xi32, #tpu.memory_space<vmem>>) semaphore(%arg15 : memref<!tpu.dma_semaphore, #tpu.memory_space<semaphore_mem>>)
      } else {
      }
      %mul3A_189 = arith.constant 4 : i32
      %mul3A_190 = arith.muli %mul3A_189, %scan3A_158 : i32
      %add3A_191 = arith.constant 2 : i32
      %add3A_192 = arith.addi %mul3A_190, %add3A_191 : i32
      %dma_wait3A_193 = arith.constant 0 : i32
      %dma_wait3A_194 = tpu.memref_slice %arg7[%add3A_192, %dma_wait3A_193] : memref<40x64xi32, #tpu.memory_space<vmem>> -> memref<1x64xi32, #tpu.memory_space<vmem>>
      %dma_wait3A_195 = tpu.memref_squeeze %dma_wait3A_194 : memref<1x64xi32, #tpu.memory_space<vmem>> -> memref<64xi32, #tpu.memory_space<vmem>>
      %dma_wait3A_196 = arith.constant 0 : i32
      %dma_wait3A_197 = arith.constant 0 : i32
      %dma_wait3A_198 = tpu.memref_slice %arg4[%dma_wait3A_196, %dma_wait3A_197] : memref<10000x128xf32, #tpu.memory_space<hbm>> -> memref<10000x128xf32, #tpu.memory_space<hbm>>
      tpu.wait_indirect_dma semaphore(%arg16 : memref<!tpu.dma_semaphore, #tpu.memory_space<semaphore_mem>>) src(%dma_wait3A_198 : memref<10000x128xf32, #tpu.memory_space<hbm>>) dst(%arg11 : memref<64x128xf32, #tpu.memory_space<vmem>>)
      "tpu.region"() ({
        %run_scoped3A = tpu.sem_alloc : memref<!tpu.dma_semaphore, #tpu.memory_space<semaphore_mem>>
        %dma_start3A_223 = arith.constant 0 : i32
        %dma_start3A_224 = tpu.memref_slice %arg8[%add3A_192, %dma_start3A_223] : memref<40x64xi32, #tpu.memory_space<vmem>> -> memref<1x64xi32, #tpu.memory_space<vmem>>
        %dma_start3A_225 = tpu.memref_squeeze %dma_start3A_224 : memref<1x64xi32, #tpu.memory_space<vmem>> -> memref<64xi32, #tpu.memory_space<vmem>>
        %dma_start3A_226 = arith.constant 0 : i32
        %dma_start3A_227 = arith.constant 0 : i32
        %dma_start3A_228 = tpu.memref_slice %arg13[%dma_start3A_226, %dma_start3A_227] : memref<10240x128xf32, #tpu.memory_space<vmem_shared>> -> memref<10240x128xf32, #tpu.memory_space<vmem_shared>>
        tpu.enqueue_indirect_dma source(%arg11 : memref<64x128xf32, #tpu.memory_space<vmem>>) target(%dma_start3A_228 : memref<10240x128xf32, #tpu.memory_space<vmem_shared>>) offsets(%dma_start3A_225 : memref<64xi32, #tpu.memory_space<vmem>>) semaphore(%run_scoped3A : memref<!tpu.dma_semaphore, #tpu.memory_space<semaphore_mem>>) {add = true}
        %dma_wait3A_229 = arith.constant 0 : i32
        %dma_wait3A_230 = tpu.memref_slice %arg8[%add3A_192, %dma_wait3A_229] : memref<40x64xi32, #tpu.memory_space<vmem>> -> memref<1x64xi32, #tpu.memory_space<vmem>>
        %dma_wait3A_231 = tpu.memref_squeeze %dma_wait3A_230 : memref<1x64xi32, #tpu.memory_space<vmem>> -> memref<64xi32, #tpu.memory_space<vmem>>
        %dma_wait3A_232 = arith.constant 0 : i32
        %dma_wait3A_233 = arith.constant 0 : i32
        %dma_wait3A_234 = tpu.memref_slice %arg13[%dma_wait3A_232, %dma_wait3A_233] : memref<10240x128xf32, #tpu.memory_space<vmem_shared>> -> memref<10240x128xf32, #tpu.memory_space<vmem_shared>>
        tpu.wait_indirect_dma semaphore(%run_scoped3A : memref<!tpu.dma_semaphore, #tpu.memory_space<semaphore_mem>>) src(%arg11 : memref<64x128xf32, #tpu.memory_space<vmem>>) dst(%dma_wait3A_234 : memref<10240x128xf32, #tpu.memory_space<vmem_shared>>)
        tpu.yield
      }) : () -> ()
      %add3A_199 = arith.constant 4 : i32
      %add3A_200 = arith.addi %add3A_192, %add3A_199 : i32
      %lt3A_201 = arith.constant 40 : i32
      %lt3A_202 = arith.cmpi slt, %add3A_200, %lt3A_201 : i32
      %convert_element_type3A_203 = arith.extui %lt3A_202 : i1 to i32
      %cond3A_204 = arith.constant 0 : i32
      %cond3A_205 = arith.cmpi ne, %convert_element_type3A_203, %cond3A_204 : i32
      scf.if %cond3A_205 {
        %add3A_223 = arith.constant 4 : i32
        %add3A_224 = arith.addi %add3A_192, %add3A_223 : i32
        %dma_start3A_225 = arith.constant 0 : i32
        %dma_start3A_226 = tpu.memref_slice %arg7[%add3A_224, %dma_start3A_225] : memref<40x64xi32, #tpu.memory_space<vmem>> -> memref<1x64xi32, #tpu.memory_space<vmem>>
        %dma_start3A_227 = tpu.memref_squeeze %dma_start3A_226 : memref<1x64xi32, #tpu.memory_space<vmem>> -> memref<64xi32, #tpu.memory_space<vmem>>
        %dma_start3A_228 = arith.constant 0 : i32
        %dma_start3A_229 = arith.constant 0 : i32
        %dma_start3A_230 = tpu.memref_slice %arg4[%dma_start3A_228, %dma_start3A_229] : memref<10000x128xf32, #tpu.memory_space<hbm>> -> memref<10000x128xf32, #tpu.memory_space<hbm>>
        tpu.enqueue_indirect_dma source(%dma_start3A_230 : memref<10000x128xf32, #tpu.memory_space<hbm>>) target(%arg11 : memref<64x128xf32, #tpu.memory_space<vmem>>) offsets(%dma_start3A_227 : memref<64xi32, #tpu.memory_space<vmem>>) semaphore(%arg16 : memref<!tpu.dma_semaphore, #tpu.memory_space<semaphore_mem>>)
      } else {
      }
      %mul3A_206 = arith.constant 4 : i32
      %mul3A_207 = arith.muli %mul3A_206, %scan3A_158 : i32
      %add3A_208 = arith.constant 3 : i32
      %add3A_209 = arith.addi %mul3A_207, %add3A_208 : i32
      %dma_wait3A_210 = arith.constant 0 : i32
      %dma_wait3A_211 = tpu.memref_slice %arg7[%add3A_209, %dma_wait3A_210] : memref<40x64xi32, #tpu.memory_space<vmem>> -> memref<1x64xi32, #tpu.memory_space<vmem>>
      %dma_wait3A_212 = tpu.memref_squeeze %dma_wait3A_211 : memref<1x64xi32, #tpu.memory_space<vmem>> -> memref<64xi32, #tpu.memory_space<vmem>>
      %dma_wait3A_213 = arith.constant 0 : i32
      %dma_wait3A_214 = arith.constant 0 : i32
      %dma_wait3A_215 = tpu.memref_slice %arg4[%dma_wait3A_213, %dma_wait3A_214] : memref<10000x128xf32, #tpu.memory_space<hbm>> -> memref<10000x128xf32, #tpu.memory_space<hbm>>
      tpu.wait_indirect_dma semaphore(%arg17 : memref<!tpu.dma_semaphore, #tpu.memory_space<semaphore_mem>>) src(%dma_wait3A_215 : memref<10000x128xf32, #tpu.memory_space<hbm>>) dst(%arg12 : memref<64x128xf32, #tpu.memory_space<vmem>>)
      "tpu.region"() ({
        %run_scoped3A = tpu.sem_alloc : memref<!tpu.dma_semaphore, #tpu.memory_space<semaphore_mem>>
        %dma_start3A_223 = arith.constant 0 : i32
        %dma_start3A_224 = tpu.memref_slice %arg8[%add3A_209, %dma_start3A_223] : memref<40x64xi32, #tpu.memory_space<vmem>> -> memref<1x64xi32, #tpu.memory_space<vmem>>
        %dma_start3A_225 = tpu.memref_squeeze %dma_start3A_224 : memref<1x64xi32, #tpu.memory_space<vmem>> -> memref<64xi32, #tpu.memory_space<vmem>>
        %dma_start3A_226 = arith.constant 0 : i32
        %dma_start3A_227 = arith.constant 0 : i32
        %dma_start3A_228 = tpu.memref_slice %arg13[%dma_start3A_226, %dma_start3A_227] : memref<10240x128xf32, #tpu.memory_space<vmem_shared>> -> memref<10240x128xf32, #tpu.memory_space<vmem_shared>>
        tpu.enqueue_indirect_dma source(%arg12 : memref<64x128xf32, #tpu.memory_space<vmem>>) target(%dma_start3A_228 : memref<10240x128xf32, #tpu.memory_space<vmem_shared>>) offsets(%dma_start3A_225 : memref<64xi32, #tpu.memory_space<vmem>>) semaphore(%run_scoped3A : memref<!tpu.dma_semaphore, #tpu.memory_space<semaphore_mem>>) {add = true}
        %dma_wait3A_229 = arith.constant 0 : i32
        %dma_wait3A_230 = tpu.memref_slice %arg8[%add3A_209, %dma_wait3A_229] : memref<40x64xi32, #tpu.memory_space<vmem>> -> memref<1x64xi32, #tpu.memory_space<vmem>>
        %dma_wait3A_231 = tpu.memref_squeeze %dma_wait3A_230 : memref<1x64xi32, #tpu.memory_space<vmem>> -> memref<64xi32, #tpu.memory_space<vmem>>
        %dma_wait3A_232 = arith.constant 0 : i32
        %dma_wait3A_233 = arith.constant 0 : i32
        %dma_wait3A_234 = tpu.memref_slice %arg13[%dma_wait3A_232, %dma_wait3A_233] : memref<10240x128xf32, #tpu.memory_space<vmem_shared>> -> memref<10240x128xf32, #tpu.memory_space<vmem_shared>>
        tpu.wait_indirect_dma semaphore(%run_scoped3A : memref<!tpu.dma_semaphore, #tpu.memory_space<semaphore_mem>>) src(%arg12 : memref<64x128xf32, #tpu.memory_space<vmem>>) dst(%dma_wait3A_234 : memref<10240x128xf32, #tpu.memory_space<vmem_shared>>)
        tpu.yield
      }) : () -> ()
      %add3A_216 = arith.constant 4 : i32
      %add3A_217 = arith.addi %add3A_209, %add3A_216 : i32
      %lt3A_218 = arith.constant 40 : i32
      %lt3A_219 = arith.cmpi slt, %add3A_217, %lt3A_218 : i32
      %convert_element_type3A_220 = arith.extui %lt3A_219 : i1 to i32
      %cond3A_221 = arith.constant 0 : i32
      %cond3A_222 = arith.cmpi ne, %convert_element_type3A_220, %cond3A_221 : i32
      scf.if %cond3A_222 {
        %add3A_223 = arith.constant 4 : i32
        %add3A_224 = arith.addi %add3A_209, %add3A_223 : i32
        %dma_start3A_225 = arith.constant 0 : i32
        %dma_start3A_226 = tpu.memref_slice %arg7[%add3A_224, %dma_start3A_225] : memref<40x64xi32, #tpu.memory_space<vmem>> -> memref<1x64xi32, #tpu.memory_space<vmem>>
        %dma_start3A_227 = tpu.memref_squeeze %dma_start3A_226 : memref<1x64xi32, #tpu.memory_space<vmem>> -> memref<64xi32, #tpu.memory_space<vmem>>
        %dma_start3A_228 = arith.constant 0 : i32
        %dma_start3A_229 = arith.constant 0 : i32
        %dma_start3A_230 = tpu.memref_slice %arg4[%dma_start3A_228, %dma_start3A_229] : memref<10000x128xf32, #tpu.memory_space<hbm>> -> memref<10000x128xf32, #tpu.memory_space<hbm>>
        tpu.enqueue_indirect_dma source(%dma_start3A_230 : memref<10000x128xf32, #tpu.memory_space<hbm>>) target(%arg12 : memref<64x128xf32, #tpu.memory_space<vmem>>) offsets(%dma_start3A_227 : memref<64xi32, #tpu.memory_space<vmem>>) semaphore(%arg17 : memref<!tpu.dma_semaphore, #tpu.memory_space<semaphore_mem>>)
      } else {
      }
    }
    %scan3A_150 = arith.constant 10 : i32
    %barrier3A_151 = arith.constant 0 : index
    tpu.barrier barrier_id(%barrier3A_151)
    %scan3A_152 = arith.constant 0 : i32
    %scan3A_153 = arith.constant 0 : i32
    %scan3A_154 = arith.constant 10 : i32
    %scan3A_155 = arith.addi %scan3A_153, %scan3A_154 : i32
    %scan3A_156 = arith.constant 1 : i32
    scf.for %scan3A_158 = %scan3A_153 to %scan3A_155 step %scan3A_156  : i32 {
      %mul3A_159 = arith.constant 640 : i32
      %mul3A_160 = arith.muli %arg1, %mul3A_159 : i32
      %mul3A_161 = arith.constant 64 : i32
      %mul3A_162 = arith.muli %scan3A_158, %mul3A_161 : i32
      %add3A_163 = arith.addi %mul3A_160, %mul3A_162 : i32
      "tpu.region"() ({
        %run_scoped3A = tpu.sem_alloc : memref<!tpu.dma_semaphore, #tpu.memory_space<semaphore_mem>>
        %dma_start3A_164 = arith.constant 0 : i32
        %dma_start3A_165 = tpu.memref_slice %arg13[%add3A_163, %dma_start3A_164] : memref<10240x128xf32, #tpu.memory_space<vmem_shared>> -> memref<64x128xf32, #tpu.memory_space<vmem_shared>>
        %dma_start3A_166 = arith.constant 0 : i32
        %dma_start3A_167 = tpu.memref_slice %arg13[%add3A_163, %dma_start3A_166] : memref<10240x128xf32, #tpu.memory_space<vmem_shared>> -> memref<64x128xf32, #tpu.memory_space<vmem_shared>>
        tpu.enqueue_dma source(%dma_start3A_167 : memref<64x128xf32, #tpu.memory_space<vmem_shared>>) target(%arg10 : memref<64x128xf32, #tpu.memory_space<vmem>>) target_semaphore(%run_scoped3A : memref<!tpu.dma_semaphore, #tpu.memory_space<semaphore_mem>>)
        %dma_wait3A = arith.constant 0 : i32
        %dma_wait3A_168 = tpu.memref_slice %arg13[%add3A_163, %dma_wait3A] : memref<10240x128xf32, #tpu.memory_space<vmem_shared>> -> memref<64x128xf32, #tpu.memory_space<vmem_shared>>
        %dma_wait3A_169 = arith.constant 0 : i32
        %dma_wait3A_170 = tpu.memref_slice %arg13[%add3A_163, %dma_wait3A_169] : memref<10240x128xf32, #tpu.memory_space<vmem_shared>> -> memref<64x128xf32, #tpu.memory_space<vmem_shared>>
        tpu.wait_dma2 semaphore(%run_scoped3A : memref<!tpu.dma_semaphore, #tpu.memory_space<semaphore_mem>>) src(%dma_wait3A_170 : memref<64x128xf32, #tpu.memory_space<vmem_shared>>) dst(%arg10 : memref<64x128xf32, #tpu.memory_space<vmem>>)
        tpu.yield
      }) : () -> ()
      "tpu.region"() ({
        %run_scoped3A = tpu.sem_alloc : memref<!tpu.dma_semaphore, #tpu.memory_space<semaphore_mem>>
        %dma_start3A_164 = arith.constant 0 : i32
        %dma_start3A_165 = tpu.memref_slice %arg6[%arg0, %add3A_163, %dma_start3A_164] : memref<2x10240x128xf32, #tpu.memory_space<hbm>> -> memref<1x64x128xf32, #tpu.memory_space<hbm>>
        %dma_start3A_166 = tpu.memref_squeeze %dma_start3A_165 : memref<1x64x128xf32, #tpu.memory_space<hbm>> -> memref<64x128xf32, #tpu.memory_space<hbm>>
        %dma_start3A_167 = arith.constant 0 : i32
        %dma_start3A_168 = tpu.memref_slice %arg6[%arg0, %add3A_163, %dma_start3A_167] : memref<2x10240x128xf32, #tpu.memory_space<hbm>> -> memref<1x64x128xf32, #tpu.memory_space<hbm>>
        %dma_start3A_169 = tpu.memref_squeeze %dma_start3A_168 : memref<1x64x128xf32, #tpu.memory_space<hbm>> -> memref<64x128xf32, #tpu.memory_space<hbm>>
        tpu.enqueue_dma source(%arg10 : memref<64x128xf32, #tpu.memory_space<vmem>>) target(%dma_start3A_169 : memref<64x128xf32, #tpu.memory_space<hbm>>) target_semaphore(%run_scoped3A : memref<!tpu.dma_semaphore, #tpu.memory_space<semaphore_mem>>)
        %dma_wait3A = arith.constant 0 : i32
        %dma_wait3A_170 = tpu.memref_slice %arg6[%arg0, %add3A_163, %dma_wait3A] : memref<2x10240x128xf32, #tpu.memory_space<hbm>> -> memref<1x64x128xf32, #tpu.memory_space<hbm>>
        %dma_wait3A_171 = tpu.memref_squeeze %dma_wait3A_170 : memref<1x64x128xf32, #tpu.memory_space<hbm>> -> memref<64x128xf32, #tpu.memory_space<hbm>>
        %dma_wait3A_172 = arith.constant 0 : i32
        %dma_wait3A_173 = tpu.memref_slice %arg6[%arg0, %add3A_163, %dma_wait3A_172] : memref<2x10240x128xf32, #tpu.memory_space<hbm>> -> memref<1x64x128xf32, #tpu.memory_space<hbm>>
        %dma_wait3A_174 = tpu.memref_squeeze %dma_wait3A_173 : memref<1x64x128xf32, #tpu.memory_space<hbm>> -> memref<64x128xf32, #tpu.memory_space<hbm>>
        tpu.wait_dma2 semaphore(%run_scoped3A : memref<!tpu.dma_semaphore, #tpu.memory_space<semaphore_mem>>) src(%arg10 : memref<64x128xf32, #tpu.memory_space<vmem>>) dst(%dma_wait3A_174 : memref<64x128xf32, #tpu.memory_space<hbm>>)
        tpu.yield
      }) : () -> ()
    }
    %scan3A_157 = arith.constant 10 : i32
    return
  }
}

module attributes {stable_mosaic.version = 14 : i64} {
  func.func @_proj1_body(%arg0: i32, %arg1: memref<2000x128xf32, #tpu.memory_space<vmem>>, %arg2: memref<128x128xf32, #tpu.memory_space<vmem>>, %arg3: memref<128x128xf32, #tpu.memory_space<vmem>>, %arg4: memref<1x128xf32, #tpu.memory_space<vmem>>, %arg5: memref<2000x128xf32, #tpu.memory_space<vmem>>, %arg6: memref<2000x128xf32, #tpu.memory_space<vmem>>) attributes {dimension_semantics = [#tpu.dimension_semantics<arbitrary>], iteration_bounds = array<i64: 5>, scalar_prefetch = 0 : i64, scratch_operands = 0 : i64, tpu.core_type = #tpu.core_type<tc>, window_params = [{transform_indices = @transform_0, window_bounds = array<i64: 2000, 128>}, {pipeline_mode = #tpu.pipeline_mode<synchronous>, transform_indices = @transform_1, window_bounds = array<i64: 128, 128>}, {pipeline_mode = #tpu.pipeline_mode<synchronous>, transform_indices = @transform_2, window_bounds = array<i64: 128, 128>}, {pipeline_mode = #tpu.pipeline_mode<synchronous>, transform_indices = @transform_3, window_bounds = array<i64: 1, 128>}, {transform_indices = @transform_4, window_bounds = array<i64: 2000, 128>}, {transform_indices = @transform_5, window_bounds = array<i64: 2000, 128>}]} {
    %get3A = arith.constant 0 : index
    %get3A_0 = arith.constant 0 : index
    %get3A_1 = vector.load %arg1[%get3A, %get3A_0] : memref<2000x128xf32, #tpu.memory_space<vmem>>, vector<2000x128xf32>
    %get3A_2 = arith.constant 0 : index
    %get3A_3 = arith.constant 0 : index
    %get3A_4 = vector.load %arg2[%get3A_2, %get3A_3] : memref<128x128xf32, #tpu.memory_space<vmem>>, vector<128x128xf32>
    %dot_general3A = arith.constant dense<0.000000e+00> : vector<2000x128xf32>
    %dot_general3A_5 = tpu.matmul %get3A_1, %get3A_4, %dot_general3A {dimension_numbers = #tpu.dot_dimension_numbers<[1], [1], [0], [0], [0, 0, 1, 0], [], []>, transpose_lhs_hint = false} : vector<2000x128xf32>, vector<128x128xf32>, vector<2000x128xf32> -> vector<2000x128xf32>
    %swap3A = arith.constant 0 : index
    %swap3A_6 = arith.constant 0 : index
    %swap3A_7 = vector.load %arg5[%swap3A, %swap3A_6] : memref<2000x128xf32, #tpu.memory_space<vmem>>, vector<2000x128xf32>
    tpu.vector_store %arg5[%swap3A, %swap3A_6], %dot_general3A_5 {strides = array<i32>} : memref<2000x128xf32, #tpu.memory_space<vmem>>, vector<2000x128xf32>,
    %get3A_8 = arith.constant 0 : index
    %get3A_9 = arith.constant 0 : index
    %get3A_10 = vector.load %arg3[%get3A_8, %get3A_9] : memref<128x128xf32, #tpu.memory_space<vmem>>, vector<128x128xf32>
    %dot_general3A_11 = arith.constant dense<0.000000e+00> : vector<2000x128xf32>
    %dot_general3A_12 = tpu.matmul %get3A_1, %get3A_10, %dot_general3A_11 {dimension_numbers = #tpu.dot_dimension_numbers<[1], [1], [0], [0], [0, 0, 1, 0], [], []>, transpose_lhs_hint = false} : vector<2000x128xf32>, vector<128x128xf32>, vector<2000x128xf32> -> vector<2000x128xf32>
    %get3A_13 = arith.constant 0 : index
    %get3A_14 = arith.constant 0 : index
    %get3A_15 = vector.load %arg4[%get3A_13, %get3A_14] : memref<1x128xf32, #tpu.memory_space<vmem>>, vector<1x128xf32>
    %add3A = vector.broadcast %get3A_15 : vector<1x128xf32> to vector<2000x128xf32>
    %add3A_16 = arith.addf %dot_general3A_12, %add3A : vector<2000x128xf32>
    %swap3A_17 = arith.constant 0 : index
    %swap3A_18 = arith.constant 0 : index
    %swap3A_19 = vector.load %arg6[%swap3A_17, %swap3A_18] : memref<2000x128xf32, #tpu.memory_space<vmem>>, vector<2000x128xf32>
    tpu.vector_store %arg6[%swap3A_17, %swap3A_18], %add3A_16 {strides = array<i32>} : memref<2000x128xf32, #tpu.memory_space<vmem>>, vector<2000x128xf32>,
    return
  }
  func.func @transform_0(%arg0: i32) -> (i32, i32) {
    %c0_i32 = arith.constant 0 : i32
    %c0_i32_0 = arith.constant 0 : i32
    return %arg0, %c0_i32 : i32, i32
  }
  func.func @transform_1(%arg0: i32) -> (i32, i32) {
    %c0_i32 = arith.constant 0 : i32
    %c0_i32_0 = arith.constant 0 : i32
    %c0_i32_1 = arith.constant 0 : i32
    return %c0_i32, %c0_i32_0 : i32, i32
  }
  func.func @transform_2(%arg0: i32) -> (i32, i32) {
    %c0_i32 = arith.constant 0 : i32
    %c0_i32_0 = arith.constant 0 : i32
    %c0_i32_1 = arith.constant 0 : i32
    return %c0_i32, %c0_i32_0 : i32, i32
  }
  func.func @transform_3(%arg0: i32) -> (i32, i32) {
    %c0_i32 = arith.constant 0 : i32
    %c0_i32_0 = arith.constant 0 : i32
    %c0_i32_1 = arith.constant 0 : i32
    return %c0_i32, %c0_i32_0 : i32, i32
  }
  func.func @transform_4(%arg0: i32) -> (i32, i32) {
    %c0_i32 = arith.constant 0 : i32
    %c0_i32_0 = arith.constant 0 : i32
    return %arg0, %c0_i32 : i32, i32
  }
  func.func @transform_5(%arg0: i32) -> (i32, i32) {
    %c0_i32 = arith.constant 0 : i32
    %c0_i32_0 = arith.constant 0 : i32
    return %arg0, %c0_i32 : i32, i32
  }
}

module attributes {stable_mosaic.version = 14 : i64} {
  func.func @_mid_body(%arg0: i32, %arg1: memref<2x2000x128xf32, #tpu.memory_space<vmem>>, %arg2: memref<2000x128xf32, #tpu.memory_space<vmem>>, %arg3: memref<128x128xf32, #tpu.memory_space<vmem>>, %arg4: memref<128x128xf32, #tpu.memory_space<vmem>>, %arg5: memref<1x128xf32, #tpu.memory_space<vmem>>, %arg6: memref<2000x128xf32, #tpu.memory_space<vmem>>, %arg7: memref<2000x128xf32, #tpu.memory_space<vmem>>) attributes {dimension_semantics = [#tpu.dimension_semantics<arbitrary>], iteration_bounds = array<i64: 5>, scalar_prefetch = 0 : i64, scratch_operands = 0 : i64, tpu.core_type = #tpu.core_type<tc>, window_params = [{transform_indices = @transform_0, window_bounds = array<i64: 2, 2000, 128>}, {transform_indices = @transform_1, window_bounds = array<i64: 2000, 128>}, {pipeline_mode = #tpu.pipeline_mode<synchronous>, transform_indices = @transform_2, window_bounds = array<i64: 128, 128>}, {pipeline_mode = #tpu.pipeline_mode<synchronous>, transform_indices = @transform_3, window_bounds = array<i64: 128, 128>}, {pipeline_mode = #tpu.pipeline_mode<synchronous>, transform_indices = @transform_4, window_bounds = array<i64: 1, 128>}, {transform_indices = @transform_5, window_bounds = array<i64: 2000, 128>}, {transform_indices = @transform_6, window_bounds = array<i64: 2000, 128>}]} {
    %get3A = arith.constant 0 : index
    %get3A_0 = arith.constant 0 : index
    %get3A_1 = arith.constant 0 : index
    %get3A_2 = vector.load %arg1[%get3A, %get3A_0, %get3A_1] : memref<2x2000x128xf32, #tpu.memory_space<vmem>>, vector<1x2000x128xf32>
    %get3A_3 = vector.shape_cast %get3A_2 : vector<1x2000x128xf32> to vector<2000x128xf32>
    %get3A_4 = arith.constant 1 : index
    %get3A_5 = arith.constant 0 : index
    %get3A_6 = arith.constant 0 : index
    %get3A_7 = vector.load %arg1[%get3A_4, %get3A_5, %get3A_6] : memref<2x2000x128xf32, #tpu.memory_space<vmem>>, vector<1x2000x128xf32>
    %get3A_8 = vector.shape_cast %get3A_7 : vector<1x2000x128xf32> to vector<2000x128xf32>
    %add3A = arith.addf %get3A_3, %get3A_8 : vector<2000x128xf32>
    %get3A_9 = arith.constant 0 : index
    %get3A_10 = arith.constant 0 : index
    %get3A_11 = vector.load %arg2[%get3A_9, %get3A_10] : memref<2000x128xf32, #tpu.memory_space<vmem>>, vector<2000x128xf32>
    %add3A_12 = arith.addf %add3A, %get3A_11 : vector<2000x128xf32>
    %gt3A = arith.constant 0.000000e+00 : f32
    %gt3A_13 = vector.broadcast %gt3A : f32 to vector<2000x128xf32>
    %gt3A_14 = arith.cmpf ogt, %add3A_12, %gt3A_13 : vector<2000x128xf32>
    %min3A = arith.constant 0.000000e+00 : f32
    %min3A_15 = vector.broadcast %min3A : f32 to vector<2000x128xf32>
    %min3A_16 = arith.minimumf %add3A_12, %min3A_15 : vector<2000x128xf32>
    %exp3A = math.exp %min3A_16 : vector<2000x128xf32>
    %sub3A = arith.constant 1.000000e+00 : f32
    %sub3A_17 = vector.broadcast %sub3A : f32 to vector<2000x128xf32>
    %sub3A_18 = arith.subf %exp3A, %sub3A_17 : vector<2000x128xf32>
    %select_n3A = arith.select %gt3A_14, %add3A_12, %sub3A_18 : vector<2000x128xi1>, vector<2000x128xf32>
    %get3A_19 = arith.constant 0 : index
    %get3A_20 = arith.constant 0 : index
    %get3A_21 = vector.load %arg3[%get3A_19, %get3A_20] : memref<128x128xf32, #tpu.memory_space<vmem>>, vector<128x128xf32>
    %dot_general3A = arith.constant dense<0.000000e+00> : vector<2000x128xf32>
    %dot_general3A_22 = tpu.matmul %select_n3A, %get3A_21, %dot_general3A {dimension_numbers = #tpu.dot_dimension_numbers<[1], [1], [0], [0], [0, 0, 1, 0], [], []>, transpose_lhs_hint = false} : vector<2000x128xf32>, vector<128x128xf32>, vector<2000x128xf32> -> vector<2000x128xf32>
    %swap3A = arith.constant 0 : index
    %swap3A_23 = arith.constant 0 : index
    %swap3A_24 = vector.load %arg6[%swap3A, %swap3A_23] : memref<2000x128xf32, #tpu.memory_space<vmem>>, vector<2000x128xf32>
    tpu.vector_store %arg6[%swap3A, %swap3A_23], %dot_general3A_22 {strides = array<i32>} : memref<2000x128xf32, #tpu.memory_space<vmem>>, vector<2000x128xf32>,
    %get3A_25 = arith.constant 0 : index
    %get3A_26 = arith.constant 0 : index
    %get3A_27 = vector.load %arg4[%get3A_25, %get3A_26] : memref<128x128xf32, #tpu.memory_space<vmem>>, vector<128x128xf32>
    %dot_general3A_28 = arith.constant dense<0.000000e+00> : vector<2000x128xf32>
    %dot_general3A_29 = tpu.matmul %select_n3A, %get3A_27, %dot_general3A_28 {dimension_numbers = #tpu.dot_dimension_numbers<[1], [1], [0], [0], [0, 0, 1, 0], [], []>, transpose_lhs_hint = false} : vector<2000x128xf32>, vector<128x128xf32>, vector<2000x128xf32> -> vector<2000x128xf32>
    %get3A_30 = arith.constant 0 : index
    %get3A_31 = arith.constant 0 : index
    %get3A_32 = vector.load %arg5[%get3A_30, %get3A_31] : memref<1x128xf32, #tpu.memory_space<vmem>>, vector<1x128xf32>
    %add3A_33 = vector.broadcast %get3A_32 : vector<1x128xf32> to vector<2000x128xf32>
    %add3A_34 = arith.addf %dot_general3A_29, %add3A_33 : vector<2000x128xf32>
    %swap3A_35 = arith.constant 0 : index
    %swap3A_36 = arith.constant 0 : index
    %swap3A_37 = vector.load %arg7[%swap3A_35, %swap3A_36] : memref<2000x128xf32, #tpu.memory_space<vmem>>, vector<2000x128xf32>
    tpu.vector_store %arg7[%swap3A_35, %swap3A_36], %add3A_34 {strides = array<i32>} : memref<2000x128xf32, #tpu.memory_space<vmem>>, vector<2000x128xf32>,
    return
  }
  func.func @transform_0(%arg0: i32) -> (i32, i32, i32) {
    %c0_i32 = arith.constant 0 : i32
    %c0_i32_0 = arith.constant 0 : i32
    %c0_i32_1 = arith.constant 0 : i32
    return %c0_i32, %arg0, %c0_i32_0 : i32, i32, i32
  }
  func.func @transform_1(%arg0: i32) -> (i32, i32) {
    %c0_i32 = arith.constant 0 : i32
    %c0_i32_0 = arith.constant 0 : i32
    return %arg0, %c0_i32 : i32, i32
  }
  func.func @transform_2(%arg0: i32) -> (i32, i32) {
    %c0_i32 = arith.constant 0 : i32
    %c0_i32_0 = arith.constant 0 : i32
    %c0_i32_1 = arith.constant 0 : i32
    return %c0_i32, %c0_i32_0 : i32, i32
  }
  func.func @transform_3(%arg0: i32) -> (i32, i32) {
    %c0_i32 = arith.constant 0 : i32
    %c0_i32_0 = arith.constant 0 : i32
    %c0_i32_1 = arith.constant 0 : i32
    return %c0_i32, %c0_i32_0 : i32, i32
  }
  func.func @transform_4(%arg0: i32) -> (i32, i32) {
    %c0_i32 = arith.constant 0 : i32
    %c0_i32_0 = arith.constant 0 : i32
    %c0_i32_1 = arith.constant 0 : i32
    return %c0_i32, %c0_i32_0 : i32, i32
  }
  func.func @transform_5(%arg0: i32) -> (i32, i32) {
    %c0_i32 = arith.constant 0 : i32
    %c0_i32_0 = arith.constant 0 : i32
    return %arg0, %c0_i32 : i32, i32
  }
  func.func @transform_6(%arg0: i32) -> (i32, i32) {
    %c0_i32 = arith.constant 0 : i32
    %c0_i32_0 = arith.constant 0 : i32
    return %arg0, %c0_i32 : i32, i32
  }
}

module attributes {stable_mosaic.version = 14 : i64} {
  func.func @_head_body(%arg0: i32, %arg1: memref<2x2000x128xf32, #tpu.memory_space<vmem>>, %arg2: memref<2000x128xf32, #tpu.memory_space<vmem>>, %arg3: memref<20x128xf32, #tpu.memory_space<vmem>>, %arg4: memref<1x20xf32, #tpu.memory_space<vmem>>, %arg5: memref<1x20xf32, #tpu.memory_space<vmem>>, %arg6: memref<1x1xf32, #tpu.memory_space<vmem>>, %arg7: memref<2000x1xf32, #tpu.memory_space<vmem>>) attributes {dimension_semantics = [#tpu.dimension_semantics<arbitrary>], iteration_bounds = array<i64: 5>, scalar_prefetch = 0 : i64, scratch_operands = 0 : i64, tpu.core_type = #tpu.core_type<tc>, window_params = [{transform_indices = @transform_0, window_bounds = array<i64: 2, 2000, 128>}, {transform_indices = @transform_1, window_bounds = array<i64: 2000, 128>}, {pipeline_mode = #tpu.pipeline_mode<synchronous>, transform_indices = @transform_2, window_bounds = array<i64: 20, 128>}, {pipeline_mode = #tpu.pipeline_mode<synchronous>, transform_indices = @transform_3, window_bounds = array<i64: 1, 20>}, {pipeline_mode = #tpu.pipeline_mode<synchronous>, transform_indices = @transform_4, window_bounds = array<i64: 1, 20>}, {pipeline_mode = #tpu.pipeline_mode<synchronous>, transform_indices = @transform_5, window_bounds = array<i64: 1, 1>}, {transform_indices = @transform_6, window_bounds = array<i64: 2000, 1>}]} {
    %get3A = arith.constant 0 : index
    %get3A_0 = arith.constant 0 : index
    %get3A_1 = arith.constant 0 : index
    %get3A_2 = vector.load %arg1[%get3A, %get3A_0, %get3A_1] : memref<2x2000x128xf32, #tpu.memory_space<vmem>>, vector<1x2000x128xf32>
    %get3A_3 = vector.shape_cast %get3A_2 : vector<1x2000x128xf32> to vector<2000x128xf32>
    %get3A_4 = arith.constant 1 : index
    %get3A_5 = arith.constant 0 : index
    %get3A_6 = arith.constant 0 : index
    %get3A_7 = vector.load %arg1[%get3A_4, %get3A_5, %get3A_6] : memref<2x2000x128xf32, #tpu.memory_space<vmem>>, vector<1x2000x128xf32>
    %get3A_8 = vector.shape_cast %get3A_7 : vector<1x2000x128xf32> to vector<2000x128xf32>
    %add3A = arith.addf %get3A_3, %get3A_8 : vector<2000x128xf32>
    %get3A_9 = arith.constant 0 : index
    %get3A_10 = arith.constant 0 : index
    %get3A_11 = vector.load %arg2[%get3A_9, %get3A_10] : memref<2000x128xf32, #tpu.memory_space<vmem>>, vector<2000x128xf32>
    %add3A_12 = arith.addf %add3A, %get3A_11 : vector<2000x128xf32>
    %get3A_13 = arith.constant 0 : index
    %get3A_14 = arith.constant 0 : index
    %get3A_15 = vector.load %arg3[%get3A_13, %get3A_14] : memref<20x128xf32, #tpu.memory_space<vmem>>, vector<20x128xf32>
    %dot_general3A = arith.constant dense<0.000000e+00> : vector<2000x20xf32>
    %dot_general3A_16 = tpu.matmul %add3A_12, %get3A_15, %dot_general3A {dimension_numbers = #tpu.dot_dimension_numbers<[1], [1], [0], [0], [0, 0, 1, 0], [], []>, transpose_lhs_hint = false} : vector<2000x128xf32>, vector<20x128xf32>, vector<2000x20xf32> -> vector<2000x20xf32>
    %get3A_17 = arith.constant 0 : index
    %get3A_18 = arith.constant 0 : index
    %get3A_19 = vector.load %arg4[%get3A_17, %get3A_18] : memref<1x20xf32, #tpu.memory_space<vmem>>, vector<1x20xf32>
    %add3A_20 = vector.broadcast %get3A_19 : vector<1x20xf32> to vector<2000x20xf32>
    %add3A_21 = arith.addf %dot_general3A_16, %add3A_20 : vector<2000x20xf32>
    %max3A = arith.constant 0.000000e+00 : f32
    %max3A_22 = vector.broadcast %max3A : f32 to vector<2000x20xf32>
    %max3A_23 = arith.maximumf %add3A_21, %max3A_22 : vector<2000x20xf32>
    %get3A_24 = arith.constant 0 : index
    %get3A_25 = arith.constant 0 : index
    %get3A_26 = vector.load %arg5[%get3A_24, %get3A_25] : memref<1x20xf32, #tpu.memory_space<vmem>>, vector<1x20xf32>
    %mul3A = vector.broadcast %get3A_26 : vector<1x20xf32> to vector<2000x20xf32>
    %mul3A_27 = arith.mulf %max3A_23, %mul3A : vector<2000x20xf32>
    %reduce_sum3A = arith.constant dense<0.000000e+00> : vector<2000xf32>
    %reduce_sum3A_28 = vector.multi_reduction <add>, %mul3A_27, %reduce_sum3A [1] : vector<2000x20xf32> to vector<2000xf32>
    %broadcast_in_dim3A = vector.shape_cast %reduce_sum3A_28 : vector<2000xf32> to vector<2000x1xf32>
    %get3A_29 = arith.constant 0 : index
    %get3A_30 = arith.constant 0 : index
    %get3A_31 = vector.load %arg6[%get3A_29, %get3A_30] : memref<1x1xf32, #tpu.memory_space<vmem>>, vector<1x1xf32>
    %get3A_32 = vector.extract %get3A_31[0, 0] : f32 from vector<1x1xf32>
    %add3A_33 = vector.broadcast %get3A_32 : f32 to vector<2000x1xf32>
    %add3A_34 = arith.addf %broadcast_in_dim3A, %add3A_33 : vector<2000x1xf32>
    %swap3A = arith.constant 0 : index
    %swap3A_35 = arith.constant 0 : index
    %swap3A_36 = vector.load %arg7[%swap3A, %swap3A_35] : memref<2000x1xf32, #tpu.memory_space<vmem>>, vector<2000x1xf32>
    tpu.vector_store %arg7[%swap3A, %swap3A_35], %add3A_34 {strides = array<i32>} : memref<2000x1xf32, #tpu.memory_space<vmem>>, vector<2000x1xf32>,
    return
  }
  func.func @transform_0(%arg0: i32) -> (i32, i32, i32) {
    %c0_i32 = arith.constant 0 : i32
    %c0_i32_0 = arith.constant 0 : i32
    %c0_i32_1 = arith.constant 0 : i32
    return %c0_i32, %arg0, %c0_i32_0 : i32, i32, i32
  }
  func.func @transform_1(%arg0: i32) -> (i32, i32) {
    %c0_i32 = arith.constant 0 : i32
    %c0_i32_0 = arith.constant 0 : i32
    return %arg0, %c0_i32 : i32, i32
  }
  func.func @transform_2(%arg0: i32) -> (i32, i32) {
    %c0_i32 = arith.constant 0 : i32
    %c0_i32_0 = arith.constant 0 : i32
    %c0_i32_1 = arith.constant 0 : i32
    return %c0_i32, %c0_i32_0 : i32, i32
  }
  func.func @transform_3(%arg0: i32) -> (i32, i32) {
    %c0_i32 = arith.constant 0 : i32
    %c0_i32_0 = arith.constant 0 : i32
    %c0_i32_1 = arith.constant 0 : i32
    return %c0_i32, %c0_i32_0 : i32, i32
  }
  func.func @transform_4(%arg0: i32) -> (i32, i32) {
    %c0_i32 = arith.constant 0 : i32
    %c0_i32_0 = arith.constant 0 : i32
    %c0_i32_1 = arith.constant 0 : i32
    return %c0_i32, %c0_i32_0 : i32, i32
  }
  func.func @transform_5(%arg0: i32) -> (i32, i32) {
    %c0_i32 = arith.constant 0 : i32
    %c0_i32_0 = arith.constant 0 : i32
    %c0_i32_1 = arith.constant 0 : i32
    return %c0_i32, %c0_i32_0 : i32, i32
  }
  func.func @transform_6(%arg0: i32) -> (i32, i32) {
    %c0_i32 = arith.constant 0 : i32
    %c0_i32_0 = arith.constant 0 : i32
    return %arg0, %c0_i32 : i32, i32
  }
}

</mosaic_0001>

<sc_bundles>
// kernel: kernel.10.cloned.1.call-start
scs
__scs_entry_jumppad:
0x0: {  	(pc) =	sbr.rel $0x88, $3  }
0x1: {  	(tag) =	ssettag $0x0;
	lr =	simm.s32 $0x1  }
0x2: {  	[smem:$0x3F95] =	sst lr;
	_ =	strace $0xD0000000  }
0x3: {  	_ = 	snop  }
0x4: {  	_ = 	snop  }
0x5: {  	_ = 	snop  }
0x6: {  	_ = 	snop  }
0x7: {  	_ = 	snop  }
__scs_overlays_trampoline_lowered:
0x8: {  	[smem:$0x3FA4] =	sst s0  }
0x9: {  	[smem:$0x3FA5] =	sst s1  }
0xa: {  	[smem:$0x3FA6] =	sst s2  }
0xb: {  	[smem:$0x3FA7] =	sst s3  }
0xc: {  	[smem:$0x3FA8] =	sst s4  }
0xd: {  	[smem:$0x3FA9] =	sst s5  }
0xe: {  	[smem:$0x3FAA] =	sst s6  }
0xf: {  	[smem:$0x3FAB] =	sst s7  }
0x10: {  	[smem:$0x3FAC] =	sst s8  }
0x11: {  	[smem:$0x3FAD] =	sst s9;
	s0 =	simm.s32 @!p0 $0x0  }
0x12: {  	s1 =	sld [smem:$0x3F93];
	s0 =	simm.s32 @p0 $0x1  }
0x13: {  	[smem:$0x3FAE] =	sst s0;
	s0 =	simm.s32 @!p1 $0x0  }
0x14: {  	s2 =	sld [smem:$0x3F92];
	s0 =	simm.s32 @p1 $0x1  }
0x15: {  	[smem:$0x3FAF] =	sst s0;
	s0 =	simm.s32 @!p2 $0x0  }
0x16: {  	s3 =	sld [smem:$0x3FDB];
	s0 =	simm.s32 @p2 $0x1  }
0x17: {  	s4 =	simm.s32 $0x1BF5;
	[smem:$0x3FB1] =	sst s0  }
0x18: {  	s0 =	sld [smem:$0x3F94];
	_ =	swait.ge [sflag:s4], $0x0  }
0x19: {  	s7 =	sld [smem:$0x3F95]  }
0x1a: {  	s8 =	sadd.s32 $0xFFFFE003, lr  }
0x1b: {  	s9 =	sadd.s32 $0xFFFFFEF7, lr;
	s5 =	simm.s32 $0xFFFFFFFF;
	p2 =	slt.u32 s8, $0xFFFFF086  }
0x1c: {  	p1 =	slt.u32 s9, $0xF7A;
	s5 =	simm.s32 @!p2 $0x0  }
0x1d: {  	s5 =	simm.s32 @p1 $0x1;
	p0 =	seq.s32 s7, s2  }
0x1e: {  	s7 =	smul.u32 @!p0 $0xF7A, s2;
	p2 =	seq.s32 @!p0 s5, $0x0  }
0x1f: {  	s9 =	smul.u32 $0xF7A, s1;
	s8 =	simm.s32 @!p0 $0x1BF5;
	p2 =	por !p2, p0  }
0x20: {  	[sflag:s8] =	ssyncset.s32 @!p0 $0xFFFFF086;
	s6 =	sadd.s32 @!p0 s3, s7;
	s7 =	simm.s32 @!p0 $0x108  }
0x21: {  	s3 =	sadd.s32 s3, s9;
	s6 =	sadd.s32 @!p0 $0x88, s6;
	s7 =	simm.s32 @p2 $0x1082  }
0x22: {  	[simem:s7], [sflag:s8] =	dma.local @!p0 [hbm:s6], $0xF7A  }
0x23: {  	s9 =	sor.u32 $0xD0000000, s2;
	s6 =	simm.s32 $0x108;
	_ =	swait.ge @!p0 [sflag:s8], $0x0  }
0x24: {  	s3 =	sadd.s32 $0x88, s3;
	s6 =	simm.s32 @!p1 $0x1082;
	[sflag:s4] =	ssyncset.s32 $0xFFFFF086  }
0x25: {  	[simem:s6], [sflag:s4] =	dma.local [hbm:s3], $0xF7A  }
0x26: {  	[smem:$0x3F95] =	sst s1;
	(tag) =	ssettag s2;
	_ =	strace s9  }
0x27: {  	s1 =	sld [smem:$0x3FA5]  }
0x28: {  	s2 =	sld [smem:$0x3FA6]  }
0x29: {  	s4 =	sld [smem:$0x3FA8]  }
0x2a: {  	p0 =	seq.s32 s5, $0x0;
	s5 =	sld [smem:$0x3FA9]  }
0x2b: {  	s6 =	sld [smem:$0x3FAA]  }
0x2c: {  	s7 =	sld [smem:$0x3FAB]  }
0x2d: {  	s3 =	simm.s32 $0x108;
	s8 =	sld [smem:$0x3FAC]  }
0x2e: {  	s3 =	simm.s32 @!p0 $0x1082;
	s9 =	sld [smem:$0x3FAD]  }
0x2f: {  	lr =	sadd.s32 s0, s3;
	s0 =	sld [smem:$0x3FA4]  }
0x30: {  	s3 =	sld [smem:$0x3FA7]  }
0x31: {  	[smem:$0x3FB0] =	sst s10  }
0x32: {  	s10 =	sld [smem:$0x3FAE];
	_ =	sdelay $0x3  }
0x33: {  	p0 =	seq.s32 s10, $0x1;
	s10 =	sld [smem:$0x3FB0];
	_ =	sdelay $0x3  }
0x34: {  	[smem:$0x3FB0] =	sst s10  }
0x35: {  	s10 =	sld [smem:$0x3FAF];
	_ =	sdelay $0x3  }
0x36: {  	p1 =	seq.s32 s10, $0x1;
	s10 =	sld [smem:$0x3FB0];
	_ =	sdelay $0x3  }
0x37: {  	[smem:$0x3FB0] =	sst s10  }
0x38: {  	s10 =	sld [smem:$0x3FB1]  }
0x39: {  	_ = 	snop;
	(pc) =	sbr.ind lr, $3  }
0x3a: {  	_ = 	snop  }
0x3b: {  	_ = 	snop  }
0x3c: {  	p2 =	seq.s32 s10, $0x1;
	s10 =	sld [smem:$0x3FB0]  }
0x3d: {  	_ =	shalt  }
0x3e: {  	_ =	shalt  }
0x3f: {  	_ =	shalt  }
0x40: {  	_ =	shalt  }
0x41: {  	_ =	shalt  }
0x42: {  	_ =	shalt  }
0x43: {  	_ =	shalt  }
0x44: {  	_ =	shalt  }
0x45: {  	_ =	shalt  }
0x46: {  	_ =	shalt  }
0x47: {  	_ =	shalt  }
0x48: {  	_ =	shalt  }
0x49: {  	_ =	shalt  }
0x4a: {  	_ =	shalt  }
0x4b: {  	_ =	shalt  }
0x4c: {  	_ =	shalt  }
0x4d: {  	_ =	shalt  }
0x4e: {  	_ =	shalt  }
0x4f: {  	_ =	shalt  }
0x50: {  	_ =	shalt  }
0x51: {  	_ =	shalt  }
0x52: {  	_ =	shalt  }
0x53: {  	_ =	shalt  }
0x54: {  	_ =	shalt  }
0x55: {  	_ =	shalt  }
0x56: {  	_ =	shalt  }
0x57: {  	_ =	shalt  }
0x58: {  	_ =	shalt  }
0x59: {  	_ =	shalt  }
0x5a: {  	_ =	shalt  }
0x5b: {  	_ =	shalt  }
0x5c: {  	_ =	shalt  }
0x5d: {  	_ =	shalt  }
0x5e: {  	_ =	shalt  }
0x5f: {  	_ =	shalt  }
0x60: {  	_ =	shalt  }
0x61: {  	_ =	shalt  }
0x62: {  	_ =	shalt  }
0x63: {  	_ =	shalt  }
0x64: {  	_ =	shalt  }
0x65: {  	_ =	shalt  }
0x66: {  	_ =	shalt  }
0x67: {  	_ =	shalt  }
0x68: {  	_ =	shalt  }
0x69: {  	_ =	shalt  }
0x6a: {  	_ =	shalt  }
0x6b: {  	_ =	shalt  }
0x6c: {  	_ =	shalt  }
0x6d: {  	_ =	shalt  }
0x6e: {  	_ =	shalt  }
0x6f: {  	_ =	shalt  }
0x70: {  	_ =	shalt  }
0x71: {  	_ =	shalt  }
0x72: {  	_ =	shalt  }
0x73: {  	_ =	shalt  }
0x74: {  	_ =	shalt  }
0x75: {  	_ =	shalt  }
0x76: {  	_ =	shalt  }
0x77: {  	_ =	shalt  }
0x78: {  	_ =	shalt  }
0x79: {  	_ =	shalt  }
0x7a: {  	_ =	shalt  }
0x7b: {  	_ =	shalt  }
0x7c: {  	_ =	shalt  }
0x7d: {  	_ =	shalt  }
0x7e: {  	_ =	shalt  }
0x7f: {  	_ =	shalt  }
0x80: {  	_ =	shalt  }
0x81: {  	_ =	shalt  }
0x82: {  	_ =	shalt  }
0x83: {  	_ =	shalt  }
0x84: {  	_ =	shalt  }
0x85: {  	_ =	shalt  }
0x86: {  	_ =	shalt  }
0x87: {  	_ =	shalt  }
.Lfunc_end0:
.L_simem_size_0:
called_computation.1_lowered:
.L_overlay_start_0:
0x88: {  	s2 =	sld [smem:$0x3FD9]  }
0x89: {  	s3 =	sld [smem:$0x3FFE];
	_ =	sdelay $0x1  }
0x8a: {  	s1 =	srdreg.scid  }
0x8b: {  	s0 =	sand.u32 $0x1, s1  }
0x8c: {  	s17 =	sshll.u32 s0, $0xA;
	s2 =	sadd.s32 s3, s2  }
0x8d: {  	s2 =	sadd.s32 s2, s17  }
0x8e: {  	[smem:$0x3FBC] =	sst s2  }
0x8f: {  	_ = 	snop  }
0x90: {  	s2 =	sld [smem:$0x3FD0];
	(tm) =	ssettm $0x1  }
0x91: {  	s18 =	sld [smem:$0x3FFB];
	_ =	sdelay $0x3  }
0x92: {  	_ =	strace s18  }
0x93: {  	s3 =	sld [smem:$0x3FFC];
	_ =	sdelay $0x3  }
0x94: {  	_ =	strace s3  }
0x95: {  	s3 =	sld [smem:$0x3FFD];
	_ =	sdelay $0x3  }
0x96: {  	_ =	strace s3  }
0x97: {  	_ =	strace $0x8FFFFFFF  }
0x98: {  	s19 =	sld [smem:$0x3FDB];
	_ =	sdelay $0x1  }
0x99: {  	s4 =	simm.s32 $_scs_section_size  }
0x9a: {  	s5 =	simm.s32 $_size__tile_overlayer_lowered;
	s6 =	simm.s32 $_tile_overlayer_lowered  }
0x9b: {  	s22 =	simm.s32 $0x1BFF;
	s21 =	sshll.u32 s6, $0x1;
	s3 =	sadd.s32 s4, s19  }
0x9c: {  	s7 =	simm.s32 $0x0;
	s20 =	sshll.u32 s5, $0x1;
	s5 =	sadd.s32 s21, s3  }
0x9d: {  	[timem:s7], [sflag:s22] =	dma.local [hbm:s5], s20  }
0x9e: {  	_ =	swait.ge [sflag:s22], s20  }
0x9f: {  	s4 =	ssub.s32 $0x0, s20;
	[sflag:s22] =	ssyncset.done $0x0  }
0xa0: {  	[sflag:s22] =	ssyncadd.s32 s4;
	_ =	sdelay $0x1  }
0xa1: {  	s23 =	simm.s32 $0x1B8B  }
0xa2: {  	_ =	swait.ge [sflag:s23], $0x1  }
0xa3: {  	[sflag:s23] =	ssyncset.done $0x0  }
0xa4: {  	s25 =	simm.s32 $0x1B8E;
	s24 =	sld [smem:$0x3FFE];
	[sflag:s23] =	ssyncadd.s32 $0xFFFFFFFF  }
0xa5: {  	s26 =	simm.s32 $execute0_lowered;
	[smem:$0x3FD2] =	sst s25  }
0xa6: {  	s5 =	sshll.u32 s26, $0x1;
	_ =	strace $0x80000049;
	[dreg:$0x1] =	wrdreg $0xFFFFFFFF  }
0xa7: {  	s28 =	simm.s32 $_size_execute0_lowered;
	s3 =	sadd.s32 s3, s5;
	[dreg:$0x0] =	wrdreg $0x0  }
0xa8: {  	s5 =	sshll.u32 s28, $0x1;
	[dreg:$0x2] =	wrdreg s3  }
0xa9: {  	[dreg:$0x3] =	wrdreg s5  }
0xaa: {  	[dreg:$0x4] =	wrdreg $0xC0  }
0xab: {  	_ =	task [dreg:s7], $0x5FFFF  }
0xac: {  	[dreg:$0x1] =	wrdreg $0xFFFFFFFF  }
0xad: {  	[dreg:$0x0] =	wrdreg $0x60  }
0xae: {  	[dreg:$0x2] =	wrdreg s24  }
0xaf: {  	[dreg:$0x3] =	wrdreg s2  }
0xb0: {  	[dreg:$0x4] =	wrdreg $0xA8000  }
0xb1: {  	[dreg:$0x5] =	wrdreg $0x9  }
0xb2: {  	_ =	task.clear_ibuf [dreg:s7], $0x6FFFF;
	_ =	strace $0x90000049  }
0xb3: {  	s29 =	simm.s32 $0x9;
	_ =	strace $0x8000004B  }
0xb4: {  	_ =	swait.ge [sflag:s29], $0x1  }
0xb5: {  	[sflag:s29] =	ssyncadd.s32 $0xFFFFFFFF  }
0xb6: {  	_ =	strace $0x9000004B  }
0xb7: {  	_ =	sfence  }
0xb8: {  	s30 =	sld [smem:$0x0];
	_ =	sdelay $0x2  }
0xb9: {  	s31 =	sshll.u32 s1, $0xD;
	s1 =	sshrl.u32 s1, $0x2  }
0xba: {  	s3 =	sand.u32 $0x4000, s31;
	s1 =	sadd.s32 s1, s30  }
0xbb: {  	s0 =	sor.u32 s3, s0;
	s1 =	sshll.u32 s1, $0x11  }
0xbc: {  	s0 =	sor.u32 s1, s0  }
0xbd: {  	s0 =	sadd.s32 $0x8F2B, s0  }
0xbe: {  	[sflag:s0] =	ssyncadd.remote.s32 $0x1  }
0xbf: {  	_ =	sfence.sel $0xFFFF  }
0xc0: {  	[dreg:$0x0] =	wrdreg $0xFFFFFFFF;
	(pc) =	sbr.abs _section_cstart, $3  }
0xc1: {  	[dreg:$0x1] =	wrdreg $0xFFFFFFFF  }
0xc2: {  	_ =	task.clear_ibuf [dreg:s7], $0x2FFFF;
	_ =	strace $0x9FFFFFFF  }
0xc3: {  	(tm) =	ssettm $0x7FFFFFFF  }
tec
execute0_lowered:
.L_overlay_start_1:
0x0: {  	(tag) =	ssettag $0x1  }
0x1: {  	s0 =	srdreg.scid  }
0x2: {  	s15 =	stileid.u32;
	s1 =	simm.s32 $0x0;
	s28 =	simm.s32 $0x1  }
0x3: {  	s2 =	sand.u32 $0x1, s0;
	s3 =	sshll.u32 s15, $0x1;
	s0 =	rddreg [dreg:$0x0]  }
0x4: {  	s29 =	simm.s32 $0x2;
	[smem:$0x7FF] =	sst s1;
	s3 =	sor.u32 s2, s3  }
0x5: {  	s4 =	sadd.s32 $0x2600, s0;
	s7 =	ssub.s32 $0x2, s2;
	s5 =	smul.u32 $0x5000, s3  }
0x6: {  	s6 =	sadd.s32 $0x16600, s0;
	s3 =	smul.u32 $0xA00, s3;
	s9 =	sshrl.u32 s7, $0x1  }
0x7: {  	s8 =	sadd.s32 $0x51800, s0;
	s2 =	smul.u32 $0x140000, s2;
	s7 =	ssub.s32 s7, s9  }
0x8: {  	s9 =	smul.u32 $0x14000, s15;
	s5 =	sshrl.u32 s5, $0x3;
	s14 =	sadd.s32 s4, s3  }
0x9: {  	s3 =	sadd.s32 s6, s3;
	[dreg:$0x4] =	wrdreg s14;
	s16 =	sadd.s32 $0x280, s5  }
0xa: {  	[dreg:$0x5] =	wrdreg s3;
	s19 =	sadd.s32 $0x500, s5;
	s20 =	sadd.s32 $0x780, s5  }
0xb: {  	s21 =	sadd.s32 s2, s9;
	s5 =	sor.u32 $0x2000, s9;
	s17 =	sadd.s32 s4, s16  }
0xc: {  	s11 =	sadd.s32 $0x8000, s9;
	s18 =	sadd.s32 s6, s16;
	[dreg:$0x6] =	wrdreg s17  }
0xd: {  	s10 =	sadd.s32 s4, s19;
	s3 =	sadd.s32 s6, s19;
	[dreg:$0x7] =	wrdreg s18  }
0xe: {  	s4 =	sadd.s32 s4, s20;
	s22 =	sshrl.u32 s21, $0x3;
	[dreg:$0x8] =	wrdreg s10  }
0xf: {  	s23 =	sadd.s32 s2, s5;
	s13 =	sadd.s32 s2, s11;
	[dreg:$0x9] =	wrdreg s3  }
0x10: {  	s16 =	sadd.s32 $0xA000, s9;
	s21 =	sadd.s32 $0x10000, s9;
	[dreg:$0xa] =	wrdreg s4  }
0x11: {  	s3 =	sadd.s32 s6, s20;
	s24 =	sshrl.u32 s23, $0x3;
	s4 =	sadd.s32 $0x4000, s9  }
0x12: {  	s6 =	sadd.s32 $0x6000, s9;
	s14 =	sshrl.u32 s13, $0x3;
	s17 =	sadd.s32 s2, s16  }
0x13: {  	[dreg:$0xb] =	wrdreg s3;
	s3 =	sadd.s32 s8, s22;
	s25 =	sadd.s32 s2, s4  }
0x14: {  	s26 =	sadd.s32 s2, s6;
	[dreg:$0xc] =	wrdreg s3;
	s3 =	sadd.s32 s8, s24  }
0x15: {  	s22 =	sadd.s32 $0x12000, s9;
	[dreg:$0xd] =	wrdreg s3;
	s3 =	sshrl.u32 s25, $0x3  }
0x16: {  	s12 =	sshrl.u32 s26, $0x3;
	s25 =	sadd.s32 s2, s21;
	s3 =	sadd.s32 s8, s3  }
0x17: {  	[dreg:$0xe] =	wrdreg s3;
	s3 =	sadd.s32 s8, s12;
	s12 =	sadd.s32 $0xC000, s9  }
0x18: {  	[dreg:$0xf] =	wrdreg s3;
	s3 =	sadd.s32 s8, s14;
	s13 =	sadd.s32 s2, s12  }
0x19: {  	s14 =	sadd.s32 $0xE000, s9;
	s9 =	sshrl.u32 s25, $0x3;
	[dreg:$0x10] =	wrdreg s3  }
0x1a: {  	s3 =	sshrl.u32 s17, $0x3;
	s18 =	sshrl.u32 s13, $0x3;
	s9 =	sadd.s32 s8, s9  }
0x1b: {  	s19 =	sadd.s32 s2, s14;
	s3 =	sadd.s32 s8, s3;
	[dreg:$0x14] =	wrdreg s9  }
0x1c: {  	s2 =	sadd.s32 s2, s22;
	[dreg:$0x11] =	wrdreg s3;
	s3 =	sadd.s32 s8, s18  }
0x1d: {  	s20 =	sshrl.u32 s19, $0x3;
	s2 =	sshrl.u32 s2, $0x3;
	[dreg:$0x12] =	wrdreg s3  }
0x1e: {  	s2 =	sadd.s32 s8, s2;
	s3 =	sadd.s32 s8, s20;
	s20 =	rddreg [dreg:$0x2]  }
0x1f: {  	s30 =	simm.s32 $0x3;
	s31 =	simm.s32 $0x4;
	[dreg:$0x15] =	wrdreg s2  }
0x20: {  	s15 =	smul.u32 $0x50000, s15;
	s2 =	smax.u32 s7, $0x1;
	[dreg:$0x13] =	wrdreg s3  }
0x21: {  	s7 =	sadd.s32 s5, s20;
	_ =	strace $0x8000004A;
	[dreg:$0x16] =	wrdreg s2  }
0x22: {  	s23 =	sadd.s32 $0x2A600, s0;
	s8 =	sadd.s32 s4, s20;
	[dreg:$0x17] =	wrdreg s7  }
0x23: {  	s0 =	simm.s32 $0x2680;
	s9 =	sadd.s32 s6, s20;
	[dreg:$0x18] =	wrdreg s8  }
0x24: {  	s26 =	sshrl.u32 s15, $0x2;
	s11 =	sadd.s32 s11, s20;
	[dreg:$0x19] =	wrdreg s9  }
0x25: {  	s13 =	simm.s32 $0x5;
	s15 =	sadd.s32 s16, s20;
	[dreg:$0x1a] =	wrdreg s11  }
0x26: {  	s24 =	sadd.s32 s26, s20;
	s16 =	sadd.s32 s12, s20;
	[dreg:$0x1b] =	wrdreg s15  }
0x27: {  	s17 =	sadd.s32 s14, s20;
	s18 =	sadd.s32 s21, s20;
	[dreg:$0x1c] =	wrdreg s16  }
0x28: {  	s19 =	sadd.s32 s22, s20;
	s12 =	simm.s32 $0x2800;
	[dreg:$0x1d] =	wrdreg s17  }
0x29: {  	s14 =	simm.s32 $0x1400;
	s3 =	simm.s32 $0x0;
	[dreg:$0x1e] =	wrdreg s18  }
0x2a: {  	[dreg:$0x1f] =	wrdreg s19;
	s21 =	sadd.s32 $0x2000, s24;
	s22 =	sadd.s32 $0x4000, s24  }
0x2b: {  	s25 =	sadd.s32 $0x6000, s24;
	s26 =	sadd.s32 $0x8000, s24;
	s7 =	sadd.s32 $0xA000, s24  }
0x2c: {  	s8 =	sadd.s32 $0xC000, s24;
	s9 =	sadd.s32 $0xE000, s24;
	s10 =	sadd.s32 $0x10000, s24  }
0x2d: {  	s11 =	sadd.s32 $0x12000, s24;
	s15 =	simm.s32 $0x40;
	[smem:$0x7FA] =	sst s21  }
0x2e: {  	s16 =	simm.s32 $0x80;
	s17 =	simm.s32 $0x4800;
	[smem:$0x7FB] =	sst s22  }
0x2f: {  	s18 =	simm.s32 $0x2600;
	s19 =	simm.s32 $0x2700;
	[smem:$0x7FC] =	sst s25  }
0x30: {  	s2 =	simm.s32 $0x2780;
	[smem:$0x7FD] =	sst s26;
	s21 =	simm.s32 $0x100  }
0x31: {  	s22 =	simm.s32 $0x6800;
	s25 =	simm.s32 $0x180;
	s26 =	simm.s32 $0x8800  }
.LBB2_1:
0x32: {  	s4 =	rddreg [dreg:$0x1]  }
0x33: {  	[tilespmem:s12], [sflag:$0x5] =	stream.linear.gather [hbm4b:s4+s1], $0x2000, $0x38;
	[tilespmem:$0x1E800] =	vst v63  }
0x34: {  	_ =	swait.ge [sflag:s13], $0x2000  }
0x35: {  	[sflag:s13] =	ssyncset.done $0x0  }
0x36: {  	[sflag:s13] =	ssyncadd.s32 $0xFFFFE000  }
0x37: {  	[spmem:s24] =	stream.linear.scatter [tilespmem:s12], [sflag:$0x5], $0x2000, $0x38;
	[tilespmem:$0x1E800] =	vst v63  }
0x38: {  	_ =	swait.ge [sflag:s13], $0x2000  }
0x39: {  	s6 =	sld [smem:$0x7FA]  }
0x3a: {  	[sflag:s13] =	ssyncset.done $0x0  }
0x3b: {  	[sflag:s13] =	ssyncadd.s32 $0xFFFFE000  }
0x3c: {  	[spmem:s6] =	stream.linear.scatter [tilespmem:s12], [sflag:$0x5], $0x2000, $0x38;
	[tilespmem:$0x1E800] =	vst v63  }
0x3d: {  	_ =	swait.ge [sflag:s13], $0x2000  }
0x3e: {  	s5 =	sld [smem:$0x7FB]  }
0x3f: {  	[sflag:s13] =	ssyncset.done $0x0  }
0x40: {  	[sflag:s13] =	ssyncadd.s32 $0xFFFFE000  }
0x41: {  	[spmem:s5] =	stream.linear.scatter [tilespmem:s12], [sflag:$0x5], $0x2000, $0x38;
	[tilespmem:$0x1E800] =	vst v63  }
0x42: {  	_ =	swait.ge [sflag:s13], $0x2000  }
0x43: {  	s6 =	sld [smem:$0x7FC]  }
0x44: {  	[sflag:s13] =	ssyncset.done $0x0  }
0x45: {  	[sflag:s13] =	ssyncadd.s32 $0xFFFFE000  }
0x46: {  	[spmem:s6] =	stream.linear.scatter [tilespmem:s12], [sflag:$0x5], $0x2000, $0x38;
	[tilespmem:$0x1E800] =	vst v63  }
0x47: {  	_ =	swait.ge [sflag:s13], $0x2000  }
0x48: {  	s5 =	sld [smem:$0x7FD]  }
0x49: {  	[sflag:s13] =	ssyncset.done $0x0  }
0x4a: {  	[sflag:s13] =	ssyncadd.s32 $0xFFFFE000  }
0x4b: {  	[spmem:s5] =	stream.linear.scatter [tilespmem:s12], [sflag:$0x5], $0x2000, $0x38;
	[tilespmem:$0x1E800] =	vst v63  }
0x4c: {  	_ =	swait.ge [sflag:s13], $0x2000  }
0x4d: {  	[sflag:s13] =	ssyncset.done $0x0  }
0x4e: {  	[sflag:s13] =	ssyncadd.s32 $0xFFFFE000  }
0x4f: {  	[spmem:s7] =	stream.linear.scatter [tilespmem:s12], [sflag:$0x5], $0x2000, $0x38;
	[tilespmem:$0x1E800] =	vst v63  }
0x50: {  	_ =	swait.ge [sflag:s13], $0x2000  }
0x51: {  	[sflag:s13] =	ssyncset.done $0x0  }
0x52: {  	[sflag:s13] =	ssyncadd.s32 $0xFFFFE000  }
0x53: {  	[spmem:s8] =	stream.linear.scatter [tilespmem:s12], [sflag:$0x5], $0x2000, $0x38;
	[tilespmem:$0x1E800] =	vst v63  }
0x54: {  	_ =	swait.ge [sflag:s13], $0x2000  }
0x55: {  	[sflag:s13] =	ssyncset.done $0x0  }
0x56: {  	[sflag:s13] =	ssyncadd.s32 $0xFFFFE000  }
0x57: {  	[spmem:s9] =	stream.linear.scatter [tilespmem:s12], [sflag:$0x5], $0x2000, $0x38;
	[tilespmem:$0x1E800] =	vst v63  }
0x58: {  	_ =	swait.ge [sflag:s13], $0x2000  }
0x59: {  	[sflag:s13] =	ssyncset.done $0x0  }
0x5a: {  	[sflag:s13] =	ssyncadd.s32 $0xFFFFE000  }
0x5b: {  	[spmem:s10] =	stream.linear.scatter [tilespmem:s12], [sflag:$0x5], $0x2000, $0x38;
	[tilespmem:$0x1E800] =	vst v63  }
0x5c: {  	_ =	swait.ge [sflag:s13], $0x2000  }
0x5d: {  	[sflag:s13] =	ssyncset.done $0x0  }
0x5e: {  	[sflag:s13] =	ssyncadd.s32 $0xFFFFE000  }
0x5f: {  	[spmem:s11] =	stream.linear.scatter [tilespmem:s12], [sflag:$0x5], $0x2000, $0x38;
	[tilespmem:$0x1E800] =	vst v63  }
0x60: {  	_ =	swait.ge [sflag:s13], $0x2000  }
0x61: {  	[sflag:s13] =	ssyncset.done $0x0  }
0x62: {  	[sflag:s13] =	ssyncadd.s32 $0xFFFFE000  }
0x63: {  	[bflag:$0x0] =	sbarrier.arrive $0xFFFF  }
0x64: {  	s6 =	rddreg [dreg:$0x4]  }
0x65: {  	[tilespmem:s1], [sflag:$0x5] =	stream.linear.gather [hbm4b:s6+s1], $0x1400, $0x38;
	[tilespmem:$0x1E800] =	vst v63  }
0x66: {  	_ =	swait.ge [sflag:s13], $0x1400  }
0x67: {  	[sflag:s13] =	ssyncset.done $0x0  }
0x68: {  	s5 =	rddreg [dreg:$0x5];
	[sflag:s13] =	ssyncadd.s32 $0xFFFFEC00  }
0x69: {  	[tilespmem:s14], [sflag:$0x5] =	stream.linear.gather [hbm4b:s5+s1], $0x1400, $0x38;
	[tilespmem:$0x1E800] =	vst v63  }
0x6a: {  	_ =	swait.ge [sflag:s13], $0x1400  }
0x6b: {  	[sflag:s13] =	ssyncset.done $0x0  }
0x6c: {  	[sflag:s13] =	ssyncadd.s32 $0xFFFFEC00  }
0x6d: {  	[tilespmem:s12], [sflag:$0x1] =	stream.indirect.gather [hbm4b:s23+s15], $0x80, s1, s15, $0xb8;
	[tilespmem:$0x1E800] =	vst v63  }
0x6e: {  	_ = 	snop  }
0x6f: {  	[tilespmem:s17], [sflag:$0x2] =	stream.indirect.gather [hbm4b:s23+s15], $0x80, s16, s15, $0xb8;
	[tilespmem:$0x1E800] =	vst v63  }
0x70: {  	_ = 	snop  }
0x71: {  	[tilespmem:s22], [sflag:$0x3] =	stream.indirect.gather [hbm4b:s23+s15], $0x80, s21, s15, $0xb8;
	[tilespmem:$0x1E800] =	vst v63  }
0x72: {  	_ = 	snop  }
0x73: {  	[tilespmem:s26], [sflag:$0x4] =	stream.indirect.gather [hbm4b:s23+s15], $0x80, s25, s15, $0xb8;
	[tilespmem:$0x1E800] =	vst v63  }
0x74: {  	_ =	swait.ge [sflag:s28], $0x2000  }
0x75: {  	[sflag:s28] =	ssyncset.done $0x0  }
0x76: {  	s6 =	simm.s32 $0x1400;
	[sflag:s28] =	ssyncadd.s32 $0xFFFFE000  }
0x77: {  	[spmem:s20] =	stream.indirect.scatter.add.f32 [tilespmem:s12], [sflag:$0x5], $0x80, s6, s15, $0xb8;
	[tilespmem:$0x1E800] =	vst v63  }
0x78: {  	_ =	swait.ge [sflag:s13], $0x2000  }
0x79: {  	[sflag:s13] =	ssyncset.done $0x0  }
0x7a: {  	s5 =	simm.s32 $0x200;
	[sflag:s13] =	ssyncadd.s32 $0xFFFFE000  }
0x7b: {  	[tilespmem:s12], [sflag:$0x1] =	stream.indirect.gather [hbm4b:s23+s15], $0x80, s5, s15, $0xb8;
	[tilespmem:$0x1E800] =	vst v63  }
0x7c: {  	_ =	swait.ge [sflag:s29], $0x2000  }
0x7d: {  	[sflag:s29] =	ssyncset.done $0x0  }
0x7e: {  	s6 =	simm.s32 $0x1480;
	[sflag:s29] =	ssyncadd.s32 $0xFFFFE000  }
0x7f: {  	[spmem:s20] =	stream.indirect.scatter.add.f32 [tilespmem:s17], [sflag:$0x5], $0x80, s6, s15, $0xb8;
	[tilespmem:$0x1E800] =	vst v63  }
0x80: {  	_ =	swait.ge [sflag:s13], $0x2000  }
0x81: {  	[sflag:s13] =	ssyncset.done $0x0  }
0x82: {  	s5 =	simm.s32 $0x280;
	[sflag:s13] =	ssyncadd.s32 $0xFFFFE000  }
0x83: {  	[tilespmem:s17], [sflag:$0x2] =	stream.indirect.gather [hbm4b:s23+s15], $0x80, s5, s15, $0xb8;
	[tilespmem:$0x1E800] =	vst v63  }
0x84: {  	_ =	swait.ge [sflag:s30], $0x2000  }
0x85: {  	[sflag:s30] =	ssyncset.done $0x0  }
0x86: {  	s6 =	simm.s32 $0x1500;
	[sflag:s30] =	ssyncadd.s32 $0xFFFFE000  }
0x87: {  	[spmem:s20] =	stream.indirect.scatter.add.f32 [tilespmem:s22], [sflag:$0x5], $0x80, s6, s15, $0xb8;
	[tilespmem:$0x1E800] =	vst v63  }
0x88: {  	_ =	swait.ge [sflag:s13], $0x2000  }
0x89: {  	[sflag:s13] =	ssyncset.done $0x0  }
0x8a: {  	s5 =	simm.s32 $0x300;
	[sflag:s13] =	ssyncadd.s32 $0xFFFFE000  }
0x8b: {  	[tilespmem:s22], [sflag:$0x3] =	stream.indirect.gather [hbm4b:s23+s15], $0x80, s5, s15, $0xb8;
	[tilespmem:$0x1E800] =	vst v63  }
0x8c: {  	_ =	swait.ge [sflag:s31], $0x2000  }
0x8d: {  	[sflag:s31] =	ssyncset.done $0x0  }
0x8e: {  	s6 =	simm.s32 $0x1580;
	[sflag:s31] =	ssyncadd.s32 $0xFFFFE000  }
0x8f: {  	[spmem:s20] =	stream.indirect.scatter.add.f32 [tilespmem:s26], [sflag:$0x5], $0x80, s6, s15, $0xb8;
	[tilespmem:$0x1E800] =	vst v63  }
0x90: {  	_ =	swait.ge [sflag:s13], $0x2000  }
0x91: {  	[sflag:s13] =	ssyncset.done $0x0  }
0x92: {  	s4 =	simm.s32 $0x800;
	s5 =	simm.s32 $0x380;
	[sflag:s13] =	ssyncadd.s32 $0xFFFFE000  }
.LBB2_2:
0x93: {  	[tilespmem:s26], [sflag:$0x4] =	stream.indirect.gather [hbm4b:s23+s15], $0x80, s5, s15, $0xb8;
	[tilespmem:$0x1E800] =	vst v63  }
0x94: {  	s5 =	smov.u32 s4  }
0x95: {  	p0 =	sne.s32 s4, $0x4000;
	s4 =	sadd.s32 $0x800, s4;
	_ =	swait.ge [sflag:s28], $0x2000  }
0x96: {  	s5 =	sshra.s32 s5, $0x2;
	[sflag:s28] =	ssyncset.done $0x0  }
0x97: {  	s6 =	sadd.s32 $0x1400, s5;
	[sflag:s28] =	ssyncadd.s32 $0xFFFFE000  }
0x98: {  	[spmem:s20] =	stream.indirect.scatter.add.f32 [tilespmem:s12], [sflag:$0x5], $0x80, s6, s15, $0xb8;
	[tilespmem:$0x1E800] =	vst v63  }
0x99: {  	_ =	swait.ge [sflag:s13], $0x2000  }
0x9a: {  	[sflag:s13] =	ssyncset.done $0x0  }
0x9b: {  	s6 =	sadd.s32 $0x200, s5;
	[sflag:s13] =	ssyncadd.s32 $0xFFFFE000  }
0x9c: {  	[tilespmem:s12], [sflag:$0x1] =	stream.indirect.gather [hbm4b:s23+s15], $0x80, s6, s15, $0xb8;
	[tilespmem:$0x1E800] =	vst v63  }
0x9d: {  	_ =	swait.ge [sflag:s29], $0x2000  }
0x9e: {  	[sflag:s29] =	ssyncset.done $0x0  }
0x9f: {  	s6 =	sadd.s32 $0x1480, s5;
	[sflag:s29] =	ssyncadd.s32 $0xFFFFE000  }
0xa0: {  	[spmem:s20] =	stream.indirect.scatter.add.f32 [tilespmem:s17], [sflag:$0x5], $0x80, s6, s15, $0xb8;
	[tilespmem:$0x1E800] =	vst v63  }
0xa1: {  	_ =	swait.ge [sflag:s13], $0x2000  }
0xa2: {  	[sflag:s13] =	ssyncset.done $0x0  }
0xa3: {  	s6 =	sadd.s32 $0x280, s5;
	[sflag:s13] =	ssyncadd.s32 $0xFFFFE000  }
0xa4: {  	[tilespmem:s17], [sflag:$0x2] =	stream.indirect.gather [hbm4b:s23+s15], $0x80, s6, s15, $0xb8;
	[tilespmem:$0x1E800] =	vst v63  }
0xa5: {  	_ =	swait.ge [sflag:s30], $0x2000  }
0xa6: {  	[sflag:s30] =	ssyncset.done $0x0  }
0xa7: {  	s6 =	sadd.s32 $0x1500, s5;
	[sflag:s30] =	ssyncadd.s32 $0xFFFFE000  }
0xa8: {  	[spmem:s20] =	stream.indirect.scatter.add.f32 [tilespmem:s22], [sflag:$0x5], $0x80, s6, s15, $0xb8;
	[tilespmem:$0x1E800] =	vst v63  }
0xa9: {  	_ =	swait.ge [sflag:s13], $0x2000  }
0xaa: {  	[sflag:s13] =	ssyncset.done $0x0  }
0xab: {  	s6 =	sadd.s32 $0x300, s5;
	[sflag:s13] =	ssyncadd.s32 $0xFFFFE000  }
0xac: {  	[tilespmem:s22], [sflag:$0x3] =	stream.indirect.gather [hbm4b:s23+s15], $0x80, s6, s15, $0xb8;
	[tilespmem:$0x1E800] =	vst v63  }
0xad: {  	_ =	swait.ge [sflag:s31], $0x2000  }
0xae: {  	[sflag:s31] =	ssyncset.done $0x0  }
.Ltmp0:
0xaf: {  	s6 =	sadd.s32 $0x1580, s5;
	[sflag:s31] =	ssyncadd.s32 $0xFFFFE000;
	(pc) =	sbr.rel @p0 .LBB2_2-.Ltmp0, $4  }
0xb0: {  	[spmem:s20] =	stream.indirect.scatter.add.f32 [tilespmem:s26], [sflag:$0x5], $0x80, s6, s15, $0xb8;
	[tilespmem:$0x1E800] =	vst v63  }
0xb1: {  	_ =	swait.ge [sflag:s13], $0x2000  }
0xb2: {  	[sflag:s13] =	ssyncset.done $0x0  }
0xb3: {  	s5 =	sadd.s32 $0x380, s5;
	[sflag:s13] =	ssyncadd.s32 $0xFFFFE000  }
0xb4: {  	[tilespmem:s26], [sflag:$0x4] =	stream.indirect.gather [hbm4b:s23+s15], $0x80, s5, s15, $0xb8;
	[tilespmem:$0x1E800] =	vst v63  }
0xb5: {  	_ =	swait.ge [sflag:s28], $0x2000  }
0xb6: {  	[sflag:s28] =	ssyncset.done $0x0  }
0xb7: {  	[sflag:s28] =	ssyncadd.s32 $0xFFFFE000  }
0xb8: {  	[spmem:s20] =	stream.indirect.scatter.add.f32 [tilespmem:s12], [sflag:$0x5], $0x80, s18, s15, $0xb8;
	[tilespmem:$0x1E800] =	vst v63  }
0xb9: {  	_ =	swait.ge [sflag:s13], $0x2000  }
0xba: {  	[sflag:s13] =	ssyncset.done $0x0  }
0xbb: {  	[sflag:s13] =	ssyncadd.s32 $0xFFFFE000  }
0xbc: {  	_ =	swait.ge [sflag:s29], $0x2000  }
0xbd: {  	[sflag:s29] =	ssyncset.done $0x0  }
0xbe: {  	[sflag:s29] =	ssyncadd.s32 $0xFFFFE000  }
0xbf: {  	[spmem:s20] =	stream.indirect.scatter.add.f32 [tilespmem:s17], [sflag:$0x5], $0x80, s0, s15, $0xb8;
	[tilespmem:$0x1E800] =	vst v63  }
0xc0: {  	_ =	swait.ge [sflag:s13], $0x2000  }
0xc1: {  	[sflag:s13] =	ssyncset.done $0x0  }
0xc2: {  	[sflag:s13] =	ssyncadd.s32 $0xFFFFE000  }
0xc3: {  	_ =	swait.ge [sflag:s30], $0x2000  }
0xc4: {  	[sflag:s30] =	ssyncset.done $0x0  }
0xc5: {  	[sflag:s30] =	ssyncadd.s32 $0xFFFFE000  }
0xc6: {  	[spmem:s20] =	stream.indirect.scatter.add.f32 [tilespmem:s22], [sflag:$0x5], $0x80, s19, s15, $0xb8;
	[tilespmem:$0x1E800] =	vst v63  }
0xc7: {  	_ =	swait.ge [sflag:s13], $0x2000  }
0xc8: {  	[sflag:s13] =	ssyncset.done $0x0  }
0xc9: {  	[sflag:s13] =	ssyncadd.s32 $0xFFFFE000  }
0xca: {  	_ =	swait.ge [sflag:s31], $0x2000  }
0xcb: {  	[sflag:s31] =	ssyncset.done $0x0  }
0xcc: {  	[sflag:s31] =	ssyncadd.s32 $0xFFFFE000  }
0xcd: {  	[spmem:s20] =	stream.indirect.scatter.add.f32 [tilespmem:s26], [sflag:$0x5], $0x80, s2, s15, $0xb8;
	[tilespmem:$0x1E800] =	vst v63  }
0xce: {  	_ =	swait.ge [sflag:s13], $0x2000  }
0xcf: {  	[sflag:s13] =	ssyncset.done $0x0  }
0xd0: {  	s4 =	simm.s32 $0x0;
	s6 =	rddreg [dreg:$0x6];
	[sflag:s13] =	ssyncadd.s32 $0xFFFFE000  }
0xd1: {  	[tilespmem:s4], [sflag:$0x5] =	stream.linear.gather [hbm4b:s6+s4], $0x1400, $0x38;
	[tilespmem:$0x1E800] =	vst v63  }
0xd2: {  	_ =	swait.ge [sflag:s13], $0x1400  }
0xd3: {  	[sflag:s13] =	ssyncset.done $0x0  }
0xd4: {  	s6 =	rddreg [dreg:$0x7];
	[sflag:s13] =	ssyncadd.s32 $0xFFFFEC00  }
0xd5: {  	[tilespmem:s14], [sflag:$0x5] =	stream.linear.gather [hbm4b:s6+s4], $0x1400, $0x38;
	[tilespmem:$0x1E800] =	vst v63  }
0xd6: {  	_ =	swait.ge [sflag:s13], $0x1400  }
0xd7: {  	[sflag:s13] =	ssyncset.done $0x0  }
0xd8: {  	[sflag:s13] =	ssyncadd.s32 $0xFFFFEC00  }
0xd9: {  	[tilespmem:s12], [sflag:$0x1] =	stream.indirect.gather [hbm4b:s23+s15], $0x80, s4, s15, $0xb8;
	[tilespmem:$0x1E800] =	vst v63  }
0xda: {  	_ = 	snop  }
0xdb: {  	[tilespmem:s17], [sflag:$0x2] =	stream.indirect.gather [hbm4b:s23+s15], $0x80, s16, s15, $0xb8;
	[tilespmem:$0x1E800] =	vst v63  }
0xdc: {  	_ = 	snop  }
0xdd: {  	[tilespmem:s22], [sflag:$0x3] =	stream.indirect.gather [hbm4b:s23+s15], $0x80, s21, s15, $0xb8;
	[tilespmem:$0x1E800] =	vst v63  }
0xde: {  	_ = 	snop  }
0xdf: {  	[tilespmem:s26], [sflag:$0x4] =	stream.indirect.gather [hbm4b:s23+s15], $0x80, s25, s15, $0xb8;
	[tilespmem:$0x1E800] =	vst v63  }
0xe0: {  	_ =	swait.ge [sflag:s28], $0x2000  }
0xe1: {  	[sflag:s28] =	ssyncset.done $0x0  }
0xe2: {  	s6 =	simm.s32 $0x1400;
	[sflag:s28] =	ssyncadd.s32 $0xFFFFE000  }
0xe3: {  	[spmem:s20] =	stream.indirect.scatter.add.f32 [tilespmem:s12], [sflag:$0x5], $0x80, s6, s15, $0xb8;
	[tilespmem:$0x1E800] =	vst v63  }
0xe4: {  	_ =	swait.ge [sflag:s13], $0x2000  }
0xe5: {  	[sflag:s13] =	ssyncset.done $0x0  }
0xe6: {  	s5 =	simm.s32 $0x200;
	[sflag:s13] =	ssyncadd.s32 $0xFFFFE000  }
0xe7: {  	[tilespmem:s12], [sflag:$0x1] =	stream.indirect.gather [hbm4b:s23+s15], $0x80, s5, s15, $0xb8;
	[tilespmem:$0x1E800] =	vst v63  }
0xe8: {  	_ =	swait.ge [sflag:s29], $0x2000  }
0xe9: {  	[sflag:s29] =	ssyncset.done $0x0  }
0xea: {  	s6 =	simm.s32 $0x1480;
	[sflag:s29] =	ssyncadd.s32 $0xFFFFE000  }
0xeb: {  	[spmem:s20] =	stream.indirect.scatter.add.f32 [tilespmem:s17], [sflag:$0x5], $0x80, s6, s15, $0xb8;
	[tilespmem:$0x1E800] =	vst v63  }
0xec: {  	_ =	swait.ge [sflag:s13], $0x2000  }
0xed: {  	[sflag:s13] =	ssyncset.done $0x0  }
0xee: {  	s5 =	simm.s32 $0x280;
	[sflag:s13] =	ssyncadd.s32 $0xFFFFE000  }
0xef: {  	[tilespmem:s17], [sflag:$0x2] =	stream.indirect.gather [hbm4b:s23+s15], $0x80, s5, s15, $0xb8;
	[tilespmem:$0x1E800] =	vst v63  }
0xf0: {  	_ =	swait.ge [sflag:s30], $0x2000  }
0xf1: {  	[sflag:s30] =	ssyncset.done $0x0  }
0xf2: {  	s6 =	simm.s32 $0x1500;
	[sflag:s30] =	ssyncadd.s32 $0xFFFFE000  }
0xf3: {  	[spmem:s20] =	stream.indirect.scatter.add.f32 [tilespmem:s22], [sflag:$0x5], $0x80, s6, s15, $0xb8;
	[tilespmem:$0x1E800] =	vst v63  }
0xf4: {  	_ =	swait.ge [sflag:s13], $0x2000  }
0xf5: {  	[sflag:s13] =	ssyncset.done $0x0  }
0xf6: {  	s5 =	simm.s32 $0x300;
	[sflag:s13] =	ssyncadd.s32 $0xFFFFE000  }
0xf7: {  	[tilespmem:s22], [sflag:$0x3] =	stream.indirect.gather [hbm4b:s23+s15], $0x80, s5, s15, $0xb8;
	[tilespmem:$0x1E800] =	vst v63  }
0xf8: {  	_ =	swait.ge [sflag:s31], $0x2000  }
0xf9: {  	[sflag:s31] =	ssyncset.done $0x0  }
0xfa: {  	s6 =	simm.s32 $0x1580;
	[sflag:s31] =	ssyncadd.s32 $0xFFFFE000  }
0xfb: {  	[spmem:s20] =	stream.indirect.scatter.add.f32 [tilespmem:s26], [sflag:$0x5], $0x80, s6, s15, $0xb8;
	[tilespmem:$0x1E800] =	vst v63  }
0xfc: {  	_ =	swait.ge [sflag:s13], $0x2000  }
0xfd: {  	[sflag:s13] =	ssyncset.done $0x0  }
0xfe: {  	s4 =	simm.s32 $0x800;
	s5 =	simm.s32 $0x380;
	[sflag:s13] =	ssyncadd.s32 $0xFFFFE000  }
.LBB2_4:
0xff: {  	[tilespmem:s26], [sflag:$0x4] =	stream.indirect.gather [hbm4b:s23+s15], $0x80, s5, s15, $0xb8;
	[tilespmem:$0x1E800] =	vst v63  }
0x100: {  	s5 =	smov.u32 s4  }
0x101: {  	p0 =	sne.s32 s4, $0x4000;
	s4 =	sadd.s32 $0x800, s4;
	_ =	swait.ge [sflag:s28], $0x2000  }
0x102: {  	s5 =	sshra.s32 s5, $0x2;
	[sflag:s28] =	ssyncset.done $0x0  }
0x103: {  	s6 =	sadd.s32 $0x1400, s5;
	[sflag:s28] =	ssyncadd.s32 $0xFFFFE000  }
0x104: {  	[spmem:s20] =	stream.indirect.scatter.add.f32 [tilespmem:s12], [sflag:$0x5], $0x80, s6, s15, $0xb8;
	[tilespmem:$0x1E800] =	vst v63  }
0x105: {  	_ =	swait.ge [sflag:s13], $0x2000  }
0x106: {  	[sflag:s13] =	ssyncset.done $0x0  }
0x107: {  	s6 =	sadd.s32 $0x200, s5;
	[sflag:s13] =	ssyncadd.s32 $0xFFFFE000  }
0x108: {  	[tilespmem:s12], [sflag:$0x1] =	stream.indirect.gather [hbm4b:s23+s15], $0x80, s6, s15, $0xb8;
	[tilespmem:$0x1E800] =	vst v63  }
0x109: {  	_ =	swait.ge [sflag:s29], $0x2000  }
0x10a: {  	[sflag:s29] =	ssyncset.done $0x0  }
0x10b: {  	s6 =	sadd.s32 $0x1480, s5;
	[sflag:s29] =	ssyncadd.s32 $0xFFFFE000  }
0x10c: {  	[spmem:s20] =	stream.indirect.scatter.add.f32 [tilespmem:s17], [sflag:$0x5], $0x80, s6, s15, $0xb8;
	[tilespmem:$0x1E800] =	vst v63  }
0x10d: {  	_ =	swait.ge [sflag:s13], $0x2000  }
0x10e: {  	[sflag:s13] =	ssyncset.done $0x0  }
0x10f: {  	s6 =	sadd.s32 $0x280, s5;
	[sflag:s13] =	ssyncadd.s32 $0xFFFFE000  }
0x110: {  	[tilespmem:s17], [sflag:$0x2] =	stream.indirect.gather [hbm4b:s23+s15], $0x80, s6, s15, $0xb8;
	[tilespmem:$0x1E800] =	vst v63  }
0x111: {  	_ =	swait.ge [sflag:s30], $0x2000  }
0x112: {  	[sflag:s30] =	ssyncset.done $0x0  }
0x113: {  	s6 =	sadd.s32 $0x1500, s5;
	[sflag:s30] =	ssyncadd.s32 $0xFFFFE000  }
0x114: {  	[spmem:s20] =	stream.indirect.scatter.add.f32 [tilespmem:s22], [sflag:$0x5], $0x80, s6, s15, $0xb8;
	[tilespmem:$0x1E800] =	vst v63  }
0x115: {  	_ =	swait.ge [sflag:s13], $0x2000  }
0x116: {  	[sflag:s13] =	ssyncset.done $0x0  }
0x117: {  	s6 =	sadd.s32 $0x300, s5;
	[sflag:s13] =	ssyncadd.s32 $0xFFFFE000  }
0x118: {  	[tilespmem:s22], [sflag:$0x3] =	stream.indirect.gather [hbm4b:s23+s15], $0x80, s6, s15, $0xb8;
	[tilespmem:$0x1E800] =	vst v63  }
0x119: {  	_ =	swait.ge [sflag:s31], $0x2000  }
0x11a: {  	[sflag:s31] =	ssyncset.done $0x0  }
.Ltmp1:
0x11b: {  	s6 =	sadd.s32 $0x1580, s5;
	[sflag:s31] =	ssyncadd.s32 $0xFFFFE000;
	(pc) =	sbr.rel @p0 .LBB2_4-.Ltmp1, $4  }
0x11c: {  	[spmem:s20] =	stream.indirect.scatter.add.f32 [tilespmem:s26], [sflag:$0x5], $0x80, s6, s15, $0xb8;
	[tilespmem:$0x1E800] =	vst v63  }
0x11d: {  	_ =	swait.ge [sflag:s13], $0x2000  }
0x11e: {  	[sflag:s13] =	ssyncset.done $0x0  }
0x11f: {  	s5 =	sadd.s32 $0x380, s5;
	[sflag:s13] =	ssyncadd.s32 $0xFFFFE000  }
0x120: {  	[tilespmem:s26], [sflag:$0x4] =	stream.indirect.gather [hbm4b:s23+s15], $0x80, s5, s15, $0xb8;
	[tilespmem:$0x1E800] =	vst v63  }
0x121: {  	_ =	swait.ge [sflag:s28], $0x2000  }
0x122: {  	[sflag:s28] =	ssyncset.done $0x0  }
0x123: {  	[sflag:s28] =	ssyncadd.s32 $0xFFFFE000  }
0x124: {  	[spmem:s20] =	stream.indirect.scatter.add.f32 [tilespmem:s12], [sflag:$0x5], $0x80, s18, s15, $0xb8;
	[tilespmem:$0x1E800] =	vst v63  }
0x125: {  	_ =	swait.ge [sflag:s13], $0x2000  }
0x126: {  	[sflag:s13] =	ssyncset.done $0x0  }
0x127: {  	[sflag:s13] =	ssyncadd.s32 $0xFFFFE000  }
0x128: {  	_ =	swait.ge [sflag:s29], $0x2000  }
0x129: {  	[sflag:s29] =	ssyncset.done $0x0  }
0x12a: {  	[sflag:s29] =	ssyncadd.s32 $0xFFFFE000  }
0x12b: {  	[spmem:s20] =	stream.indirect.scatter.add.f32 [tilespmem:s17], [sflag:$0x5], $0x80, s0, s15, $0xb8;
	[tilespmem:$0x1E800] =	vst v63  }
0x12c: {  	_ =	swait.ge [sflag:s13], $0x2000  }
0x12d: {  	[sflag:s13] =	ssyncset.done $0x0  }
0x12e: {  	[sflag:s13] =	ssyncadd.s32 $0xFFFFE000  }
0x12f: {  	_ =	swait.ge [sflag:s30], $0x2000  }
0x130: {  	[sflag:s30] =	ssyncset.done $0x0  }
0x131: {  	[sflag:s30] =	ssyncadd.s32 $0xFFFFE000  }
0x132: {  	[spmem:s20] =	stream.indirect.scatter.add.f32 [tilespmem:s22], [sflag:$0x5], $0x80, s19, s15, $0xb8;
	[tilespmem:$0x1E800] =	vst v63  }
0x133: {  	_ =	swait.ge [sflag:s13], $0x2000  }
0x134: {  	[sflag:s13] =	ssyncset.done $0x0  }
0x135: {  	[sflag:s13] =	ssyncadd.s32 $0xFFFFE000  }
0x136: {  	_ =	swait.ge [sflag:s31], $0x2000  }
0x137: {  	[sflag:s31] =	ssyncset.done $0x0  }
0x138: {  	[sflag:s31] =	ssyncadd.s32 $0xFFFFE000  }
0x139: {  	[spmem:s20] =	stream.indirect.scatter.add.f32 [tilespmem:s26], [sflag:$0x5], $0x80, s2, s15, $0xb8;
	[tilespmem:$0x1E800] =	vst v63  }
0x13a: {  	_ =	swait.ge [sflag:s13], $0x2000  }
0x13b: {  	[sflag:s13] =	ssyncset.done $0x0  }
0x13c: {  	s4 =	simm.s32 $0x0;
	s6 =	rddreg [dreg:$0x8];
	[sflag:s13] =	ssyncadd.s32 $0xFFFFE000  }
0x13d: {  	[tilespmem:s4], [sflag:$0x5] =	stream.linear.gather [hbm4b:s6+s4], $0x1400, $0x38;
	[tilespmem:$0x1E800] =	vst v63  }
0x13e: {  	_ =	swait.ge [sflag:s13], $0x1400  }
0x13f: {  	[sflag:s13] =	ssyncset.done $0x0  }
0x140: {  	s6 =	rddreg [dreg:$0x9];
	[sflag:s13] =	ssyncadd.s32 $0xFFFFEC00  }
0x141: {  	[tilespmem:s14], [sflag:$0x5] =	stream.linear.gather [hbm4b:s6+s4], $0x1400, $0x38;
	[tilespmem:$0x1E800] =	vst v63  }
0x142: {  	_ =	swait.ge [sflag:s13], $0x1400  }
0x143: {  	[sflag:s13] =	ssyncset.done $0x0  }
0x144: {  	[sflag:s13] =	ssyncadd.s32 $0xFFFFEC00  }
0x145: {  	[tilespmem:s12], [sflag:$0x1] =	stream.indirect.gather [hbm4b:s23+s15], $0x80, s4, s15, $0xb8;
	[tilespmem:$0x1E800] =	vst v63  }
0x146: {  	_ = 	snop  }
0x147: {  	[tilespmem:s17], [sflag:$0x2] =	stream.indirect.gather [hbm4b:s23+s15], $0x80, s16, s15, $0xb8;
	[tilespmem:$0x1E800] =	vst v63  }
0x148: {  	_ = 	snop  }
0x149: {  	[tilespmem:s22], [sflag:$0x3] =	stream.indirect.gather [hbm4b:s23+s15], $0x80, s21, s15, $0xb8;
	[tilespmem:$0x1E800] =	vst v63  }
0x14a: {  	_ = 	snop  }
0x14b: {  	[tilespmem:s26], [sflag:$0x4] =	stream.indirect.gather [hbm4b:s23+s15], $0x80, s25, s15, $0xb8;
	[tilespmem:$0x1E800] =	vst v63  }
0x14c: {  	_ =	swait.ge [sflag:s28], $0x2000  }
0x14d: {  	[sflag:s28] =	ssyncset.done $0x0  }
0x14e: {  	s6 =	simm.s32 $0x1400;
	[sflag:s28] =	ssyncadd.s32 $0xFFFFE000  }
0x14f: {  	[spmem:s20] =	stream.indirect.scatter.add.f32 [tilespmem:s12], [sflag:$0x5], $0x80, s6, s15, $0xb8;
	[tilespmem:$0x1E800] =	vst v63  }
0x150: {  	_ =	swait.ge [sflag:s13], $0x2000  }
0x151: {  	[sflag:s13] =	ssyncset.done $0x0  }
0x152: {  	s5 =	simm.s32 $0x200;
	[sflag:s13] =	ssyncadd.s32 $0xFFFFE000  }
0x153: {  	[tilespmem:s12], [sflag:$0x1] =	stream.indirect.gather [hbm4b:s23+s15], $0x80, s5, s15, $0xb8;
	[tilespmem:$0x1E800] =	vst v63  }
0x154: {  	_ =	swait.ge [sflag:s29], $0x2000  }
0x155: {  	[sflag:s29] =	ssyncset.done $0x0  }
0x156: {  	s6 =	simm.s32 $0x1480;
	[sflag:s29] =	ssyncadd.s32 $0xFFFFE000  }
0x157: {  	[spmem:s20] =	stream.indirect.scatter.add.f32 [tilespmem:s17], [sflag:$0x5], $0x80, s6, s15, $0xb8;
	[tilespmem:$0x1E800] =	vst v63  }
0x158: {  	_ =	swait.ge [sflag:s13], $0x2000  }
0x159: {  	[sflag:s13] =	ssyncset.done $0x0  }
0x15a: {  	s5 =	simm.s32 $0x280;
	[sflag:s13] =	ssyncadd.s32 $0xFFFFE000  }
0x15b: {  	[tilespmem:s17], [sflag:$0x2] =	stream.indirect.gather [hbm4b:s23+s15], $0x80, s5, s15, $0xb8;
	[tilespmem:$0x1E800] =	vst v63  }
0x15c: {  	_ =	swait.ge [sflag:s30], $0x2000  }
0x15d: {  	[sflag:s30] =	ssyncset.done $0x0  }
0x15e: {  	s6 =	simm.s32 $0x1500;
	[sflag:s30] =	ssyncadd.s32 $0xFFFFE000  }
0x15f: {  	[spmem:s20] =	stream.indirect.scatter.add.f32 [tilespmem:s22], [sflag:$0x5], $0x80, s6, s15, $0xb8;
	[tilespmem:$0x1E800] =	vst v63  }
0x160: {  	_ =	swait.ge [sflag:s13], $0x2000  }
0x161: {  	[sflag:s13] =	ssyncset.done $0x0  }
0x162: {  	s5 =	simm.s32 $0x300;
	[sflag:s13] =	ssyncadd.s32 $0xFFFFE000  }
0x163: {  	[tilespmem:s22], [sflag:$0x3] =	stream.indirect.gather [hbm4b:s23+s15], $0x80, s5, s15, $0xb8;
	[tilespmem:$0x1E800] =	vst v63  }
0x164: {  	_ =	swait.ge [sflag:s31], $0x2000  }
0x165: {  	[sflag:s31] =	ssyncset.done $0x0  }
0x166: {  	s6 =	simm.s32 $0x1580;
	[sflag:s31] =	ssyncadd.s32 $0xFFFFE000  }
0x167: {  	[spmem:s20] =	stream.indirect.scatter.add.f32 [tilespmem:s26], [sflag:$0x5], $0x80, s6, s15, $0xb8;
	[tilespmem:$0x1E800] =	vst v63  }
0x168: {  	_ =	swait.ge [sflag:s13], $0x2000  }
0x169: {  	[sflag:s13] =	ssyncset.done $0x0  }
0x16a: {  	s4 =	simm.s32 $0x800;
	s5 =	simm.s32 $0x380;
	[sflag:s13] =	ssyncadd.s32 $0xFFFFE000  }
.LBB2_6:
0x16b: {  	[tilespmem:s26], [sflag:$0x4] =	stream.indirect.gather [hbm4b:s23+s15], $0x80, s5, s15, $0xb8;
	[tilespmem:$0x1E800] =	vst v63  }
0x16c: {  	s5 =	smov.u32 s4  }
0x16d: {  	p0 =	sne.s32 s4, $0x4000;
	s4 =	sadd.s32 $0x800, s4;
	_ =	swait.ge [sflag:s28], $0x2000  }
0x16e: {  	s5 =	sshra.s32 s5, $0x2;
	[sflag:s28] =	ssyncset.done $0x0  }
0x16f: {  	s6 =	sadd.s32 $0x1400, s5;
	[sflag:s28] =	ssyncadd.s32 $0xFFFFE000  }
0x170: {  	[spmem:s20] =	stream.indirect.scatter.add.f32 [tilespmem:s12], [sflag:$0x5], $0x80, s6, s15, $0xb8;
	[tilespmem:$0x1E800] =	vst v63  }
0x171: {  	_ =	swait.ge [sflag:s13], $0x2000  }
0x172: {  	[sflag:s13] =	ssyncset.done $0x0  }
0x173: {  	s6 =	sadd.s32 $0x200, s5;
	[sflag:s13] =	ssyncadd.s32 $0xFFFFE000  }
0x174: {  	[tilespmem:s12], [sflag:$0x1] =	stream.indirect.gather [hbm4b:s23+s15], $0x80, s6, s15, $0xb8;
	[tilespmem:$0x1E800] =	vst v63  }
0x175: {  	_ =	swait.ge [sflag:s29], $0x2000  }
0x176: {  	[sflag:s29] =	ssyncset.done $0x0  }
0x177: {  	s6 =	sadd.s32 $0x1480, s5;
	[sflag:s29] =	ssyncadd.s32 $0xFFFFE000  }
0x178: {  	[spmem:s20] =	stream.indirect.scatter.add.f32 [tilespmem:s17], [sflag:$0x5], $0x80, s6, s15, $0xb8;
	[tilespmem:$0x1E800] =	vst v63  }
0x179: {  	_ =	swait.ge [sflag:s13], $0x2000  }
0x17a: {  	[sflag:s13] =	ssyncset.done $0x0  }
0x17b: {  	s6 =	sadd.s32 $0x280, s5;
	[sflag:s13] =	ssyncadd.s32 $0xFFFFE000  }
0x17c: {  	[tilespmem:s17], [sflag:$0x2] =	stream.indirect.gather [hbm4b:s23+s15], $0x80, s6, s15, $0xb8;
	[tilespmem:$0x1E800] =	vst v63  }
0x17d: {  	_ =	swait.ge [sflag:s30], $0x2000  }
0x17e: {  	[sflag:s30] =	ssyncset.done $0x0  }
0x17f: {  	s6 =	sadd.s32 $0x1500, s5;
	[sflag:s30] =	ssyncadd.s32 $0xFFFFE000  }
0x180: {  	[spmem:s20] =	stream.indirect.scatter.add.f32 [tilespmem:s22], [sflag:$0x5], $0x80, s6, s15, $0xb8;
	[tilespmem:$0x1E800] =	vst v63  }
0x181: {  	_ =	swait.ge [sflag:s13], $0x2000  }
0x182: {  	[sflag:s13] =	ssyncset.done $0x0  }
0x183: {  	s6 =	sadd.s32 $0x300, s5;
	[sflag:s13] =	ssyncadd.s32 $0xFFFFE000  }
0x184: {  	[tilespmem:s22], [sflag:$0x3] =	stream.indirect.gather [hbm4b:s23+s15], $0x80, s6, s15, $0xb8;
	[tilespmem:$0x1E800] =	vst v63  }
0x185: {  	_ =	swait.ge [sflag:s31], $0x2000  }
0x186: {  	[sflag:s31] =	ssyncset.done $0x0  }
.Ltmp2:
0x187: {  	s6 =	sadd.s32 $0x1580, s5;
	[sflag:s31] =	ssyncadd.s32 $0xFFFFE000;
	(pc) =	sbr.rel @p0 .LBB2_6-.Ltmp2, $4  }
0x188: {  	[spmem:s20] =	stream.indirect.scatter.add.f32 [tilespmem:s26], [sflag:$0x5], $0x80, s6, s15, $0xb8;
	[tilespmem:$0x1E800] =	vst v63  }
0x189: {  	_ =	swait.ge [sflag:s13], $0x2000  }
0x18a: {  	[sflag:s13] =	ssyncset.done $0x0  }
0x18b: {  	s5 =	sadd.s32 $0x380, s5;
	[sflag:s13] =	ssyncadd.s32 $0xFFFFE000  }
0x18c: {  	[tilespmem:s26], [sflag:$0x4] =	stream.indirect.gather [hbm4b:s23+s15], $0x80, s5, s15, $0xb8;
	[tilespmem:$0x1E800] =	vst v63  }
0x18d: {  	_ =	swait.ge [sflag:s28], $0x2000  }
0x18e: {  	[sflag:s28] =	ssyncset.done $0x0  }
0x18f: {  	[sflag:s28] =	ssyncadd.s32 $0xFFFFE000  }
0x190: {  	[spmem:s20] =	stream.indirect.scatter.add.f32 [tilespmem:s12], [sflag:$0x5], $0x80, s18, s15, $0xb8;
	[tilespmem:$0x1E800] =	vst v63  }
0x191: {  	_ =	swait.ge [sflag:s13], $0x2000  }
0x192: {  	[sflag:s13] =	ssyncset.done $0x0  }
0x193: {  	[sflag:s13] =	ssyncadd.s32 $0xFFFFE000  }
0x194: {  	_ =	swait.ge [sflag:s29], $0x2000  }
0x195: {  	[sflag:s29] =	ssyncset.done $0x0  }
0x196: {  	[sflag:s29] =	ssyncadd.s32 $0xFFFFE000  }
0x197: {  	[spmem:s20] =	stream.indirect.scatter.add.f32 [tilespmem:s17], [sflag:$0x5], $0x80, s0, s15, $0xb8;
	[tilespmem:$0x1E800] =	vst v63  }
0x198: {  	_ =	swait.ge [sflag:s13], $0x2000  }
0x199: {  	[sflag:s13] =	ssyncset.done $0x0  }
0x19a: {  	[sflag:s13] =	ssyncadd.s32 $0xFFFFE000  }
0x19b: {  	_ =	swait.ge [sflag:s30], $0x2000  }
0x19c: {  	[sflag:s30] =	ssyncset.done $0x0  }
0x19d: {  	[sflag:s30] =	ssyncadd.s32 $0xFFFFE000  }
0x19e: {  	[spmem:s20] =	stream.indirect.scatter.add.f32 [tilespmem:s22], [sflag:$0x5], $0x80, s19, s15, $0xb8;
	[tilespmem:$0x1E800] =	vst v63  }
0x19f: {  	_ =	swait.ge [sflag:s13], $0x2000  }
0x1a0: {  	[sflag:s13] =	ssyncset.done $0x0  }
0x1a1: {  	[sflag:s13] =	ssyncadd.s32 $0xFFFFE000  }
0x1a2: {  	_ =	swait.ge [sflag:s31], $0x2000  }
0x1a3: {  	[sflag:s31] =	ssyncset.done $0x0  }
0x1a4: {  	[sflag:s31] =	ssyncadd.s32 $0xFFFFE000  }
0x1a5: {  	[spmem:s20] =	stream.indirect.scatter.add.f32 [tilespmem:s26], [sflag:$0x5], $0x80, s2, s15, $0xb8;
	[tilespmem:$0x1E800] =	vst v63  }
0x1a6: {  	_ =	swait.ge [sflag:s13], $0x2000  }
0x1a7: {  	[sflag:s13] =	ssyncset.done $0x0  }
0x1a8: {  	s4 =	simm.s32 $0x0;
	s6 =	rddreg [dreg:$0xa];
	[sflag:s13] =	ssyncadd.s32 $0xFFFFE000  }
0x1a9: {  	[tilespmem:s4], [sflag:$0x5] =	stream.linear.gather [hbm4b:s6+s4], $0x1400, $0x38;
	[tilespmem:$0x1E800] =	vst v63  }
0x1aa: {  	_ =	swait.ge [sflag:s13], $0x1400  }
0x1ab: {  	[sflag:s13] =	ssyncset.done $0x0  }
0x1ac: {  	s6 =	rddreg [dreg:$0xb];
	[sflag:s13] =	ssyncadd.s32 $0xFFFFEC00  }
0x1ad: {  	[tilespmem:s14], [sflag:$0x5] =	stream.linear.gather [hbm4b:s6+s4], $0x1400, $0x38;
	[tilespmem:$0x1E800] =	vst v63  }
0x1ae: {  	_ =	swait.ge [sflag:s13], $0x1400  }
0x1af: {  	[sflag:s13] =	ssyncset.done $0x0  }
0x1b0: {  	[sflag:s13] =	ssyncadd.s32 $0xFFFFEC00  }
0x1b1: {  	[tilespmem:s12], [sflag:$0x1] =	stream.indirect.gather [hbm4b:s23+s15], $0x80, s4, s15, $0xb8;
	[tilespmem:$0x1E800] =	vst v63  }
0x1b2: {  	_ = 	snop  }
0x1b3: {  	[tilespmem:s17], [sflag:$0x2] =	stream.indirect.gather [hbm4b:s23+s15], $0x80, s16, s15, $0xb8;
	[tilespmem:$0x1E800] =	vst v63  }
0x1b4: {  	_ = 	snop  }
0x1b5: {  	[tilespmem:s22], [sflag:$0x3] =	stream.indirect.gather [hbm4b:s23+s15], $0x80, s21, s15, $0xb8;
	[tilespmem:$0x1E800] =	vst v63  }
0x1b6: {  	_ = 	snop  }
0x1b7: {  	[tilespmem:s26], [sflag:$0x4] =	stream.indirect.gather [hbm4b:s23+s15], $0x80, s25, s15, $0xb8;
	[tilespmem:$0x1E800] =	vst v63  }
0x1b8: {  	_ =	swait.ge [sflag:s28], $0x2000  }
0x1b9: {  	[sflag:s28] =	ssyncset.done $0x0  }
0x1ba: {  	s6 =	simm.s32 $0x1400;
	[sflag:s28] =	ssyncadd.s32 $0xFFFFE000  }
0x1bb: {  	[spmem:s20] =	stream.indirect.scatter.add.f32 [tilespmem:s12], [sflag:$0x5], $0x80, s6, s15, $0xb8;
	[tilespmem:$0x1E800] =	vst v63  }
0x1bc: {  	_ =	swait.ge [sflag:s13], $0x2000  }
0x1bd: {  	[sflag:s13] =	ssyncset.done $0x0  }
0x1be: {  	s5 =	simm.s32 $0x200;
	[sflag:s13] =	ssyncadd.s32 $0xFFFFE000  }
0x1bf: {  	[tilespmem:s12], [sflag:$0x1] =	stream.indirect.gather [hbm4b:s23+s15], $0x80, s5, s15, $0xb8;
	[tilespmem:$0x1E800] =	vst v63  }
0x1c0: {  	_ =	swait.ge [sflag:s29], $0x2000  }
0x1c1: {  	[sflag:s29] =	ssyncset.done $0x0  }
0x1c2: {  	s6 =	simm.s32 $0x1480;
	[sflag:s29] =	ssyncadd.s32 $0xFFFFE000  }
0x1c3: {  	[spmem:s20] =	stream.indirect.scatter.add.f32 [tilespmem:s17], [sflag:$0x5], $0x80, s6, s15, $0xb8;
	[tilespmem:$0x1E800] =	vst v63  }
0x1c4: {  	_ =	swait.ge [sflag:s13], $0x2000  }
0x1c5: {  	[sflag:s13] =	ssyncset.done $0x0  }
0x1c6: {  	s5 =	simm.s32 $0x280;
	[sflag:s13] =	ssyncadd.s32 $0xFFFFE000  }
0x1c7: {  	[tilespmem:s17], [sflag:$0x2] =	stream.indirect.gather [hbm4b:s23+s15], $0x80, s5, s15, $0xb8;
	[tilespmem:$0x1E800] =	vst v63  }
0x1c8: {  	_ =	swait.ge [sflag:s30], $0x2000  }
0x1c9: {  	[sflag:s30] =	ssyncset.done $0x0  }
0x1ca: {  	s6 =	simm.s32 $0x1500;
	[sflag:s30] =	ssyncadd.s32 $0xFFFFE000  }
0x1cb: {  	[spmem:s20] =	stream.indirect.scatter.add.f32 [tilespmem:s22], [sflag:$0x5], $0x80, s6, s15, $0xb8;
	[tilespmem:$0x1E800] =	vst v63  }
0x1cc: {  	_ =	swait.ge [sflag:s13], $0x2000  }
0x1cd: {  	[sflag:s13] =	ssyncset.done $0x0  }
0x1ce: {  	s5 =	simm.s32 $0x300;
	[sflag:s13] =	ssyncadd.s32 $0xFFFFE000  }
0x1cf: {  	[tilespmem:s22], [sflag:$0x3] =	stream.indirect.gather [hbm4b:s23+s15], $0x80, s5, s15, $0xb8;
	[tilespmem:$0x1E800] =	vst v63  }
0x1d0: {  	_ =	swait.ge [sflag:s31], $0x2000  }
0x1d1: {  	[sflag:s31] =	ssyncset.done $0x0  }
0x1d2: {  	s6 =	simm.s32 $0x1580;
	[sflag:s31] =	ssyncadd.s32 $0xFFFFE000  }
0x1d3: {  	[spmem:s20] =	stream.indirect.scatter.add.f32 [tilespmem:s26], [sflag:$0x5], $0x80, s6, s15, $0xb8;
	[tilespmem:$0x1E800] =	vst v63  }
0x1d4: {  	_ =	swait.ge [sflag:s13], $0x2000  }
0x1d5: {  	[sflag:s13] =	ssyncset.done $0x0  }
0x1d6: {  	s4 =	simm.s32 $0x800;
	s5 =	simm.s32 $0x380;
	[sflag:s13] =	ssyncadd.s32 $0xFFFFE000  }
.LBB2_8:
0x1d7: {  	[tilespmem:s26], [sflag:$0x4] =	stream.indirect.gather [hbm4b:s23+s15], $0x80, s5, s15, $0xb8;
	[tilespmem:$0x1E800] =	vst v63  }
0x1d8: {  	s5 =	smov.u32 s4  }
0x1d9: {  	p0 =	sne.s32 s4, $0x4000;
	s4 =	sadd.s32 $0x800, s4;
	_ =	swait.ge [sflag:s28], $0x2000  }
0x1da: {  	s5 =	sshra.s32 s5, $0x2;
	[sflag:s28] =	ssyncset.done $0x0  }
0x1db: {  	s6 =	sadd.s32 $0x1400, s5;
	[sflag:s28] =	ssyncadd.s32 $0xFFFFE000  }
0x1dc: {  	[spmem:s20] =	stream.indirect.scatter.add.f32 [tilespmem:s12], [sflag:$0x5], $0x80, s6, s15, $0xb8;
	[tilespmem:$0x1E800] =	vst v63  }
0x1dd: {  	_ =	swait.ge [sflag:s13], $0x2000  }
0x1de: {  	[sflag:s13] =	ssyncset.done $0x0  }
0x1df: {  	s6 =	sadd.s32 $0x200, s5;
	[sflag:s13] =	ssyncadd.s32 $0xFFFFE000  }
0x1e0: {  	[tilespmem:s12], [sflag:$0x1] =	stream.indirect.gather [hbm4b:s23+s15], $0x80, s6, s15, $0xb8;
	[tilespmem:$0x1E800] =	vst v63  }
0x1e1: {  	_ =	swait.ge [sflag:s29], $0x2000  }
0x1e2: {  	[sflag:s29] =	ssyncset.done $0x0  }
0x1e3: {  	s6 =	sadd.s32 $0x1480, s5;
	[sflag:s29] =	ssyncadd.s32 $0xFFFFE000  }
0x1e4: {  	[spmem:s20] =	stream.indirect.scatter.add.f32 [tilespmem:s17], [sflag:$0x5], $0x80, s6, s15, $0xb8;
	[tilespmem:$0x1E800] =	vst v63  }
0x1e5: {  	_ =	swait.ge [sflag:s13], $0x2000  }
0x1e6: {  	[sflag:s13] =	ssyncset.done $0x0  }
0x1e7: {  	s6 =	sadd.s32 $0x280, s5;
	[sflag:s13] =	ssyncadd.s32 $0xFFFFE000  }
0x1e8: {  	[tilespmem:s17], [sflag:$0x2] =	stream.indirect.gather [hbm4b:s23+s15], $0x80, s6, s15, $0xb8;
	[tilespmem:$0x1E800] =	vst v63  }
0x1e9: {  	_ =	swait.ge [sflag:s30], $0x2000  }
0x1ea: {  	[sflag:s30] =	ssyncset.done $0x0  }
0x1eb: {  	s6 =	sadd.s32 $0x1500, s5;
	[sflag:s30] =	ssyncadd.s32 $0xFFFFE000  }
0x1ec: {  	[spmem:s20] =	stream.indirect.scatter.add.f32 [tilespmem:s22], [sflag:$0x5], $0x80, s6, s15, $0xb8;
	[tilespmem:$0x1E800] =	vst v63  }
0x1ed: {  	_ =	swait.ge [sflag:s13], $0x2000  }
0x1ee: {  	[sflag:s13] =	ssyncset.done $0x0  }
0x1ef: {  	s6 =	sadd.s32 $0x300, s5;
	[sflag:s13] =	ssyncadd.s32 $0xFFFFE000  }
0x1f0: {  	[tilespmem:s22], [sflag:$0x3] =	stream.indirect.gather [hbm4b:s23+s15], $0x80, s6, s15, $0xb8;
	[tilespmem:$0x1E800] =	vst v63  }
0x1f1: {  	_ =	swait.ge [sflag:s31], $0x2000  }
0x1f2: {  	[sflag:s31] =	ssyncset.done $0x0  }
.Ltmp3:
0x1f3: {  	s6 =	sadd.s32 $0x1580, s5;
	[sflag:s31] =	ssyncadd.s32 $0xFFFFE000;
	(pc) =	sbr.rel @p0 .LBB2_8-.Ltmp3, $4  }
0x1f4: {  	[spmem:s20] =	stream.indirect.scatter.add.f32 [tilespmem:s26], [sflag:$0x5], $0x80, s6, s15, $0xb8;
	[tilespmem:$0x1E800] =	vst v63  }
0x1f5: {  	_ =	swait.ge [sflag:s13], $0x2000  }
0x1f6: {  	[sflag:s13] =	ssyncset.done $0x0  }
0x1f7: {  	s5 =	sadd.s32 $0x380, s5;
	[sflag:s13] =	ssyncadd.s32 $0xFFFFE000  }
0x1f8: {  	[tilespmem:s26], [sflag:$0x4] =	stream.indirect.gather [hbm4b:s23+s15], $0x80, s5, s15, $0xb8;
	[tilespmem:$0x1E800] =	vst v63  }
0x1f9: {  	_ =	swait.ge [sflag:s28], $0x2000  }
0x1fa: {  	[sflag:s28] =	ssyncset.done $0x0  }
0x1fb: {  	[sflag:s28] =	ssyncadd.s32 $0xFFFFE000  }
0x1fc: {  	[spmem:s20] =	stream.indirect.scatter.add.f32 [tilespmem:s12], [sflag:$0x5], $0x80, s18, s15, $0xb8;
	[tilespmem:$0x1E800] =	vst v63  }
0x1fd: {  	_ =	swait.ge [sflag:s13], $0x2000  }
0x1fe: {  	[sflag:s13] =	ssyncset.done $0x0  }
0x1ff: {  	[sflag:s13] =	ssyncadd.s32 $0xFFFFE000  }
0x200: {  	_ =	swait.ge [sflag:s29], $0x2000  }
0x201: {  	[sflag:s29] =	ssyncset.done $0x0  }
0x202: {  	[sflag:s29] =	ssyncadd.s32 $0xFFFFE000  }
0x203: {  	[spmem:s20] =	stream.indirect.scatter.add.f32 [tilespmem:s17], [sflag:$0x5], $0x80, s0, s15, $0xb8;
	[tilespmem:$0x1E800] =	vst v63  }
0x204: {  	_ =	swait.ge [sflag:s13], $0x2000  }
0x205: {  	[sflag:s13] =	ssyncset.done $0x0  }
0x206: {  	[sflag:s13] =	ssyncadd.s32 $0xFFFFE000  }
0x207: {  	_ =	swait.ge [sflag:s30], $0x2000  }
0x208: {  	[sflag:s30] =	ssyncset.done $0x0  }
0x209: {  	[sflag:s30] =	ssyncadd.s32 $0xFFFFE000  }
0x20a: {  	[spmem:s20] =	stream.indirect.scatter.add.f32 [tilespmem:s22], [sflag:$0x5], $0x80, s19, s15, $0xb8;
	[tilespmem:$0x1E800] =	vst v63  }
0x20b: {  	_ =	swait.ge [sflag:s13], $0x2000  }
0x20c: {  	[sflag:s13] =	ssyncset.done $0x0  }
0x20d: {  	[sflag:s13] =	ssyncadd.s32 $0xFFFFE000  }
0x20e: {  	_ =	swait.ge [sflag:s31], $0x2000  }
0x20f: {  	[sflag:s31] =	ssyncset.done $0x0  }
0x210: {  	[sflag:s31] =	ssyncadd.s32 $0xFFFFE000  }
0x211: {  	[spmem:s20] =	stream.indirect.scatter.add.f32 [tilespmem:s26], [sflag:$0x5], $0x80, s2, s15, $0xb8;
	[tilespmem:$0x1E800] =	vst v63  }
0x212: {  	_ =	swait.ge [sflag:s13], $0x2000  }
0x213: {  	[sflag:s13] =	ssyncset.done $0x0  }
0x214: {  	[sflag:s13] =	ssyncadd.s32 $0xFFFFE000  }
0x215: {  	[bflag:$0x0] =	sbarrier.arrive $0xFFFF  }
0x216: {  	[tilespmem:s17], [sflag:$0x5] =	stream.linear.gather [spmem:s24], $0x2000, $0x38;
	[tilespmem:$0x1E800] =	vst v63  }
0x217: {  	_ =	swait.ge [sflag:s13], $0x2000  }
0x218: {  	[sflag:s13] =	ssyncset.done $0x0  }
0x219: {  	s4 =	rddreg [dreg:$0xc];
	[sflag:s13] =	ssyncadd.s32 $0xFFFFE000  }
0x21a: {  	[hbm4b:s4+s1] =	stream.linear.scatter [tilespmem:s17], [sflag:$0x5], $0x2000, $0x38;
	[tilespmem:$0x1E800] =	vst v63  }
0x21b: {  	_ =	swait.ge [sflag:s13], $0x2000  }
0x21c: {  	[sflag:s13] =	ssyncset.done $0x0  }
0x21d: {  	s6 =	rddreg [dreg:$0x17];
	[sflag:s13] =	ssyncadd.s32 $0xFFFFE000  }
0x21e: {  	[tilespmem:s17], [sflag:$0x5] =	stream.linear.gather [spmem:s6], $0x2000, $0x38;
	[tilespmem:$0x1E800] =	vst v63  }
0x21f: {  	_ =	swait.ge [sflag:s13], $0x2000  }
0x220: {  	[sflag:s13] =	ssyncset.done $0x0  }
0x221: {  	s5 =	rddreg [dreg:$0xd];
	[sflag:s13] =	ssyncadd.s32 $0xFFFFE000  }
0x222: {  	[hbm4b:s5+s1] =	stream.linear.scatter [tilespmem:s17], [sflag:$0x5], $0x2000, $0x38;
	[tilespmem:$0x1E800] =	vst v63  }
0x223: {  	_ =	swait.ge [sflag:s13], $0x2000  }
0x224: {  	[sflag:s13] =	ssyncset.done $0x0  }
0x225: {  	s6 =	rddreg [dreg:$0x18];
	[sflag:s13] =	ssyncadd.s32 $0xFFFFE000  }
0x226: {  	[tilespmem:s17], [sflag:$0x5] =	stream.linear.gather [spmem:s6], $0x2000, $0x38;
	[tilespmem:$0x1E800] =	vst v63  }
0x227: {  	_ =	swait.ge [sflag:s13], $0x2000  }
0x228: {  	[sflag:s13] =	ssyncset.done $0x0  }
0x229: {  	s5 =	rddreg [dreg:$0xe];
	[sflag:s13] =	ssyncadd.s32 $0xFFFFE000  }
0x22a: {  	[hbm4b:s5+s1] =	stream.linear.scatter [tilespmem:s17], [sflag:$0x5], $0x2000, $0x38;
	[tilespmem:$0x1E800] =	vst v63  }
0x22b: {  	_ =	swait.ge [sflag:s13], $0x2000  }
0x22c: {  	[sflag:s13] =	ssyncset.done $0x0  }
0x22d: {  	s6 =	rddreg [dreg:$0x19];
	[sflag:s13] =	ssyncadd.s32 $0xFFFFE000  }
0x22e: {  	[tilespmem:s17], [sflag:$0x5] =	stream.linear.gather [spmem:s6], $0x2000, $0x38;
	[tilespmem:$0x1E800] =	vst v63  }
0x22f: {  	_ =	swait.ge [sflag:s13], $0x2000  }
0x230: {  	[sflag:s13] =	ssyncset.done $0x0  }
0x231: {  	s5 =	rddreg [dreg:$0xf];
	[sflag:s13] =	ssyncadd.s32 $0xFFFFE000  }
0x232: {  	[hbm4b:s5+s1] =	stream.linear.scatter [tilespmem:s17], [sflag:$0x5], $0x2000, $0x38;
	[tilespmem:$0x1E800] =	vst v63  }
0x233: {  	_ =	swait.ge [sflag:s13], $0x2000  }
0x234: {  	[sflag:s13] =	ssyncset.done $0x0  }
0x235: {  	s6 =	rddreg [dreg:$0x1a];
	[sflag:s13] =	ssyncadd.s32 $0xFFFFE000  }
0x236: {  	[tilespmem:s17], [sflag:$0x5] =	stream.linear.gather [spmem:s6], $0x2000, $0x38;
	[tilespmem:$0x1E800] =	vst v63  }
0x237: {  	_ =	swait.ge [sflag:s13], $0x2000  }
0x238: {  	[sflag:s13] =	ssyncset.done $0x0  }
0x239: {  	s5 =	rddreg [dreg:$0x10];
	[sflag:s13] =	ssyncadd.s32 $0xFFFFE000  }
0x23a: {  	[hbm4b:s5+s1] =	stream.linear.scatter [tilespmem:s17], [sflag:$0x5], $0x2000, $0x38;
	[tilespmem:$0x1E800] =	vst v63  }
0x23b: {  	_ =	swait.ge [sflag:s13], $0x2000  }
0x23c: {  	[sflag:s13] =	ssyncset.done $0x0  }
0x23d: {  	s6 =	rddreg [dreg:$0x1b];
	[sflag:s13] =	ssyncadd.s32 $0xFFFFE000  }
0x23e: {  	[tilespmem:s17], [sflag:$0x5] =	stream.linear.gather [spmem:s6], $0x2000, $0x38;
	[tilespmem:$0x1E800] =	vst v63  }
0x23f: {  	_ =	swait.ge [sflag:s13], $0x2000  }
0x240: {  	[sflag:s13] =	ssyncset.done $0x0  }
0x241: {  	s5 =	rddreg [dreg:$0x11];
	[sflag:s13] =	ssyncadd.s32 $0xFFFFE000  }
0x242: {  	[hbm4b:s5+s1] =	stream.linear.scatter [tilespmem:s17], [sflag:$0x5], $0x2000, $0x38;
	[tilespmem:$0x1E800] =	vst v63  }
0x243: {  	_ =	swait.ge [sflag:s13], $0x2000  }
0x244: {  	[sflag:s13] =	ssyncset.done $0x0  }
0x245: {  	s6 =	rddreg [dreg:$0x1c];
	[sflag:s13] =	ssyncadd.s32 $0xFFFFE000  }
0x246: {  	[tilespmem:s17], [sflag:$0x5] =	stream.linear.gather [spmem:s6], $0x2000, $0x38;
	[tilespmem:$0x1E800] =	vst v63  }
0x247: {  	_ =	swait.ge [sflag:s13], $0x2000  }
0x248: {  	[sflag:s13] =	ssyncset.done $0x0  }
0x249: {  	s5 =	rddreg [dreg:$0x12];
	[sflag:s13] =	ssyncadd.s32 $0xFFFFE000  }
0x24a: {  	[hbm4b:s5+s1] =	stream.linear.scatter [tilespmem:s17], [sflag:$0x5], $0x2000, $0x38;
	[tilespmem:$0x1E800] =	vst v63  }
0x24b: {  	_ =	swait.ge [sflag:s13], $0x2000  }
0x24c: {  	[sflag:s13] =	ssyncset.done $0x0  }
0x24d: {  	s6 =	rddreg [dreg:$0x1d];
	[sflag:s13] =	ssyncadd.s32 $0xFFFFE000  }
0x24e: {  	[tilespmem:s17], [sflag:$0x5] =	stream.linear.gather [spmem:s6], $0x2000, $0x38;
	[tilespmem:$0x1E800] =	vst v63  }
0x24f: {  	_ =	swait.ge [sflag:s13], $0x2000  }
0x250: {  	[sflag:s13] =	ssyncset.done $0x0  }
0x251: {  	s5 =	rddreg [dreg:$0x13];
	[sflag:s13] =	ssyncadd.s32 $0xFFFFE000  }
0x252: {  	[hbm4b:s5+s1] =	stream.linear.scatter [tilespmem:s17], [sflag:$0x5], $0x2000, $0x38;
	[tilespmem:$0x1E800] =	vst v63  }
0x253: {  	_ =	swait.ge [sflag:s13], $0x2000  }
0x254: {  	[sflag:s13] =	ssyncset.done $0x0  }
0x255: {  	s6 =	rddreg [dreg:$0x1e];
	[sflag:s13] =	ssyncadd.s32 $0xFFFFE000  }
0x256: {  	[tilespmem:s17], [sflag:$0x5] =	stream.linear.gather [spmem:s6], $0x2000, $0x38;
	[tilespmem:$0x1E800] =	vst v63  }
0x257: {  	_ =	swait.ge [sflag:s13], $0x2000  }
0x258: {  	[sflag:s13] =	ssyncset.done $0x0  }
0x259: {  	s5 =	rddreg [dreg:$0x14];
	[sflag:s13] =	ssyncadd.s32 $0xFFFFE000  }
0x25a: {  	[hbm4b:s5+s1] =	stream.linear.scatter [tilespmem:s17], [sflag:$0x5], $0x2000, $0x38;
	[tilespmem:$0x1E800] =	vst v63  }
0x25b: {  	_ =	swait.ge [sflag:s13], $0x2000  }
0x25c: {  	[sflag:s13] =	ssyncset.done $0x0  }
0x25d: {  	s6 =	rddreg [dreg:$0x1f];
	[sflag:s13] =	ssyncadd.s32 $0xFFFFE000  }
0x25e: {  	[tilespmem:s17], [sflag:$0x5] =	stream.linear.gather [spmem:s6], $0x2000, $0x38;
	[tilespmem:$0x1E800] =	vst v63  }
0x25f: {  	_ =	swait.ge [sflag:s13], $0x2000  }
0x260: {  	[sflag:s13] =	ssyncset.done $0x0  }
0x261: {  	s5 =	rddreg [dreg:$0x15];
	[sflag:s13] =	ssyncadd.s32 $0xFFFFE000  }
0x262: {  	[hbm4b:s5+s1] =	stream.linear.scatter [tilespmem:s17], [sflag:$0x5], $0x2000, $0x38;
	[tilespmem:$0x1E800] =	vst v63  }
0x263: {  	_ =	swait.ge [sflag:s13], $0x2000  }
0x264: {  	s3 =	sadd.s32 $0x1, s3;
	s6 =	rddreg [dreg:$0x16]  }
0x265: {  	p0 =	sne.s32 s3, s6  }
.Ltmp4:
0x266: {  	_ = 	snop;
	(pc) =	sbr.rel @p0 .LBB2_1-.Ltmp4, $3  }
0x267: {  	_ =	sdelay $0x1  }
0x268: {  	[sflag:s13] =	ssyncset.done $0x0  }
0x269: {  	[sflag:s13] =	ssyncadd.s32 $0xFFFFE000  }
0x26a: {  	_ =	sfence.sel $0x180000  }
0x26b: {  	[bflag:$0x0] =	sbarrier.arrive $0xFFFF  }
0x26c: {  	_ =	strace $0x9000004A  }
0x26d: {  	s0 =	stileid.u32;
	[bflag:$0x2] =	sbarrier.arrive $0xFFFF  }
0x26e: {  	p0 =	sne.s32 s0, $0x0;
	s0 =	rddreg [dreg:$0x3]  }
0x26f: {  	s0 =	sadd.s32 @!p0 $0x100000, s0  }
0x270: {  	[sflag:s0] =	ssyncadd.tile.s32 @!p0 $0x1;
	_ =	shalt  }
.Lfunc_end2:
_tile_overlayer_lowered:
.L_overlay_start_2:
0x271: {  	(tag) =	ssettag $0x2  }
0x272: {  	s0 =	rddreg [dreg:$0x0];
	s2 =	stileid.u32  }
0x273: {  	s1 =	rddreg [dreg:$0x1];
	p0 =	sne.s32 s2, $0x0  }
0x274: {  	s3 =	rddreg [dreg:$0x2];
	[bflag:$0x3] =	sbarrier.arrive $0xFFFF;
	s2 =	simm.s32 @!p0 $0x1C05  }
0x275: {  	[timem:s3], [sflag:s2] =	dma.local @!p0 [hbm:s0], s1  }
0x276: {  	s0 =	simm.s32 @!p0 $0x5  }
0x277: {  	_ =	swait.ge @!p0 [sflag:s0], s1  }
0x278: {  	s1 =	ssub.s32 @!p0 $0x0, s1;
	[sflag:s0] =	ssyncset.done @!p0 $0x0  }
0x279: {  	[sflag:s0] =	ssyncadd.s32 @!p0 s1  }
0x27a: {  	[bflag:$0x3] =	sbarrier.arrive $0xFFFF  }
0x27b: {  	_ =	shalt  }

// kernel: kernel.7.cloned.1.call-start
scs
__scs_entry_jumppad:
0x0: {  	(pc) =	sbr.rel $0x88, $3  }
0x1: {  	(tag) =	ssettag $0x0;
	lr =	simm.s32 $0x1  }
0x2: {  	[smem:$0x3F95] =	sst lr;
	_ =	strace $0xD0000000  }
0x3: {  	_ = 	snop  }
0x4: {  	_ = 	snop  }
0x5: {  	_ = 	snop  }
0x6: {  	_ = 	snop  }
0x7: {  	_ = 	snop  }
__scs_overlays_trampoline_lowered:
0x8: {  	[smem:$0x3FA4] =	sst s0  }
0x9: {  	[smem:$0x3FA5] =	sst s1  }
0xa: {  	[smem:$0x3FA6] =	sst s2  }
0xb: {  	[smem:$0x3FA7] =	sst s3  }
0xc: {  	[smem:$0x3FA8] =	sst s4  }
0xd: {  	[smem:$0x3FA9] =	sst s5  }
0xe: {  	[smem:$0x3FAA] =	sst s6  }
0xf: {  	[smem:$0x3FAB] =	sst s7  }
0x10: {  	[smem:$0x3FAC] =	sst s8  }
0x11: {  	[smem:$0x3FAD] =	sst s9;
	s0 =	simm.s32 @!p0 $0x0  }
0x12: {  	s1 =	sld [smem:$0x3F93];
	s0 =	simm.s32 @p0 $0x1  }
0x13: {  	[smem:$0x3FAE] =	sst s0;
	s0 =	simm.s32 @!p1 $0x0  }
0x14: {  	s2 =	sld [smem:$0x3F92];
	s0 =	simm.s32 @p1 $0x1  }
0x15: {  	[smem:$0x3FAF] =	sst s0;
	s0 =	simm.s32 @!p2 $0x0  }
0x16: {  	s3 =	sld [smem:$0x3FDB];
	s0 =	simm.s32 @p2 $0x1  }
0x17: {  	s4 =	simm.s32 $0x1BF5;
	[smem:$0x3FB1] =	sst s0  }
0x18: {  	s0 =	sld [smem:$0x3F94];
	_ =	swait.ge [sflag:s4], $0x0  }
0x19: {  	s7 =	sld [smem:$0x3F95]  }
0x1a: {  	s8 =	sadd.s32 $0xFFFFE003, lr  }
0x1b: {  	s9 =	sadd.s32 $0xFFFFFEF7, lr;
	s5 =	simm.s32 $0xFFFFFFFF;
	p2 =	slt.u32 s8, $0xFFFFF086  }
0x1c: {  	p1 =	slt.u32 s9, $0xF7A;
	s5 =	simm.s32 @!p2 $0x0  }
0x1d: {  	s5 =	simm.s32 @p1 $0x1;
	p0 =	seq.s32 s7, s2  }
0x1e: {  	s7 =	smul.u32 @!p0 $0xF7A, s2;
	p2 =	seq.s32 @!p0 s5, $0x0  }
0x1f: {  	s9 =	smul.u32 $0xF7A, s1;
	s8 =	simm.s32 @!p0 $0x1BF5;
	p2 =	por !p2, p0  }
0x20: {  	[sflag:s8] =	ssyncset.s32 @!p0 $0xFFFFF086;
	s6 =	sadd.s32 @!p0 s3, s7;
	s7 =	simm.s32 @!p0 $0x108  }
0x21: {  	s3 =	sadd.s32 s3, s9;
	s6 =	sadd.s32 @!p0 $0x88, s6;
	s7 =	simm.s32 @p2 $0x1082  }
0x22: {  	[simem:s7], [sflag:s8] =	dma.local @!p0 [hbm:s6], $0xF7A  }
0x23: {  	s9 =	sor.u32 $0xD0000000, s2;
	s6 =	simm.s32 $0x108;
	_ =	swait.ge @!p0 [sflag:s8], $0x0  }
0x24: {  	s3 =	sadd.s32 $0x88, s3;
	s6 =	simm.s32 @!p1 $0x1082;
	[sflag:s4] =	ssyncset.s32 $0xFFFFF086  }
0x25: {  	[simem:s6], [sflag:s4] =	dma.local [hbm:s3], $0xF7A  }
0x26: {  	[smem:$0x3F95] =	sst s1;
	(tag) =	ssettag s2;
	_ =	strace s9  }
0x27: {  	s1 =	sld [smem:$0x3FA5]  }
0x28: {  	s2 =	sld [smem:$0x3FA6]  }
0x29: {  	s4 =	sld [smem:$0x3FA8]  }
0x2a: {  	p0 =	seq.s32 s5, $0x0;
	s5 =	sld [smem:$0x3FA9]  }
0x2b: {  	s6 =	sld [smem:$0x3FAA]  }
0x2c: {  	s7 =	sld [smem:$0x3FAB]  }
0x2d: {  	s3 =	simm.s32 $0x108;
	s8 =	sld [smem:$0x3FAC]  }
0x2e: {  	s3 =	simm.s32 @!p0 $0x1082;
	s9 =	sld [smem:$0x3FAD]  }
0x2f: {  	lr =	sadd.s32 s0, s3;
	s0 =	sld [smem:$0x3FA4]  }
0x30: {  	s3 =	sld [smem:$0x3FA7]  }
0x31: {  	[smem:$0x3FB0] =	sst s10  }
0x32: {  	s10 =	sld [smem:$0x3FAE];
	_ =	sdelay $0x3  }
0x33: {  	p0 =	seq.s32 s10, $0x1;
	s10 =	sld [smem:$0x3FB0];
	_ =	sdelay $0x3  }
0x34: {  	[smem:$0x3FB0] =	sst s10  }
0x35: {  	s10 =	sld [smem:$0x3FAF];
	_ =	sdelay $0x3  }
0x36: {  	p1 =	seq.s32 s10, $0x1;
	s10 =	sld [smem:$0x3FB0];
	_ =	sdelay $0x3  }
0x37: {  	[smem:$0x3FB0] =	sst s10  }
0x38: {  	s10 =	sld [smem:$0x3FB1]  }
0x39: {  	_ = 	snop;
	(pc) =	sbr.ind lr, $3  }
0x3a: {  	_ = 	snop  }
0x3b: {  	_ = 	snop  }
0x3c: {  	p2 =	seq.s32 s10, $0x1;
	s10 =	sld [smem:$0x3FB0]  }
0x3d: {  	_ =	shalt  }
0x3e: {  	_ =	shalt  }
0x3f: {  	_ =	shalt  }
0x40: {  	_ =	shalt  }
0x41: {  	_ =	shalt  }
0x42: {  	_ =	shalt  }
0x43: {  	_ =	shalt  }
0x44: {  	_ =	shalt  }
0x45: {  	_ =	shalt  }
0x46: {  	_ =	shalt  }
0x47: {  	_ =	shalt  }
0x48: {  	_ =	shalt  }
0x49: {  	_ =	shalt  }
0x4a: {  	_ =	shalt  }
0x4b: {  	_ =	shalt  }
0x4c: {  	_ =	shalt  }
0x4d: {  	_ =	shalt  }
0x4e: {  	_ =	shalt  }
0x4f: {  	_ =	shalt  }
0x50: {  	_ =	shalt  }
0x51: {  	_ =	shalt  }
0x52: {  	_ =	shalt  }
0x53: {  	_ =	shalt  }
0x54: {  	_ =	shalt  }
0x55: {  	_ =	shalt  }
0x56: {  	_ =	shalt  }
0x57: {  	_ =	shalt  }
0x58: {  	_ =	shalt  }
0x59: {  	_ =	shalt  }
0x5a: {  	_ =	shalt  }
0x5b: {  	_ =	shalt  }
0x5c: {  	_ =	shalt  }
0x5d: {  	_ =	shalt  }
0x5e: {  	_ =	shalt  }
0x5f: {  	_ =	shalt  }
0x60: {  	_ =	shalt  }
0x61: {  	_ =	shalt  }
0x62: {  	_ =	shalt  }
0x63: {  	_ =	shalt  }
0x64: {  	_ =	shalt  }
0x65: {  	_ =	shalt  }
0x66: {  	_ =	shalt  }
0x67: {  	_ =	shalt  }
0x68: {  	_ =	shalt  }
0x69: {  	_ =	shalt  }
0x6a: {  	_ =	shalt  }
0x6b: {  	_ =	shalt  }
0x6c: {  	_ =	shalt  }
0x6d: {  	_ =	shalt  }
0x6e: {  	_ =	shalt  }
0x6f: {  	_ =	shalt  }
0x70: {  	_ =	shalt  }
0x71: {  	_ =	shalt  }
0x72: {  	_ =	shalt  }
0x73: {  	_ =	shalt  }
0x74: {  	_ =	shalt  }
0x75: {  	_ =	shalt  }
0x76: {  	_ =	shalt  }
0x77: {  	_ =	shalt  }
0x78: {  	_ =	shalt  }
0x79: {  	_ =	shalt  }
0x7a: {  	_ =	shalt  }
0x7b: {  	_ =	shalt  }
0x7c: {  	_ =	shalt  }
0x7d: {  	_ =	shalt  }
0x7e: {  	_ =	shalt  }
0x7f: {  	_ =	shalt  }
0x80: {  	_ =	shalt  }
0x81: {  	_ =	shalt  }
0x82: {  	_ =	shalt  }
0x83: {  	_ =	shalt  }
0x84: {  	_ =	shalt  }
0x85: {  	_ =	shalt  }
0x86: {  	_ =	shalt  }
0x87: {  	_ =	shalt  }
.Lfunc_end0:
.L_simem_size_0:
called_computation_lowered:
.L_overlay_start_0:
0x88: {  	s2 =	sld [smem:$0x3FD9]  }
0x89: {  	s3 =	sld [smem:$0x3FFE];
	_ =	sdelay $0x1  }
0x8a: {  	s1 =	srdreg.scid  }
0x8b: {  	s0 =	sand.u32 $0x1, s1  }
0x8c: {  	s17 =	sshll.u32 s0, $0xA;
	s2 =	sadd.s32 s3, s2  }
0x8d: {  	s2 =	sadd.s32 s2, s17  }
0x8e: {  	[smem:$0x3FBC] =	sst s2  }
0x8f: {  	_ = 	snop  }
0x90: {  	s2 =	sld [smem:$0x3FD0];
	(tm) =	ssettm $0x1  }
0x91: {  	s18 =	sld [smem:$0x3FFB];
	_ =	sdelay $0x3  }
0x92: {  	_ =	strace s18  }
0x93: {  	s3 =	sld [smem:$0x3FFC];
	_ =	sdelay $0x3  }
0x94: {  	_ =	strace s3  }
0x95: {  	s3 =	sld [smem:$0x3FFD];
	_ =	sdelay $0x3  }
0x96: {  	_ =	strace s3  }
0x97: {  	_ =	strace $0x8FFFFFFF  }
0x98: {  	s19 =	sld [smem:$0x3FDB];
	_ =	sdelay $0x1  }
0x99: {  	s4 =	simm.s32 $_scs_section_size  }
0x9a: {  	s5 =	simm.s32 $_size__tile_overlayer_lowered;
	s6 =	simm.s32 $_tile_overlayer_lowered  }
0x9b: {  	s22 =	simm.s32 $0x1BFF;
	s21 =	sshll.u32 s6, $0x1;
	s3 =	sadd.s32 s4, s19  }
0x9c: {  	s7 =	simm.s32 $0x0;
	s20 =	sshll.u32 s5, $0x1;
	s5 =	sadd.s32 s21, s3  }
0x9d: {  	[timem:s7], [sflag:s22] =	dma.local [hbm:s5], s20  }
0x9e: {  	_ =	swait.ge [sflag:s22], s20  }
0x9f: {  	s4 =	ssub.s32 $0x0, s20;
	[sflag:s22] =	ssyncset.done $0x0  }
0xa0: {  	[sflag:s22] =	ssyncadd.s32 s4;
	_ =	sdelay $0x1  }
0xa1: {  	s23 =	simm.s32 $0x1B8B  }
0xa2: {  	_ =	swait.ge [sflag:s23], $0x1  }
0xa3: {  	[sflag:s23] =	ssyncset.done $0x0  }
0xa4: {  	s25 =	simm.s32 $0x1B8E;
	s24 =	sld [smem:$0x3FFE];
	[sflag:s23] =	ssyncadd.s32 $0xFFFFFFFF  }
0xa5: {  	s26 =	simm.s32 $execute0_lowered;
	[smem:$0x3FD2] =	sst s25  }
0xa6: {  	s5 =	sshll.u32 s26, $0x1;
	_ =	strace $0x80000046;
	[dreg:$0x1] =	wrdreg $0xFFFFFFFF  }
0xa7: {  	s28 =	simm.s32 $_size_execute0_lowered;
	s3 =	sadd.s32 s3, s5;
	[dreg:$0x0] =	wrdreg $0x0  }
0xa8: {  	s5 =	sshll.u32 s28, $0x1;
	[dreg:$0x2] =	wrdreg s3  }
0xa9: {  	[dreg:$0x3] =	wrdreg s5  }
0xaa: {  	[dreg:$0x4] =	wrdreg $0xC0  }
0xab: {  	_ =	task [dreg:s7], $0x5FFFF  }
0xac: {  	[dreg:$0x1] =	wrdreg $0xFFFFFFFF  }
0xad: {  	[dreg:$0x0] =	wrdreg $0x60  }
0xae: {  	[dreg:$0x2] =	wrdreg s24  }
0xaf: {  	[dreg:$0x3] =	wrdreg s2  }
0xb0: {  	[dreg:$0x4] =	wrdreg $0xA8000  }
0xb1: {  	[dreg:$0x5] =	wrdreg $0x9  }
0xb2: {  	_ =	task.clear_ibuf [dreg:s7], $0x6FFFF;
	_ =	strace $0x90000046  }
0xb3: {  	s29 =	simm.s32 $0x9;
	_ =	strace $0x80000048  }
0xb4: {  	_ =	swait.ge [sflag:s29], $0x1  }
0xb5: {  	[sflag:s29] =	ssyncadd.s32 $0xFFFFFFFF  }
0xb6: {  	_ =	strace $0x90000048  }
0xb7: {  	_ =	sfence  }
0xb8: {  	s30 =	sld [smem:$0x0];
	_ =	sdelay $0x2  }
0xb9: {  	s31 =	sshll.u32 s1, $0xD;
	s1 =	sshrl.u32 s1, $0x2  }
0xba: {  	s3 =	sand.u32 $0x4000, s31;
	s1 =	sadd.s32 s1, s30  }
0xbb: {  	s0 =	sor.u32 s3, s0;
	s1 =	sshll.u32 s1, $0x11  }
0xbc: {  	s0 =	sor.u32 s1, s0  }
0xbd: {  	s0 =	sadd.s32 $0x8F2B, s0  }
0xbe: {  	[sflag:s0] =	ssyncadd.remote.s32 $0x1  }
0xbf: {  	_ =	sfence.sel $0xFFFF  }
0xc0: {  	[dreg:$0x0] =	wrdreg $0xFFFFFFFF;
	(pc) =	sbr.abs _section_cstart, $3  }
0xc1: {  	[dreg:$0x1] =	wrdreg $0xFFFFFFFF  }
0xc2: {  	_ =	task.clear_ibuf [dreg:s7], $0x2FFFF;
	_ =	strace $0x9FFFFFFF  }
0xc3: {  	(tm) =	ssettm $0x7FFFFFFF  }
tec
execute0_lowered:
.L_overlay_start_1:
0x0: {  	(tag) =	ssettag $0x1  }
0x1: {  	s0 =	srdreg.scid  }
0x2: {  	s15 =	stileid.u32;
	s1 =	simm.s32 $0x0;
	s28 =	simm.s32 $0x1  }
0x3: {  	s2 =	sand.u32 $0x1, s0;
	s3 =	sshll.u32 s15, $0x1;
	s0 =	rddreg [dreg:$0x0]  }
0x4: {  	s29 =	simm.s32 $0x2;
	[smem:$0x7FF] =	sst s1;
	s3 =	sor.u32 s2, s3  }
0x5: {  	s4 =	sadd.s32 $0x2600, s0;
	s7 =	ssub.s32 $0x2, s2;
	s5 =	smul.u32 $0x5000, s3  }
0x6: {  	s6 =	sadd.s32 $0x16600, s0;
	s3 =	smul.u32 $0xA00, s3;
	s9 =	sshrl.u32 s7, $0x1  }
0x7: {  	s8 =	sadd.s32 $0x51800, s0;
	s2 =	smul.u32 $0x140000, s2;
	s7 =	ssub.s32 s7, s9  }
0x8: {  	s9 =	smul.u32 $0x14000, s15;
	s5 =	sshrl.u32 s5, $0x3;
	s14 =	sadd.s32 s4, s3  }
0x9: {  	s3 =	sadd.s32 s6, s3;
	[dreg:$0x4] =	wrdreg s14;
	s16 =	sadd.s32 $0x280, s5  }
0xa: {  	[dreg:$0x5] =	wrdreg s3;
	s19 =	sadd.s32 $0x500, s5;
	s20 =	sadd.s32 $0x780, s5  }
0xb: {  	s21 =	sadd.s32 s2, s9;
	s5 =	sor.u32 $0x2000, s9;
	s17 =	sadd.s32 s4, s16  }
0xc: {  	s11 =	sadd.s32 $0x8000, s9;
	s18 =	sadd.s32 s6, s16;
	[dreg:$0x6] =	wrdreg s17  }
0xd: {  	s10 =	sadd.s32 s4, s19;
	s3 =	sadd.s32 s6, s19;
	[dreg:$0x7] =	wrdreg s18  }
0xe: {  	s4 =	sadd.s32 s4, s20;
	s22 =	sshrl.u32 s21, $0x3;
	[dreg:$0x8] =	wrdreg s10  }
0xf: {  	s23 =	sadd.s32 s2, s5;
	s13 =	sadd.s32 s2, s11;
	[dreg:$0x9] =	wrdreg s3  }
0x10: {  	s16 =	sadd.s32 $0xA000, s9;
	s21 =	sadd.s32 $0x10000, s9;
	[dreg:$0xa] =	wrdreg s4  }
0x11: {  	s3 =	sadd.s32 s6, s20;
	s24 =	sshrl.u32 s23, $0x3;
	s4 =	sadd.s32 $0x4000, s9  }
0x12: {  	s6 =	sadd.s32 $0x6000, s9;
	s14 =	sshrl.u32 s13, $0x3;
	s17 =	sadd.s32 s2, s16  }
0x13: {  	[dreg:$0xb] =	wrdreg s3;
	s3 =	sadd.s32 s8, s22;
	s25 =	sadd.s32 s2, s4  }
0x14: {  	s26 =	sadd.s32 s2, s6;
	[dreg:$0xc] =	wrdreg s3;
	s3 =	sadd.s32 s8, s24  }
0x15: {  	s22 =	sadd.s32 $0x12000, s9;
	[dreg:$0xd] =	wrdreg s3;
	s3 =	sshrl.u32 s25, $0x3  }
0x16: {  	s12 =	sshrl.u32 s26, $0x3;
	s25 =	sadd.s32 s2, s21;
	s3 =	sadd.s32 s8, s3  }
0x17: {  	[dreg:$0xe] =	wrdreg s3;
	s3 =	sadd.s32 s8, s12;
	s12 =	sadd.s32 $0xC000, s9  }
0x18: {  	[dreg:$0xf] =	wrdreg s3;
	s3 =	sadd.s32 s8, s14;
	s13 =	sadd.s32 s2, s12  }
0x19: {  	s14 =	sadd.s32 $0xE000, s9;
	s9 =	sshrl.u32 s25, $0x3;
	[dreg:$0x10] =	wrdreg s3  }
0x1a: {  	s3 =	sshrl.u32 s17, $0x3;
	s18 =	sshrl.u32 s13, $0x3;
	s9 =	sadd.s32 s8, s9  }
0x1b: {  	s19 =	sadd.s32 s2, s14;
	s3 =	sadd.s32 s8, s3;
	[dreg:$0x14] =	wrdreg s9  }
0x1c: {  	s2 =	sadd.s32 s2, s22;
	[dreg:$0x11] =	wrdreg s3;
	s3 =	sadd.s32 s8, s18  }
0x1d: {  	s20 =	sshrl.u32 s19, $0x3;
	s2 =	sshrl.u32 s2, $0x3;
	[dreg:$0x12] =	wrdreg s3  }
0x1e: {  	s2 =	sadd.s32 s8, s2;
	s3 =	sadd.s32 s8, s20;
	s20 =	rddreg [dreg:$0x2]  }
0x1f: {  	s30 =	simm.s32 $0x3;
	s31 =	simm.s32 $0x4;
	[dreg:$0x15] =	wrdreg s2  }
0x20: {  	s15 =	smul.u32 $0x50000, s15;
	s2 =	smax.u32 s7, $0x1;
	[dreg:$0x13] =	wrdreg s3  }
0x21: {  	s7 =	sadd.s32 s5, s20;
	_ =	strace $0x80000047;
	[dreg:$0x16] =	wrdreg s2  }
0x22: {  	s23 =	sadd.s32 $0x2A600, s0;
	s8 =	sadd.s32 s4, s20;
	[dreg:$0x17] =	wrdreg s7  }
0x23: {  	s0 =	simm.s32 $0x2680;
	s9 =	sadd.s32 s6, s20;
	[dreg:$0x18] =	wrdreg s8  }
0x24: {  	s26 =	sshrl.u32 s15, $0x2;
	s11 =	sadd.s32 s11, s20;
	[dreg:$0x19] =	wrdreg s9  }
0x25: {  	s13 =	simm.s32 $0x5;
	s15 =	sadd.s32 s16, s20;
	[dreg:$0x1a] =	wrdreg s11  }
0x26: {  	s24 =	sadd.s32 s26, s20;
	s16 =	sadd.s32 s12, s20;
	[dreg:$0x1b] =	wrdreg s15  }
0x27: {  	s17 =	sadd.s32 s14, s20;
	s18 =	sadd.s32 s21, s20;
	[dreg:$0x1c] =	wrdreg s16  }
0x28: {  	s19 =	sadd.s32 s22, s20;
	s12 =	simm.s32 $0x2800;
	[dreg:$0x1d] =	wrdreg s17  }
0x29: {  	s14 =	simm.s32 $0x1400;
	s3 =	simm.s32 $0x0;
	[dreg:$0x1e] =	wrdreg s18  }
0x2a: {  	[dreg:$0x1f] =	wrdreg s19;
	s21 =	sadd.s32 $0x2000, s24;
	s22 =	sadd.s32 $0x4000, s24  }
0x2b: {  	s25 =	sadd.s32 $0x6000, s24;
	s26 =	sadd.s32 $0x8000, s24;
	s7 =	sadd.s32 $0xA000, s24  }
0x2c: {  	s8 =	sadd.s32 $0xC000, s24;
	s9 =	sadd.s32 $0xE000, s24;
	s10 =	sadd.s32 $0x10000, s24  }
0x2d: {  	s11 =	sadd.s32 $0x12000, s24;
	s15 =	simm.s32 $0x40;
	[smem:$0x7FA] =	sst s21  }
0x2e: {  	s16 =	simm.s32 $0x80;
	s17 =	simm.s32 $0x4800;
	[smem:$0x7FB] =	sst s22  }
0x2f: {  	s18 =	simm.s32 $0x2600;
	s19 =	simm.s32 $0x2700;
	[smem:$0x7FC] =	sst s25  }
0x30: {  	s2 =	simm.s32 $0x2780;
	[smem:$0x7FD] =	sst s26;
	s21 =	simm.s32 $0x100  }
0x31: {  	s22 =	simm.s32 $0x6800;
	s25 =	simm.s32 $0x180;
	s26 =	simm.s32 $0x8800  }
.LBB2_1:
0x32: {  	s4 =	rddreg [dreg:$0x1]  }
0x33: {  	[tilespmem:s12], [sflag:$0x5] =	stream.linear.gather [hbm4b:s4+s1], $0x2000, $0x38;
	[tilespmem:$0x1E800] =	vst v63  }
0x34: {  	_ =	swait.ge [sflag:s13], $0x2000  }
0x35: {  	[sflag:s13] =	ssyncset.done $0x0  }
0x36: {  	[sflag:s13] =	ssyncadd.s32 $0xFFFFE000  }
0x37: {  	[spmem:s24] =	stream.linear.scatter [tilespmem:s12], [sflag:$0x5], $0x2000, $0x38;
	[tilespmem:$0x1E800] =	vst v63  }
0x38: {  	_ =	swait.ge [sflag:s13], $0x2000  }
0x39: {  	s6 =	sld [smem:$0x7FA]  }
0x3a: {  	[sflag:s13] =	ssyncset.done $0x0  }
0x3b: {  	[sflag:s13] =	ssyncadd.s32 $0xFFFFE000  }
0x3c: {  	[spmem:s6] =	stream.linear.scatter [tilespmem:s12], [sflag:$0x5], $0x2000, $0x38;
	[tilespmem:$0x1E800] =	vst v63  }
0x3d: {  	_ =	swait.ge [sflag:s13], $0x2000  }
0x3e: {  	s5 =	sld [smem:$0x7FB]  }
0x3f: {  	[sflag:s13] =	ssyncset.done $0x0  }
0x40: {  	[sflag:s13] =	ssyncadd.s32 $0xFFFFE000  }
0x41: {  	[spmem:s5] =	stream.linear.scatter [tilespmem:s12], [sflag:$0x5], $0x2000, $0x38;
	[tilespmem:$0x1E800] =	vst v63  }
0x42: {  	_ =	swait.ge [sflag:s13], $0x2000  }
0x43: {  	s6 =	sld [smem:$0x7FC]  }
0x44: {  	[sflag:s13] =	ssyncset.done $0x0  }
0x45: {  	[sflag:s13] =	ssyncadd.s32 $0xFFFFE000  }
0x46: {  	[spmem:s6] =	stream.linear.scatter [tilespmem:s12], [sflag:$0x5], $0x2000, $0x38;
	[tilespmem:$0x1E800] =	vst v63  }
0x47: {  	_ =	swait.ge [sflag:s13], $0x2000  }
0x48: {  	s5 =	sld [smem:$0x7FD]  }
0x49: {  	[sflag:s13] =	ssyncset.done $0x0  }
0x4a: {  	[sflag:s13] =	ssyncadd.s32 $0xFFFFE000  }
0x4b: {  	[spmem:s5] =	stream.linear.scatter [tilespmem:s12], [sflag:$0x5], $0x2000, $0x38;
	[tilespmem:$0x1E800] =	vst v63  }
0x4c: {  	_ =	swait.ge [sflag:s13], $0x2000  }
0x4d: {  	[sflag:s13] =	ssyncset.done $0x0  }
0x4e: {  	[sflag:s13] =	ssyncadd.s32 $0xFFFFE000  }
0x4f: {  	[spmem:s7] =	stream.linear.scatter [tilespmem:s12], [sflag:$0x5], $0x2000, $0x38;
	[tilespmem:$0x1E800] =	vst v63  }
0x50: {  	_ =	swait.ge [sflag:s13], $0x2000  }
0x51: {  	[sflag:s13] =	ssyncset.done $0x0  }
0x52: {  	[sflag:s13] =	ssyncadd.s32 $0xFFFFE000  }
0x53: {  	[spmem:s8] =	stream.linear.scatter [tilespmem:s12], [sflag:$0x5], $0x2000, $0x38;
	[tilespmem:$0x1E800] =	vst v63  }
0x54: {  	_ =	swait.ge [sflag:s13], $0x2000  }
0x55: {  	[sflag:s13] =	ssyncset.done $0x0  }
0x56: {  	[sflag:s13] =	ssyncadd.s32 $0xFFFFE000  }
0x57: {  	[spmem:s9] =	stream.linear.scatter [tilespmem:s12], [sflag:$0x5], $0x2000, $0x38;
	[tilespmem:$0x1E800] =	vst v63  }
0x58: {  	_ =	swait.ge [sflag:s13], $0x2000  }
0x59: {  	[sflag:s13] =	ssyncset.done $0x0  }
0x5a: {  	[sflag:s13] =	ssyncadd.s32 $0xFFFFE000  }
0x5b: {  	[spmem:s10] =	stream.linear.scatter [tilespmem:s12], [sflag:$0x5], $0x2000, $0x38;
	[tilespmem:$0x1E800] =	vst v63  }
0x5c: {  	_ =	swait.ge [sflag:s13], $0x2000  }
0x5d: {  	[sflag:s13] =	ssyncset.done $0x0  }
0x5e: {  	[sflag:s13] =	ssyncadd.s32 $0xFFFFE000  }
0x5f: {  	[spmem:s11] =	stream.linear.scatter [tilespmem:s12], [sflag:$0x5], $0x2000, $0x38;
	[tilespmem:$0x1E800] =	vst v63  }
0x60: {  	_ =	swait.ge [sflag:s13], $0x2000  }
0x61: {  	[sflag:s13] =	ssyncset.done $0x0  }
0x62: {  	[sflag:s13] =	ssyncadd.s32 $0xFFFFE000  }
0x63: {  	[bflag:$0x0] =	sbarrier.arrive $0xFFFF  }
0x64: {  	s6 =	rddreg [dreg:$0x4]  }
0x65: {  	[tilespmem:s1], [sflag:$0x5] =	stream.linear.gather [hbm4b:s6+s1], $0x1400, $0x38;
	[tilespmem:$0x1E800] =	vst v63  }
0x66: {  	_ =	swait.ge [sflag:s13], $0x1400  }
0x67: {  	[sflag:s13] =	ssyncset.done $0x0  }
0x68: {  	s5 =	rddreg [dreg:$0x5];
	[sflag:s13] =	ssyncadd.s32 $0xFFFFEC00  }
0x69: {  	[tilespmem:s14], [sflag:$0x5] =	stream.linear.gather [hbm4b:s5+s1], $0x1400, $0x38;
	[tilespmem:$0x1E800] =	vst v63  }
0x6a: {  	_ =	swait.ge [sflag:s13], $0x1400  }
0x6b: {  	[sflag:s13] =	ssyncset.done $0x0  }
0x6c: {  	[sflag:s13] =	ssyncadd.s32 $0xFFFFEC00  }
0x6d: {  	[tilespmem:s12], [sflag:$0x1] =	stream.indirect.gather [hbm4b:s23+s15], $0x80, s1, s15, $0xb8;
	[tilespmem:$0x1E800] =	vst v63  }
0x6e: {  	_ = 	snop  }
0x6f: {  	[tilespmem:s17], [sflag:$0x2] =	stream.indirect.gather [hbm4b:s23+s15], $0x80, s16, s15, $0xb8;
	[tilespmem:$0x1E800] =	vst v63  }
0x70: {  	_ = 	snop  }
0x71: {  	[tilespmem:s22], [sflag:$0x3] =	stream.indirect.gather [hbm4b:s23+s15], $0x80, s21, s15, $0xb8;
	[tilespmem:$0x1E800] =	vst v63  }
0x72: {  	_ = 	snop  }
0x73: {  	[tilespmem:s26], [sflag:$0x4] =	stream.indirect.gather [hbm4b:s23+s15], $0x80, s25, s15, $0xb8;
	[tilespmem:$0x1E800] =	vst v63  }
0x74: {  	_ =	swait.ge [sflag:s28], $0x2000  }
0x75: {  	[sflag:s28] =	ssyncset.done $0x0  }
0x76: {  	s6 =	simm.s32 $0x1400;
	[sflag:s28] =	ssyncadd.s32 $0xFFFFE000  }
0x77: {  	[spmem:s20] =	stream.indirect.scatter.add.f32 [tilespmem:s12], [sflag:$0x5], $0x80, s6, s15, $0xb8;
	[tilespmem:$0x1E800] =	vst v63  }
0x78: {  	_ =	swait.ge [sflag:s13], $0x2000  }
0x79: {  	[sflag:s13] =	ssyncset.done $0x0  }
0x7a: {  	s5 =	simm.s32 $0x200;
	[sflag:s13] =	ssyncadd.s32 $0xFFFFE000  }
0x7b: {  	[tilespmem:s12], [sflag:$0x1] =	stream.indirect.gather [hbm4b:s23+s15], $0x80, s5, s15, $0xb8;
	[tilespmem:$0x1E800] =	vst v63  }
0x7c: {  	_ =	swait.ge [sflag:s29], $0x2000  }
0x7d: {  	[sflag:s29] =	ssyncset.done $0x0  }
0x7e: {  	s6 =	simm.s32 $0x1480;
	[sflag:s29] =	ssyncadd.s32 $0xFFFFE000  }
0x7f: {  	[spmem:s20] =	stream.indirect.scatter.add.f32 [tilespmem:s17], [sflag:$0x5], $0x80, s6, s15, $0xb8;
	[tilespmem:$0x1E800] =	vst v63  }
0x80: {  	_ =	swait.ge [sflag:s13], $0x2000  }
0x81: {  	[sflag:s13] =	ssyncset.done $0x0  }
0x82: {  	s5 =	simm.s32 $0x280;
	[sflag:s13] =	ssyncadd.s32 $0xFFFFE000  }
0x83: {  	[tilespmem:s17], [sflag:$0x2] =	stream.indirect.gather [hbm4b:s23+s15], $0x80, s5, s15, $0xb8;
	[tilespmem:$0x1E800] =	vst v63  }
0x84: {  	_ =	swait.ge [sflag:s30], $0x2000  }
0x85: {  	[sflag:s30] =	ssyncset.done $0x0  }
0x86: {  	s6 =	simm.s32 $0x1500;
	[sflag:s30] =	ssyncadd.s32 $0xFFFFE000  }
0x87: {  	[spmem:s20] =	stream.indirect.scatter.add.f32 [tilespmem:s22], [sflag:$0x5], $0x80, s6, s15, $0xb8;
	[tilespmem:$0x1E800] =	vst v63  }
0x88: {  	_ =	swait.ge [sflag:s13], $0x2000  }
0x89: {  	[sflag:s13] =	ssyncset.done $0x0  }
0x8a: {  	s5 =	simm.s32 $0x300;
	[sflag:s13] =	ssyncadd.s32 $0xFFFFE000  }
0x8b: {  	[tilespmem:s22], [sflag:$0x3] =	stream.indirect.gather [hbm4b:s23+s15], $0x80, s5, s15, $0xb8;
	[tilespmem:$0x1E800] =	vst v63  }
0x8c: {  	_ =	swait.ge [sflag:s31], $0x2000  }
0x8d: {  	[sflag:s31] =	ssyncset.done $0x0  }
0x8e: {  	s6 =	simm.s32 $0x1580;
	[sflag:s31] =	ssyncadd.s32 $0xFFFFE000  }
0x8f: {  	[spmem:s20] =	stream.indirect.scatter.add.f32 [tilespmem:s26], [sflag:$0x5], $0x80, s6, s15, $0xb8;
	[tilespmem:$0x1E800] =	vst v63  }
0x90: {  	_ =	swait.ge [sflag:s13], $0x2000  }
0x91: {  	[sflag:s13] =	ssyncset.done $0x0  }
0x92: {  	s4 =	simm.s32 $0x800;
	s5 =	simm.s32 $0x380;
	[sflag:s13] =	ssyncadd.s32 $0xFFFFE000  }
.LBB2_2:
0x93: {  	[tilespmem:s26], [sflag:$0x4] =	stream.indirect.gather [hbm4b:s23+s15], $0x80, s5, s15, $0xb8;
	[tilespmem:$0x1E800] =	vst v63  }
0x94: {  	s5 =	smov.u32 s4  }
0x95: {  	p0 =	sne.s32 s4, $0x4000;
	s4 =	sadd.s32 $0x800, s4;
	_ =	swait.ge [sflag:s28], $0x2000  }
0x96: {  	s5 =	sshra.s32 s5, $0x2;
	[sflag:s28] =	ssyncset.done $0x0  }
0x97: {  	s6 =	sadd.s32 $0x1400, s5;
	[sflag:s28] =	ssyncadd.s32 $0xFFFFE000  }
0x98: {  	[spmem:s20] =	stream.indirect.scatter.add.f32 [tilespmem:s12], [sflag:$0x5], $0x80, s6, s15, $0xb8;
	[tilespmem:$0x1E800] =	vst v63  }
0x99: {  	_ =	swait.ge [sflag:s13], $0x2000  }
0x9a: {  	[sflag:s13] =	ssyncset.done $0x0  }
0x9b: {  	s6 =	sadd.s32 $0x200, s5;
	[sflag:s13] =	ssyncadd.s32 $0xFFFFE000  }
0x9c: {  	[tilespmem:s12], [sflag:$0x1] =	stream.indirect.gather [hbm4b:s23+s15], $0x80, s6, s15, $0xb8;
	[tilespmem:$0x1E800] =	vst v63  }
0x9d: {  	_ =	swait.ge [sflag:s29], $0x2000  }
0x9e: {  	[sflag:s29] =	ssyncset.done $0x0  }
0x9f: {  	s6 =	sadd.s32 $0x1480, s5;
	[sflag:s29] =	ssyncadd.s32 $0xFFFFE000  }
0xa0: {  	[spmem:s20] =	stream.indirect.scatter.add.f32 [tilespmem:s17], [sflag:$0x5], $0x80, s6, s15, $0xb8;
	[tilespmem:$0x1E800] =	vst v63  }
0xa1: {  	_ =	swait.ge [sflag:s13], $0x2000  }
0xa2: {  	[sflag:s13] =	ssyncset.done $0x0  }
0xa3: {  	s6 =	sadd.s32 $0x280, s5;
	[sflag:s13] =	ssyncadd.s32 $0xFFFFE000  }
0xa4: {  	[tilespmem:s17], [sflag:$0x2] =	stream.indirect.gather [hbm4b:s23+s15], $0x80, s6, s15, $0xb8;
	[tilespmem:$0x1E800] =	vst v63  }
0xa5: {  	_ =	swait.ge [sflag:s30], $0x2000  }
0xa6: {  	[sflag:s30] =	ssyncset.done $0x0  }
0xa7: {  	s6 =	sadd.s32 $0x1500, s5;
	[sflag:s30] =	ssyncadd.s32 $0xFFFFE000  }
0xa8: {  	[spmem:s20] =	stream.indirect.scatter.add.f32 [tilespmem:s22], [sflag:$0x5], $0x80, s6, s15, $0xb8;
	[tilespmem:$0x1E800] =	vst v63  }
0xa9: {  	_ =	swait.ge [sflag:s13], $0x2000  }
0xaa: {  	[sflag:s13] =	ssyncset.done $0x0  }
0xab: {  	s6 =	sadd.s32 $0x300, s5;
	[sflag:s13] =	ssyncadd.s32 $0xFFFFE000  }
0xac: {  	[tilespmem:s22], [sflag:$0x3] =	stream.indirect.gather [hbm4b:s23+s15], $0x80, s6, s15, $0xb8;
	[tilespmem:$0x1E800] =	vst v63  }
0xad: {  	_ =	swait.ge [sflag:s31], $0x2000  }
0xae: {  	[sflag:s31] =	ssyncset.done $0x0  }
.Ltmp0:
0xaf: {  	s6 =	sadd.s32 $0x1580, s5;
	[sflag:s31] =	ssyncadd.s32 $0xFFFFE000;
	(pc) =	sbr.rel @p0 .LBB2_2-.Ltmp0, $4  }
0xb0: {  	[spmem:s20] =	stream.indirect.scatter.add.f32 [tilespmem:s26], [sflag:$0x5], $0x80, s6, s15, $0xb8;
	[tilespmem:$0x1E800] =	vst v63  }
0xb1: {  	_ =	swait.ge [sflag:s13], $0x2000  }
0xb2: {  	[sflag:s13] =	ssyncset.done $0x0  }
0xb3: {  	s5 =	sadd.s32 $0x380, s5;
	[sflag:s13] =	ssyncadd.s32 $0xFFFFE000  }
0xb4: {  	[tilespmem:s26], [sflag:$0x4] =	stream.indirect.gather [hbm4b:s23+s15], $0x80, s5, s15, $0xb8;
	[tilespmem:$0x1E800] =	vst v63  }
0xb5: {  	_ =	swait.ge [sflag:s28], $0x2000  }
0xb6: {  	[sflag:s28] =	ssyncset.done $0x0  }
0xb7: {  	[sflag:s28] =	ssyncadd.s32 $0xFFFFE000  }
0xb8: {  	[spmem:s20] =	stream.indirect.scatter.add.f32 [tilespmem:s12], [sflag:$0x5], $0x80, s18, s15, $0xb8;
	[tilespmem:$0x1E800] =	vst v63  }
0xb9: {  	_ =	swait.ge [sflag:s13], $0x2000  }
0xba: {  	[sflag:s13] =	ssyncset.done $0x0  }
0xbb: {  	[sflag:s13] =	ssyncadd.s32 $0xFFFFE000  }
0xbc: {  	_ =	swait.ge [sflag:s29], $0x2000  }
0xbd: {  	[sflag:s29] =	ssyncset.done $0x0  }
0xbe: {  	[sflag:s29] =	ssyncadd.s32 $0xFFFFE000  }
0xbf: {  	[spmem:s20] =	stream.indirect.scatter.add.f32 [tilespmem:s17], [sflag:$0x5], $0x80, s0, s15, $0xb8;
	[tilespmem:$0x1E800] =	vst v63  }
0xc0: {  	_ =	swait.ge [sflag:s13], $0x2000  }
0xc1: {  	[sflag:s13] =	ssyncset.done $0x0  }
0xc2: {  	[sflag:s13] =	ssyncadd.s32 $0xFFFFE000  }
0xc3: {  	_ =	swait.ge [sflag:s30], $0x2000  }
0xc4: {  	[sflag:s30] =	ssyncset.done $0x0  }
0xc5: {  	[sflag:s30] =	ssyncadd.s32 $0xFFFFE000  }
0xc6: {  	[spmem:s20] =	stream.indirect.scatter.add.f32 [tilespmem:s22], [sflag:$0x5], $0x80, s19, s15, $0xb8;
	[tilespmem:$0x1E800] =	vst v63  }
0xc7: {  	_ =	swait.ge [sflag:s13], $0x2000  }
0xc8: {  	[sflag:s13] =	ssyncset.done $0x0  }
0xc9: {  	[sflag:s13] =	ssyncadd.s32 $0xFFFFE000  }
0xca: {  	_ =	swait.ge [sflag:s31], $0x2000  }
0xcb: {  	[sflag:s31] =	ssyncset.done $0x0  }
0xcc: {  	[sflag:s31] =	ssyncadd.s32 $0xFFFFE000  }
0xcd: {  	[spmem:s20] =	stream.indirect.scatter.add.f32 [tilespmem:s26], [sflag:$0x5], $0x80, s2, s15, $0xb8;
	[tilespmem:$0x1E800] =	vst v63  }
0xce: {  	_ =	swait.ge [sflag:s13], $0x2000  }
0xcf: {  	[sflag:s13] =	ssyncset.done $0x0  }
0xd0: {  	s4 =	simm.s32 $0x0;
	s6 =	rddreg [dreg:$0x6];
	[sflag:s13] =	ssyncadd.s32 $0xFFFFE000  }
0xd1: {  	[tilespmem:s4], [sflag:$0x5] =	stream.linear.gather [hbm4b:s6+s4], $0x1400, $0x38;
	[tilespmem:$0x1E800] =	vst v63  }
0xd2: {  	_ =	swait.ge [sflag:s13], $0x1400  }
0xd3: {  	[sflag:s13] =	ssyncset.done $0x0  }
0xd4: {  	s6 =	rddreg [dreg:$0x7];
	[sflag:s13] =	ssyncadd.s32 $0xFFFFEC00  }
0xd5: {  	[tilespmem:s14], [sflag:$0x5] =	stream.linear.gather [hbm4b:s6+s4], $0x1400, $0x38;
	[tilespmem:$0x1E800] =	vst v63  }
0xd6: {  	_ =	swait.ge [sflag:s13], $0x1400  }
0xd7: {  	[sflag:s13] =	ssyncset.done $0x0  }
0xd8: {  	[sflag:s13] =	ssyncadd.s32 $0xFFFFEC00  }
0xd9: {  	[tilespmem:s12], [sflag:$0x1] =	stream.indirect.gather [hbm4b:s23+s15], $0x80, s4, s15, $0xb8;
	[tilespmem:$0x1E800] =	vst v63  }
0xda: {  	_ = 	snop  }
0xdb: {  	[tilespmem:s17], [sflag:$0x2] =	stream.indirect.gather [hbm4b:s23+s15], $0x80, s16, s15, $0xb8;
	[tilespmem:$0x1E800] =	vst v63  }
0xdc: {  	_ = 	snop  }
0xdd: {  	[tilespmem:s22], [sflag:$0x3] =	stream.indirect.gather [hbm4b:s23+s15], $0x80, s21, s15, $0xb8;
	[tilespmem:$0x1E800] =	vst v63  }
0xde: {  	_ = 	snop  }
0xdf: {  	[tilespmem:s26], [sflag:$0x4] =	stream.indirect.gather [hbm4b:s23+s15], $0x80, s25, s15, $0xb8;
	[tilespmem:$0x1E800] =	vst v63  }
0xe0: {  	_ =	swait.ge [sflag:s28], $0x2000  }
0xe1: {  	[sflag:s28] =	ssyncset.done $0x0  }
0xe2: {  	s6 =	simm.s32 $0x1400;
	[sflag:s28] =	ssyncadd.s32 $0xFFFFE000  }
0xe3: {  	[spmem:s20] =	stream.indirect.scatter.add.f32 [tilespmem:s12], [sflag:$0x5], $0x80, s6, s15, $0xb8;
	[tilespmem:$0x1E800] =	vst v63  }
0xe4: {  	_ =	swait.ge [sflag:s13], $0x2000  }
0xe5: {  	[sflag:s13] =	ssyncset.done $0x0  }
0xe6: {  	s5 =	simm.s32 $0x200;
	[sflag:s13] =	ssyncadd.s32 $0xFFFFE000  }
0xe7: {  	[tilespmem:s12], [sflag:$0x1] =	stream.indirect.gather [hbm4b:s23+s15], $0x80, s5, s15, $0xb8;
	[tilespmem:$0x1E800] =	vst v63  }
0xe8: {  	_ =	swait.ge [sflag:s29], $0x2000  }
0xe9: {  	[sflag:s29] =	ssyncset.done $0x0  }
0xea: {  	s6 =	simm.s32 $0x1480;
	[sflag:s29] =	ssyncadd.s32 $0xFFFFE000  }
0xeb: {  	[spmem:s20] =	stream.indirect.scatter.add.f32 [tilespmem:s17], [sflag:$0x5], $0x80, s6, s15, $0xb8;
	[tilespmem:$0x1E800] =	vst v63  }
0xec: {  	_ =	swait.ge [sflag:s13], $0x2000  }
0xed: {  	[sflag:s13] =	ssyncset.done $0x0  }
0xee: {  	s5 =	simm.s32 $0x280;
	[sflag:s13] =	ssyncadd.s32 $0xFFFFE000  }
0xef: {  	[tilespmem:s17], [sflag:$0x2] =	stream.indirect.gather [hbm4b:s23+s15], $0x80, s5, s15, $0xb8;
	[tilespmem:$0x1E800] =	vst v63  }
0xf0: {  	_ =	swait.ge [sflag:s30], $0x2000  }
0xf1: {  	[sflag:s30] =	ssyncset.done $0x0  }
0xf2: {  	s6 =	simm.s32 $0x1500;
	[sflag:s30] =	ssyncadd.s32 $0xFFFFE000  }
0xf3: {  	[spmem:s20] =	stream.indirect.scatter.add.f32 [tilespmem:s22], [sflag:$0x5], $0x80, s6, s15, $0xb8;
	[tilespmem:$0x1E800] =	vst v63  }
0xf4: {  	_ =	swait.ge [sflag:s13], $0x2000  }
0xf5: {  	[sflag:s13] =	ssyncset.done $0x0  }
0xf6: {  	s5 =	simm.s32 $0x300;
	[sflag:s13] =	ssyncadd.s32 $0xFFFFE000  }
0xf7: {  	[tilespmem:s22], [sflag:$0x3] =	stream.indirect.gather [hbm4b:s23+s15], $0x80, s5, s15, $0xb8;
	[tilespmem:$0x1E800] =	vst v63  }
0xf8: {  	_ =	swait.ge [sflag:s31], $0x2000  }
0xf9: {  	[sflag:s31] =	ssyncset.done $0x0  }
0xfa: {  	s6 =	simm.s32 $0x1580;
	[sflag:s31] =	ssyncadd.s32 $0xFFFFE000  }
0xfb: {  	[spmem:s20] =	stream.indirect.scatter.add.f32 [tilespmem:s26], [sflag:$0x5], $0x80, s6, s15, $0xb8;
	[tilespmem:$0x1E800] =	vst v63  }
0xfc: {  	_ =	swait.ge [sflag:s13], $0x2000  }
0xfd: {  	[sflag:s13] =	ssyncset.done $0x0  }
0xfe: {  	s4 =	simm.s32 $0x800;
	s5 =	simm.s32 $0x380;
	[sflag:s13] =	ssyncadd.s32 $0xFFFFE000  }
.LBB2_4:
0xff: {  	[tilespmem:s26], [sflag:$0x4] =	stream.indirect.gather [hbm4b:s23+s15], $0x80, s5, s15, $0xb8;
	[tilespmem:$0x1E800] =	vst v63  }
0x100: {  	s5 =	smov.u32 s4  }
0x101: {  	p0 =	sne.s32 s4, $0x4000;
	s4 =	sadd.s32 $0x800, s4;
	_ =	swait.ge [sflag:s28], $0x2000  }
0x102: {  	s5 =	sshra.s32 s5, $0x2;
	[sflag:s28] =	ssyncset.done $0x0  }
0x103: {  	s6 =	sadd.s32 $0x1400, s5;
	[sflag:s28] =	ssyncadd.s32 $0xFFFFE000  }
0x104: {  	[spmem:s20] =	stream.indirect.scatter.add.f32 [tilespmem:s12], [sflag:$0x5], $0x80, s6, s15, $0xb8;
	[tilespmem:$0x1E800] =	vst v63  }
0x105: {  	_ =	swait.ge [sflag:s13], $0x2000  }
0x106: {  	[sflag:s13] =	ssyncset.done $0x0  }
0x107: {  	s6 =	sadd.s32 $0x200, s5;
	[sflag:s13] =	ssyncadd.s32 $0xFFFFE000  }
0x108: {  	[tilespmem:s12], [sflag:$0x1] =	stream.indirect.gather [hbm4b:s23+s15], $0x80, s6, s15, $0xb8;
	[tilespmem:$0x1E800] =	vst v63  }
0x109: {  	_ =	swait.ge [sflag:s29], $0x2000  }
0x10a: {  	[sflag:s29] =	ssyncset.done $0x0  }
0x10b: {  	s6 =	sadd.s32 $0x1480, s5;
	[sflag:s29] =	ssyncadd.s32 $0xFFFFE000  }
0x10c: {  	[spmem:s20] =	stream.indirect.scatter.add.f32 [tilespmem:s17], [sflag:$0x5], $0x80, s6, s15, $0xb8;
	[tilespmem:$0x1E800] =	vst v63  }
0x10d: {  	_ =	swait.ge [sflag:s13], $0x2000  }
0x10e: {  	[sflag:s13] =	ssyncset.done $0x0  }
0x10f: {  	s6 =	sadd.s32 $0x280, s5;
	[sflag:s13] =	ssyncadd.s32 $0xFFFFE000  }
0x110: {  	[tilespmem:s17], [sflag:$0x2] =	stream.indirect.gather [hbm4b:s23+s15], $0x80, s6, s15, $0xb8;
	[tilespmem:$0x1E800] =	vst v63  }
0x111: {  	_ =	swait.ge [sflag:s30], $0x2000  }
0x112: {  	[sflag:s30] =	ssyncset.done $0x0  }
0x113: {  	s6 =	sadd.s32 $0x1500, s5;
	[sflag:s30] =	ssyncadd.s32 $0xFFFFE000  }
0x114: {  	[spmem:s20] =	stream.indirect.scatter.add.f32 [tilespmem:s22], [sflag:$0x5], $0x80, s6, s15, $0xb8;
	[tilespmem:$0x1E800] =	vst v63  }
0x115: {  	_ =	swait.ge [sflag:s13], $0x2000  }
0x116: {  	[sflag:s13] =	ssyncset.done $0x0  }
0x117: {  	s6 =	sadd.s32 $0x300, s5;
	[sflag:s13] =	ssyncadd.s32 $0xFFFFE000  }
0x118: {  	[tilespmem:s22], [sflag:$0x3] =	stream.indirect.gather [hbm4b:s23+s15], $0x80, s6, s15, $0xb8;
	[tilespmem:$0x1E800] =	vst v63  }
0x119: {  	_ =	swait.ge [sflag:s31], $0x2000  }
0x11a: {  	[sflag:s31] =	ssyncset.done $0x0  }
.Ltmp1:
0x11b: {  	s6 =	sadd.s32 $0x1580, s5;
	[sflag:s31] =	ssyncadd.s32 $0xFFFFE000;
	(pc) =	sbr.rel @p0 .LBB2_4-.Ltmp1, $4  }
0x11c: {  	[spmem:s20] =	stream.indirect.scatter.add.f32 [tilespmem:s26], [sflag:$0x5], $0x80, s6, s15, $0xb8;
	[tilespmem:$0x1E800] =	vst v63  }
0x11d: {  	_ =	swait.ge [sflag:s13], $0x2000  }
0x11e: {  	[sflag:s13] =	ssyncset.done $0x0  }
0x11f: {  	s5 =	sadd.s32 $0x380, s5;
	[sflag:s13] =	ssyncadd.s32 $0xFFFFE000  }
0x120: {  	[tilespmem:s26], [sflag:$0x4] =	stream.indirect.gather [hbm4b:s23+s15], $0x80, s5, s15, $0xb8;
	[tilespmem:$0x1E800] =	vst v63  }
0x121: {  	_ =	swait.ge [sflag:s28], $0x2000  }
0x122: {  	[sflag:s28] =	ssyncset.done $0x0  }
0x123: {  	[sflag:s28] =	ssyncadd.s32 $0xFFFFE000  }
0x124: {  	[spmem:s20] =	stream.indirect.scatter.add.f32 [tilespmem:s12], [sflag:$0x5], $0x80, s18, s15, $0xb8;
	[tilespmem:$0x1E800] =	vst v63  }
0x125: {  	_ =	swait.ge [sflag:s13], $0x2000  }
0x126: {  	[sflag:s13] =	ssyncset.done $0x0  }
0x127: {  	[sflag:s13] =	ssyncadd.s32 $0xFFFFE000  }
0x128: {  	_ =	swait.ge [sflag:s29], $0x2000  }
0x129: {  	[sflag:s29] =	ssyncset.done $0x0  }
0x12a: {  	[sflag:s29] =	ssyncadd.s32 $0xFFFFE000  }
0x12b: {  	[spmem:s20] =	stream.indirect.scatter.add.f32 [tilespmem:s17], [sflag:$0x5], $0x80, s0, s15, $0xb8;
	[tilespmem:$0x1E800] =	vst v63  }
0x12c: {  	_ =	swait.ge [sflag:s13], $0x2000  }
0x12d: {  	[sflag:s13] =	ssyncset.done $0x0  }
0x12e: {  	[sflag:s13] =	ssyncadd.s32 $0xFFFFE000  }
0x12f: {  	_ =	swait.ge [sflag:s30], $0x2000  }
0x130: {  	[sflag:s30] =	ssyncset.done $0x0  }
0x131: {  	[sflag:s30] =	ssyncadd.s32 $0xFFFFE000  }
0x132: {  	[spmem:s20] =	stream.indirect.scatter.add.f32 [tilespmem:s22], [sflag:$0x5], $0x80, s19, s15, $0xb8;
	[tilespmem:$0x1E800] =	vst v63  }
0x133: {  	_ =	swait.ge [sflag:s13], $0x2000  }
0x134: {  	[sflag:s13] =	ssyncset.done $0x0  }
0x135: {  	[sflag:s13] =	ssyncadd.s32 $0xFFFFE000  }
0x136: {  	_ =	swait.ge [sflag:s31], $0x2000  }
0x137: {  	[sflag:s31] =	ssyncset.done $0x0  }
0x138: {  	[sflag:s31] =	ssyncadd.s32 $0xFFFFE000  }
0x139: {  	[spmem:s20] =	stream.indirect.scatter.add.f32 [tilespmem:s26], [sflag:$0x5], $0x80, s2, s15, $0xb8;
	[tilespmem:$0x1E800] =	vst v63  }
0x13a: {  	_ =	swait.ge [sflag:s13], $0x2000  }
0x13b: {  	[sflag:s13] =	ssyncset.done $0x0  }
0x13c: {  	s4 =	simm.s32 $0x0;
	s6 =	rddreg [dreg:$0x8];
	[sflag:s13] =	ssyncadd.s32 $0xFFFFE000  }
0x13d: {  	[tilespmem:s4], [sflag:$0x5] =	stream.linear.gather [hbm4b:s6+s4], $0x1400, $0x38;
	[tilespmem:$0x1E800] =	vst v63  }
0x13e: {  	_ =	swait.ge [sflag:s13], $0x1400  }
0x13f: {  	[sflag:s13] =	ssyncset.done $0x0  }
0x140: {  	s6 =	rddreg [dreg:$0x9];
	[sflag:s13] =	ssyncadd.s32 $0xFFFFEC00  }
0x141: {  	[tilespmem:s14], [sflag:$0x5] =	stream.linear.gather [hbm4b:s6+s4], $0x1400, $0x38;
	[tilespmem:$0x1E800] =	vst v63  }
0x142: {  	_ =	swait.ge [sflag:s13], $0x1400  }
0x143: {  	[sflag:s13] =	ssyncset.done $0x0  }
0x144: {  	[sflag:s13] =	ssyncadd.s32 $0xFFFFEC00  }
0x145: {  	[tilespmem:s12], [sflag:$0x1] =	stream.indirect.gather [hbm4b:s23+s15], $0x80, s4, s15, $0xb8;
	[tilespmem:$0x1E800] =	vst v63  }
0x146: {  	_ = 	snop  }
0x147: {  	[tilespmem:s17], [sflag:$0x2] =	stream.indirect.gather [hbm4b:s23+s15], $0x80, s16, s15, $0xb8;
	[tilespmem:$0x1E800] =	vst v63  }
0x148: {  	_ = 	snop  }
0x149: {  	[tilespmem:s22], [sflag:$0x3] =	stream.indirect.gather [hbm4b:s23+s15], $0x80, s21, s15, $0xb8;
	[tilespmem:$0x1E800] =	vst v63  }
0x14a: {  	_ = 	snop  }
0x14b: {  	[tilespmem:s26], [sflag:$0x4] =	stream.indirect.gather [hbm4b:s23+s15], $0x80, s25, s15, $0xb8;
	[tilespmem:$0x1E800] =	vst v63  }
0x14c: {  	_ =	swait.ge [sflag:s28], $0x2000  }
0x14d: {  	[sflag:s28] =	ssyncset.done $0x0  }
0x14e: {  	s6 =	simm.s32 $0x1400;
	[sflag:s28] =	ssyncadd.s32 $0xFFFFE000  }
0x14f: {  	[spmem:s20] =	stream.indirect.scatter.add.f32 [tilespmem:s12], [sflag:$0x5], $0x80, s6, s15, $0xb8;
	[tilespmem:$0x1E800] =	vst v63  }
0x150: {  	_ =	swait.ge [sflag:s13], $0x2000  }
0x151: {  	[sflag:s13] =	ssyncset.done $0x0  }
0x152: {  	s5 =	simm.s32 $0x200;
	[sflag:s13] =	ssyncadd.s32 $0xFFFFE000  }
0x153: {  	[tilespmem:s12], [sflag:$0x1] =	stream.indirect.gather [hbm4b:s23+s15], $0x80, s5, s15, $0xb8;
	[tilespmem:$0x1E800] =	vst v63  }
0x154: {  	_ =	swait.ge [sflag:s29], $0x2000  }
0x155: {  	[sflag:s29] =	ssyncset.done $0x0  }
0x156: {  	s6 =	simm.s32 $0x1480;
	[sflag:s29] =	ssyncadd.s32 $0xFFFFE000  }
0x157: {  	[spmem:s20] =	stream.indirect.scatter.add.f32 [tilespmem:s17], [sflag:$0x5], $0x80, s6, s15, $0xb8;
	[tilespmem:$0x1E800] =	vst v63  }
0x158: {  	_ =	swait.ge [sflag:s13], $0x2000  }
0x159: {  	[sflag:s13] =	ssyncset.done $0x0  }
0x15a: {  	s5 =	simm.s32 $0x280;
	[sflag:s13] =	ssyncadd.s32 $0xFFFFE000  }
0x15b: {  	[tilespmem:s17], [sflag:$0x2] =	stream.indirect.gather [hbm4b:s23+s15], $0x80, s5, s15, $0xb8;
	[tilespmem:$0x1E800] =	vst v63  }
0x15c: {  	_ =	swait.ge [sflag:s30], $0x2000  }
0x15d: {  	[sflag:s30] =	ssyncset.done $0x0  }
0x15e: {  	s6 =	simm.s32 $0x1500;
	[sflag:s30] =	ssyncadd.s32 $0xFFFFE000  }
0x15f: {  	[spmem:s20] =	stream.indirect.scatter.add.f32 [tilespmem:s22], [sflag:$0x5], $0x80, s6, s15, $0xb8;
	[tilespmem:$0x1E800] =	vst v63  }
0x160: {  	_ =	swait.ge [sflag:s13], $0x2000  }
0x161: {  	[sflag:s13] =	ssyncset.done $0x0  }
0x162: {  	s5 =	simm.s32 $0x300;
	[sflag:s13] =	ssyncadd.s32 $0xFFFFE000  }
0x163: {  	[tilespmem:s22], [sflag:$0x3] =	stream.indirect.gather [hbm4b:s23+s15], $0x80, s5, s15, $0xb8;
	[tilespmem:$0x1E800] =	vst v63  }
0x164: {  	_ =	swait.ge [sflag:s31], $0x2000  }
0x165: {  	[sflag:s31] =	ssyncset.done $0x0  }
0x166: {  	s6 =	simm.s32 $0x1580;
	[sflag:s31] =	ssyncadd.s32 $0xFFFFE000  }
0x167: {  	[spmem:s20] =	stream.indirect.scatter.add.f32 [tilespmem:s26], [sflag:$0x5], $0x80, s6, s15, $0xb8;
	[tilespmem:$0x1E800] =	vst v63  }
0x168: {  	_ =	swait.ge [sflag:s13], $0x2000  }
0x169: {  	[sflag:s13] =	ssyncset.done $0x0  }
0x16a: {  	s4 =	simm.s32 $0x800;
	s5 =	simm.s32 $0x380;
	[sflag:s13] =	ssyncadd.s32 $0xFFFFE000  }
.LBB2_6:
0x16b: {  	[tilespmem:s26], [sflag:$0x4] =	stream.indirect.gather [hbm4b:s23+s15], $0x80, s5, s15, $0xb8;
	[tilespmem:$0x1E800] =	vst v63  }
0x16c: {  	s5 =	smov.u32 s4  }
0x16d: {  	p0 =	sne.s32 s4, $0x4000;
	s4 =	sadd.s32 $0x800, s4;
	_ =	swait.ge [sflag:s28], $0x2000  }
0x16e: {  	s5 =	sshra.s32 s5, $0x2;
	[sflag:s28] =	ssyncset.done $0x0  }
0x16f: {  	s6 =	sadd.s32 $0x1400, s5;
	[sflag:s28] =	ssyncadd.s32 $0xFFFFE000  }
0x170: {  	[spmem:s20] =	stream.indirect.scatter.add.f32 [tilespmem:s12], [sflag:$0x5], $0x80, s6, s15, $0xb8;
	[tilespmem:$0x1E800] =	vst v63  }
0x171: {  	_ =	swait.ge [sflag:s13], $0x2000  }
0x172: {  	[sflag:s13] =	ssyncset.done $0x0  }
0x173: {  	s6 =	sadd.s32 $0x200, s5;
	[sflag:s13] =	ssyncadd.s32 $0xFFFFE000  }
0x174: {  	[tilespmem:s12], [sflag:$0x1] =	stream.indirect.gather [hbm4b:s23+s15], $0x80, s6, s15, $0xb8;
	[tilespmem:$0x1E800] =	vst v63  }
0x175: {  	_ =	swait.ge [sflag:s29], $0x2000  }
0x176: {  	[sflag:s29] =	ssyncset.done $0x0  }
0x177: {  	s6 =	sadd.s32 $0x1480, s5;
	[sflag:s29] =	ssyncadd.s32 $0xFFFFE000  }
0x178: {  	[spmem:s20] =	stream.indirect.scatter.add.f32 [tilespmem:s17], [sflag:$0x5], $0x80, s6, s15, $0xb8;
	[tilespmem:$0x1E800] =	vst v63  }
0x179: {  	_ =	swait.ge [sflag:s13], $0x2000  }
0x17a: {  	[sflag:s13] =	ssyncset.done $0x0  }
0x17b: {  	s6 =	sadd.s32 $0x280, s5;
	[sflag:s13] =	ssyncadd.s32 $0xFFFFE000  }
0x17c: {  	[tilespmem:s17], [sflag:$0x2] =	stream.indirect.gather [hbm4b:s23+s15], $0x80, s6, s15, $0xb8;
	[tilespmem:$0x1E800] =	vst v63  }
0x17d: {  	_ =	swait.ge [sflag:s30], $0x2000  }
0x17e: {  	[sflag:s30] =	ssyncset.done $0x0  }
0x17f: {  	s6 =	sadd.s32 $0x1500, s5;
	[sflag:s30] =	ssyncadd.s32 $0xFFFFE000  }
0x180: {  	[spmem:s20] =	stream.indirect.scatter.add.f32 [tilespmem:s22], [sflag:$0x5], $0x80, s6, s15, $0xb8;
	[tilespmem:$0x1E800] =	vst v63  }
0x181: {  	_ =	swait.ge [sflag:s13], $0x2000  }
0x182: {  	[sflag:s13] =	ssyncset.done $0x0  }
0x183: {  	s6 =	sadd.s32 $0x300, s5;
	[sflag:s13] =	ssyncadd.s32 $0xFFFFE000  }
0x184: {  	[tilespmem:s22], [sflag:$0x3] =	stream.indirect.gather [hbm4b:s23+s15], $0x80, s6, s15, $0xb8;
	[tilespmem:$0x1E800] =	vst v63  }
0x185: {  	_ =	swait.ge [sflag:s31], $0x2000  }
0x186: {  	[sflag:s31] =	ssyncset.done $0x0  }
.Ltmp2:
0x187: {  	s6 =	sadd.s32 $0x1580, s5;
	[sflag:s31] =	ssyncadd.s32 $0xFFFFE000;
	(pc) =	sbr.rel @p0 .LBB2_6-.Ltmp2, $4  }
0x188: {  	[spmem:s20] =	stream.indirect.scatter.add.f32 [tilespmem:s26], [sflag:$0x5], $0x80, s6, s15, $0xb8;
	[tilespmem:$0x1E800] =	vst v63  }
0x189: {  	_ =	swait.ge [sflag:s13], $0x2000  }
0x18a: {  	[sflag:s13] =	ssyncset.done $0x0  }
0x18b: {  	s5 =	sadd.s32 $0x380, s5;
	[sflag:s13] =	ssyncadd.s32 $0xFFFFE000  }
0x18c: {  	[tilespmem:s26], [sflag:$0x4] =	stream.indirect.gather [hbm4b:s23+s15], $0x80, s5, s15, $0xb8;
	[tilespmem:$0x1E800] =	vst v63  }
0x18d: {  	_ =	swait.ge [sflag:s28], $0x2000  }
0x18e: {  	[sflag:s28] =	ssyncset.done $0x0  }
0x18f: {  	[sflag:s28] =	ssyncadd.s32 $0xFFFFE000  }
0x190: {  	[spmem:s20] =	stream.indirect.scatter.add.f32 [tilespmem:s12], [sflag:$0x5], $0x80, s18, s15, $0xb8;
	[tilespmem:$0x1E800] =	vst v63  }
0x191: {  	_ =	swait.ge [sflag:s13], $0x2000  }
0x192: {  	[sflag:s13] =	ssyncset.done $0x0  }
0x193: {  	[sflag:s13] =	ssyncadd.s32 $0xFFFFE000  }
0x194: {  	_ =	swait.ge [sflag:s29], $0x2000  }
0x195: {  	[sflag:s29] =	ssyncset.done $0x0  }
0x196: {  	[sflag:s29] =	ssyncadd.s32 $0xFFFFE000  }
0x197: {  	[spmem:s20] =	stream.indirect.scatter.add.f32 [tilespmem:s17], [sflag:$0x5], $0x80, s0, s15, $0xb8;
	[tilespmem:$0x1E800] =	vst v63  }
0x198: {  	_ =	swait.ge [sflag:s13], $0x2000  }
0x199: {  	[sflag:s13] =	ssyncset.done $0x0  }
0x19a: {  	[sflag:s13] =	ssyncadd.s32 $0xFFFFE000  }
0x19b: {  	_ =	swait.ge [sflag:s30], $0x2000  }
0x19c: {  	[sflag:s30] =	ssyncset.done $0x0  }
0x19d: {  	[sflag:s30] =	ssyncadd.s32 $0xFFFFE000  }
0x19e: {  	[spmem:s20] =	stream.indirect.scatter.add.f32 [tilespmem:s22], [sflag:$0x5], $0x80, s19, s15, $0xb8;
	[tilespmem:$0x1E800] =	vst v63  }
0x19f: {  	_ =	swait.ge [sflag:s13], $0x2000  }
0x1a0: {  	[sflag:s13] =	ssyncset.done $0x0  }
0x1a1: {  	[sflag:s13] =	ssyncadd.s32 $0xFFFFE000  }
0x1a2: {  	_ =	swait.ge [sflag:s31], $0x2000  }
0x1a3: {  	[sflag:s31] =	ssyncset.done $0x0  }
0x1a4: {  	[sflag:s31] =	ssyncadd.s32 $0xFFFFE000  }
0x1a5: {  	[spmem:s20] =	stream.indirect.scatter.add.f32 [tilespmem:s26], [sflag:$0x5], $0x80, s2, s15, $0xb8;
	[tilespmem:$0x1E800] =	vst v63  }
0x1a6: {  	_ =	swait.ge [sflag:s13], $0x2000  }
0x1a7: {  	[sflag:s13] =	ssyncset.done $0x0  }
0x1a8: {  	s4 =	simm.s32 $0x0;
	s6 =	rddreg [dreg:$0xa];
	[sflag:s13] =	ssyncadd.s32 $0xFFFFE000  }
0x1a9: {  	[tilespmem:s4], [sflag:$0x5] =	stream.linear.gather [hbm4b:s6+s4], $0x1400, $0x38;
	[tilespmem:$0x1E800] =	vst v63  }
0x1aa: {  	_ =	swait.ge [sflag:s13], $0x1400  }
0x1ab: {  	[sflag:s13] =	ssyncset.done $0x0  }
0x1ac: {  	s6 =	rddreg [dreg:$0xb];
	[sflag:s13] =	ssyncadd.s32 $0xFFFFEC00  }
0x1ad: {  	[tilespmem:s14], [sflag:$0x5] =	stream.linear.gather [hbm4b:s6+s4], $0x1400, $0x38;
	[tilespmem:$0x1E800] =	vst v63  }
0x1ae: {  	_ =	swait.ge [sflag:s13], $0x1400  }
0x1af: {  	[sflag:s13] =	ssyncset.done $0x0  }
0x1b0: {  	[sflag:s13] =	ssyncadd.s32 $0xFFFFEC00  }
0x1b1: {  	[tilespmem:s12], [sflag:$0x1] =	stream.indirect.gather [hbm4b:s23+s15], $0x80, s4, s15, $0xb8;
	[tilespmem:$0x1E800] =	vst v63  }
0x1b2: {  	_ = 	snop  }
0x1b3: {  	[tilespmem:s17], [sflag:$0x2] =	stream.indirect.gather [hbm4b:s23+s15], $0x80, s16, s15, $0xb8;
	[tilespmem:$0x1E800] =	vst v63  }
0x1b4: {  	_ = 	snop  }
0x1b5: {  	[tilespmem:s22], [sflag:$0x3] =	stream.indirect.gather [hbm4b:s23+s15], $0x80, s21, s15, $0xb8;
	[tilespmem:$0x1E800] =	vst v63  }
0x1b6: {  	_ = 	snop  }
0x1b7: {  	[tilespmem:s26], [sflag:$0x4] =	stream.indirect.gather [hbm4b:s23+s15], $0x80, s25, s15, $0xb8;
	[tilespmem:$0x1E800] =	vst v63  }
0x1b8: {  	_ =	swait.ge [sflag:s28], $0x2000  }
0x1b9: {  	[sflag:s28] =	ssyncset.done $0x0  }
0x1ba: {  	s6 =	simm.s32 $0x1400;
	[sflag:s28] =	ssyncadd.s32 $0xFFFFE000  }
0x1bb: {  	[spmem:s20] =	stream.indirect.scatter.add.f32 [tilespmem:s12], [sflag:$0x5], $0x80, s6, s15, $0xb8;
	[tilespmem:$0x1E800] =	vst v63  }
0x1bc: {  	_ =	swait.ge [sflag:s13], $0x2000  }
0x1bd: {  	[sflag:s13] =	ssyncset.done $0x0  }
0x1be: {  	s5 =	simm.s32 $0x200;
	[sflag:s13] =	ssyncadd.s32 $0xFFFFE000  }
0x1bf: {  	[tilespmem:s12], [sflag:$0x1] =	stream.indirect.gather [hbm4b:s23+s15], $0x80, s5, s15, $0xb8;
	[tilespmem:$0x1E800] =	vst v63  }
0x1c0: {  	_ =	swait.ge [sflag:s29], $0x2000  }
0x1c1: {  	[sflag:s29] =	ssyncset.done $0x0  }
0x1c2: {  	s6 =	simm.s32 $0x1480;
	[sflag:s29] =	ssyncadd.s32 $0xFFFFE000  }
0x1c3: {  	[spmem:s20] =	stream.indirect.scatter.add.f32 [tilespmem:s17], [sflag:$0x5], $0x80, s6, s15, $0xb8;
	[tilespmem:$0x1E800] =	vst v63  }
0x1c4: {  	_ =	swait.ge [sflag:s13], $0x2000  }
0x1c5: {  	[sflag:s13] =	ssyncset.done $0x0  }
0x1c6: {  	s5 =	simm.s32 $0x280;
	[sflag:s13] =	ssyncadd.s32 $0xFFFFE000  }
0x1c7: {  	[tilespmem:s17], [sflag:$0x2] =	stream.indirect.gather [hbm4b:s23+s15], $0x80, s5, s15, $0xb8;
	[tilespmem:$0x1E800] =	vst v63  }
0x1c8: {  	_ =	swait.ge [sflag:s30], $0x2000  }
0x1c9: {  	[sflag:s30] =	ssyncset.done $0x0  }
0x1ca: {  	s6 =	simm.s32 $0x1500;
	[sflag:s30] =	ssyncadd.s32 $0xFFFFE000  }
0x1cb: {  	[spmem:s20] =	stream.indirect.scatter.add.f32 [tilespmem:s22], [sflag:$0x5], $0x80, s6, s15, $0xb8;
	[tilespmem:$0x1E800] =	vst v63  }
0x1cc: {  	_ =	swait.ge [sflag:s13], $0x2000  }
0x1cd: {  	[sflag:s13] =	ssyncset.done $0x0  }
0x1ce: {  	s5 =	simm.s32 $0x300;
	[sflag:s13] =	ssyncadd.s32 $0xFFFFE000  }
0x1cf: {  	[tilespmem:s22], [sflag:$0x3] =	stream.indirect.gather [hbm4b:s23+s15], $0x80, s5, s15, $0xb8;
	[tilespmem:$0x1E800] =	vst v63  }
0x1d0: {  	_ =	swait.ge [sflag:s31], $0x2000  }
0x1d1: {  	[sflag:s31] =	ssyncset.done $0x0  }
0x1d2: {  	s6 =	simm.s32 $0x1580;
	[sflag:s31] =	ssyncadd.s32 $0xFFFFE000  }
0x1d3: {  	[spmem:s20] =	stream.indirect.scatter.add.f32 [tilespmem:s26], [sflag:$0x5], $0x80, s6, s15, $0xb8;
	[tilespmem:$0x1E800] =	vst v63  }
0x1d4: {  	_ =	swait.ge [sflag:s13], $0x2000  }
0x1d5: {  	[sflag:s13] =	ssyncset.done $0x0  }
0x1d6: {  	s4 =	simm.s32 $0x800;
	s5 =	simm.s32 $0x380;
	[sflag:s13] =	ssyncadd.s32 $0xFFFFE000  }
.LBB2_8:
0x1d7: {  	[tilespmem:s26], [sflag:$0x4] =	stream.indirect.gather [hbm4b:s23+s15], $0x80, s5, s15, $0xb8;
	[tilespmem:$0x1E800] =	vst v63  }
0x1d8: {  	s5 =	smov.u32 s4  }
0x1d9: {  	p0 =	sne.s32 s4, $0x4000;
	s4 =	sadd.s32 $0x800, s4;
	_ =	swait.ge [sflag:s28], $0x2000  }
0x1da: {  	s5 =	sshra.s32 s5, $0x2;
	[sflag:s28] =	ssyncset.done $0x0  }
0x1db: {  	s6 =	sadd.s32 $0x1400, s5;
	[sflag:s28] =	ssyncadd.s32 $0xFFFFE000  }
0x1dc: {  	[spmem:s20] =	stream.indirect.scatter.add.f32 [tilespmem:s12], [sflag:$0x5], $0x80, s6, s15, $0xb8;
	[tilespmem:$0x1E800] =	vst v63  }
0x1dd: {  	_ =	swait.ge [sflag:s13], $0x2000  }
0x1de: {  	[sflag:s13] =	ssyncset.done $0x0  }
0x1df: {  	s6 =	sadd.s32 $0x200, s5;
	[sflag:s13] =	ssyncadd.s32 $0xFFFFE000  }
0x1e0: {  	[tilespmem:s12], [sflag:$0x1] =	stream.indirect.gather [hbm4b:s23+s15], $0x80, s6, s15, $0xb8;
	[tilespmem:$0x1E800] =	vst v63  }
0x1e1: {  	_ =	swait.ge [sflag:s29], $0x2000  }
0x1e2: {  	[sflag:s29] =	ssyncset.done $0x0  }
0x1e3: {  	s6 =	sadd.s32 $0x1480, s5;
	[sflag:s29] =	ssyncadd.s32 $0xFFFFE000  }
0x1e4: {  	[spmem:s20] =	stream.indirect.scatter.add.f32 [tilespmem:s17], [sflag:$0x5], $0x80, s6, s15, $0xb8;
	[tilespmem:$0x1E800] =	vst v63  }
0x1e5: {  	_ =	swait.ge [sflag:s13], $0x2000  }
0x1e6: {  	[sflag:s13] =	ssyncset.done $0x0  }
0x1e7: {  	s6 =	sadd.s32 $0x280, s5;
	[sflag:s13] =	ssyncadd.s32 $0xFFFFE000  }
0x1e8: {  	[tilespmem:s17], [sflag:$0x2] =	stream.indirect.gather [hbm4b:s23+s15], $0x80, s6, s15, $0xb8;
	[tilespmem:$0x1E800] =	vst v63  }
0x1e9: {  	_ =	swait.ge [sflag:s30], $0x2000  }
0x1ea: {  	[sflag:s30] =	ssyncset.done $0x0  }
0x1eb: {  	s6 =	sadd.s32 $0x1500, s5;
	[sflag:s30] =	ssyncadd.s32 $0xFFFFE000  }
0x1ec: {  	[spmem:s20] =	stream.indirect.scatter.add.f32 [tilespmem:s22], [sflag:$0x5], $0x80, s6, s15, $0xb8;
	[tilespmem:$0x1E800] =	vst v63  }
0x1ed: {  	_ =	swait.ge [sflag:s13], $0x2000  }
0x1ee: {  	[sflag:s13] =	ssyncset.done $0x0  }
0x1ef: {  	s6 =	sadd.s32 $0x300, s5;
	[sflag:s13] =	ssyncadd.s32 $0xFFFFE000  }
0x1f0: {  	[tilespmem:s22], [sflag:$0x3] =	stream.indirect.gather [hbm4b:s23+s15], $0x80, s6, s15, $0xb8;
	[tilespmem:$0x1E800] =	vst v63  }
0x1f1: {  	_ =	swait.ge [sflag:s31], $0x2000  }
0x1f2: {  	[sflag:s31] =	ssyncset.done $0x0  }
.Ltmp3:
0x1f3: {  	s6 =	sadd.s32 $0x1580, s5;
	[sflag:s31] =	ssyncadd.s32 $0xFFFFE000;
	(pc) =	sbr.rel @p0 .LBB2_8-.Ltmp3, $4  }
0x1f4: {  	[spmem:s20] =	stream.indirect.scatter.add.f32 [tilespmem:s26], [sflag:$0x5], $0x80, s6, s15, $0xb8;
	[tilespmem:$0x1E800] =	vst v63  }
0x1f5: {  	_ =	swait.ge [sflag:s13], $0x2000  }
0x1f6: {  	[sflag:s13] =	ssyncset.done $0x0  }
0x1f7: {  	s5 =	sadd.s32 $0x380, s5;
	[sflag:s13] =	ssyncadd.s32 $0xFFFFE000  }
0x1f8: {  	[tilespmem:s26], [sflag:$0x4] =	stream.indirect.gather [hbm4b:s23+s15], $0x80, s5, s15, $0xb8;
	[tilespmem:$0x1E800] =	vst v63  }
0x1f9: {  	_ =	swait.ge [sflag:s28], $0x2000  }
0x1fa: {  	[sflag:s28] =	ssyncset.done $0x0  }
0x1fb: {  	[sflag:s28] =	ssyncadd.s32 $0xFFFFE000  }
0x1fc: {  	[spmem:s20] =	stream.indirect.scatter.add.f32 [tilespmem:s12], [sflag:$0x5], $0x80, s18, s15, $0xb8;
	[tilespmem:$0x1E800] =	vst v63  }
0x1fd: {  	_ =	swait.ge [sflag:s13], $0x2000  }
0x1fe: {  	[sflag:s13] =	ssyncset.done $0x0  }
0x1ff: {  	[sflag:s13] =	ssyncadd.s32 $0xFFFFE000  }
0x200: {  	_ =	swait.ge [sflag:s29], $0x2000  }
0x201: {  	[sflag:s29] =	ssyncset.done $0x0  }
0x202: {  	[sflag:s29] =	ssyncadd.s32 $0xFFFFE000  }
0x203: {  	[spmem:s20] =	stream.indirect.scatter.add.f32 [tilespmem:s17], [sflag:$0x5], $0x80, s0, s15, $0xb8;
	[tilespmem:$0x1E800] =	vst v63  }
0x204: {  	_ =	swait.ge [sflag:s13], $0x2000  }
0x205: {  	[sflag:s13] =	ssyncset.done $0x0  }
0x206: {  	[sflag:s13] =	ssyncadd.s32 $0xFFFFE000  }
0x207: {  	_ =	swait.ge [sflag:s30], $0x2000  }
0x208: {  	[sflag:s30] =	ssyncset.done $0x0  }
0x209: {  	[sflag:s30] =	ssyncadd.s32 $0xFFFFE000  }
0x20a: {  	[spmem:s20] =	stream.indirect.scatter.add.f32 [tilespmem:s22], [sflag:$0x5], $0x80, s19, s15, $0xb8;
	[tilespmem:$0x1E800] =	vst v63  }
0x20b: {  	_ =	swait.ge [sflag:s13], $0x2000  }
0x20c: {  	[sflag:s13] =	ssyncset.done $0x0  }
0x20d: {  	[sflag:s13] =	ssyncadd.s32 $0xFFFFE000  }
0x20e: {  	_ =	swait.ge [sflag:s31], $0x2000  }
0x20f: {  	[sflag:s31] =	ssyncset.done $0x0  }
0x210: {  	[sflag:s31] =	ssyncadd.s32 $0xFFFFE000  }
0x211: {  	[spmem:s20] =	stream.indirect.scatter.add.f32 [tilespmem:s26], [sflag:$0x5], $0x80, s2, s15, $0xb8;
	[tilespmem:$0x1E800] =	vst v63  }
0x212: {  	_ =	swait.ge [sflag:s13], $0x2000  }
0x213: {  	[sflag:s13] =	ssyncset.done $0x0  }
0x214: {  	[sflag:s13] =	ssyncadd.s32 $0xFFFFE000  }
0x215: {  	[bflag:$0x0] =	sbarrier.arrive $0xFFFF  }
0x216: {  	[tilespmem:s17], [sflag:$0x5] =	stream.linear.gather [spmem:s24], $0x2000, $0x38;
	[tilespmem:$0x1E800] =	vst v63  }
0x217: {  	_ =	swait.ge [sflag:s13], $0x2000  }
0x218: {  	[sflag:s13] =	ssyncset.done $0x0  }
0x219: {  	s4 =	rddreg [dreg:$0xc];
	[sflag:s13] =	ssyncadd.s32 $0xFFFFE000  }
0x21a: {  	[hbm4b:s4+s1] =	stream.linear.scatter [tilespmem:s17], [sflag:$0x5], $0x2000, $0x38;
	[tilespmem:$0x1E800] =	vst v63  }
0x21b: {  	_ =	swait.ge [sflag:s13], $0x2000  }
0x21c: {  	[sflag:s13] =	ssyncset.done $0x0  }
0x21d: {  	s6 =	rddreg [dreg:$0x17];
	[sflag:s13] =	ssyncadd.s32 $0xFFFFE000  }
0x21e: {  	[tilespmem:s17], [sflag:$0x5] =	stream.linear.gather [spmem:s6], $0x2000, $0x38;
	[tilespmem:$0x1E800] =	vst v63  }
0x21f: {  	_ =	swait.ge [sflag:s13], $0x2000  }
0x220: {  	[sflag:s13] =	ssyncset.done $0x0  }
0x221: {  	s5 =	rddreg [dreg:$0xd];
	[sflag:s13] =	ssyncadd.s32 $0xFFFFE000  }
0x222: {  	[hbm4b:s5+s1] =	stream.linear.scatter [tilespmem:s17], [sflag:$0x5], $0x2000, $0x38;
	[tilespmem:$0x1E800] =	vst v63  }
0x223: {  	_ =	swait.ge [sflag:s13], $0x2000  }
0x224: {  	[sflag:s13] =	ssyncset.done $0x0  }
0x225: {  	s6 =	rddreg [dreg:$0x18];
	[sflag:s13] =	ssyncadd.s32 $0xFFFFE000  }
0x226: {  	[tilespmem:s17], [sflag:$0x5] =	stream.linear.gather [spmem:s6], $0x2000, $0x38;
	[tilespmem:$0x1E800] =	vst v63  }
0x227: {  	_ =	swait.ge [sflag:s13], $0x2000  }
0x228: {  	[sflag:s13] =	ssyncset.done $0x0  }
0x229: {  	s5 =	rddreg [dreg:$0xe];
	[sflag:s13] =	ssyncadd.s32 $0xFFFFE000  }
0x22a: {  	[hbm4b:s5+s1] =	stream.linear.scatter [tilespmem:s17], [sflag:$0x5], $0x2000, $0x38;
	[tilespmem:$0x1E800] =	vst v63  }
0x22b: {  	_ =	swait.ge [sflag:s13], $0x2000  }
0x22c: {  	[sflag:s13] =	ssyncset.done $0x0  }
0x22d: {  	s6 =	rddreg [dreg:$0x19];
	[sflag:s13] =	ssyncadd.s32 $0xFFFFE000  }
0x22e: {  	[tilespmem:s17], [sflag:$0x5] =	stream.linear.gather [spmem:s6], $0x2000, $0x38;
	[tilespmem:$0x1E800] =	vst v63  }
0x22f: {  	_ =	swait.ge [sflag:s13], $0x2000  }
0x230: {  	[sflag:s13] =	ssyncset.done $0x0  }
0x231: {  	s5 =	rddreg [dreg:$0xf];
	[sflag:s13] =	ssyncadd.s32 $0xFFFFE000  }
0x232: {  	[hbm4b:s5+s1] =	stream.linear.scatter [tilespmem:s17], [sflag:$0x5], $0x2000, $0x38;
	[tilespmem:$0x1E800] =	vst v63  }
0x233: {  	_ =	swait.ge [sflag:s13], $0x2000  }
0x234: {  	[sflag:s13] =	ssyncset.done $0x0  }
0x235: {  	s6 =	rddreg [dreg:$0x1a];
	[sflag:s13] =	ssyncadd.s32 $0xFFFFE000  }
0x236: {  	[tilespmem:s17], [sflag:$0x5] =	stream.linear.gather [spmem:s6], $0x2000, $0x38;
	[tilespmem:$0x1E800] =	vst v63  }
0x237: {  	_ =	swait.ge [sflag:s13], $0x2000  }
0x238: {  	[sflag:s13] =	ssyncset.done $0x0  }
0x239: {  	s5 =	rddreg [dreg:$0x10];
	[sflag:s13] =	ssyncadd.s32 $0xFFFFE000  }
0x23a: {  	[hbm4b:s5+s1] =	stream.linear.scatter [tilespmem:s17], [sflag:$0x5], $0x2000, $0x38;
	[tilespmem:$0x1E800] =	vst v63  }
0x23b: {  	_ =	swait.ge [sflag:s13], $0x2000  }
0x23c: {  	[sflag:s13] =	ssyncset.done $0x0  }
0x23d: {  	s6 =	rddreg [dreg:$0x1b];
	[sflag:s13] =	ssyncadd.s32 $0xFFFFE000  }
0x23e: {  	[tilespmem:s17], [sflag:$0x5] =	stream.linear.gather [spmem:s6], $0x2000, $0x38;
	[tilespmem:$0x1E800] =	vst v63  }
0x23f: {  	_ =	swait.ge [sflag:s13], $0x2000  }
0x240: {  	[sflag:s13] =	ssyncset.done $0x0  }
0x241: {  	s5 =	rddreg [dreg:$0x11];
	[sflag:s13] =	ssyncadd.s32 $0xFFFFE000  }
0x242: {  	[hbm4b:s5+s1] =	stream.linear.scatter [tilespmem:s17], [sflag:$0x5], $0x2000, $0x38;
	[tilespmem:$0x1E800] =	vst v63  }
0x243: {  	_ =	swait.ge [sflag:s13], $0x2000  }
0x244: {  	[sflag:s13] =	ssyncset.done $0x0  }
0x245: {  	s6 =	rddreg [dreg:$0x1c];
	[sflag:s13] =	ssyncadd.s32 $0xFFFFE000  }
0x246: {  	[tilespmem:s17], [sflag:$0x5] =	stream.linear.gather [spmem:s6], $0x2000, $0x38;
	[tilespmem:$0x1E800] =	vst v63  }
0x247: {  	_ =	swait.ge [sflag:s13], $0x2000  }
0x248: {  	[sflag:s13] =	ssyncset.done $0x0  }
0x249: {  	s5 =	rddreg [dreg:$0x12];
	[sflag:s13] =	ssyncadd.s32 $0xFFFFE000  }
0x24a: {  	[hbm4b:s5+s1] =	stream.linear.scatter [tilespmem:s17], [sflag:$0x5], $0x2000, $0x38;
	[tilespmem:$0x1E800] =	vst v63  }
0x24b: {  	_ =	swait.ge [sflag:s13], $0x2000  }
0x24c: {  	[sflag:s13] =	ssyncset.done $0x0  }
0x24d: {  	s6 =	rddreg [dreg:$0x1d];
	[sflag:s13] =	ssyncadd.s32 $0xFFFFE000  }
0x24e: {  	[tilespmem:s17], [sflag:$0x5] =	stream.linear.gather [spmem:s6], $0x2000, $0x38;
	[tilespmem:$0x1E800] =	vst v63  }
0x24f: {  	_ =	swait.ge [sflag:s13], $0x2000  }
0x250: {  	[sflag:s13] =	ssyncset.done $0x0  }
0x251: {  	s5 =	rddreg [dreg:$0x13];
	[sflag:s13] =	ssyncadd.s32 $0xFFFFE000  }
0x252: {  	[hbm4b:s5+s1] =	stream.linear.scatter [tilespmem:s17], [sflag:$0x5], $0x2000, $0x38;
	[tilespmem:$0x1E800] =	vst v63  }
0x253: {  	_ =	swait.ge [sflag:s13], $0x2000  }
0x254: {  	[sflag:s13] =	ssyncset.done $0x0  }
0x255: {  	s6 =	rddreg [dreg:$0x1e];
	[sflag:s13] =	ssyncadd.s32 $0xFFFFE000  }
0x256: {  	[tilespmem:s17], [sflag:$0x5] =	stream.linear.gather [spmem:s6], $0x2000, $0x38;
	[tilespmem:$0x1E800] =	vst v63  }
0x257: {  	_ =	swait.ge [sflag:s13], $0x2000  }
0x258: {  	[sflag:s13] =	ssyncset.done $0x0  }
0x259: {  	s5 =	rddreg [dreg:$0x14];
	[sflag:s13] =	ssyncadd.s32 $0xFFFFE000  }
0x25a: {  	[hbm4b:s5+s1] =	stream.linear.scatter [tilespmem:s17], [sflag:$0x5], $0x2000, $0x38;
	[tilespmem:$0x1E800] =	vst v63  }
0x25b: {  	_ =	swait.ge [sflag:s13], $0x2000  }
0x25c: {  	[sflag:s13] =	ssyncset.done $0x0  }
0x25d: {  	s6 =	rddreg [dreg:$0x1f];
	[sflag:s13] =	ssyncadd.s32 $0xFFFFE000  }
0x25e: {  	[tilespmem:s17], [sflag:$0x5] =	stream.linear.gather [spmem:s6], $0x2000, $0x38;
	[tilespmem:$0x1E800] =	vst v63  }
0x25f: {  	_ =	swait.ge [sflag:s13], $0x2000  }
0x260: {  	[sflag:s13] =	ssyncset.done $0x0  }
0x261: {  	s5 =	rddreg [dreg:$0x15];
	[sflag:s13] =	ssyncadd.s32 $0xFFFFE000  }
0x262: {  	[hbm4b:s5+s1] =	stream.linear.scatter [tilespmem:s17], [sflag:$0x5], $0x2000, $0x38;
	[tilespmem:$0x1E800] =	vst v63  }
0x263: {  	_ =	swait.ge [sflag:s13], $0x2000  }
0x264: {  	s3 =	sadd.s32 $0x1, s3;
	s6 =	rddreg [dreg:$0x16]  }
0x265: {  	p0 =	sne.s32 s3, s6  }
.Ltmp4:
0x266: {  	_ = 	snop;
	(pc) =	sbr.rel @p0 .LBB2_1-.Ltmp4, $3  }
0x267: {  	_ =	sdelay $0x1  }
0x268: {  	[sflag:s13] =	ssyncset.done $0x0  }
0x269: {  	[sflag:s13] =	ssyncadd.s32 $0xFFFFE000  }
0x26a: {  	_ =	sfence.sel $0x180000  }
0x26b: {  	[bflag:$0x0] =	sbarrier.arrive $0xFFFF  }
0x26c: {  	_ =	strace $0x90000047  }
0x26d: {  	s0 =	stileid.u32;
	[bflag:$0x2] =	sbarrier.arrive $0xFFFF  }
0x26e: {  	p0 =	sne.s32 s0, $0x0;
	s0 =	rddreg [dreg:$0x3]  }
0x26f: {  	s0 =	sadd.s32 @!p0 $0x100000, s0  }
0x270: {  	[sflag:s0] =	ssyncadd.tile.s32 @!p0 $0x1;
	_ =	shalt  }
.Lfunc_end2:
_tile_overlayer_lowered:
.L_overlay_start_2:
0x271: {  	(tag) =	ssettag $0x2  }
0x272: {  	s0 =	rddreg [dreg:$0x0];
	s2 =	stileid.u32  }
0x273: {  	s1 =	rddreg [dreg:$0x1];
	p0 =	sne.s32 s2, $0x0  }
0x274: {  	s3 =	rddreg [dreg:$0x2];
	[bflag:$0x3] =	sbarrier.arrive $0xFFFF;
	s2 =	simm.s32 @!p0 $0x1C05  }
0x275: {  	[timem:s3], [sflag:s2] =	dma.local @!p0 [hbm:s0], s1  }
0x276: {  	s0 =	simm.s32 @!p0 $0x5  }
0x277: {  	_ =	swait.ge @!p0 [sflag:s0], s1  }
0x278: {  	s1 =	ssub.s32 @!p0 $0x0, s1;
	[sflag:s0] =	ssyncset.done @!p0 $0x0  }
0x279: {  	[sflag:s0] =	ssyncadd.s32 @!p0 s1  }
0x27a: {  	[bflag:$0x3] =	sbarrier.arrive $0xFFFF  }
0x27b: {  	_ =	shalt  }

</sc_bundles>
